<compile_context>
chip_gen: v7x
topology: tpu7x:2x2x1
jax: 0.10.2.dev20260603
libtpu: 0.0.44.dev20260713+nightly
codegen_flags: <defaults>
</compile_context>

<pallas_src>
import functools

import jax
import jax.numpy as jnp
from jax import lax
from jax.experimental import pallas as pl
from jax.experimental.pallas import tpu as pltpu
from jax.experimental.pallas import tpu_sc as plsc

_NC = 2
_NS = 16
_L = 16
_NW = _NC * _NS
_CHUNK = 128


def _cdiv(a, b):
  return (a + b - 1) // b


def _proj(x, w1, b1):
  n, d = x.shape
  blk = 1000

  def body(x_ref, w1_ref, b1_ref, a_ref, b_ref):
    xa = x_ref[...]
    a_ref[...] = (
        jnp.dot(xa, w1_ref[0:d, :], preferred_element_type=jnp.float32)
        + b1_ref[...]
    )
    b_ref[...] = jnp.dot(xa, w1_ref[d : 2 * d, :],
                         preferred_element_type=jnp.float32)

  return pl.pallas_call(
      body,
      grid=(n // blk,),
      in_specs=[
          pl.BlockSpec((blk, d), lambda i: (i, 0)),
          pl.BlockSpec((2 * d, d), lambda i: (0, 0)),
          pl.BlockSpec((1, d), lambda i: (0, 0)),
      ],
      out_specs=[
          pl.BlockSpec((blk, d), lambda i: (i, 0)),
          pl.BlockSpec((blk, d), lambda i: (i, 0)),
      ],
      out_shape=[
          jax.ShapeDtypeStruct((n, d), jnp.float32),
          jax.ShapeDtypeStruct((n, d), jnp.float32),
      ],
  )(x, w1, b1.reshape(1, d))


def _sc_logits(a, b, row, col, w2):
  n, d = a.shape
  e_total = row.shape[0]
  nj = d // _L
  ck = 40
  ckp = 48
  ept = e_total // _NW
  n_ch = ept // ck
  mesh = plsc.VectorSubcoreMesh(core_axis_name="c", subcore_axis_name="s")

  @functools.partial(
      pl.kernel,
      mesh=mesh,
      compiler_params=pltpu.CompilerParams(needs_layout_passes=False),
      out_type=jax.ShapeDtypeStruct((e_total,), jnp.float32),
      scratch_types=[
          pltpu.VMEM((ept,), jnp.int32),
          pltpu.VMEM((ept,), jnp.int32),
          pltpu.VMEM((2, ckp, d), jnp.float32),
          pltpu.VMEM((2, ckp, d), jnp.float32),
          pltpu.VMEM((ckp * _L,), jnp.float32),
          pltpu.VMEM((ckp,), jnp.float32),
          pltpu.VMEM((d,), jnp.float32),
          pltpu.SemaphoreType.DMA,
          pltpu.SemaphoreType.DMA,
          pltpu.SemaphoreType.DMA,
          pltpu.SemaphoreType.DMA,
      ],
  )
  def k(row_hbm, col_hbm, a_hbm, b_hbm, w2_hbm, out_hbm, rowa, cola, arows,
        brows, part, logitv, w2v, sem_a0, sem_a1, sem_b0, sem_b1):
    cid = lax.axis_index("c")
    sid = lax.axis_index("s")
    wid = sid * _NC + cid
    tbase = wid * ept
    sem_a = (sem_a0, sem_a1)
    sem_b = (sem_b0, sem_b1)
    pltpu.sync_copy(w2_hbm, w2v)
    pltpu.sync_copy(row_hbm.at[pl.ds(tbase, ept)], rowa)
    pltpu.sync_copy(col_hbm.at[pl.ds(tbase, ept)], cola)
    w2b = [w2v[pl.ds(j * _L, _L)] for j in range(nj)]
    iota = lax.iota(jnp.int32, _L)

    def issue(c, par):
      pltpu.async_copy(a_hbm.at[rowa.at[pl.ds(c * ck, ck)]],
                       arows.at[par, pl.ds(0, ck)], sem_a[par])
      pltpu.async_copy(b_hbm.at[cola.at[pl.ds(c * ck, ck)]],
                       brows.at[par, pl.ds(0, ck)], sem_b[par])

    def wait_g(par):
      pltpu.make_async_copy(a_hbm.at[rowa.at[pl.ds(0, ck)]],
                            arows.at[par, pl.ds(0, ck)], sem_a[par]).wait()
      pltpu.make_async_copy(b_hbm.at[cola.at[pl.ds(0, ck)]],
                            brows.at[par, pl.ds(0, ck)], sem_b[par]).wait()

    def process(c, par):
      def edge_body(e, acc0):
        acc = jnp.zeros((_L,), jnp.float32)
        for j in range(nj):
          av = arows[par, e, pl.ds(j * _L, _L)]
          bv = brows[par, e, pl.ds(j * _L, _L)]
          acc = acc + jnp.maximum(av + bv, 0.0) * w2b[j]
        part[pl.ds(e * _L, _L)] = acc
        return acc0

      lax.fori_loop(0, ckp, edge_body, 0)

      def grp_body(g, acc0):
        ridx = (g * _L + iota) * _L
        tot = jnp.zeros((_L,), jnp.float32)
        for j in range(_L):
          tot = tot + plsc.load_gather(part, [ridx + j])
        logitv[pl.ds(g * _L, _L)] = tot
        return acc0

      lax.fori_loop(0, ckp // _L, grp_body, 0)
      pltpu.sync_copy(logitv.at[pl.ds(0, ck)],
                      out_hbm.at[pl.ds(tbase + c * ck, ck)])

    issue(0, 0)
    wait_g(0)

    def outer(k2, carry):
      c0 = 2 * k2
      issue(c0 + 1, 1)
      process(c0, 0)
      wait_g(1)

      @pl.when(k2 < n_ch // 2 - 1)
      def _():
        issue(c0 + 2, 0)

      process(c0 + 1, 1)

      @pl.when(k2 < n_ch // 2 - 1)
      def _():
        wait_g(0)

      return carry

    lax.fori_loop(0, n_ch // 2, outer, 0)
    if n_ch % 2 == 1:
      issue(n_ch - 1, 0)
      wait_g(0)
      process(n_ch - 1, 0)

  return k(row, col, a, b, w2)


def _softmax(l2d):
  def body(l_ref, w_ref):
    l = l_ref[...]
    m = jnp.max(l)
    ex = jnp.exp(l - m)
    w_ref[...] = ex * (1.0 / jnp.sum(ex))

  return pl.pallas_call(
      body, out_shape=jax.ShapeDtypeStruct(l2d.shape, jnp.float32)
  )(l2d)


def _sc_scatter(x, row, col, w):
  n, d = x.shape
  e_total = row.shape[0]
  ck = 16
  hw = d // 2
  nj = d // _L
  nh = hw // _L
  ept = e_total // _NS
  n_ch = ept // ck
  half = n // _NC
  seg = ((half + 64 + (_NS * 8) - 1) // (_NS * 8)) * (_NS * 8)
  acc_rows = 2 * seg
  rows_per_tile = acc_rows // _NS
  n_wb = half // 8
  mesh = plsc.VectorSubcoreMesh(core_axis_name="c", subcore_axis_name="s")

  @functools.partial(
      pl.kernel,
      mesh=mesh,
      compiler_params=pltpu.CompilerParams(needs_layout_passes=False),
      out_type=jax.ShapeDtypeStruct((n, d), jnp.float32),
      scratch_types=[
          pltpu.VMEM((ept,), jnp.int32),
          pltpu.VMEM((ept,), jnp.int32),
          pltpu.VMEM((ept,), jnp.float32),
          pltpu.VMEM((4, ck), jnp.int32),
          pltpu.VMEM((2, ck, d), jnp.float32),
          pltpu.VMEM((2, 2 * ck, hw), jnp.float32),
          pltpu.VMEM_SHARED((acc_rows, hw), jnp.float32),
          pltpu.SemaphoreType.DMA,
          pltpu.SemaphoreType.DMA,
          pltpu.SemaphoreType.DMA,
          pltpu.SemaphoreType.DMA,
      ],
  )
  def k(x_hbm, row_hbm, col_hbm, w_hbm, out_hbm, rowa, cola, wa, idx2, xg,
        xs, acc, sem_g0, sem_g1, sem_s0, sem_s1):
    cid = lax.axis_index("c")
    sid = lax.axis_index("s")
    nbase = cid * half
    tbase = sid * ept
    sem_g = (sem_g0, sem_g1)
    sem_s = (sem_s0, sem_s1)

    zv = jnp.zeros((_L,), jnp.float32)

    def zrow(e, carry):
      for j in range(nh):
        xs[0, e, pl.ds(j * _L, _L)] = zv
      return carry

    lax.fori_loop(0, 2 * ck, zrow, 0)
    rbase = sid * rows_per_tile
    for off in range(0, rows_per_tile, 2 * ck):
      sz = min(2 * ck, rows_per_tile - off)
      pltpu.sync_copy(xs.at[0, pl.ds(0, sz)], acc.at[pl.ds(rbase + off, sz)])

    pltpu.sync_copy(row_hbm.at[pl.ds(tbase, ept)], rowa)
    pltpu.sync_copy(col_hbm.at[pl.ds(tbase, ept)], cola)
    pltpu.sync_copy(w_hbm.at[pl.ds(tbase, ept)], wa)
    plsc.subcore_barrier()

    def issue_gather(c, par, sem):
      return pltpu.async_copy(
          x_hbm.at[rowa.at[pl.ds(c * ck, ck)]], xg.at[par], sem)

    def process(c, par, k2):
      @pl.when(k2 > 0)
      def _():
        for _h in range(2):
          pltpu.make_async_copy(
              xs.at[par, pl.ds(0, ck)], acc.at[idx2.at[2 * par]],
              sem_s[par]).wait()

      def grp_body(g, acc0):
        cv = cola[pl.ds(c * ck + g * _L, _L)]
        lv = cv - nbase
        ok = (lv >= 0) & (lv < half)
        li = jnp.where(ok, lv, half + (cv & 63))
        idx2[2 * par, pl.ds(g * _L, _L)] = li
        idx2[2 * par + 1, pl.ds(g * _L, _L)] = li + seg
        return acc0

      lax.fori_loop(0, ck // _L, grp_body, 0)

      def scale(e, acc0):
        wb = plsc.load_gather(wa, [jnp.full((_L,), c * ck, jnp.int32) + e])
        for j in range(nh):
          xs[par, e, pl.ds(j * _L, _L)] = xg[par, e, pl.ds(j * _L, _L)] * wb
        for j in range(nh):
          xs[par, ck + e, pl.ds(j * _L, _L)] = (
              xg[par, e, pl.ds((nh + j) * _L, _L)] * wb)
        return acc0

      lax.fori_loop(0, ck, scale, 0)

      for h in range(2):
        pltpu.async_copy(xs.at[par, pl.ds(h * ck, ck)],
                         acc.at[idx2.at[2 * par + h]], sem_s[par], add=True)

    cp0 = issue_gather(0, 0, sem_g0)
    cp0.wait()

    def outer(k2, carry):
      c0 = 2 * k2
      issue_gather(c0 + 1, 1, sem_g1)
      process(c0, 0, k2)
      pltpu.make_async_copy(
          x_hbm.at[rowa.at[pl.ds(0, ck)]], xg.at[1], sem_g1).wait()

      @pl.when(k2 < n_ch // 2 - 1)
      def _():
        issue_gather(c0 + 2, 0, sem_g0)

      process(c0 + 1, 1, k2)

      @pl.when(k2 < n_ch // 2 - 1)
      def _():
        pltpu.make_async_copy(
            x_hbm.at[rowa.at[pl.ds(0, ck)]], xg.at[0], sem_g0).wait()

      return carry

    lax.fori_loop(0, n_ch // 2, outer, 0)
    if n_ch % 2 == 1:
      issue_gather(n_ch - 1, 0, sem_g0)
      pltpu.make_async_copy(
          x_hbm.at[rowa.at[pl.ds(0, ck)]], xg.at[0], sem_g0).wait()
      process(n_ch - 1, 0, 1)
    for par in range(2):
      for _h in range(2):
        pltpu.make_async_copy(
            xs.at[par, pl.ds(0, ck)], acc.at[idx2.at[2 * par]],
            sem_s[par]).wait()
    plsc.subcore_barrier()

    def wb_body(k2, carry):
      c8 = sid + _NS * k2

      @pl.when(c8 < n_wb)
      def _():
        rb = c8 * 8
        pltpu.sync_copy(acc.at[pl.ds(rb, 8)],
                        out_hbm.at[pl.ds(nbase + rb, 8), pl.ds(0, hw)])
        pltpu.sync_copy(acc.at[pl.ds(seg + rb, 8)],
                        out_hbm.at[pl.ds(nbase + rb, 8), pl.ds(hw, hw)])
      return carry

    lax.fori_loop(0, _cdiv(n_wb, _NS), wb_body, 0)

  return k(x, row, col, w)


def kernel(x, edge_index, W1, b1, W2, b2):
  n, d = x.shape
  e_total = edge_index.shape[1]
  row = edge_index[0]
  col = edge_index[1]
  a, b = _proj(x, W1, b1)
  logits = _sc_logits(a, b, row, col, W2.reshape(d))
  w = _softmax(logits.reshape(e_total // 128, 128)).reshape(e_total)
  out = _sc_scatter(x, row, col, w)
  return out, w.reshape(e_total, 1)

# --- scband reference (transcript-rebuilt; emitter-appended) ---
"""Pipeline reference for scband-spatial-attention-18708877541988 (READ-ONLY COPY).

The authoritative reference and input builder live on the scoring server;
editing this copy changes nothing except your own understanding.
"""

import jax, jax.numpy as jnp
import numpy as np

N = 10000
E = 160000
D = 256


def setup_inputs(seed: int = 0) -> dict:
    key = jax.random.key(seed)
    k1, k2, k3, k4, k5, k6 = jax.random.split(key, 6)
    x = jax.random.normal(k1, (N, D), dtype=jnp.float32)
    edge_index = jax.random.randint(k2, (2, E), 0, N, dtype=jnp.int32)
    # attention MLP params: Linear(2D -> D), ReLU, Linear(D -> 1)
    W1 = jax.random.normal(k3, (2 * D, D), dtype=jnp.float32) * (1.0 / np.sqrt(2 * D))
    b1 = jnp.zeros((D,), dtype=jnp.float32)
    W2 = jax.random.normal(k4, (D, 1), dtype=jnp.float32) * (1.0 / np.sqrt(D))
    b2 = jnp.zeros((1,), dtype=jnp.float32)
    return {"x": x, "edge_index": edge_index, "W1": W1, "b1": b1, "W2": W2, "b2": b2}


def reference(x, edge_index, W1, b1, W2, b2):
    row = edge_index[0]
    col = edge_index[1]
    # edge features: concat of source and destination node features [E, 2D]
    edge_features = jnp.concatenate([x[row], x[col]], axis=1)
    h = jnp.maximum(edge_features @ W1 + b1, 0.0)
    logits = h @ W2 + b2  # [E, 1]
    # softmax over dim=0 (across all edges), matching F.softmax(..., dim=0)
    attention_weights = jax.nn.softmax(logits, axis=0)
    # out = zeros; out.index_add_(0, col, x[row] * attention_weights)
    out = jnp.zeros_like(x).at[col].add(x[row] * attention_weights)
    return (out, attention_weights)

if __name__ == "__main__":
    import jax
    _d = setup_inputs()
    print(jax.jit(kernel)(*tuple(_d.values())))

</pallas_src>

<mosaic_0001>
#map = affine_map<(d0, d1) -> (0, 0)>
#map1 = affine_map<(d0, d1) -> (0)>
module attributes {stable_mosaic.version = 14 : i64} {
  func.func @k(%arg0: i32, %arg1: i32, %arg2: memref<10000x256xf32, #tpu.memory_space<hbm>>, %arg3: memref<160000xi32, #tpu.memory_space<hbm>>, %arg4: memref<160000xi32, #tpu.memory_space<hbm>>, %arg5: memref<160000xf32, #tpu.memory_space<hbm>>, %arg6: memref<10000x256xf32, #tpu.memory_space<hbm>>, %arg7: memref<10000xi32, #tpu.memory_space<vmem>>, %arg8: memref<10000xi32, #tpu.memory_space<vmem>>, %arg9: memref<10000xf32, #tpu.memory_space<vmem>>, %arg10: memref<4x16xi32, #tpu.memory_space<vmem>>, %arg11: memref<2x16x256xf32, #tpu.memory_space<vmem>>, %arg12: memref<2x32x128xf32, #tpu.memory_space<vmem>>, %arg13: memref<10240x128xf32, #tpu.memory_space<vmem_shared>>, %arg14: memref<!tpu.dma_semaphore, #tpu.memory_space<semaphore_mem>>, %arg15: memref<!tpu.dma_semaphore, #tpu.memory_space<semaphore_mem>>, %arg16: memref<!tpu.dma_semaphore, #tpu.memory_space<semaphore_mem>>, %arg17: memref<!tpu.dma_semaphore, #tpu.memory_space<semaphore_mem>>) attributes {dimension_semantics = [#tpu.dimension_semantics<core_parallel>, #tpu.dimension_semantics<subcore_parallel>], iteration_bounds = array<i64: 2, 16>, scalar_prefetch = 0 : i64, scratch_operands = 11 : i64, tpu.core_type = #tpu.core_type<sc_vector_subcore>, window_params = [{transform_indices = #map}, {transform_indices = #map1}, {transform_indices = #map1}, {transform_indices = #map1}, {transform_indices = #map}]} {
    %mul3A = arith.constant 5000 : i32
    %mul3A_0 = arith.muli %arg0, %mul3A : i32
    %mul3A_1 = arith.constant 10000 : i32
    %mul3A_2 = arith.muli %arg1, %mul3A_1 : i32
    %broadcast_in_dim3A = arith.constant 0.000000e+00 : f32
    %broadcast_in_dim3A_3 = vector.broadcast %broadcast_in_dim3A : f32 to vector<16xf32>
    %scan3A = arith.constant 0 : i32
    %scan3A_4 = arith.constant 0 : i32
    %scan3A_5 = arith.constant 32 : i32
    %scan3A_6 = arith.addi %scan3A_4, %scan3A_5 : i32
    %scan3A_7 = arith.constant 1 : i32
    scf.for %scan3A_255 = %scan3A_4 to %scan3A_6 step %scan3A_7  : i32 {
      %swap3A_256 = arith.constant 0 : i32
      %swap3A_257 = arith.index_cast %swap3A_256 : i32 to index
      %swap3A_258 = arith.index_cast %scan3A_255 : i32 to index
      %swap3A_259 = arith.constant 0 : index
      %swap3A_260 = tpu.vector_load %arg12[%swap3A_257, %swap3A_258, %swap3A_259] {strides = array<i32>} : memref<2x32x128xf32, #tpu.memory_space<vmem>>, vector<16xf32>,
      tpu.vector_store %arg12[%swap3A_257, %swap3A_258, %swap3A_259], %broadcast_in_dim3A_3 {strides = array<i32>} : memref<2x32x128xf32, #tpu.memory_space<vmem>>, vector<16xf32>,
      %swap3A_261 = arith.constant 0 : i32
      %swap3A_262 = arith.index_cast %swap3A_261 : i32 to index
      %swap3A_263 = arith.index_cast %scan3A_255 : i32 to index
      %swap3A_264 = arith.constant 16 : index
      %swap3A_265 = tpu.vector_load %arg12[%swap3A_262, %swap3A_263, %swap3A_264] {strides = array<i32>} : memref<2x32x128xf32, #tpu.memory_space<vmem>>, vector<16xf32>,
      tpu.vector_store %arg12[%swap3A_262, %swap3A_263, %swap3A_264], %broadcast_in_dim3A_3 {strides = array<i32>} : memref<2x32x128xf32, #tpu.memory_space<vmem>>, vector<16xf32>,
      %swap3A_266 = arith.constant 0 : i32
      %swap3A_267 = arith.index_cast %swap3A_266 : i32 to index
      %swap3A_268 = arith.index_cast %scan3A_255 : i32 to index
      %swap3A_269 = arith.constant 32 : index
      %swap3A_270 = tpu.vector_load %arg12[%swap3A_267, %swap3A_268, %swap3A_269] {strides = array<i32>} : memref<2x32x128xf32, #tpu.memory_space<vmem>>, vector<16xf32>,
      tpu.vector_store %arg12[%swap3A_267, %swap3A_268, %swap3A_269], %broadcast_in_dim3A_3 {strides = array<i32>} : memref<2x32x128xf32, #tpu.memory_space<vmem>>, vector<16xf32>,
      %swap3A_271 = arith.constant 0 : i32
      %swap3A_272 = arith.index_cast %swap3A_271 : i32 to index
      %swap3A_273 = arith.index_cast %scan3A_255 : i32 to index
      %swap3A_274 = arith.constant 48 : index
      %swap3A_275 = tpu.vector_load %arg12[%swap3A_272, %swap3A_273, %swap3A_274] {strides = array<i32>} : memref<2x32x128xf32, #tpu.memory_space<vmem>>, vector<16xf32>,
      tpu.vector_store %arg12[%swap3A_272, %swap3A_273, %swap3A_274], %broadcast_in_dim3A_3 {strides = array<i32>} : memref<2x32x128xf32, #tpu.memory_space<vmem>>, vector<16xf32>,
      %swap3A_276 = arith.constant 0 : i32
      %swap3A_277 = arith.index_cast %swap3A_276 : i32 to index
      %swap3A_278 = arith.index_cast %scan3A_255 : i32 to index
      %swap3A_279 = arith.constant 64 : index
      %swap3A_280 = tpu.vector_load %arg12[%swap3A_277, %swap3A_278, %swap3A_279] {strides = array<i32>} : memref<2x32x128xf32, #tpu.memory_space<vmem>>, vector<16xf32>,
      tpu.vector_store %arg12[%swap3A_277, %swap3A_278, %swap3A_279], %broadcast_in_dim3A_3 {strides = array<i32>} : memref<2x32x128xf32, #tpu.memory_space<vmem>>, vector<16xf32>,
      %swap3A_281 = arith.constant 0 : i32
      %swap3A_282 = arith.index_cast %swap3A_281 : i32 to index
      %swap3A_283 = arith.index_cast %scan3A_255 : i32 to index
      %swap3A_284 = arith.constant 80 : index
      %swap3A_285 = tpu.vector_load %arg12[%swap3A_282, %swap3A_283, %swap3A_284] {strides = array<i32>} : memref<2x32x128xf32, #tpu.memory_space<vmem>>, vector<16xf32>,
      tpu.vector_store %arg12[%swap3A_282, %swap3A_283, %swap3A_284], %broadcast_in_dim3A_3 {strides = array<i32>} : memref<2x32x128xf32, #tpu.memory_space<vmem>>, vector<16xf32>,
      %swap3A_286 = arith.constant 0 : i32
      %swap3A_287 = arith.index_cast %swap3A_286 : i32 to index
      %swap3A_288 = arith.index_cast %scan3A_255 : i32 to index
      %swap3A_289 = arith.constant 96 : index
      %swap3A_290 = tpu.vector_load %arg12[%swap3A_287, %swap3A_288, %swap3A_289] {strides = array<i32>} : memref<2x32x128xf32, #tpu.memory_space<vmem>>, vector<16xf32>,
      tpu.vector_store %arg12[%swap3A_287, %swap3A_288, %swap3A_289], %broadcast_in_dim3A_3 {strides = array<i32>} : memref<2x32x128xf32, #tpu.memory_space<vmem>>, vector<16xf32>,
      %swap3A_291 = arith.constant 0 : i32
      %swap3A_292 = arith.index_cast %swap3A_291 : i32 to index
      %swap3A_293 = arith.index_cast %scan3A_255 : i32 to index
      %swap3A_294 = arith.constant 112 : index
      %swap3A_295 = tpu.vector_load %arg12[%swap3A_292, %swap3A_293, %swap3A_294] {strides = array<i32>} : memref<2x32x128xf32, #tpu.memory_space<vmem>>, vector<16xf32>,
      tpu.vector_store %arg12[%swap3A_292, %swap3A_293, %swap3A_294], %broadcast_in_dim3A_3 {strides = array<i32>} : memref<2x32x128xf32, #tpu.memory_space<vmem>>, vector<16xf32>,
    }
    %scan3A_8 = arith.constant 32 : i32
    %mul3A_9 = arith.constant 640 : i32
    %mul3A_10 = arith.muli %arg1, %mul3A_9 : i32
    %add3A = arith.constant 0 : i32
    %add3A_11 = arith.addi %mul3A_10, %add3A : i32
    %run_scoped3A = arith.constant 0 : i32
    "tpu.region"() ({
      %run_scoped3A_255 = tpu.sem_alloc : memref<!tpu.dma_semaphore, #tpu.memory_space<semaphore_mem>>
      %dma_start3A_256 = arith.constant 0 : i32
      %dma_start3A_257 = arith.constant 0 : i32
      %dma_start3A_258 = tpu.memref_slice %arg12[%run_scoped3A, %dma_start3A_256, %dma_start3A_257] : memref<2x32x128xf32, #tpu.memory_space<vmem>> -> memref<1x32x128xf32, #tpu.memory_space<vmem>>
      %dma_start3A_259 = tpu.memref_squeeze %dma_start3A_258 : memref<1x32x128xf32, #tpu.memory_space<vmem>> -> memref<32x128xf32, #tpu.memory_space<vmem>>
      %dma_start3A_260 = arith.constant 0 : i32
      %dma_start3A_261 = tpu.memref_slice %arg13[%add3A_11, %dma_start3A_260] : memref<10240x128xf32, #tpu.memory_space<vmem_shared>> -> memref<32x128xf32, #tpu.memory_space<vmem_shared>>
      %dma_start3A_262 = arith.constant 0 : i32
      %dma_start3A_263 = tpu.memref_slice %arg13[%add3A_11, %dma_start3A_262] : memref<10240x128xf32, #tpu.memory_space<vmem_shared>> -> memref<32x128xf32, #tpu.memory_space<vmem_shared>>
      %dma_start3A_264 = arith.constant 0 : i32
      %dma_start3A_265 = arith.constant 0 : i32
      %dma_start3A_266 = tpu.memref_slice %arg12[%run_scoped3A, %dma_start3A_264, %dma_start3A_265] : memref<2x32x128xf32, #tpu.memory_space<vmem>> -> memref<1x32x128xf32, #tpu.memory_space<vmem>>
      %dma_start3A_267 = tpu.memref_squeeze %dma_start3A_266 : memref<1x32x128xf32, #tpu.memory_space<vmem>> -> memref<32x128xf32, #tpu.memory_space<vmem>>
      tpu.enqueue_dma source(%dma_start3A_267 : memref<32x128xf32, #tpu.memory_space<vmem>>) target(%dma_start3A_263 : memref<32x128xf32, #tpu.memory_space<vmem_shared>>) target_semaphore(%run_scoped3A_255 : memref<!tpu.dma_semaphore, #tpu.memory_space<semaphore_mem>>)
      %dma_wait3A_268 = arith.constant 0 : i32
      %dma_wait3A_269 = arith.constant 0 : i32
      %dma_wait3A_270 = tpu.memref_slice %arg12[%run_scoped3A, %dma_wait3A_268, %dma_wait3A_269] : memref<2x32x128xf32, #tpu.memory_space<vmem>> -> memref<1x32x128xf32, #tpu.memory_space<vmem>>
      %dma_wait3A_271 = tpu.memref_squeeze %dma_wait3A_270 : memref<1x32x128xf32, #tpu.memory_space<vmem>> -> memref<32x128xf32, #tpu.memory_space<vmem>>
      %dma_wait3A_272 = arith.constant 0 : i32
      %dma_wait3A_273 = tpu.memref_slice %arg13[%add3A_11, %dma_wait3A_272] : memref<10240x128xf32, #tpu.memory_space<vmem_shared>> -> memref<32x128xf32, #tpu.memory_space<vmem_shared>>
      %dma_wait3A_274 = arith.constant 0 : i32
      %dma_wait3A_275 = tpu.memref_slice %arg13[%add3A_11, %dma_wait3A_274] : memref<10240x128xf32, #tpu.memory_space<vmem_shared>> -> memref<32x128xf32, #tpu.memory_space<vmem_shared>>
      %dma_wait3A_276 = arith.constant 0 : i32
      %dma_wait3A_277 = arith.constant 0 : i32
      %dma_wait3A_278 = tpu.memref_slice %arg12[%run_scoped3A, %dma_wait3A_276, %dma_wait3A_277] : memref<2x32x128xf32, #tpu.memory_space<vmem>> -> memref<1x32x128xf32, #tpu.memory_space<vmem>>
      %dma_wait3A_279 = tpu.memref_squeeze %dma_wait3A_278 : memref<1x32x128xf32, #tpu.memory_space<vmem>> -> memref<32x128xf32, #tpu.memory_space<vmem>>
      tpu.wait_dma2 semaphore(%run_scoped3A_255 : memref<!tpu.dma_semaphore, #tpu.memory_space<semaphore_mem>>) src(%dma_wait3A_279 : memref<32x128xf32, #tpu.memory_space<vmem>>) dst(%dma_wait3A_275 : memref<32x128xf32, #tpu.memory_space<vmem_shared>>)
      tpu.yield
    }) : () -> ()
    %add3A_12 = arith.constant 32 : i32
    %add3A_13 = arith.addi %mul3A_10, %add3A_12 : i32
    %run_scoped3A_14 = arith.constant 0 : i32
    "tpu.region"() ({
      %run_scoped3A_255 = tpu.sem_alloc : memref<!tpu.dma_semaphore, #tpu.memory_space<semaphore_mem>>
      %dma_start3A_256 = arith.constant 0 : i32
      %dma_start3A_257 = arith.constant 0 : i32
      %dma_start3A_258 = tpu.memref_slice %arg12[%run_scoped3A_14, %dma_start3A_256, %dma_start3A_257] : memref<2x32x128xf32, #tpu.memory_space<vmem>> -> memref<1x32x128xf32, #tpu.memory_space<vmem>>
      %dma_start3A_259 = tpu.memref_squeeze %dma_start3A_258 : memref<1x32x128xf32, #tpu.memory_space<vmem>> -> memref<32x128xf32, #tpu.memory_space<vmem>>
      %dma_start3A_260 = arith.constant 0 : i32
      %dma_start3A_261 = tpu.memref_slice %arg13[%add3A_13, %dma_start3A_260] : memref<10240x128xf32, #tpu.memory_space<vmem_shared>> -> memref<32x128xf32, #tpu.memory_space<vmem_shared>>
      %dma_start3A_262 = arith.constant 0 : i32
      %dma_start3A_263 = tpu.memref_slice %arg13[%add3A_13, %dma_start3A_262] : memref<10240x128xf32, #tpu.memory_space<vmem_shared>> -> memref<32x128xf32, #tpu.memory_space<vmem_shared>>
      %dma_start3A_264 = arith.constant 0 : i32
      %dma_start3A_265 = arith.constant 0 : i32
      %dma_start3A_266 = tpu.memref_slice %arg12[%run_scoped3A_14, %dma_start3A_264, %dma_start3A_265] : memref<2x32x128xf32, #tpu.memory_space<vmem>> -> memref<1x32x128xf32, #tpu.memory_space<vmem>>
      %dma_start3A_267 = tpu.memref_squeeze %dma_start3A_266 : memref<1x32x128xf32, #tpu.memory_space<vmem>> -> memref<32x128xf32, #tpu.memory_space<vmem>>
      tpu.enqueue_dma source(%dma_start3A_267 : memref<32x128xf32, #tpu.memory_space<vmem>>) target(%dma_start3A_263 : memref<32x128xf32, #tpu.memory_space<vmem_shared>>) target_semaphore(%run_scoped3A_255 : memref<!tpu.dma_semaphore, #tpu.memory_space<semaphore_mem>>)
      %dma_wait3A_268 = arith.constant 0 : i32
      %dma_wait3A_269 = arith.constant 0 : i32
      %dma_wait3A_270 = tpu.memref_slice %arg12[%run_scoped3A_14, %dma_wait3A_268, %dma_wait3A_269] : memref<2x32x128xf32, #tpu.memory_space<vmem>> -> memref<1x32x128xf32, #tpu.memory_space<vmem>>
      %dma_wait3A_271 = tpu.memref_squeeze %dma_wait3A_270 : memref<1x32x128xf32, #tpu.memory_space<vmem>> -> memref<32x128xf32, #tpu.memory_space<vmem>>
      %dma_wait3A_272 = arith.constant 0 : i32
      %dma_wait3A_273 = tpu.memref_slice %arg13[%add3A_13, %dma_wait3A_272] : memref<10240x128xf32, #tpu.memory_space<vmem_shared>> -> memref<32x128xf32, #tpu.memory_space<vmem_shared>>
      %dma_wait3A_274 = arith.constant 0 : i32
      %dma_wait3A_275 = tpu.memref_slice %arg13[%add3A_13, %dma_wait3A_274] : memref<10240x128xf32, #tpu.memory_space<vmem_shared>> -> memref<32x128xf32, #tpu.memory_space<vmem_shared>>
      %dma_wait3A_276 = arith.constant 0 : i32
      %dma_wait3A_277 = arith.constant 0 : i32
      %dma_wait3A_278 = tpu.memref_slice %arg12[%run_scoped3A_14, %dma_wait3A_276, %dma_wait3A_277] : memref<2x32x128xf32, #tpu.memory_space<vmem>> -> memref<1x32x128xf32, #tpu.memory_space<vmem>>
      %dma_wait3A_279 = tpu.memref_squeeze %dma_wait3A_278 : memref<1x32x128xf32, #tpu.memory_space<vmem>> -> memref<32x128xf32, #tpu.memory_space<vmem>>
      tpu.wait_dma2 semaphore(%run_scoped3A_255 : memref<!tpu.dma_semaphore, #tpu.memory_space<semaphore_mem>>) src(%dma_wait3A_279 : memref<32x128xf32, #tpu.memory_space<vmem>>) dst(%dma_wait3A_275 : memref<32x128xf32, #tpu.memory_space<vmem_shared>>)
      tpu.yield
    }) : () -> ()
    %add3A_15 = arith.constant 64 : i32
    %add3A_16 = arith.addi %mul3A_10, %add3A_15 : i32
    %run_scoped3A_17 = arith.constant 0 : i32
    "tpu.region"() ({
      %run_scoped3A_255 = tpu.sem_alloc : memref<!tpu.dma_semaphore, #tpu.memory_space<semaphore_mem>>
      %dma_start3A_256 = arith.constant 0 : i32
      %dma_start3A_257 = arith.constant 0 : i32
      %dma_start3A_258 = tpu.memref_slice %arg12[%run_scoped3A_17, %dma_start3A_256, %dma_start3A_257] : memref<2x32x128xf32, #tpu.memory_space<vmem>> -> memref<1x32x128xf32, #tpu.memory_space<vmem>>
      %dma_start3A_259 = tpu.memref_squeeze %dma_start3A_258 : memref<1x32x128xf32, #tpu.memory_space<vmem>> -> memref<32x128xf32, #tpu.memory_space<vmem>>
      %dma_start3A_260 = arith.constant 0 : i32
      %dma_start3A_261 = tpu.memref_slice %arg13[%add3A_16, %dma_start3A_260] : memref<10240x128xf32, #tpu.memory_space<vmem_shared>> -> memref<32x128xf32, #tpu.memory_space<vmem_shared>>
      %dma_start3A_262 = arith.constant 0 : i32
      %dma_start3A_263 = tpu.memref_slice %arg13[%add3A_16, %dma_start3A_262] : memref<10240x128xf32, #tpu.memory_space<vmem_shared>> -> memref<32x128xf32, #tpu.memory_space<vmem_shared>>
      %dma_start3A_264 = arith.constant 0 : i32
      %dma_start3A_265 = arith.constant 0 : i32
      %dma_start3A_266 = tpu.memref_slice %arg12[%run_scoped3A_17, %dma_start3A_264, %dma_start3A_265] : memref<2x32x128xf32, #tpu.memory_space<vmem>> -> memref<1x32x128xf32, #tpu.memory_space<vmem>>
      %dma_start3A_267 = tpu.memref_squeeze %dma_start3A_266 : memref<1x32x128xf32, #tpu.memory_space<vmem>> -> memref<32x128xf32, #tpu.memory_space<vmem>>
      tpu.enqueue_dma source(%dma_start3A_267 : memref<32x128xf32, #tpu.memory_space<vmem>>) target(%dma_start3A_263 : memref<32x128xf32, #tpu.memory_space<vmem_shared>>) target_semaphore(%run_scoped3A_255 : memref<!tpu.dma_semaphore, #tpu.memory_space<semaphore_mem>>)
      %dma_wait3A_268 = arith.constant 0 : i32
      %dma_wait3A_269 = arith.constant 0 : i32
      %dma_wait3A_270 = tpu.memref_slice %arg12[%run_scoped3A_17, %dma_wait3A_268, %dma_wait3A_269] : memref<2x32x128xf32, #tpu.memory_space<vmem>> -> memref<1x32x128xf32, #tpu.memory_space<vmem>>
      %dma_wait3A_271 = tpu.memref_squeeze %dma_wait3A_270 : memref<1x32x128xf32, #tpu.memory_space<vmem>> -> memref<32x128xf32, #tpu.memory_space<vmem>>
      %dma_wait3A_272 = arith.constant 0 : i32
      %dma_wait3A_273 = tpu.memref_slice %arg13[%add3A_16, %dma_wait3A_272] : memref<10240x128xf32, #tpu.memory_space<vmem_shared>> -> memref<32x128xf32, #tpu.memory_space<vmem_shared>>
      %dma_wait3A_274 = arith.constant 0 : i32
      %dma_wait3A_275 = tpu.memref_slice %arg13[%add3A_16, %dma_wait3A_274] : memref<10240x128xf32, #tpu.memory_space<vmem_shared>> -> memref<32x128xf32, #tpu.memory_space<vmem_shared>>
      %dma_wait3A_276 = arith.constant 0 : i32
      %dma_wait3A_277 = arith.constant 0 : i32
      %dma_wait3A_278 = tpu.memref_slice %arg12[%run_scoped3A_17, %dma_wait3A_276, %dma_wait3A_277] : memref<2x32x128xf32, #tpu.memory_space<vmem>> -> memref<1x32x128xf32, #tpu.memory_space<vmem>>
      %dma_wait3A_279 = tpu.memref_squeeze %dma_wait3A_278 : memref<1x32x128xf32, #tpu.memory_space<vmem>> -> memref<32x128xf32, #tpu.memory_space<vmem>>
      tpu.wait_dma2 semaphore(%run_scoped3A_255 : memref<!tpu.dma_semaphore, #tpu.memory_space<semaphore_mem>>) src(%dma_wait3A_279 : memref<32x128xf32, #tpu.memory_space<vmem>>) dst(%dma_wait3A_275 : memref<32x128xf32, #tpu.memory_space<vmem_shared>>)
      tpu.yield
    }) : () -> ()
    %add3A_18 = arith.constant 96 : i32
    %add3A_19 = arith.addi %mul3A_10, %add3A_18 : i32
    %run_scoped3A_20 = arith.constant 0 : i32
    "tpu.region"() ({
      %run_scoped3A_255 = tpu.sem_alloc : memref<!tpu.dma_semaphore, #tpu.memory_space<semaphore_mem>>
      %dma_start3A_256 = arith.constant 0 : i32
      %dma_start3A_257 = arith.constant 0 : i32
      %dma_start3A_258 = tpu.memref_slice %arg12[%run_scoped3A_20, %dma_start3A_256, %dma_start3A_257] : memref<2x32x128xf32, #tpu.memory_space<vmem>> -> memref<1x32x128xf32, #tpu.memory_space<vmem>>
      %dma_start3A_259 = tpu.memref_squeeze %dma_start3A_258 : memref<1x32x128xf32, #tpu.memory_space<vmem>> -> memref<32x128xf32, #tpu.memory_space<vmem>>
      %dma_start3A_260 = arith.constant 0 : i32
      %dma_start3A_261 = tpu.memref_slice %arg13[%add3A_19, %dma_start3A_260] : memref<10240x128xf32, #tpu.memory_space<vmem_shared>> -> memref<32x128xf32, #tpu.memory_space<vmem_shared>>
      %dma_start3A_262 = arith.constant 0 : i32
      %dma_start3A_263 = tpu.memref_slice %arg13[%add3A_19, %dma_start3A_262] : memref<10240x128xf32, #tpu.memory_space<vmem_shared>> -> memref<32x128xf32, #tpu.memory_space<vmem_shared>>
      %dma_start3A_264 = arith.constant 0 : i32
      %dma_start3A_265 = arith.constant 0 : i32
      %dma_start3A_266 = tpu.memref_slice %arg12[%run_scoped3A_20, %dma_start3A_264, %dma_start3A_265] : memref<2x32x128xf32, #tpu.memory_space<vmem>> -> memref<1x32x128xf32, #tpu.memory_space<vmem>>
      %dma_start3A_267 = tpu.memref_squeeze %dma_start3A_266 : memref<1x32x128xf32, #tpu.memory_space<vmem>> -> memref<32x128xf32, #tpu.memory_space<vmem>>
      tpu.enqueue_dma source(%dma_start3A_267 : memref<32x128xf32, #tpu.memory_space<vmem>>) target(%dma_start3A_263 : memref<32x128xf32, #tpu.memory_space<vmem_shared>>) target_semaphore(%run_scoped3A_255 : memref<!tpu.dma_semaphore, #tpu.memory_space<semaphore_mem>>)
      %dma_wait3A_268 = arith.constant 0 : i32
      %dma_wait3A_269 = arith.constant 0 : i32
      %dma_wait3A_270 = tpu.memref_slice %arg12[%run_scoped3A_20, %dma_wait3A_268, %dma_wait3A_269] : memref<2x32x128xf32, #tpu.memory_space<vmem>> -> memref<1x32x128xf32, #tpu.memory_space<vmem>>
      %dma_wait3A_271 = tpu.memref_squeeze %dma_wait3A_270 : memref<1x32x128xf32, #tpu.memory_space<vmem>> -> memref<32x128xf32, #tpu.memory_space<vmem>>
      %dma_wait3A_272 = arith.constant 0 : i32
      %dma_wait3A_273 = tpu.memref_slice %arg13[%add3A_19, %dma_wait3A_272] : memref<10240x128xf32, #tpu.memory_space<vmem_shared>> -> memref<32x128xf32, #tpu.memory_space<vmem_shared>>
      %dma_wait3A_274 = arith.constant 0 : i32
      %dma_wait3A_275 = tpu.memref_slice %arg13[%add3A_19, %dma_wait3A_274] : memref<10240x128xf32, #tpu.memory_space<vmem_shared>> -> memref<32x128xf32, #tpu.memory_space<vmem_shared>>
      %dma_wait3A_276 = arith.constant 0 : i32
      %dma_wait3A_277 = arith.constant 0 : i32
      %dma_wait3A_278 = tpu.memref_slice %arg12[%run_scoped3A_20, %dma_wait3A_276, %dma_wait3A_277] : memref<2x32x128xf32, #tpu.memory_space<vmem>> -> memref<1x32x128xf32, #tpu.memory_space<vmem>>
      %dma_wait3A_279 = tpu.memref_squeeze %dma_wait3A_278 : memref<1x32x128xf32, #tpu.memory_space<vmem>> -> memref<32x128xf32, #tpu.memory_space<vmem>>
      tpu.wait_dma2 semaphore(%run_scoped3A_255 : memref<!tpu.dma_semaphore, #tpu.memory_space<semaphore_mem>>) src(%dma_wait3A_279 : memref<32x128xf32, #tpu.memory_space<vmem>>) dst(%dma_wait3A_275 : memref<32x128xf32, #tpu.memory_space<vmem_shared>>)
      tpu.yield
    }) : () -> ()
    %add3A_21 = arith.constant 128 : i32
    %add3A_22 = arith.addi %mul3A_10, %add3A_21 : i32
    %run_scoped3A_23 = arith.constant 0 : i32
    "tpu.region"() ({
      %run_scoped3A_255 = tpu.sem_alloc : memref<!tpu.dma_semaphore, #tpu.memory_space<semaphore_mem>>
      %dma_start3A_256 = arith.constant 0 : i32
      %dma_start3A_257 = arith.constant 0 : i32
      %dma_start3A_258 = tpu.memref_slice %arg12[%run_scoped3A_23, %dma_start3A_256, %dma_start3A_257] : memref<2x32x128xf32, #tpu.memory_space<vmem>> -> memref<1x32x128xf32, #tpu.memory_space<vmem>>
      %dma_start3A_259 = tpu.memref_squeeze %dma_start3A_258 : memref<1x32x128xf32, #tpu.memory_space<vmem>> -> memref<32x128xf32, #tpu.memory_space<vmem>>
      %dma_start3A_260 = arith.constant 0 : i32
      %dma_start3A_261 = tpu.memref_slice %arg13[%add3A_22, %dma_start3A_260] : memref<10240x128xf32, #tpu.memory_space<vmem_shared>> -> memref<32x128xf32, #tpu.memory_space<vmem_shared>>
      %dma_start3A_262 = arith.constant 0 : i32
      %dma_start3A_263 = tpu.memref_slice %arg13[%add3A_22, %dma_start3A_262] : memref<10240x128xf32, #tpu.memory_space<vmem_shared>> -> memref<32x128xf32, #tpu.memory_space<vmem_shared>>
      %dma_start3A_264 = arith.constant 0 : i32
      %dma_start3A_265 = arith.constant 0 : i32
      %dma_start3A_266 = tpu.memref_slice %arg12[%run_scoped3A_23, %dma_start3A_264, %dma_start3A_265] : memref<2x32x128xf32, #tpu.memory_space<vmem>> -> memref<1x32x128xf32, #tpu.memory_space<vmem>>
      %dma_start3A_267 = tpu.memref_squeeze %dma_start3A_266 : memref<1x32x128xf32, #tpu.memory_space<vmem>> -> memref<32x128xf32, #tpu.memory_space<vmem>>
      tpu.enqueue_dma source(%dma_start3A_267 : memref<32x128xf32, #tpu.memory_space<vmem>>) target(%dma_start3A_263 : memref<32x128xf32, #tpu.memory_space<vmem_shared>>) target_semaphore(%run_scoped3A_255 : memref<!tpu.dma_semaphore, #tpu.memory_space<semaphore_mem>>)
      %dma_wait3A_268 = arith.constant 0 : i32
      %dma_wait3A_269 = arith.constant 0 : i32
      %dma_wait3A_270 = tpu.memref_slice %arg12[%run_scoped3A_23, %dma_wait3A_268, %dma_wait3A_269] : memref<2x32x128xf32, #tpu.memory_space<vmem>> -> memref<1x32x128xf32, #tpu.memory_space<vmem>>
      %dma_wait3A_271 = tpu.memref_squeeze %dma_wait3A_270 : memref<1x32x128xf32, #tpu.memory_space<vmem>> -> memref<32x128xf32, #tpu.memory_space<vmem>>
      %dma_wait3A_272 = arith.constant 0 : i32
      %dma_wait3A_273 = tpu.memref_slice %arg13[%add3A_22, %dma_wait3A_272] : memref<10240x128xf32, #tpu.memory_space<vmem_shared>> -> memref<32x128xf32, #tpu.memory_space<vmem_shared>>
      %dma_wait3A_274 = arith.constant 0 : i32
      %dma_wait3A_275 = tpu.memref_slice %arg13[%add3A_22, %dma_wait3A_274] : memref<10240x128xf32, #tpu.memory_space<vmem_shared>> -> memref<32x128xf32, #tpu.memory_space<vmem_shared>>
      %dma_wait3A_276 = arith.constant 0 : i32
      %dma_wait3A_277 = arith.constant 0 : i32
      %dma_wait3A_278 = tpu.memref_slice %arg12[%run_scoped3A_23, %dma_wait3A_276, %dma_wait3A_277] : memref<2x32x128xf32, #tpu.memory_space<vmem>> -> memref<1x32x128xf32, #tpu.memory_space<vmem>>
      %dma_wait3A_279 = tpu.memref_squeeze %dma_wait3A_278 : memref<1x32x128xf32, #tpu.memory_space<vmem>> -> memref<32x128xf32, #tpu.memory_space<vmem>>
      tpu.wait_dma2 semaphore(%run_scoped3A_255 : memref<!tpu.dma_semaphore, #tpu.memory_space<semaphore_mem>>) src(%dma_wait3A_279 : memref<32x128xf32, #tpu.memory_space<vmem>>) dst(%dma_wait3A_275 : memref<32x128xf32, #tpu.memory_space<vmem_shared>>)
      tpu.yield
    }) : () -> ()
    %add3A_24 = arith.constant 160 : i32
    %add3A_25 = arith.addi %mul3A_10, %add3A_24 : i32
    %run_scoped3A_26 = arith.constant 0 : i32
    "tpu.region"() ({
      %run_scoped3A_255 = tpu.sem_alloc : memref<!tpu.dma_semaphore, #tpu.memory_space<semaphore_mem>>
      %dma_start3A_256 = arith.constant 0 : i32
      %dma_start3A_257 = arith.constant 0 : i32
      %dma_start3A_258 = tpu.memref_slice %arg12[%run_scoped3A_26, %dma_start3A_256, %dma_start3A_257] : memref<2x32x128xf32, #tpu.memory_space<vmem>> -> memref<1x32x128xf32, #tpu.memory_space<vmem>>
      %dma_start3A_259 = tpu.memref_squeeze %dma_start3A_258 : memref<1x32x128xf32, #tpu.memory_space<vmem>> -> memref<32x128xf32, #tpu.memory_space<vmem>>
      %dma_start3A_260 = arith.constant 0 : i32
      %dma_start3A_261 = tpu.memref_slice %arg13[%add3A_25, %dma_start3A_260] : memref<10240x128xf32, #tpu.memory_space<vmem_shared>> -> memref<32x128xf32, #tpu.memory_space<vmem_shared>>
      %dma_start3A_262 = arith.constant 0 : i32
      %dma_start3A_263 = tpu.memref_slice %arg13[%add3A_25, %dma_start3A_262] : memref<10240x128xf32, #tpu.memory_space<vmem_shared>> -> memref<32x128xf32, #tpu.memory_space<vmem_shared>>
      %dma_start3A_264 = arith.constant 0 : i32
      %dma_start3A_265 = arith.constant 0 : i32
      %dma_start3A_266 = tpu.memref_slice %arg12[%run_scoped3A_26, %dma_start3A_264, %dma_start3A_265] : memref<2x32x128xf32, #tpu.memory_space<vmem>> -> memref<1x32x128xf32, #tpu.memory_space<vmem>>
      %dma_start3A_267 = tpu.memref_squeeze %dma_start3A_266 : memref<1x32x128xf32, #tpu.memory_space<vmem>> -> memref<32x128xf32, #tpu.memory_space<vmem>>
      tpu.enqueue_dma source(%dma_start3A_267 : memref<32x128xf32, #tpu.memory_space<vmem>>) target(%dma_start3A_263 : memref<32x128xf32, #tpu.memory_space<vmem_shared>>) target_semaphore(%run_scoped3A_255 : memref<!tpu.dma_semaphore, #tpu.memory_space<semaphore_mem>>)
      %dma_wait3A_268 = arith.constant 0 : i32
      %dma_wait3A_269 = arith.constant 0 : i32
      %dma_wait3A_270 = tpu.memref_slice %arg12[%run_scoped3A_26, %dma_wait3A_268, %dma_wait3A_269] : memref<2x32x128xf32, #tpu.memory_space<vmem>> -> memref<1x32x128xf32, #tpu.memory_space<vmem>>
      %dma_wait3A_271 = tpu.memref_squeeze %dma_wait3A_270 : memref<1x32x128xf32, #tpu.memory_space<vmem>> -> memref<32x128xf32, #tpu.memory_space<vmem>>
      %dma_wait3A_272 = arith.constant 0 : i32
      %dma_wait3A_273 = tpu.memref_slice %arg13[%add3A_25, %dma_wait3A_272] : memref<10240x128xf32, #tpu.memory_space<vmem_shared>> -> memref<32x128xf32, #tpu.memory_space<vmem_shared>>
      %dma_wait3A_274 = arith.constant 0 : i32
      %dma_wait3A_275 = tpu.memref_slice %arg13[%add3A_25, %dma_wait3A_274] : memref<10240x128xf32, #tpu.memory_space<vmem_shared>> -> memref<32x128xf32, #tpu.memory_space<vmem_shared>>
      %dma_wait3A_276 = arith.constant 0 : i32
      %dma_wait3A_277 = arith.constant 0 : i32
      %dma_wait3A_278 = tpu.memref_slice %arg12[%run_scoped3A_26, %dma_wait3A_276, %dma_wait3A_277] : memref<2x32x128xf32, #tpu.memory_space<vmem>> -> memref<1x32x128xf32, #tpu.memory_space<vmem>>
      %dma_wait3A_279 = tpu.memref_squeeze %dma_wait3A_278 : memref<1x32x128xf32, #tpu.memory_space<vmem>> -> memref<32x128xf32, #tpu.memory_space<vmem>>
      tpu.wait_dma2 semaphore(%run_scoped3A_255 : memref<!tpu.dma_semaphore, #tpu.memory_space<semaphore_mem>>) src(%dma_wait3A_279 : memref<32x128xf32, #tpu.memory_space<vmem>>) dst(%dma_wait3A_275 : memref<32x128xf32, #tpu.memory_space<vmem_shared>>)
      tpu.yield
    }) : () -> ()
    %add3A_27 = arith.constant 192 : i32
    %add3A_28 = arith.addi %mul3A_10, %add3A_27 : i32
    %run_scoped3A_29 = arith.constant 0 : i32
    "tpu.region"() ({
      %run_scoped3A_255 = tpu.sem_alloc : memref<!tpu.dma_semaphore, #tpu.memory_space<semaphore_mem>>
      %dma_start3A_256 = arith.constant 0 : i32
      %dma_start3A_257 = arith.constant 0 : i32
      %dma_start3A_258 = tpu.memref_slice %arg12[%run_scoped3A_29, %dma_start3A_256, %dma_start3A_257] : memref<2x32x128xf32, #tpu.memory_space<vmem>> -> memref<1x32x128xf32, #tpu.memory_space<vmem>>
      %dma_start3A_259 = tpu.memref_squeeze %dma_start3A_258 : memref<1x32x128xf32, #tpu.memory_space<vmem>> -> memref<32x128xf32, #tpu.memory_space<vmem>>
      %dma_start3A_260 = arith.constant 0 : i32
      %dma_start3A_261 = tpu.memref_slice %arg13[%add3A_28, %dma_start3A_260] : memref<10240x128xf32, #tpu.memory_space<vmem_shared>> -> memref<32x128xf32, #tpu.memory_space<vmem_shared>>
      %dma_start3A_262 = arith.constant 0 : i32
      %dma_start3A_263 = tpu.memref_slice %arg13[%add3A_28, %dma_start3A_262] : memref<10240x128xf32, #tpu.memory_space<vmem_shared>> -> memref<32x128xf32, #tpu.memory_space<vmem_shared>>
      %dma_start3A_264 = arith.constant 0 : i32
      %dma_start3A_265 = arith.constant 0 : i32
      %dma_start3A_266 = tpu.memref_slice %arg12[%run_scoped3A_29, %dma_start3A_264, %dma_start3A_265] : memref<2x32x128xf32, #tpu.memory_space<vmem>> -> memref<1x32x128xf32, #tpu.memory_space<vmem>>
      %dma_start3A_267 = tpu.memref_squeeze %dma_start3A_266 : memref<1x32x128xf32, #tpu.memory_space<vmem>> -> memref<32x128xf32, #tpu.memory_space<vmem>>
      tpu.enqueue_dma source(%dma_start3A_267 : memref<32x128xf32, #tpu.memory_space<vmem>>) target(%dma_start3A_263 : memref<32x128xf32, #tpu.memory_space<vmem_shared>>) target_semaphore(%run_scoped3A_255 : memref<!tpu.dma_semaphore, #tpu.memory_space<semaphore_mem>>)
      %dma_wait3A_268 = arith.constant 0 : i32
      %dma_wait3A_269 = arith.constant 0 : i32
      %dma_wait3A_270 = tpu.memref_slice %arg12[%run_scoped3A_29, %dma_wait3A_268, %dma_wait3A_269] : memref<2x32x128xf32, #tpu.memory_space<vmem>> -> memref<1x32x128xf32, #tpu.memory_space<vmem>>
      %dma_wait3A_271 = tpu.memref_squeeze %dma_wait3A_270 : memref<1x32x128xf32, #tpu.memory_space<vmem>> -> memref<32x128xf32, #tpu.memory_space<vmem>>
      %dma_wait3A_272 = arith.constant 0 : i32
      %dma_wait3A_273 = tpu.memref_slice %arg13[%add3A_28, %dma_wait3A_272] : memref<10240x128xf32, #tpu.memory_space<vmem_shared>> -> memref<32x128xf32, #tpu.memory_space<vmem_shared>>
      %dma_wait3A_274 = arith.constant 0 : i32
      %dma_wait3A_275 = tpu.memref_slice %arg13[%add3A_28, %dma_wait3A_274] : memref<10240x128xf32, #tpu.memory_space<vmem_shared>> -> memref<32x128xf32, #tpu.memory_space<vmem_shared>>
      %dma_wait3A_276 = arith.constant 0 : i32
      %dma_wait3A_277 = arith.constant 0 : i32
      %dma_wait3A_278 = tpu.memref_slice %arg12[%run_scoped3A_29, %dma_wait3A_276, %dma_wait3A_277] : memref<2x32x128xf32, #tpu.memory_space<vmem>> -> memref<1x32x128xf32, #tpu.memory_space<vmem>>
      %dma_wait3A_279 = tpu.memref_squeeze %dma_wait3A_278 : memref<1x32x128xf32, #tpu.memory_space<vmem>> -> memref<32x128xf32, #tpu.memory_space<vmem>>
      tpu.wait_dma2 semaphore(%run_scoped3A_255 : memref<!tpu.dma_semaphore, #tpu.memory_space<semaphore_mem>>) src(%dma_wait3A_279 : memref<32x128xf32, #tpu.memory_space<vmem>>) dst(%dma_wait3A_275 : memref<32x128xf32, #tpu.memory_space<vmem_shared>>)
      tpu.yield
    }) : () -> ()
    %add3A_30 = arith.constant 224 : i32
    %add3A_31 = arith.addi %mul3A_10, %add3A_30 : i32
    %run_scoped3A_32 = arith.constant 0 : i32
    "tpu.region"() ({
      %run_scoped3A_255 = tpu.sem_alloc : memref<!tpu.dma_semaphore, #tpu.memory_space<semaphore_mem>>
      %dma_start3A_256 = arith.constant 0 : i32
      %dma_start3A_257 = arith.constant 0 : i32
      %dma_start3A_258 = tpu.memref_slice %arg12[%run_scoped3A_32, %dma_start3A_256, %dma_start3A_257] : memref<2x32x128xf32, #tpu.memory_space<vmem>> -> memref<1x32x128xf32, #tpu.memory_space<vmem>>
      %dma_start3A_259 = tpu.memref_squeeze %dma_start3A_258 : memref<1x32x128xf32, #tpu.memory_space<vmem>> -> memref<32x128xf32, #tpu.memory_space<vmem>>
      %dma_start3A_260 = arith.constant 0 : i32
      %dma_start3A_261 = tpu.memref_slice %arg13[%add3A_31, %dma_start3A_260] : memref<10240x128xf32, #tpu.memory_space<vmem_shared>> -> memref<32x128xf32, #tpu.memory_space<vmem_shared>>
      %dma_start3A_262 = arith.constant 0 : i32
      %dma_start3A_263 = tpu.memref_slice %arg13[%add3A_31, %dma_start3A_262] : memref<10240x128xf32, #tpu.memory_space<vmem_shared>> -> memref<32x128xf32, #tpu.memory_space<vmem_shared>>
      %dma_start3A_264 = arith.constant 0 : i32
      %dma_start3A_265 = arith.constant 0 : i32
      %dma_start3A_266 = tpu.memref_slice %arg12[%run_scoped3A_32, %dma_start3A_264, %dma_start3A_265] : memref<2x32x128xf32, #tpu.memory_space<vmem>> -> memref<1x32x128xf32, #tpu.memory_space<vmem>>
      %dma_start3A_267 = tpu.memref_squeeze %dma_start3A_266 : memref<1x32x128xf32, #tpu.memory_space<vmem>> -> memref<32x128xf32, #tpu.memory_space<vmem>>
      tpu.enqueue_dma source(%dma_start3A_267 : memref<32x128xf32, #tpu.memory_space<vmem>>) target(%dma_start3A_263 : memref<32x128xf32, #tpu.memory_space<vmem_shared>>) target_semaphore(%run_scoped3A_255 : memref<!tpu.dma_semaphore, #tpu.memory_space<semaphore_mem>>)
      %dma_wait3A_268 = arith.constant 0 : i32
      %dma_wait3A_269 = arith.constant 0 : i32
      %dma_wait3A_270 = tpu.memref_slice %arg12[%run_scoped3A_32, %dma_wait3A_268, %dma_wait3A_269] : memref<2x32x128xf32, #tpu.memory_space<vmem>> -> memref<1x32x128xf32, #tpu.memory_space<vmem>>
      %dma_wait3A_271 = tpu.memref_squeeze %dma_wait3A_270 : memref<1x32x128xf32, #tpu.memory_space<vmem>> -> memref<32x128xf32, #tpu.memory_space<vmem>>
      %dma_wait3A_272 = arith.constant 0 : i32
      %dma_wait3A_273 = tpu.memref_slice %arg13[%add3A_31, %dma_wait3A_272] : memref<10240x128xf32, #tpu.memory_space<vmem_shared>> -> memref<32x128xf32, #tpu.memory_space<vmem_shared>>
      %dma_wait3A_274 = arith.constant 0 : i32
      %dma_wait3A_275 = tpu.memref_slice %arg13[%add3A_31, %dma_wait3A_274] : memref<10240x128xf32, #tpu.memory_space<vmem_shared>> -> memref<32x128xf32, #tpu.memory_space<vmem_shared>>
      %dma_wait3A_276 = arith.constant 0 : i32
      %dma_wait3A_277 = arith.constant 0 : i32
      %dma_wait3A_278 = tpu.memref_slice %arg12[%run_scoped3A_32, %dma_wait3A_276, %dma_wait3A_277] : memref<2x32x128xf32, #tpu.memory_space<vmem>> -> memref<1x32x128xf32, #tpu.memory_space<vmem>>
      %dma_wait3A_279 = tpu.memref_squeeze %dma_wait3A_278 : memref<1x32x128xf32, #tpu.memory_space<vmem>> -> memref<32x128xf32, #tpu.memory_space<vmem>>
      tpu.wait_dma2 semaphore(%run_scoped3A_255 : memref<!tpu.dma_semaphore, #tpu.memory_space<semaphore_mem>>) src(%dma_wait3A_279 : memref<32x128xf32, #tpu.memory_space<vmem>>) dst(%dma_wait3A_275 : memref<32x128xf32, #tpu.memory_space<vmem_shared>>)
      tpu.yield
    }) : () -> ()
    %add3A_33 = arith.constant 256 : i32
    %add3A_34 = arith.addi %mul3A_10, %add3A_33 : i32
    %run_scoped3A_35 = arith.constant 0 : i32
    "tpu.region"() ({
      %run_scoped3A_255 = tpu.sem_alloc : memref<!tpu.dma_semaphore, #tpu.memory_space<semaphore_mem>>
      %dma_start3A_256 = arith.constant 0 : i32
      %dma_start3A_257 = arith.constant 0 : i32
      %dma_start3A_258 = tpu.memref_slice %arg12[%run_scoped3A_35, %dma_start3A_256, %dma_start3A_257] : memref<2x32x128xf32, #tpu.memory_space<vmem>> -> memref<1x32x128xf32, #tpu.memory_space<vmem>>
      %dma_start3A_259 = tpu.memref_squeeze %dma_start3A_258 : memref<1x32x128xf32, #tpu.memory_space<vmem>> -> memref<32x128xf32, #tpu.memory_space<vmem>>
      %dma_start3A_260 = arith.constant 0 : i32
      %dma_start3A_261 = tpu.memref_slice %arg13[%add3A_34, %dma_start3A_260] : memref<10240x128xf32, #tpu.memory_space<vmem_shared>> -> memref<32x128xf32, #tpu.memory_space<vmem_shared>>
      %dma_start3A_262 = arith.constant 0 : i32
      %dma_start3A_263 = tpu.memref_slice %arg13[%add3A_34, %dma_start3A_262] : memref<10240x128xf32, #tpu.memory_space<vmem_shared>> -> memref<32x128xf32, #tpu.memory_space<vmem_shared>>
      %dma_start3A_264 = arith.constant 0 : i32
      %dma_start3A_265 = arith.constant 0 : i32
      %dma_start3A_266 = tpu.memref_slice %arg12[%run_scoped3A_35, %dma_start3A_264, %dma_start3A_265] : memref<2x32x128xf32, #tpu.memory_space<vmem>> -> memref<1x32x128xf32, #tpu.memory_space<vmem>>
      %dma_start3A_267 = tpu.memref_squeeze %dma_start3A_266 : memref<1x32x128xf32, #tpu.memory_space<vmem>> -> memref<32x128xf32, #tpu.memory_space<vmem>>
      tpu.enqueue_dma source(%dma_start3A_267 : memref<32x128xf32, #tpu.memory_space<vmem>>) target(%dma_start3A_263 : memref<32x128xf32, #tpu.memory_space<vmem_shared>>) target_semaphore(%run_scoped3A_255 : memref<!tpu.dma_semaphore, #tpu.memory_space<semaphore_mem>>)
      %dma_wait3A_268 = arith.constant 0 : i32
      %dma_wait3A_269 = arith.constant 0 : i32
      %dma_wait3A_270 = tpu.memref_slice %arg12[%run_scoped3A_35, %dma_wait3A_268, %dma_wait3A_269] : memref<2x32x128xf32, #tpu.memory_space<vmem>> -> memref<1x32x128xf32, #tpu.memory_space<vmem>>
      %dma_wait3A_271 = tpu.memref_squeeze %dma_wait3A_270 : memref<1x32x128xf32, #tpu.memory_space<vmem>> -> memref<32x128xf32, #tpu.memory_space<vmem>>
      %dma_wait3A_272 = arith.constant 0 : i32
      %dma_wait3A_273 = tpu.memref_slice %arg13[%add3A_34, %dma_wait3A_272] : memref<10240x128xf32, #tpu.memory_space<vmem_shared>> -> memref<32x128xf32, #tpu.memory_space<vmem_shared>>
      %dma_wait3A_274 = arith.constant 0 : i32
      %dma_wait3A_275 = tpu.memref_slice %arg13[%add3A_34, %dma_wait3A_274] : memref<10240x128xf32, #tpu.memory_space<vmem_shared>> -> memref<32x128xf32, #tpu.memory_space<vmem_shared>>
      %dma_wait3A_276 = arith.constant 0 : i32
      %dma_wait3A_277 = arith.constant 0 : i32
      %dma_wait3A_278 = tpu.memref_slice %arg12[%run_scoped3A_35, %dma_wait3A_276, %dma_wait3A_277] : memref<2x32x128xf32, #tpu.memory_space<vmem>> -> memref<1x32x128xf32, #tpu.memory_space<vmem>>
      %dma_wait3A_279 = tpu.memref_squeeze %dma_wait3A_278 : memref<1x32x128xf32, #tpu.memory_space<vmem>> -> memref<32x128xf32, #tpu.memory_space<vmem>>
      tpu.wait_dma2 semaphore(%run_scoped3A_255 : memref<!tpu.dma_semaphore, #tpu.memory_space<semaphore_mem>>) src(%dma_wait3A_279 : memref<32x128xf32, #tpu.memory_space<vmem>>) dst(%dma_wait3A_275 : memref<32x128xf32, #tpu.memory_space<vmem_shared>>)
      tpu.yield
    }) : () -> ()
    %add3A_36 = arith.constant 288 : i32
    %add3A_37 = arith.addi %mul3A_10, %add3A_36 : i32
    %run_scoped3A_38 = arith.constant 0 : i32
    "tpu.region"() ({
      %run_scoped3A_255 = tpu.sem_alloc : memref<!tpu.dma_semaphore, #tpu.memory_space<semaphore_mem>>
      %dma_start3A_256 = arith.constant 0 : i32
      %dma_start3A_257 = arith.constant 0 : i32
      %dma_start3A_258 = tpu.memref_slice %arg12[%run_scoped3A_38, %dma_start3A_256, %dma_start3A_257] : memref<2x32x128xf32, #tpu.memory_space<vmem>> -> memref<1x32x128xf32, #tpu.memory_space<vmem>>
      %dma_start3A_259 = tpu.memref_squeeze %dma_start3A_258 : memref<1x32x128xf32, #tpu.memory_space<vmem>> -> memref<32x128xf32, #tpu.memory_space<vmem>>
      %dma_start3A_260 = arith.constant 0 : i32
      %dma_start3A_261 = tpu.memref_slice %arg13[%add3A_37, %dma_start3A_260] : memref<10240x128xf32, #tpu.memory_space<vmem_shared>> -> memref<32x128xf32, #tpu.memory_space<vmem_shared>>
      %dma_start3A_262 = arith.constant 0 : i32
      %dma_start3A_263 = tpu.memref_slice %arg13[%add3A_37, %dma_start3A_262] : memref<10240x128xf32, #tpu.memory_space<vmem_shared>> -> memref<32x128xf32, #tpu.memory_space<vmem_shared>>
      %dma_start3A_264 = arith.constant 0 : i32
      %dma_start3A_265 = arith.constant 0 : i32
      %dma_start3A_266 = tpu.memref_slice %arg12[%run_scoped3A_38, %dma_start3A_264, %dma_start3A_265] : memref<2x32x128xf32, #tpu.memory_space<vmem>> -> memref<1x32x128xf32, #tpu.memory_space<vmem>>
      %dma_start3A_267 = tpu.memref_squeeze %dma_start3A_266 : memref<1x32x128xf32, #tpu.memory_space<vmem>> -> memref<32x128xf32, #tpu.memory_space<vmem>>
      tpu.enqueue_dma source(%dma_start3A_267 : memref<32x128xf32, #tpu.memory_space<vmem>>) target(%dma_start3A_263 : memref<32x128xf32, #tpu.memory_space<vmem_shared>>) target_semaphore(%run_scoped3A_255 : memref<!tpu.dma_semaphore, #tpu.memory_space<semaphore_mem>>)
      %dma_wait3A_268 = arith.constant 0 : i32
      %dma_wait3A_269 = arith.constant 0 : i32
      %dma_wait3A_270 = tpu.memref_slice %arg12[%run_scoped3A_38, %dma_wait3A_268, %dma_wait3A_269] : memref<2x32x128xf32, #tpu.memory_space<vmem>> -> memref<1x32x128xf32, #tpu.memory_space<vmem>>
      %dma_wait3A_271 = tpu.memref_squeeze %dma_wait3A_270 : memref<1x32x128xf32, #tpu.memory_space<vmem>> -> memref<32x128xf32, #tpu.memory_space<vmem>>
      %dma_wait3A_272 = arith.constant 0 : i32
      %dma_wait3A_273 = tpu.memref_slice %arg13[%add3A_37, %dma_wait3A_272] : memref<10240x128xf32, #tpu.memory_space<vmem_shared>> -> memref<32x128xf32, #tpu.memory_space<vmem_shared>>
      %dma_wait3A_274 = arith.constant 0 : i32
      %dma_wait3A_275 = tpu.memref_slice %arg13[%add3A_37, %dma_wait3A_274] : memref<10240x128xf32, #tpu.memory_space<vmem_shared>> -> memref<32x128xf32, #tpu.memory_space<vmem_shared>>
      %dma_wait3A_276 = arith.constant 0 : i32
      %dma_wait3A_277 = arith.constant 0 : i32
      %dma_wait3A_278 = tpu.memref_slice %arg12[%run_scoped3A_38, %dma_wait3A_276, %dma_wait3A_277] : memref<2x32x128xf32, #tpu.memory_space<vmem>> -> memref<1x32x128xf32, #tpu.memory_space<vmem>>
      %dma_wait3A_279 = tpu.memref_squeeze %dma_wait3A_278 : memref<1x32x128xf32, #tpu.memory_space<vmem>> -> memref<32x128xf32, #tpu.memory_space<vmem>>
      tpu.wait_dma2 semaphore(%run_scoped3A_255 : memref<!tpu.dma_semaphore, #tpu.memory_space<semaphore_mem>>) src(%dma_wait3A_279 : memref<32x128xf32, #tpu.memory_space<vmem>>) dst(%dma_wait3A_275 : memref<32x128xf32, #tpu.memory_space<vmem_shared>>)
      tpu.yield
    }) : () -> ()
    %add3A_39 = arith.constant 320 : i32
    %add3A_40 = arith.addi %mul3A_10, %add3A_39 : i32
    %run_scoped3A_41 = arith.constant 0 : i32
    "tpu.region"() ({
      %run_scoped3A_255 = tpu.sem_alloc : memref<!tpu.dma_semaphore, #tpu.memory_space<semaphore_mem>>
      %dma_start3A_256 = arith.constant 0 : i32
      %dma_start3A_257 = arith.constant 0 : i32
      %dma_start3A_258 = tpu.memref_slice %arg12[%run_scoped3A_41, %dma_start3A_256, %dma_start3A_257] : memref<2x32x128xf32, #tpu.memory_space<vmem>> -> memref<1x32x128xf32, #tpu.memory_space<vmem>>
      %dma_start3A_259 = tpu.memref_squeeze %dma_start3A_258 : memref<1x32x128xf32, #tpu.memory_space<vmem>> -> memref<32x128xf32, #tpu.memory_space<vmem>>
      %dma_start3A_260 = arith.constant 0 : i32
      %dma_start3A_261 = tpu.memref_slice %arg13[%add3A_40, %dma_start3A_260] : memref<10240x128xf32, #tpu.memory_space<vmem_shared>> -> memref<32x128xf32, #tpu.memory_space<vmem_shared>>
      %dma_start3A_262 = arith.constant 0 : i32
      %dma_start3A_263 = tpu.memref_slice %arg13[%add3A_40, %dma_start3A_262] : memref<10240x128xf32, #tpu.memory_space<vmem_shared>> -> memref<32x128xf32, #tpu.memory_space<vmem_shared>>
      %dma_start3A_264 = arith.constant 0 : i32
      %dma_start3A_265 = arith.constant 0 : i32
      %dma_start3A_266 = tpu.memref_slice %arg12[%run_scoped3A_41, %dma_start3A_264, %dma_start3A_265] : memref<2x32x128xf32, #tpu.memory_space<vmem>> -> memref<1x32x128xf32, #tpu.memory_space<vmem>>
      %dma_start3A_267 = tpu.memref_squeeze %dma_start3A_266 : memref<1x32x128xf32, #tpu.memory_space<vmem>> -> memref<32x128xf32, #tpu.memory_space<vmem>>
      tpu.enqueue_dma source(%dma_start3A_267 : memref<32x128xf32, #tpu.memory_space<vmem>>) target(%dma_start3A_263 : memref<32x128xf32, #tpu.memory_space<vmem_shared>>) target_semaphore(%run_scoped3A_255 : memref<!tpu.dma_semaphore, #tpu.memory_space<semaphore_mem>>)
      %dma_wait3A_268 = arith.constant 0 : i32
      %dma_wait3A_269 = arith.constant 0 : i32
      %dma_wait3A_270 = tpu.memref_slice %arg12[%run_scoped3A_41, %dma_wait3A_268, %dma_wait3A_269] : memref<2x32x128xf32, #tpu.memory_space<vmem>> -> memref<1x32x128xf32, #tpu.memory_space<vmem>>
      %dma_wait3A_271 = tpu.memref_squeeze %dma_wait3A_270 : memref<1x32x128xf32, #tpu.memory_space<vmem>> -> memref<32x128xf32, #tpu.memory_space<vmem>>
      %dma_wait3A_272 = arith.constant 0 : i32
      %dma_wait3A_273 = tpu.memref_slice %arg13[%add3A_40, %dma_wait3A_272] : memref<10240x128xf32, #tpu.memory_space<vmem_shared>> -> memref<32x128xf32, #tpu.memory_space<vmem_shared>>
      %dma_wait3A_274 = arith.constant 0 : i32
      %dma_wait3A_275 = tpu.memref_slice %arg13[%add3A_40, %dma_wait3A_274] : memref<10240x128xf32, #tpu.memory_space<vmem_shared>> -> memref<32x128xf32, #tpu.memory_space<vmem_shared>>
      %dma_wait3A_276 = arith.constant 0 : i32
      %dma_wait3A_277 = arith.constant 0 : i32
      %dma_wait3A_278 = tpu.memref_slice %arg12[%run_scoped3A_41, %dma_wait3A_276, %dma_wait3A_277] : memref<2x32x128xf32, #tpu.memory_space<vmem>> -> memref<1x32x128xf32, #tpu.memory_space<vmem>>
      %dma_wait3A_279 = tpu.memref_squeeze %dma_wait3A_278 : memref<1x32x128xf32, #tpu.memory_space<vmem>> -> memref<32x128xf32, #tpu.memory_space<vmem>>
      tpu.wait_dma2 semaphore(%run_scoped3A_255 : memref<!tpu.dma_semaphore, #tpu.memory_space<semaphore_mem>>) src(%dma_wait3A_279 : memref<32x128xf32, #tpu.memory_space<vmem>>) dst(%dma_wait3A_275 : memref<32x128xf32, #tpu.memory_space<vmem_shared>>)
      tpu.yield
    }) : () -> ()
    %add3A_42 = arith.constant 352 : i32
    %add3A_43 = arith.addi %mul3A_10, %add3A_42 : i32
    %run_scoped3A_44 = arith.constant 0 : i32
    "tpu.region"() ({
      %run_scoped3A_255 = tpu.sem_alloc : memref<!tpu.dma_semaphore, #tpu.memory_space<semaphore_mem>>
      %dma_start3A_256 = arith.constant 0 : i32
      %dma_start3A_257 = arith.constant 0 : i32
      %dma_start3A_258 = tpu.memref_slice %arg12[%run_scoped3A_44, %dma_start3A_256, %dma_start3A_257] : memref<2x32x128xf32, #tpu.memory_space<vmem>> -> memref<1x32x128xf32, #tpu.memory_space<vmem>>
      %dma_start3A_259 = tpu.memref_squeeze %dma_start3A_258 : memref<1x32x128xf32, #tpu.memory_space<vmem>> -> memref<32x128xf32, #tpu.memory_space<vmem>>
      %dma_start3A_260 = arith.constant 0 : i32
      %dma_start3A_261 = tpu.memref_slice %arg13[%add3A_43, %dma_start3A_260] : memref<10240x128xf32, #tpu.memory_space<vmem_shared>> -> memref<32x128xf32, #tpu.memory_space<vmem_shared>>
      %dma_start3A_262 = arith.constant 0 : i32
      %dma_start3A_263 = tpu.memref_slice %arg13[%add3A_43, %dma_start3A_262] : memref<10240x128xf32, #tpu.memory_space<vmem_shared>> -> memref<32x128xf32, #tpu.memory_space<vmem_shared>>
      %dma_start3A_264 = arith.constant 0 : i32
      %dma_start3A_265 = arith.constant 0 : i32
      %dma_start3A_266 = tpu.memref_slice %arg12[%run_scoped3A_44, %dma_start3A_264, %dma_start3A_265] : memref<2x32x128xf32, #tpu.memory_space<vmem>> -> memref<1x32x128xf32, #tpu.memory_space<vmem>>
      %dma_start3A_267 = tpu.memref_squeeze %dma_start3A_266 : memref<1x32x128xf32, #tpu.memory_space<vmem>> -> memref<32x128xf32, #tpu.memory_space<vmem>>
      tpu.enqueue_dma source(%dma_start3A_267 : memref<32x128xf32, #tpu.memory_space<vmem>>) target(%dma_start3A_263 : memref<32x128xf32, #tpu.memory_space<vmem_shared>>) target_semaphore(%run_scoped3A_255 : memref<!tpu.dma_semaphore, #tpu.memory_space<semaphore_mem>>)
      %dma_wait3A_268 = arith.constant 0 : i32
      %dma_wait3A_269 = arith.constant 0 : i32
      %dma_wait3A_270 = tpu.memref_slice %arg12[%run_scoped3A_44, %dma_wait3A_268, %dma_wait3A_269] : memref<2x32x128xf32, #tpu.memory_space<vmem>> -> memref<1x32x128xf32, #tpu.memory_space<vmem>>
      %dma_wait3A_271 = tpu.memref_squeeze %dma_wait3A_270 : memref<1x32x128xf32, #tpu.memory_space<vmem>> -> memref<32x128xf32, #tpu.memory_space<vmem>>
      %dma_wait3A_272 = arith.constant 0 : i32
      %dma_wait3A_273 = tpu.memref_slice %arg13[%add3A_43, %dma_wait3A_272] : memref<10240x128xf32, #tpu.memory_space<vmem_shared>> -> memref<32x128xf32, #tpu.memory_space<vmem_shared>>
      %dma_wait3A_274 = arith.constant 0 : i32
      %dma_wait3A_275 = tpu.memref_slice %arg13[%add3A_43, %dma_wait3A_274] : memref<10240x128xf32, #tpu.memory_space<vmem_shared>> -> memref<32x128xf32, #tpu.memory_space<vmem_shared>>
      %dma_wait3A_276 = arith.constant 0 : i32
      %dma_wait3A_277 = arith.constant 0 : i32
      %dma_wait3A_278 = tpu.memref_slice %arg12[%run_scoped3A_44, %dma_wait3A_276, %dma_wait3A_277] : memref<2x32x128xf32, #tpu.memory_space<vmem>> -> memref<1x32x128xf32, #tpu.memory_space<vmem>>
      %dma_wait3A_279 = tpu.memref_squeeze %dma_wait3A_278 : memref<1x32x128xf32, #tpu.memory_space<vmem>> -> memref<32x128xf32, #tpu.memory_space<vmem>>
      tpu.wait_dma2 semaphore(%run_scoped3A_255 : memref<!tpu.dma_semaphore, #tpu.memory_space<semaphore_mem>>) src(%dma_wait3A_279 : memref<32x128xf32, #tpu.memory_space<vmem>>) dst(%dma_wait3A_275 : memref<32x128xf32, #tpu.memory_space<vmem_shared>>)
      tpu.yield
    }) : () -> ()
    %add3A_45 = arith.constant 384 : i32
    %add3A_46 = arith.addi %mul3A_10, %add3A_45 : i32
    %run_scoped3A_47 = arith.constant 0 : i32
    "tpu.region"() ({
      %run_scoped3A_255 = tpu.sem_alloc : memref<!tpu.dma_semaphore, #tpu.memory_space<semaphore_mem>>
      %dma_start3A_256 = arith.constant 0 : i32
      %dma_start3A_257 = arith.constant 0 : i32
      %dma_start3A_258 = tpu.memref_slice %arg12[%run_scoped3A_47, %dma_start3A_256, %dma_start3A_257] : memref<2x32x128xf32, #tpu.memory_space<vmem>> -> memref<1x32x128xf32, #tpu.memory_space<vmem>>
      %dma_start3A_259 = tpu.memref_squeeze %dma_start3A_258 : memref<1x32x128xf32, #tpu.memory_space<vmem>> -> memref<32x128xf32, #tpu.memory_space<vmem>>
      %dma_start3A_260 = arith.constant 0 : i32
      %dma_start3A_261 = tpu.memref_slice %arg13[%add3A_46, %dma_start3A_260] : memref<10240x128xf32, #tpu.memory_space<vmem_shared>> -> memref<32x128xf32, #tpu.memory_space<vmem_shared>>
      %dma_start3A_262 = arith.constant 0 : i32
      %dma_start3A_263 = tpu.memref_slice %arg13[%add3A_46, %dma_start3A_262] : memref<10240x128xf32, #tpu.memory_space<vmem_shared>> -> memref<32x128xf32, #tpu.memory_space<vmem_shared>>
      %dma_start3A_264 = arith.constant 0 : i32
      %dma_start3A_265 = arith.constant 0 : i32
      %dma_start3A_266 = tpu.memref_slice %arg12[%run_scoped3A_47, %dma_start3A_264, %dma_start3A_265] : memref<2x32x128xf32, #tpu.memory_space<vmem>> -> memref<1x32x128xf32, #tpu.memory_space<vmem>>
      %dma_start3A_267 = tpu.memref_squeeze %dma_start3A_266 : memref<1x32x128xf32, #tpu.memory_space<vmem>> -> memref<32x128xf32, #tpu.memory_space<vmem>>
      tpu.enqueue_dma source(%dma_start3A_267 : memref<32x128xf32, #tpu.memory_space<vmem>>) target(%dma_start3A_263 : memref<32x128xf32, #tpu.memory_space<vmem_shared>>) target_semaphore(%run_scoped3A_255 : memref<!tpu.dma_semaphore, #tpu.memory_space<semaphore_mem>>)
      %dma_wait3A_268 = arith.constant 0 : i32
      %dma_wait3A_269 = arith.constant 0 : i32
      %dma_wait3A_270 = tpu.memref_slice %arg12[%run_scoped3A_47, %dma_wait3A_268, %dma_wait3A_269] : memref<2x32x128xf32, #tpu.memory_space<vmem>> -> memref<1x32x128xf32, #tpu.memory_space<vmem>>
      %dma_wait3A_271 = tpu.memref_squeeze %dma_wait3A_270 : memref<1x32x128xf32, #tpu.memory_space<vmem>> -> memref<32x128xf32, #tpu.memory_space<vmem>>
      %dma_wait3A_272 = arith.constant 0 : i32
      %dma_wait3A_273 = tpu.memref_slice %arg13[%add3A_46, %dma_wait3A_272] : memref<10240x128xf32, #tpu.memory_space<vmem_shared>> -> memref<32x128xf32, #tpu.memory_space<vmem_shared>>
      %dma_wait3A_274 = arith.constant 0 : i32
      %dma_wait3A_275 = tpu.memref_slice %arg13[%add3A_46, %dma_wait3A_274] : memref<10240x128xf32, #tpu.memory_space<vmem_shared>> -> memref<32x128xf32, #tpu.memory_space<vmem_shared>>
      %dma_wait3A_276 = arith.constant 0 : i32
      %dma_wait3A_277 = arith.constant 0 : i32
      %dma_wait3A_278 = tpu.memref_slice %arg12[%run_scoped3A_47, %dma_wait3A_276, %dma_wait3A_277] : memref<2x32x128xf32, #tpu.memory_space<vmem>> -> memref<1x32x128xf32, #tpu.memory_space<vmem>>
      %dma_wait3A_279 = tpu.memref_squeeze %dma_wait3A_278 : memref<1x32x128xf32, #tpu.memory_space<vmem>> -> memref<32x128xf32, #tpu.memory_space<vmem>>
      tpu.wait_dma2 semaphore(%run_scoped3A_255 : memref<!tpu.dma_semaphore, #tpu.memory_space<semaphore_mem>>) src(%dma_wait3A_279 : memref<32x128xf32, #tpu.memory_space<vmem>>) dst(%dma_wait3A_275 : memref<32x128xf32, #tpu.memory_space<vmem_shared>>)
      tpu.yield
    }) : () -> ()
    %add3A_48 = arith.constant 416 : i32
    %add3A_49 = arith.addi %mul3A_10, %add3A_48 : i32
    %run_scoped3A_50 = arith.constant 0 : i32
    "tpu.region"() ({
      %run_scoped3A_255 = tpu.sem_alloc : memref<!tpu.dma_semaphore, #tpu.memory_space<semaphore_mem>>
      %dma_start3A_256 = arith.constant 0 : i32
      %dma_start3A_257 = arith.constant 0 : i32
      %dma_start3A_258 = tpu.memref_slice %arg12[%run_scoped3A_50, %dma_start3A_256, %dma_start3A_257] : memref<2x32x128xf32, #tpu.memory_space<vmem>> -> memref<1x32x128xf32, #tpu.memory_space<vmem>>
      %dma_start3A_259 = tpu.memref_squeeze %dma_start3A_258 : memref<1x32x128xf32, #tpu.memory_space<vmem>> -> memref<32x128xf32, #tpu.memory_space<vmem>>
      %dma_start3A_260 = arith.constant 0 : i32
      %dma_start3A_261 = tpu.memref_slice %arg13[%add3A_49, %dma_start3A_260] : memref<10240x128xf32, #tpu.memory_space<vmem_shared>> -> memref<32x128xf32, #tpu.memory_space<vmem_shared>>
      %dma_start3A_262 = arith.constant 0 : i32
      %dma_start3A_263 = tpu.memref_slice %arg13[%add3A_49, %dma_start3A_262] : memref<10240x128xf32, #tpu.memory_space<vmem_shared>> -> memref<32x128xf32, #tpu.memory_space<vmem_shared>>
      %dma_start3A_264 = arith.constant 0 : i32
      %dma_start3A_265 = arith.constant 0 : i32
      %dma_start3A_266 = tpu.memref_slice %arg12[%run_scoped3A_50, %dma_start3A_264, %dma_start3A_265] : memref<2x32x128xf32, #tpu.memory_space<vmem>> -> memref<1x32x128xf32, #tpu.memory_space<vmem>>
      %dma_start3A_267 = tpu.memref_squeeze %dma_start3A_266 : memref<1x32x128xf32, #tpu.memory_space<vmem>> -> memref<32x128xf32, #tpu.memory_space<vmem>>
      tpu.enqueue_dma source(%dma_start3A_267 : memref<32x128xf32, #tpu.memory_space<vmem>>) target(%dma_start3A_263 : memref<32x128xf32, #tpu.memory_space<vmem_shared>>) target_semaphore(%run_scoped3A_255 : memref<!tpu.dma_semaphore, #tpu.memory_space<semaphore_mem>>)
      %dma_wait3A_268 = arith.constant 0 : i32
      %dma_wait3A_269 = arith.constant 0 : i32
      %dma_wait3A_270 = tpu.memref_slice %arg12[%run_scoped3A_50, %dma_wait3A_268, %dma_wait3A_269] : memref<2x32x128xf32, #tpu.memory_space<vmem>> -> memref<1x32x128xf32, #tpu.memory_space<vmem>>
      %dma_wait3A_271 = tpu.memref_squeeze %dma_wait3A_270 : memref<1x32x128xf32, #tpu.memory_space<vmem>> -> memref<32x128xf32, #tpu.memory_space<vmem>>
      %dma_wait3A_272 = arith.constant 0 : i32
      %dma_wait3A_273 = tpu.memref_slice %arg13[%add3A_49, %dma_wait3A_272] : memref<10240x128xf32, #tpu.memory_space<vmem_shared>> -> memref<32x128xf32, #tpu.memory_space<vmem_shared>>
      %dma_wait3A_274 = arith.constant 0 : i32
      %dma_wait3A_275 = tpu.memref_slice %arg13[%add3A_49, %dma_wait3A_274] : memref<10240x128xf32, #tpu.memory_space<vmem_shared>> -> memref<32x128xf32, #tpu.memory_space<vmem_shared>>
      %dma_wait3A_276 = arith.constant 0 : i32
      %dma_wait3A_277 = arith.constant 0 : i32
      %dma_wait3A_278 = tpu.memref_slice %arg12[%run_scoped3A_50, %dma_wait3A_276, %dma_wait3A_277] : memref<2x32x128xf32, #tpu.memory_space<vmem>> -> memref<1x32x128xf32, #tpu.memory_space<vmem>>
      %dma_wait3A_279 = tpu.memref_squeeze %dma_wait3A_278 : memref<1x32x128xf32, #tpu.memory_space<vmem>> -> memref<32x128xf32, #tpu.memory_space<vmem>>
      tpu.wait_dma2 semaphore(%run_scoped3A_255 : memref<!tpu.dma_semaphore, #tpu.memory_space<semaphore_mem>>) src(%dma_wait3A_279 : memref<32x128xf32, #tpu.memory_space<vmem>>) dst(%dma_wait3A_275 : memref<32x128xf32, #tpu.memory_space<vmem_shared>>)
      tpu.yield
    }) : () -> ()
    %add3A_51 = arith.constant 448 : i32
    %add3A_52 = arith.addi %mul3A_10, %add3A_51 : i32
    %run_scoped3A_53 = arith.constant 0 : i32
    "tpu.region"() ({
      %run_scoped3A_255 = tpu.sem_alloc : memref<!tpu.dma_semaphore, #tpu.memory_space<semaphore_mem>>
      %dma_start3A_256 = arith.constant 0 : i32
      %dma_start3A_257 = arith.constant 0 : i32
      %dma_start3A_258 = tpu.memref_slice %arg12[%run_scoped3A_53, %dma_start3A_256, %dma_start3A_257] : memref<2x32x128xf32, #tpu.memory_space<vmem>> -> memref<1x32x128xf32, #tpu.memory_space<vmem>>
      %dma_start3A_259 = tpu.memref_squeeze %dma_start3A_258 : memref<1x32x128xf32, #tpu.memory_space<vmem>> -> memref<32x128xf32, #tpu.memory_space<vmem>>
      %dma_start3A_260 = arith.constant 0 : i32
      %dma_start3A_261 = tpu.memref_slice %arg13[%add3A_52, %dma_start3A_260] : memref<10240x128xf32, #tpu.memory_space<vmem_shared>> -> memref<32x128xf32, #tpu.memory_space<vmem_shared>>
      %dma_start3A_262 = arith.constant 0 : i32
      %dma_start3A_263 = tpu.memref_slice %arg13[%add3A_52, %dma_start3A_262] : memref<10240x128xf32, #tpu.memory_space<vmem_shared>> -> memref<32x128xf32, #tpu.memory_space<vmem_shared>>
      %dma_start3A_264 = arith.constant 0 : i32
      %dma_start3A_265 = arith.constant 0 : i32
      %dma_start3A_266 = tpu.memref_slice %arg12[%run_scoped3A_53, %dma_start3A_264, %dma_start3A_265] : memref<2x32x128xf32, #tpu.memory_space<vmem>> -> memref<1x32x128xf32, #tpu.memory_space<vmem>>
      %dma_start3A_267 = tpu.memref_squeeze %dma_start3A_266 : memref<1x32x128xf32, #tpu.memory_space<vmem>> -> memref<32x128xf32, #tpu.memory_space<vmem>>
      tpu.enqueue_dma source(%dma_start3A_267 : memref<32x128xf32, #tpu.memory_space<vmem>>) target(%dma_start3A_263 : memref<32x128xf32, #tpu.memory_space<vmem_shared>>) target_semaphore(%run_scoped3A_255 : memref<!tpu.dma_semaphore, #tpu.memory_space<semaphore_mem>>)
      %dma_wait3A_268 = arith.constant 0 : i32
      %dma_wait3A_269 = arith.constant 0 : i32
      %dma_wait3A_270 = tpu.memref_slice %arg12[%run_scoped3A_53, %dma_wait3A_268, %dma_wait3A_269] : memref<2x32x128xf32, #tpu.memory_space<vmem>> -> memref<1x32x128xf32, #tpu.memory_space<vmem>>
      %dma_wait3A_271 = tpu.memref_squeeze %dma_wait3A_270 : memref<1x32x128xf32, #tpu.memory_space<vmem>> -> memref<32x128xf32, #tpu.memory_space<vmem>>
      %dma_wait3A_272 = arith.constant 0 : i32
      %dma_wait3A_273 = tpu.memref_slice %arg13[%add3A_52, %dma_wait3A_272] : memref<10240x128xf32, #tpu.memory_space<vmem_shared>> -> memref<32x128xf32, #tpu.memory_space<vmem_shared>>
      %dma_wait3A_274 = arith.constant 0 : i32
      %dma_wait3A_275 = tpu.memref_slice %arg13[%add3A_52, %dma_wait3A_274] : memref<10240x128xf32, #tpu.memory_space<vmem_shared>> -> memref<32x128xf32, #tpu.memory_space<vmem_shared>>
      %dma_wait3A_276 = arith.constant 0 : i32
      %dma_wait3A_277 = arith.constant 0 : i32
      %dma_wait3A_278 = tpu.memref_slice %arg12[%run_scoped3A_53, %dma_wait3A_276, %dma_wait3A_277] : memref<2x32x128xf32, #tpu.memory_space<vmem>> -> memref<1x32x128xf32, #tpu.memory_space<vmem>>
      %dma_wait3A_279 = tpu.memref_squeeze %dma_wait3A_278 : memref<1x32x128xf32, #tpu.memory_space<vmem>> -> memref<32x128xf32, #tpu.memory_space<vmem>>
      tpu.wait_dma2 semaphore(%run_scoped3A_255 : memref<!tpu.dma_semaphore, #tpu.memory_space<semaphore_mem>>) src(%dma_wait3A_279 : memref<32x128xf32, #tpu.memory_space<vmem>>) dst(%dma_wait3A_275 : memref<32x128xf32, #tpu.memory_space<vmem_shared>>)
      tpu.yield
    }) : () -> ()
    %add3A_54 = arith.constant 480 : i32
    %add3A_55 = arith.addi %mul3A_10, %add3A_54 : i32
    %run_scoped3A_56 = arith.constant 0 : i32
    "tpu.region"() ({
      %run_scoped3A_255 = tpu.sem_alloc : memref<!tpu.dma_semaphore, #tpu.memory_space<semaphore_mem>>
      %dma_start3A_256 = arith.constant 0 : i32
      %dma_start3A_257 = arith.constant 0 : i32
      %dma_start3A_258 = tpu.memref_slice %arg12[%run_scoped3A_56, %dma_start3A_256, %dma_start3A_257] : memref<2x32x128xf32, #tpu.memory_space<vmem>> -> memref<1x32x128xf32, #tpu.memory_space<vmem>>
      %dma_start3A_259 = tpu.memref_squeeze %dma_start3A_258 : memref<1x32x128xf32, #tpu.memory_space<vmem>> -> memref<32x128xf32, #tpu.memory_space<vmem>>
      %dma_start3A_260 = arith.constant 0 : i32
      %dma_start3A_261 = tpu.memref_slice %arg13[%add3A_55, %dma_start3A_260] : memref<10240x128xf32, #tpu.memory_space<vmem_shared>> -> memref<32x128xf32, #tpu.memory_space<vmem_shared>>
      %dma_start3A_262 = arith.constant 0 : i32
      %dma_start3A_263 = tpu.memref_slice %arg13[%add3A_55, %dma_start3A_262] : memref<10240x128xf32, #tpu.memory_space<vmem_shared>> -> memref<32x128xf32, #tpu.memory_space<vmem_shared>>
      %dma_start3A_264 = arith.constant 0 : i32
      %dma_start3A_265 = arith.constant 0 : i32
      %dma_start3A_266 = tpu.memref_slice %arg12[%run_scoped3A_56, %dma_start3A_264, %dma_start3A_265] : memref<2x32x128xf32, #tpu.memory_space<vmem>> -> memref<1x32x128xf32, #tpu.memory_space<vmem>>
      %dma_start3A_267 = tpu.memref_squeeze %dma_start3A_266 : memref<1x32x128xf32, #tpu.memory_space<vmem>> -> memref<32x128xf32, #tpu.memory_space<vmem>>
      tpu.enqueue_dma source(%dma_start3A_267 : memref<32x128xf32, #tpu.memory_space<vmem>>) target(%dma_start3A_263 : memref<32x128xf32, #tpu.memory_space<vmem_shared>>) target_semaphore(%run_scoped3A_255 : memref<!tpu.dma_semaphore, #tpu.memory_space<semaphore_mem>>)
      %dma_wait3A_268 = arith.constant 0 : i32
      %dma_wait3A_269 = arith.constant 0 : i32
      %dma_wait3A_270 = tpu.memref_slice %arg12[%run_scoped3A_56, %dma_wait3A_268, %dma_wait3A_269] : memref<2x32x128xf32, #tpu.memory_space<vmem>> -> memref<1x32x128xf32, #tpu.memory_space<vmem>>
      %dma_wait3A_271 = tpu.memref_squeeze %dma_wait3A_270 : memref<1x32x128xf32, #tpu.memory_space<vmem>> -> memref<32x128xf32, #tpu.memory_space<vmem>>
      %dma_wait3A_272 = arith.constant 0 : i32
      %dma_wait3A_273 = tpu.memref_slice %arg13[%add3A_55, %dma_wait3A_272] : memref<10240x128xf32, #tpu.memory_space<vmem_shared>> -> memref<32x128xf32, #tpu.memory_space<vmem_shared>>
      %dma_wait3A_274 = arith.constant 0 : i32
      %dma_wait3A_275 = tpu.memref_slice %arg13[%add3A_55, %dma_wait3A_274] : memref<10240x128xf32, #tpu.memory_space<vmem_shared>> -> memref<32x128xf32, #tpu.memory_space<vmem_shared>>
      %dma_wait3A_276 = arith.constant 0 : i32
      %dma_wait3A_277 = arith.constant 0 : i32
      %dma_wait3A_278 = tpu.memref_slice %arg12[%run_scoped3A_56, %dma_wait3A_276, %dma_wait3A_277] : memref<2x32x128xf32, #tpu.memory_space<vmem>> -> memref<1x32x128xf32, #tpu.memory_space<vmem>>
      %dma_wait3A_279 = tpu.memref_squeeze %dma_wait3A_278 : memref<1x32x128xf32, #tpu.memory_space<vmem>> -> memref<32x128xf32, #tpu.memory_space<vmem>>
      tpu.wait_dma2 semaphore(%run_scoped3A_255 : memref<!tpu.dma_semaphore, #tpu.memory_space<semaphore_mem>>) src(%dma_wait3A_279 : memref<32x128xf32, #tpu.memory_space<vmem>>) dst(%dma_wait3A_275 : memref<32x128xf32, #tpu.memory_space<vmem_shared>>)
      tpu.yield
    }) : () -> ()
    %add3A_57 = arith.constant 512 : i32
    %add3A_58 = arith.addi %mul3A_10, %add3A_57 : i32
    %run_scoped3A_59 = arith.constant 0 : i32
    "tpu.region"() ({
      %run_scoped3A_255 = tpu.sem_alloc : memref<!tpu.dma_semaphore, #tpu.memory_space<semaphore_mem>>
      %dma_start3A_256 = arith.constant 0 : i32
      %dma_start3A_257 = arith.constant 0 : i32
      %dma_start3A_258 = tpu.memref_slice %arg12[%run_scoped3A_59, %dma_start3A_256, %dma_start3A_257] : memref<2x32x128xf32, #tpu.memory_space<vmem>> -> memref<1x32x128xf32, #tpu.memory_space<vmem>>
      %dma_start3A_259 = tpu.memref_squeeze %dma_start3A_258 : memref<1x32x128xf32, #tpu.memory_space<vmem>> -> memref<32x128xf32, #tpu.memory_space<vmem>>
      %dma_start3A_260 = arith.constant 0 : i32
      %dma_start3A_261 = tpu.memref_slice %arg13[%add3A_58, %dma_start3A_260] : memref<10240x128xf32, #tpu.memory_space<vmem_shared>> -> memref<32x128xf32, #tpu.memory_space<vmem_shared>>
      %dma_start3A_262 = arith.constant 0 : i32
      %dma_start3A_263 = tpu.memref_slice %arg13[%add3A_58, %dma_start3A_262] : memref<10240x128xf32, #tpu.memory_space<vmem_shared>> -> memref<32x128xf32, #tpu.memory_space<vmem_shared>>
      %dma_start3A_264 = arith.constant 0 : i32
      %dma_start3A_265 = arith.constant 0 : i32
      %dma_start3A_266 = tpu.memref_slice %arg12[%run_scoped3A_59, %dma_start3A_264, %dma_start3A_265] : memref<2x32x128xf32, #tpu.memory_space<vmem>> -> memref<1x32x128xf32, #tpu.memory_space<vmem>>
      %dma_start3A_267 = tpu.memref_squeeze %dma_start3A_266 : memref<1x32x128xf32, #tpu.memory_space<vmem>> -> memref<32x128xf32, #tpu.memory_space<vmem>>
      tpu.enqueue_dma source(%dma_start3A_267 : memref<32x128xf32, #tpu.memory_space<vmem>>) target(%dma_start3A_263 : memref<32x128xf32, #tpu.memory_space<vmem_shared>>) target_semaphore(%run_scoped3A_255 : memref<!tpu.dma_semaphore, #tpu.memory_space<semaphore_mem>>)
      %dma_wait3A_268 = arith.constant 0 : i32
      %dma_wait3A_269 = arith.constant 0 : i32
      %dma_wait3A_270 = tpu.memref_slice %arg12[%run_scoped3A_59, %dma_wait3A_268, %dma_wait3A_269] : memref<2x32x128xf32, #tpu.memory_space<vmem>> -> memref<1x32x128xf32, #tpu.memory_space<vmem>>
      %dma_wait3A_271 = tpu.memref_squeeze %dma_wait3A_270 : memref<1x32x128xf32, #tpu.memory_space<vmem>> -> memref<32x128xf32, #tpu.memory_space<vmem>>
      %dma_wait3A_272 = arith.constant 0 : i32
      %dma_wait3A_273 = tpu.memref_slice %arg13[%add3A_58, %dma_wait3A_272] : memref<10240x128xf32, #tpu.memory_space<vmem_shared>> -> memref<32x128xf32, #tpu.memory_space<vmem_shared>>
      %dma_wait3A_274 = arith.constant 0 : i32
      %dma_wait3A_275 = tpu.memref_slice %arg13[%add3A_58, %dma_wait3A_274] : memref<10240x128xf32, #tpu.memory_space<vmem_shared>> -> memref<32x128xf32, #tpu.memory_space<vmem_shared>>
      %dma_wait3A_276 = arith.constant 0 : i32
      %dma_wait3A_277 = arith.constant 0 : i32
      %dma_wait3A_278 = tpu.memref_slice %arg12[%run_scoped3A_59, %dma_wait3A_276, %dma_wait3A_277] : memref<2x32x128xf32, #tpu.memory_space<vmem>> -> memref<1x32x128xf32, #tpu.memory_space<vmem>>
      %dma_wait3A_279 = tpu.memref_squeeze %dma_wait3A_278 : memref<1x32x128xf32, #tpu.memory_space<vmem>> -> memref<32x128xf32, #tpu.memory_space<vmem>>
      tpu.wait_dma2 semaphore(%run_scoped3A_255 : memref<!tpu.dma_semaphore, #tpu.memory_space<semaphore_mem>>) src(%dma_wait3A_279 : memref<32x128xf32, #tpu.memory_space<vmem>>) dst(%dma_wait3A_275 : memref<32x128xf32, #tpu.memory_space<vmem_shared>>)
      tpu.yield
    }) : () -> ()
    %add3A_60 = arith.constant 544 : i32
    %add3A_61 = arith.addi %mul3A_10, %add3A_60 : i32
    %run_scoped3A_62 = arith.constant 0 : i32
    "tpu.region"() ({
      %run_scoped3A_255 = tpu.sem_alloc : memref<!tpu.dma_semaphore, #tpu.memory_space<semaphore_mem>>
      %dma_start3A_256 = arith.constant 0 : i32
      %dma_start3A_257 = arith.constant 0 : i32
      %dma_start3A_258 = tpu.memref_slice %arg12[%run_scoped3A_62, %dma_start3A_256, %dma_start3A_257] : memref<2x32x128xf32, #tpu.memory_space<vmem>> -> memref<1x32x128xf32, #tpu.memory_space<vmem>>
      %dma_start3A_259 = tpu.memref_squeeze %dma_start3A_258 : memref<1x32x128xf32, #tpu.memory_space<vmem>> -> memref<32x128xf32, #tpu.memory_space<vmem>>
      %dma_start3A_260 = arith.constant 0 : i32
      %dma_start3A_261 = tpu.memref_slice %arg13[%add3A_61, %dma_start3A_260] : memref<10240x128xf32, #tpu.memory_space<vmem_shared>> -> memref<32x128xf32, #tpu.memory_space<vmem_shared>>
      %dma_start3A_262 = arith.constant 0 : i32
      %dma_start3A_263 = tpu.memref_slice %arg13[%add3A_61, %dma_start3A_262] : memref<10240x128xf32, #tpu.memory_space<vmem_shared>> -> memref<32x128xf32, #tpu.memory_space<vmem_shared>>
      %dma_start3A_264 = arith.constant 0 : i32
      %dma_start3A_265 = arith.constant 0 : i32
      %dma_start3A_266 = tpu.memref_slice %arg12[%run_scoped3A_62, %dma_start3A_264, %dma_start3A_265] : memref<2x32x128xf32, #tpu.memory_space<vmem>> -> memref<1x32x128xf32, #tpu.memory_space<vmem>>
      %dma_start3A_267 = tpu.memref_squeeze %dma_start3A_266 : memref<1x32x128xf32, #tpu.memory_space<vmem>> -> memref<32x128xf32, #tpu.memory_space<vmem>>
      tpu.enqueue_dma source(%dma_start3A_267 : memref<32x128xf32, #tpu.memory_space<vmem>>) target(%dma_start3A_263 : memref<32x128xf32, #tpu.memory_space<vmem_shared>>) target_semaphore(%run_scoped3A_255 : memref<!tpu.dma_semaphore, #tpu.memory_space<semaphore_mem>>)
      %dma_wait3A_268 = arith.constant 0 : i32
      %dma_wait3A_269 = arith.constant 0 : i32
      %dma_wait3A_270 = tpu.memref_slice %arg12[%run_scoped3A_62, %dma_wait3A_268, %dma_wait3A_269] : memref<2x32x128xf32, #tpu.memory_space<vmem>> -> memref<1x32x128xf32, #tpu.memory_space<vmem>>
      %dma_wait3A_271 = tpu.memref_squeeze %dma_wait3A_270 : memref<1x32x128xf32, #tpu.memory_space<vmem>> -> memref<32x128xf32, #tpu.memory_space<vmem>>
      %dma_wait3A_272 = arith.constant 0 : i32
      %dma_wait3A_273 = tpu.memref_slice %arg13[%add3A_61, %dma_wait3A_272] : memref<10240x128xf32, #tpu.memory_space<vmem_shared>> -> memref<32x128xf32, #tpu.memory_space<vmem_shared>>
      %dma_wait3A_274 = arith.constant 0 : i32
      %dma_wait3A_275 = tpu.memref_slice %arg13[%add3A_61, %dma_wait3A_274] : memref<10240x128xf32, #tpu.memory_space<vmem_shared>> -> memref<32x128xf32, #tpu.memory_space<vmem_shared>>
      %dma_wait3A_276 = arith.constant 0 : i32
      %dma_wait3A_277 = arith.constant 0 : i32
      %dma_wait3A_278 = tpu.memref_slice %arg12[%run_scoped3A_62, %dma_wait3A_276, %dma_wait3A_277] : memref<2x32x128xf32, #tpu.memory_space<vmem>> -> memref<1x32x128xf32, #tpu.memory_space<vmem>>
      %dma_wait3A_279 = tpu.memref_squeeze %dma_wait3A_278 : memref<1x32x128xf32, #tpu.memory_space<vmem>> -> memref<32x128xf32, #tpu.memory_space<vmem>>
      tpu.wait_dma2 semaphore(%run_scoped3A_255 : memref<!tpu.dma_semaphore, #tpu.memory_space<semaphore_mem>>) src(%dma_wait3A_279 : memref<32x128xf32, #tpu.memory_space<vmem>>) dst(%dma_wait3A_275 : memref<32x128xf32, #tpu.memory_space<vmem_shared>>)
      tpu.yield
    }) : () -> ()
    %add3A_63 = arith.constant 576 : i32
    %add3A_64 = arith.addi %mul3A_10, %add3A_63 : i32
    %run_scoped3A_65 = arith.constant 0 : i32
    "tpu.region"() ({
      %run_scoped3A_255 = tpu.sem_alloc : memref<!tpu.dma_semaphore, #tpu.memory_space<semaphore_mem>>
      %dma_start3A_256 = arith.constant 0 : i32
      %dma_start3A_257 = arith.constant 0 : i32
      %dma_start3A_258 = tpu.memref_slice %arg12[%run_scoped3A_65, %dma_start3A_256, %dma_start3A_257] : memref<2x32x128xf32, #tpu.memory_space<vmem>> -> memref<1x32x128xf32, #tpu.memory_space<vmem>>
      %dma_start3A_259 = tpu.memref_squeeze %dma_start3A_258 : memref<1x32x128xf32, #tpu.memory_space<vmem>> -> memref<32x128xf32, #tpu.memory_space<vmem>>
      %dma_start3A_260 = arith.constant 0 : i32
      %dma_start3A_261 = tpu.memref_slice %arg13[%add3A_64, %dma_start3A_260] : memref<10240x128xf32, #tpu.memory_space<vmem_shared>> -> memref<32x128xf32, #tpu.memory_space<vmem_shared>>
      %dma_start3A_262 = arith.constant 0 : i32
      %dma_start3A_263 = tpu.memref_slice %arg13[%add3A_64, %dma_start3A_262] : memref<10240x128xf32, #tpu.memory_space<vmem_shared>> -> memref<32x128xf32, #tpu.memory_space<vmem_shared>>
      %dma_start3A_264 = arith.constant 0 : i32
      %dma_start3A_265 = arith.constant 0 : i32
      %dma_start3A_266 = tpu.memref_slice %arg12[%run_scoped3A_65, %dma_start3A_264, %dma_start3A_265] : memref<2x32x128xf32, #tpu.memory_space<vmem>> -> memref<1x32x128xf32, #tpu.memory_space<vmem>>
      %dma_start3A_267 = tpu.memref_squeeze %dma_start3A_266 : memref<1x32x128xf32, #tpu.memory_space<vmem>> -> memref<32x128xf32, #tpu.memory_space<vmem>>
      tpu.enqueue_dma source(%dma_start3A_267 : memref<32x128xf32, #tpu.memory_space<vmem>>) target(%dma_start3A_263 : memref<32x128xf32, #tpu.memory_space<vmem_shared>>) target_semaphore(%run_scoped3A_255 : memref<!tpu.dma_semaphore, #tpu.memory_space<semaphore_mem>>)
      %dma_wait3A_268 = arith.constant 0 : i32
      %dma_wait3A_269 = arith.constant 0 : i32
      %dma_wait3A_270 = tpu.memref_slice %arg12[%run_scoped3A_65, %dma_wait3A_268, %dma_wait3A_269] : memref<2x32x128xf32, #tpu.memory_space<vmem>> -> memref<1x32x128xf32, #tpu.memory_space<vmem>>
      %dma_wait3A_271 = tpu.memref_squeeze %dma_wait3A_270 : memref<1x32x128xf32, #tpu.memory_space<vmem>> -> memref<32x128xf32, #tpu.memory_space<vmem>>
      %dma_wait3A_272 = arith.constant 0 : i32
      %dma_wait3A_273 = tpu.memref_slice %arg13[%add3A_64, %dma_wait3A_272] : memref<10240x128xf32, #tpu.memory_space<vmem_shared>> -> memref<32x128xf32, #tpu.memory_space<vmem_shared>>
      %dma_wait3A_274 = arith.constant 0 : i32
      %dma_wait3A_275 = tpu.memref_slice %arg13[%add3A_64, %dma_wait3A_274] : memref<10240x128xf32, #tpu.memory_space<vmem_shared>> -> memref<32x128xf32, #tpu.memory_space<vmem_shared>>
      %dma_wait3A_276 = arith.constant 0 : i32
      %dma_wait3A_277 = arith.constant 0 : i32
      %dma_wait3A_278 = tpu.memref_slice %arg12[%run_scoped3A_65, %dma_wait3A_276, %dma_wait3A_277] : memref<2x32x128xf32, #tpu.memory_space<vmem>> -> memref<1x32x128xf32, #tpu.memory_space<vmem>>
      %dma_wait3A_279 = tpu.memref_squeeze %dma_wait3A_278 : memref<1x32x128xf32, #tpu.memory_space<vmem>> -> memref<32x128xf32, #tpu.memory_space<vmem>>
      tpu.wait_dma2 semaphore(%run_scoped3A_255 : memref<!tpu.dma_semaphore, #tpu.memory_space<semaphore_mem>>) src(%dma_wait3A_279 : memref<32x128xf32, #tpu.memory_space<vmem>>) dst(%dma_wait3A_275 : memref<32x128xf32, #tpu.memory_space<vmem_shared>>)
      tpu.yield
    }) : () -> ()
    %add3A_66 = arith.constant 608 : i32
    %add3A_67 = arith.addi %mul3A_10, %add3A_66 : i32
    %run_scoped3A_68 = arith.constant 0 : i32
    "tpu.region"() ({
      %run_scoped3A_255 = tpu.sem_alloc : memref<!tpu.dma_semaphore, #tpu.memory_space<semaphore_mem>>
      %dma_start3A_256 = arith.constant 0 : i32
      %dma_start3A_257 = arith.constant 0 : i32
      %dma_start3A_258 = tpu.memref_slice %arg12[%run_scoped3A_68, %dma_start3A_256, %dma_start3A_257] : memref<2x32x128xf32, #tpu.memory_space<vmem>> -> memref<1x32x128xf32, #tpu.memory_space<vmem>>
      %dma_start3A_259 = tpu.memref_squeeze %dma_start3A_258 : memref<1x32x128xf32, #tpu.memory_space<vmem>> -> memref<32x128xf32, #tpu.memory_space<vmem>>
      %dma_start3A_260 = arith.constant 0 : i32
      %dma_start3A_261 = tpu.memref_slice %arg13[%add3A_67, %dma_start3A_260] : memref<10240x128xf32, #tpu.memory_space<vmem_shared>> -> memref<32x128xf32, #tpu.memory_space<vmem_shared>>
      %dma_start3A_262 = arith.constant 0 : i32
      %dma_start3A_263 = tpu.memref_slice %arg13[%add3A_67, %dma_start3A_262] : memref<10240x128xf32, #tpu.memory_space<vmem_shared>> -> memref<32x128xf32, #tpu.memory_space<vmem_shared>>
      %dma_start3A_264 = arith.constant 0 : i32
      %dma_start3A_265 = arith.constant 0 : i32
      %dma_start3A_266 = tpu.memref_slice %arg12[%run_scoped3A_68, %dma_start3A_264, %dma_start3A_265] : memref<2x32x128xf32, #tpu.memory_space<vmem>> -> memref<1x32x128xf32, #tpu.memory_space<vmem>>
      %dma_start3A_267 = tpu.memref_squeeze %dma_start3A_266 : memref<1x32x128xf32, #tpu.memory_space<vmem>> -> memref<32x128xf32, #tpu.memory_space<vmem>>
      tpu.enqueue_dma source(%dma_start3A_267 : memref<32x128xf32, #tpu.memory_space<vmem>>) target(%dma_start3A_263 : memref<32x128xf32, #tpu.memory_space<vmem_shared>>) target_semaphore(%run_scoped3A_255 : memref<!tpu.dma_semaphore, #tpu.memory_space<semaphore_mem>>)
      %dma_wait3A_268 = arith.constant 0 : i32
      %dma_wait3A_269 = arith.constant 0 : i32
      %dma_wait3A_270 = tpu.memref_slice %arg12[%run_scoped3A_68, %dma_wait3A_268, %dma_wait3A_269] : memref<2x32x128xf32, #tpu.memory_space<vmem>> -> memref<1x32x128xf32, #tpu.memory_space<vmem>>
      %dma_wait3A_271 = tpu.memref_squeeze %dma_wait3A_270 : memref<1x32x128xf32, #tpu.memory_space<vmem>> -> memref<32x128xf32, #tpu.memory_space<vmem>>
      %dma_wait3A_272 = arith.constant 0 : i32
      %dma_wait3A_273 = tpu.memref_slice %arg13[%add3A_67, %dma_wait3A_272] : memref<10240x128xf32, #tpu.memory_space<vmem_shared>> -> memref<32x128xf32, #tpu.memory_space<vmem_shared>>
      %dma_wait3A_274 = arith.constant 0 : i32
      %dma_wait3A_275 = tpu.memref_slice %arg13[%add3A_67, %dma_wait3A_274] : memref<10240x128xf32, #tpu.memory_space<vmem_shared>> -> memref<32x128xf32, #tpu.memory_space<vmem_shared>>
      %dma_wait3A_276 = arith.constant 0 : i32
      %dma_wait3A_277 = arith.constant 0 : i32
      %dma_wait3A_278 = tpu.memref_slice %arg12[%run_scoped3A_68, %dma_wait3A_276, %dma_wait3A_277] : memref<2x32x128xf32, #tpu.memory_space<vmem>> -> memref<1x32x128xf32, #tpu.memory_space<vmem>>
      %dma_wait3A_279 = tpu.memref_squeeze %dma_wait3A_278 : memref<1x32x128xf32, #tpu.memory_space<vmem>> -> memref<32x128xf32, #tpu.memory_space<vmem>>
      tpu.wait_dma2 semaphore(%run_scoped3A_255 : memref<!tpu.dma_semaphore, #tpu.memory_space<semaphore_mem>>) src(%dma_wait3A_279 : memref<32x128xf32, #tpu.memory_space<vmem>>) dst(%dma_wait3A_275 : memref<32x128xf32, #tpu.memory_space<vmem_shared>>)
      tpu.yield
    }) : () -> ()
    "tpu.region"() ({
      %run_scoped3A_255 = tpu.sem_alloc : memref<!tpu.dma_semaphore, #tpu.memory_space<semaphore_mem>>
      %dma_start3A_256 = tpu.memref_slice %arg3[%mul3A_2] : memref<160000xi32, #tpu.memory_space<hbm>> -> memref<10000xi32, #tpu.memory_space<hbm>>
      %dma_start3A_257 = tpu.memref_slice %arg3[%mul3A_2] : memref<160000xi32, #tpu.memory_space<hbm>> -> memref<10000xi32, #tpu.memory_space<hbm>>
      tpu.enqueue_dma source(%dma_start3A_257 : memref<10000xi32, #tpu.memory_space<hbm>>) target(%arg7 : memref<10000xi32, #tpu.memory_space<vmem>>) target_semaphore(%run_scoped3A_255 : memref<!tpu.dma_semaphore, #tpu.memory_space<semaphore_mem>>)
      %dma_wait3A_258 = tpu.memref_slice %arg3[%mul3A_2] : memref<160000xi32, #tpu.memory_space<hbm>> -> memref<10000xi32, #tpu.memory_space<hbm>>
      %dma_wait3A_259 = tpu.memref_slice %arg3[%mul3A_2] : memref<160000xi32, #tpu.memory_space<hbm>> -> memref<10000xi32, #tpu.memory_space<hbm>>
      tpu.wait_dma2 semaphore(%run_scoped3A_255 : memref<!tpu.dma_semaphore, #tpu.memory_space<semaphore_mem>>) src(%dma_wait3A_259 : memref<10000xi32, #tpu.memory_space<hbm>>) dst(%arg7 : memref<10000xi32, #tpu.memory_space<vmem>>)
      tpu.yield
    }) : () -> ()
    "tpu.region"() ({
      %run_scoped3A_255 = tpu.sem_alloc : memref<!tpu.dma_semaphore, #tpu.memory_space<semaphore_mem>>
      %dma_start3A_256 = tpu.memref_slice %arg4[%mul3A_2] : memref<160000xi32, #tpu.memory_space<hbm>> -> memref<10000xi32, #tpu.memory_space<hbm>>
      %dma_start3A_257 = tpu.memref_slice %arg4[%mul3A_2] : memref<160000xi32, #tpu.memory_space<hbm>> -> memref<10000xi32, #tpu.memory_space<hbm>>
      tpu.enqueue_dma source(%dma_start3A_257 : memref<10000xi32, #tpu.memory_space<hbm>>) target(%arg8 : memref<10000xi32, #tpu.memory_space<vmem>>) target_semaphore(%run_scoped3A_255 : memref<!tpu.dma_semaphore, #tpu.memory_space<semaphore_mem>>)
      %dma_wait3A_258 = tpu.memref_slice %arg4[%mul3A_2] : memref<160000xi32, #tpu.memory_space<hbm>> -> memref<10000xi32, #tpu.memory_space<hbm>>
      %dma_wait3A_259 = tpu.memref_slice %arg4[%mul3A_2] : memref<160000xi32, #tpu.memory_space<hbm>> -> memref<10000xi32, #tpu.memory_space<hbm>>
      tpu.wait_dma2 semaphore(%run_scoped3A_255 : memref<!tpu.dma_semaphore, #tpu.memory_space<semaphore_mem>>) src(%dma_wait3A_259 : memref<10000xi32, #tpu.memory_space<hbm>>) dst(%arg8 : memref<10000xi32, #tpu.memory_space<vmem>>)
      tpu.yield
    }) : () -> ()
    "tpu.region"() ({
      %run_scoped3A_255 = tpu.sem_alloc : memref<!tpu.dma_semaphore, #tpu.memory_space<semaphore_mem>>
      %dma_start3A_256 = tpu.memref_slice %arg5[%mul3A_2] : memref<160000xf32, #tpu.memory_space<hbm>> -> memref<10000xf32, #tpu.memory_space<hbm>>
      %dma_start3A_257 = tpu.memref_slice %arg5[%mul3A_2] : memref<160000xf32, #tpu.memory_space<hbm>> -> memref<10000xf32, #tpu.memory_space<hbm>>
      tpu.enqueue_dma source(%dma_start3A_257 : memref<10000xf32, #tpu.memory_space<hbm>>) target(%arg9 : memref<10000xf32, #tpu.memory_space<vmem>>) target_semaphore(%run_scoped3A_255 : memref<!tpu.dma_semaphore, #tpu.memory_space<semaphore_mem>>)
      %dma_wait3A_258 = tpu.memref_slice %arg5[%mul3A_2] : memref<160000xf32, #tpu.memory_space<hbm>> -> memref<10000xf32, #tpu.memory_space<hbm>>
      %dma_wait3A_259 = tpu.memref_slice %arg5[%mul3A_2] : memref<160000xf32, #tpu.memory_space<hbm>> -> memref<10000xf32, #tpu.memory_space<hbm>>
      tpu.wait_dma2 semaphore(%run_scoped3A_255 : memref<!tpu.dma_semaphore, #tpu.memory_space<semaphore_mem>>) src(%dma_wait3A_259 : memref<10000xf32, #tpu.memory_space<hbm>>) dst(%arg9 : memref<10000xf32, #tpu.memory_space<vmem>>)
      tpu.yield
    }) : () -> ()
    %barrier3A = arith.constant 0 : index
    tpu.barrier barrier_id(%barrier3A)
    %dma_start3A = arith.constant 0 : i32
    %dma_start3A_69 = arith.constant 0 : i32
    %dma_start3A_70 = arith.constant 0 : i32
    %dma_start3A_71 = tpu.memref_slice %arg11[%dma_start3A, %dma_start3A_69, %dma_start3A_70] : memref<2x16x256xf32, #tpu.memory_space<vmem>> -> memref<1x16x256xf32, #tpu.memory_space<vmem>>
    %dma_start3A_72 = tpu.memref_squeeze %dma_start3A_71 : memref<1x16x256xf32, #tpu.memory_space<vmem>> -> memref<16x256xf32, #tpu.memory_space<vmem>>
    %dma_start3A_73 = arith.constant 0 : i32
    %dma_start3A_74 = tpu.memref_slice %arg7[%dma_start3A_73] : memref<10000xi32, #tpu.memory_space<vmem>> -> memref<16xi32, #tpu.memory_space<vmem>>
    %dma_start3A_75 = arith.constant 0 : i32
    %dma_start3A_76 = arith.constant 0 : i32
    %dma_start3A_77 = tpu.memref_slice %arg2[%dma_start3A_75, %dma_start3A_76] : memref<10000x256xf32, #tpu.memory_space<hbm>> -> memref<10000x256xf32, #tpu.memory_space<hbm>>
    tpu.enqueue_indirect_dma source(%dma_start3A_77 : memref<10000x256xf32, #tpu.memory_space<hbm>>) target(%dma_start3A_72 : memref<16x256xf32, #tpu.memory_space<vmem>>) offsets(%dma_start3A_74 : memref<16xi32, #tpu.memory_space<vmem>>) semaphore(%arg14 : memref<!tpu.dma_semaphore, #tpu.memory_space<semaphore_mem>>)
    %dma_wait3A = arith.constant 0 : i32
    %dma_wait3A_78 = arith.constant 0 : i32
    %dma_wait3A_79 = arith.constant 0 : i32
    %dma_wait3A_80 = tpu.memref_slice %arg11[%dma_wait3A, %dma_wait3A_78, %dma_wait3A_79] : memref<2x16x256xf32, #tpu.memory_space<vmem>> -> memref<1x16x256xf32, #tpu.memory_space<vmem>>
    %dma_wait3A_81 = tpu.memref_squeeze %dma_wait3A_80 : memref<1x16x256xf32, #tpu.memory_space<vmem>> -> memref<16x256xf32, #tpu.memory_space<vmem>>
    %dma_wait3A_82 = arith.constant 0 : i32
    %dma_wait3A_83 = tpu.memref_slice %arg7[%dma_wait3A_82] : memref<10000xi32, #tpu.memory_space<vmem>> -> memref<16xi32, #tpu.memory_space<vmem>>
    %dma_wait3A_84 = arith.constant 0 : i32
    %dma_wait3A_85 = arith.constant 0 : i32
    %dma_wait3A_86 = tpu.memref_slice %arg2[%dma_wait3A_84, %dma_wait3A_85] : memref<10000x256xf32, #tpu.memory_space<hbm>> -> memref<10000x256xf32, #tpu.memory_space<hbm>>
    tpu.wait_indirect_dma semaphore(%arg14 : memref<!tpu.dma_semaphore, #tpu.memory_space<semaphore_mem>>) src(%dma_wait3A_86 : memref<10000x256xf32, #tpu.memory_space<hbm>>) dst(%dma_wait3A_81 : memref<16x256xf32, #tpu.memory_space<vmem>>)
    %scan3A_87 = arith.constant 0 : i32
    %scan3A_88 = arith.constant 0 : i32
    %scan3A_89 = arith.constant 312 : i32
    %scan3A_90 = arith.addi %scan3A_88, %scan3A_89 : i32
    %scan3A_91 = arith.constant 1 : i32
    scf.for %scan3A_255 = %scan3A_88 to %scan3A_90 step %scan3A_91  : i32 {
      %mul3A_256 = arith.constant 2 : i32
      %mul3A_257 = arith.muli %mul3A_256, %scan3A_255 : i32
      %add3A_258 = arith.constant 1 : i32
      %add3A_259 = arith.addi %mul3A_257, %add3A_258 : i32
      %mul3A_260 = arith.constant 16 : i32
      %mul3A_261 = arith.muli %add3A_259, %mul3A_260 : i32
      %dma_start3A_262 = arith.constant 1 : i32
      %dma_start3A_263 = arith.constant 0 : i32
      %dma_start3A_264 = arith.constant 0 : i32
      %dma_start3A_265 = tpu.memref_slice %arg11[%dma_start3A_262, %dma_start3A_263, %dma_start3A_264] : memref<2x16x256xf32, #tpu.memory_space<vmem>> -> memref<1x16x256xf32, #tpu.memory_space<vmem>>
      %dma_start3A_266 = tpu.memref_squeeze %dma_start3A_265 : memref<1x16x256xf32, #tpu.memory_space<vmem>> -> memref<16x256xf32, #tpu.memory_space<vmem>>
      %dma_start3A_267 = tpu.memref_slice %arg7[%mul3A_261] : memref<10000xi32, #tpu.memory_space<vmem>> -> memref<16xi32, #tpu.memory_space<vmem>>
      %dma_start3A_268 = arith.constant 0 : i32
      %dma_start3A_269 = arith.constant 0 : i32
      %dma_start3A_270 = tpu.memref_slice %arg2[%dma_start3A_268, %dma_start3A_269] : memref<10000x256xf32, #tpu.memory_space<hbm>> -> memref<10000x256xf32, #tpu.memory_space<hbm>>
      tpu.enqueue_indirect_dma source(%dma_start3A_270 : memref<10000x256xf32, #tpu.memory_space<hbm>>) target(%dma_start3A_266 : memref<16x256xf32, #tpu.memory_space<vmem>>) offsets(%dma_start3A_267 : memref<16xi32, #tpu.memory_space<vmem>>) semaphore(%arg15 : memref<!tpu.dma_semaphore, #tpu.memory_space<semaphore_mem>>)
      %gt3A = arith.constant 0 : i32
      %gt3A_271 = arith.cmpi sgt, %scan3A_255, %gt3A : i32
      %convert_element_type3A = arith.extui %gt3A_271 : i1 to i32
      %cond3A = arith.constant 0 : i32
      %cond3A_272 = arith.cmpi ne, %convert_element_type3A, %cond3A : i32
      scf.if %cond3A_272 {
        %dma_wait3A_442 = arith.constant 0 : i32
        %dma_wait3A_443 = arith.constant 0 : i32
        %dma_wait3A_444 = arith.constant 0 : i32
        %dma_wait3A_445 = arith.constant 0 : i32
        %dma_wait3A_446 = tpu.memref_slice %arg12[%dma_wait3A_442, %dma_wait3A_444, %dma_wait3A_445] : memref<2x32x128xf32, #tpu.memory_space<vmem>> -> memref<1x16x128xf32, #tpu.memory_space<vmem>>
        %dma_wait3A_447 = tpu.memref_squeeze %dma_wait3A_446 : memref<1x16x128xf32, #tpu.memory_space<vmem>> -> memref<16x128xf32, #tpu.memory_space<vmem>>
        %dma_wait3A_448 = arith.constant 0 : i32
        %dma_wait3A_449 = tpu.memref_slice %arg10[%dma_wait3A_443, %dma_wait3A_448] : memref<4x16xi32, #tpu.memory_space<vmem>> -> memref<1x16xi32, #tpu.memory_space<vmem>>
        %dma_wait3A_450 = tpu.memref_squeeze %dma_wait3A_449 : memref<1x16xi32, #tpu.memory_space<vmem>> -> memref<16xi32, #tpu.memory_space<vmem>>
        %dma_wait3A_451 = arith.constant 0 : i32
        %dma_wait3A_452 = arith.constant 0 : i32
        %dma_wait3A_453 = tpu.memref_slice %arg13[%dma_wait3A_451, %dma_wait3A_452] : memref<10240x128xf32, #tpu.memory_space<vmem_shared>> -> memref<10240x128xf32, #tpu.memory_space<vmem_shared>>
        tpu.wait_indirect_dma semaphore(%arg16 : memref<!tpu.dma_semaphore, #tpu.memory_space<semaphore_mem>>) src(%dma_wait3A_447 : memref<16x128xf32, #tpu.memory_space<vmem>>) dst(%dma_wait3A_453 : memref<10240x128xf32, #tpu.memory_space<vmem_shared>>)
        %dma_wait3A_454 = arith.constant 0 : i32
        %dma_wait3A_455 = arith.constant 0 : i32
        %dma_wait3A_456 = arith.constant 0 : i32
        %dma_wait3A_457 = arith.constant 0 : i32
        %dma_wait3A_458 = tpu.memref_slice %arg12[%dma_wait3A_454, %dma_wait3A_456, %dma_wait3A_457] : memref<2x32x128xf32, #tpu.memory_space<vmem>> -> memref<1x16x128xf32, #tpu.memory_space<vmem>>
        %dma_wait3A_459 = tpu.memref_squeeze %dma_wait3A_458 : memref<1x16x128xf32, #tpu.memory_space<vmem>> -> memref<16x128xf32, #tpu.memory_space<vmem>>
        %dma_wait3A_460 = arith.constant 0 : i32
        %dma_wait3A_461 = tpu.memref_slice %arg10[%dma_wait3A_455, %dma_wait3A_460] : memref<4x16xi32, #tpu.memory_space<vmem>> -> memref<1x16xi32, #tpu.memory_space<vmem>>
        %dma_wait3A_462 = tpu.memref_squeeze %dma_wait3A_461 : memref<1x16xi32, #tpu.memory_space<vmem>> -> memref<16xi32, #tpu.memory_space<vmem>>
        %dma_wait3A_463 = arith.constant 0 : i32
        %dma_wait3A_464 = arith.constant 0 : i32
        %dma_wait3A_465 = tpu.memref_slice %arg13[%dma_wait3A_463, %dma_wait3A_464] : memref<10240x128xf32, #tpu.memory_space<vmem_shared>> -> memref<10240x128xf32, #tpu.memory_space<vmem_shared>>
        tpu.wait_indirect_dma semaphore(%arg16 : memref<!tpu.dma_semaphore, #tpu.memory_space<semaphore_mem>>) src(%dma_wait3A_459 : memref<16x128xf32, #tpu.memory_space<vmem>>) dst(%dma_wait3A_465 : memref<10240x128xf32, #tpu.memory_space<vmem_shared>>)
      } else {
      }
      %scan3A_273 = arith.constant 0 : i32
      %scan3A_274 = arith.constant 0 : i32
      %mul3A_275 = arith.constant 16 : i32
      %mul3A_276 = arith.muli %mul3A_257, %mul3A_275 : i32
      %mul3A_277 = arith.constant 16 : i32
      %mul3A_278 = arith.muli %scan3A_274, %mul3A_277 : i32
      %add3A_279 = arith.addi %mul3A_276, %mul3A_278 : i32
      %get3A_280 = arith.index_cast %add3A_279 : i32 to index
      %get3A_281 = tpu.vector_load %arg8[%get3A_280] {strides = array<i32>} : memref<10000xi32, #tpu.memory_space<vmem>>, vector<16xi32>,
      %sub3A_282 = vector.broadcast %mul3A_0 : i32 to vector<16xi32>
      %sub3A_283 = arith.subi %get3A_281, %sub3A_282 : vector<16xi32>
      %ge3A_284 = arith.constant 0 : i32
      %ge3A_285 = vector.broadcast %ge3A_284 : i32 to vector<16xi32>
      %ge3A_286 = arith.cmpi sge, %sub3A_283, %ge3A_285 : vector<16xi32>
      %lt3A_287 = arith.constant 5000 : i32
      %lt3A_288 = vector.broadcast %lt3A_287 : i32 to vector<16xi32>
      %lt3A_289 = arith.cmpi slt, %sub3A_283, %lt3A_288 : vector<16xi32>
      %and3A_290 = arith.andi %ge3A_286, %lt3A_289 : vector<16xi1>
      %and3A_291 = arith.constant 63 : i32
      %and3A_292 = vector.broadcast %and3A_291 : i32 to vector<16xi32>
      %and3A_293 = arith.andi %get3A_281, %and3A_292 : vector<16xi32>
      %add3A_294 = arith.constant 5000 : i32
      %add3A_295 = vector.broadcast %add3A_294 : i32 to vector<16xi32>
      %add3A_296 = arith.addi %add3A_295, %and3A_293 : vector<16xi32>
      %select_n3A_297 = arith.select %and3A_290, %sub3A_283, %add3A_296 : vector<16xi1>, vector<16xi32>
      %mul3A_298 = arith.constant 16 : i32
      %mul3A_299 = arith.muli %scan3A_274, %mul3A_298 : i32
      %swap3A_300 = arith.constant 0 : i32
      %swap3A_301 = arith.index_cast %swap3A_300 : i32 to index
      %swap3A_302 = arith.index_cast %mul3A_299 : i32 to index
      %swap3A_303 = tpu.vector_load %arg10[%swap3A_301, %swap3A_302] {strides = array<i32>} : memref<4x16xi32, #tpu.memory_space<vmem>>, vector<16xi32>,
      tpu.vector_store %arg10[%swap3A_301, %swap3A_302], %select_n3A_297 {strides = array<i32>} : memref<4x16xi32, #tpu.memory_space<vmem>>, vector<16xi32>,
      %add3A_304 = arith.constant 5120 : i32
      %add3A_305 = vector.broadcast %add3A_304 : i32 to vector<16xi32>
      %add3A_306 = arith.addi %select_n3A_297, %add3A_305 : vector<16xi32>
      %mul3A_307 = arith.constant 16 : i32
      %mul3A_308 = arith.muli %scan3A_274, %mul3A_307 : i32
      %swap3A_309 = arith.constant 1 : i32
      %swap3A_310 = arith.index_cast %swap3A_309 : i32 to index
      %swap3A_311 = arith.index_cast %mul3A_308 : i32 to index
      %swap3A_312 = tpu.vector_load %arg10[%swap3A_310, %swap3A_311] {strides = array<i32>} : memref<4x16xi32, #tpu.memory_space<vmem>>, vector<16xi32>,
      tpu.vector_store %arg10[%swap3A_310, %swap3A_311], %add3A_306 {strides = array<i32>} : memref<4x16xi32, #tpu.memory_space<vmem>>, vector<16xi32>,
      %scan3A_313 = arith.constant 1 : i32
      %scan3A_314 = arith.constant 0 : i32
      %scan3A_315 = arith.constant 0 : i32
      %scan3A_316 = arith.constant 16 : i32
      %scan3A_317 = arith.addi %scan3A_315, %scan3A_316 : i32
      %scan3A_318 = arith.constant 1 : i32
      scf.for %scan3A_442 = %scan3A_315 to %scan3A_317 step %scan3A_318  : i32 {
        %mul3A_443 = arith.constant 16 : i32
        %mul3A_444 = arith.muli %mul3A_257, %mul3A_443 : i32
        %broadcast_in_dim3A_445 = vector.broadcast %mul3A_444 : i32 to vector<16xi32>
        %add3A_446 = vector.broadcast %scan3A_442 : i32 to vector<16xi32>
        %add3A_447 = arith.addi %broadcast_in_dim3A_445, %add3A_446 : vector<16xi32>
        %gather3A = tpu.vector_load_idx %arg9[%add3A_447] : memref<10000xf32, #tpu.memory_space<vmem>>[vector<16xi32>], vector<16xf32>,
        %get3A_448 = arith.constant 0 : i32
        %get3A_449 = arith.index_cast %get3A_448 : i32 to index
        %get3A_450 = arith.index_cast %scan3A_442 : i32 to index
        %get3A_451 = arith.constant 0 : index
        %get3A_452 = tpu.vector_load %arg11[%get3A_449, %get3A_450, %get3A_451] {strides = array<i32>} : memref<2x16x256xf32, #tpu.memory_space<vmem>>, vector<16xf32>,
        %mul3A_453 = arith.mulf %get3A_452, %gather3A : vector<16xf32>
        %swap3A_454 = arith.constant 0 : i32
        %swap3A_455 = arith.index_cast %swap3A_454 : i32 to index
        %swap3A_456 = arith.index_cast %scan3A_442 : i32 to index
        %swap3A_457 = arith.constant 0 : index
        %swap3A_458 = tpu.vector_load %arg12[%swap3A_455, %swap3A_456, %swap3A_457] {strides = array<i32>} : memref<2x32x128xf32, #tpu.memory_space<vmem>>, vector<16xf32>,
        tpu.vector_store %arg12[%swap3A_455, %swap3A_456, %swap3A_457], %mul3A_453 {strides = array<i32>} : memref<2x32x128xf32, #tpu.memory_space<vmem>>, vector<16xf32>,
        %get3A_459 = arith.constant 0 : i32
        %get3A_460 = arith.index_cast %get3A_459 : i32 to index
        %get3A_461 = arith.index_cast %scan3A_442 : i32 to index
        %get3A_462 = arith.constant 16 : index
        %get3A_463 = tpu.vector_load %arg11[%get3A_460, %get3A_461, %get3A_462] {strides = array<i32>} : memref<2x16x256xf32, #tpu.memory_space<vmem>>, vector<16xf32>,
        %mul3A_464 = arith.mulf %get3A_463, %gather3A : vector<16xf32>
        %swap3A_465 = arith.constant 0 : i32
        %swap3A_466 = arith.index_cast %swap3A_465 : i32 to index
        %swap3A_467 = arith.index_cast %scan3A_442 : i32 to index
        %swap3A_468 = arith.constant 16 : index
        %swap3A_469 = tpu.vector_load %arg12[%swap3A_466, %swap3A_467, %swap3A_468] {strides = array<i32>} : memref<2x32x128xf32, #tpu.memory_space<vmem>>, vector<16xf32>,
        tpu.vector_store %arg12[%swap3A_466, %swap3A_467, %swap3A_468], %mul3A_464 {strides = array<i32>} : memref<2x32x128xf32, #tpu.memory_space<vmem>>, vector<16xf32>,
        %get3A_470 = arith.constant 0 : i32
        %get3A_471 = arith.index_cast %get3A_470 : i32 to index
        %get3A_472 = arith.index_cast %scan3A_442 : i32 to index
        %get3A_473 = arith.constant 32 : index
        %get3A_474 = tpu.vector_load %arg11[%get3A_471, %get3A_472, %get3A_473] {strides = array<i32>} : memref<2x16x256xf32, #tpu.memory_space<vmem>>, vector<16xf32>,
        %mul3A_475 = arith.mulf %get3A_474, %gather3A : vector<16xf32>
        %swap3A_476 = arith.constant 0 : i32
        %swap3A_477 = arith.index_cast %swap3A_476 : i32 to index
        %swap3A_478 = arith.index_cast %scan3A_442 : i32 to index
        %swap3A_479 = arith.constant 32 : index
        %swap3A_480 = tpu.vector_load %arg12[%swap3A_477, %swap3A_478, %swap3A_479] {strides = array<i32>} : memref<2x32x128xf32, #tpu.memory_space<vmem>>, vector<16xf32>,
        tpu.vector_store %arg12[%swap3A_477, %swap3A_478, %swap3A_479], %mul3A_475 {strides = array<i32>} : memref<2x32x128xf32, #tpu.memory_space<vmem>>, vector<16xf32>,
        %get3A_481 = arith.constant 0 : i32
        %get3A_482 = arith.index_cast %get3A_481 : i32 to index
        %get3A_483 = arith.index_cast %scan3A_442 : i32 to index
        %get3A_484 = arith.constant 48 : index
        %get3A_485 = tpu.vector_load %arg11[%get3A_482, %get3A_483, %get3A_484] {strides = array<i32>} : memref<2x16x256xf32, #tpu.memory_space<vmem>>, vector<16xf32>,
        %mul3A_486 = arith.mulf %get3A_485, %gather3A : vector<16xf32>
        %swap3A_487 = arith.constant 0 : i32
        %swap3A_488 = arith.index_cast %swap3A_487 : i32 to index
        %swap3A_489 = arith.index_cast %scan3A_442 : i32 to index
        %swap3A_490 = arith.constant 48 : index
        %swap3A_491 = tpu.vector_load %arg12[%swap3A_488, %swap3A_489, %swap3A_490] {strides = array<i32>} : memref<2x32x128xf32, #tpu.memory_space<vmem>>, vector<16xf32>,
        tpu.vector_store %arg12[%swap3A_488, %swap3A_489, %swap3A_490], %mul3A_486 {strides = array<i32>} : memref<2x32x128xf32, #tpu.memory_space<vmem>>, vector<16xf32>,
        %get3A_492 = arith.constant 0 : i32
        %get3A_493 = arith.index_cast %get3A_492 : i32 to index
        %get3A_494 = arith.index_cast %scan3A_442 : i32 to index
        %get3A_495 = arith.constant 64 : index
        %get3A_496 = tpu.vector_load %arg11[%get3A_493, %get3A_494, %get3A_495] {strides = array<i32>} : memref<2x16x256xf32, #tpu.memory_space<vmem>>, vector<16xf32>,
        %mul3A_497 = arith.mulf %get3A_496, %gather3A : vector<16xf32>
        %swap3A_498 = arith.constant 0 : i32
        %swap3A_499 = arith.index_cast %swap3A_498 : i32 to index
        %swap3A_500 = arith.index_cast %scan3A_442 : i32 to index
        %swap3A_501 = arith.constant 64 : index
        %swap3A_502 = tpu.vector_load %arg12[%swap3A_499, %swap3A_500, %swap3A_501] {strides = array<i32>} : memref<2x32x128xf32, #tpu.memory_space<vmem>>, vector<16xf32>,
        tpu.vector_store %arg12[%swap3A_499, %swap3A_500, %swap3A_501], %mul3A_497 {strides = array<i32>} : memref<2x32x128xf32, #tpu.memory_space<vmem>>, vector<16xf32>,
        %get3A_503 = arith.constant 0 : i32
        %get3A_504 = arith.index_cast %get3A_503 : i32 to index
        %get3A_505 = arith.index_cast %scan3A_442 : i32 to index
        %get3A_506 = arith.constant 80 : index
        %get3A_507 = tpu.vector_load %arg11[%get3A_504, %get3A_505, %get3A_506] {strides = array<i32>} : memref<2x16x256xf32, #tpu.memory_space<vmem>>, vector<16xf32>,
        %mul3A_508 = arith.mulf %get3A_507, %gather3A : vector<16xf32>
        %swap3A_509 = arith.constant 0 : i32
        %swap3A_510 = arith.index_cast %swap3A_509 : i32 to index
        %swap3A_511 = arith.index_cast %scan3A_442 : i32 to index
        %swap3A_512 = arith.constant 80 : index
        %swap3A_513 = tpu.vector_load %arg12[%swap3A_510, %swap3A_511, %swap3A_512] {strides = array<i32>} : memref<2x32x128xf32, #tpu.memory_space<vmem>>, vector<16xf32>,
        tpu.vector_store %arg12[%swap3A_510, %swap3A_511, %swap3A_512], %mul3A_508 {strides = array<i32>} : memref<2x32x128xf32, #tpu.memory_space<vmem>>, vector<16xf32>,
        %get3A_514 = arith.constant 0 : i32
        %get3A_515 = arith.index_cast %get3A_514 : i32 to index
        %get3A_516 = arith.index_cast %scan3A_442 : i32 to index
        %get3A_517 = arith.constant 96 : index
        %get3A_518 = tpu.vector_load %arg11[%get3A_515, %get3A_516, %get3A_517] {strides = array<i32>} : memref<2x16x256xf32, #tpu.memory_space<vmem>>, vector<16xf32>,
        %mul3A_519 = arith.mulf %get3A_518, %gather3A : vector<16xf32>
        %swap3A_520 = arith.constant 0 : i32
        %swap3A_521 = arith.index_cast %swap3A_520 : i32 to index
        %swap3A_522 = arith.index_cast %scan3A_442 : i32 to index
        %swap3A_523 = arith.constant 96 : index
        %swap3A_524 = tpu.vector_load %arg12[%swap3A_521, %swap3A_522, %swap3A_523] {strides = array<i32>} : memref<2x32x128xf32, #tpu.memory_space<vmem>>, vector<16xf32>,
        tpu.vector_store %arg12[%swap3A_521, %swap3A_522, %swap3A_523], %mul3A_519 {strides = array<i32>} : memref<2x32x128xf32, #tpu.memory_space<vmem>>, vector<16xf32>,
        %get3A_525 = arith.constant 0 : i32
        %get3A_526 = arith.index_cast %get3A_525 : i32 to index
        %get3A_527 = arith.index_cast %scan3A_442 : i32 to index
        %get3A_528 = arith.constant 112 : index
        %get3A_529 = tpu.vector_load %arg11[%get3A_526, %get3A_527, %get3A_528] {strides = array<i32>} : memref<2x16x256xf32, #tpu.memory_space<vmem>>, vector<16xf32>,
        %mul3A_530 = arith.mulf %get3A_529, %gather3A : vector<16xf32>
        %swap3A_531 = arith.constant 0 : i32
        %swap3A_532 = arith.index_cast %swap3A_531 : i32 to index
        %swap3A_533 = arith.index_cast %scan3A_442 : i32 to index
        %swap3A_534 = arith.constant 112 : index
        %swap3A_535 = tpu.vector_load %arg12[%swap3A_532, %swap3A_533, %swap3A_534] {strides = array<i32>} : memref<2x32x128xf32, #tpu.memory_space<vmem>>, vector<16xf32>,
        tpu.vector_store %arg12[%swap3A_532, %swap3A_533, %swap3A_534], %mul3A_530 {strides = array<i32>} : memref<2x32x128xf32, #tpu.memory_space<vmem>>, vector<16xf32>,
        %get3A_536 = arith.constant 0 : i32
        %get3A_537 = arith.index_cast %get3A_536 : i32 to index
        %get3A_538 = arith.index_cast %scan3A_442 : i32 to index
        %get3A_539 = arith.constant 128 : index
        %get3A_540 = tpu.vector_load %arg11[%get3A_537, %get3A_538, %get3A_539] {strides = array<i32>} : memref<2x16x256xf32, #tpu.memory_space<vmem>>, vector<16xf32>,
        %mul3A_541 = arith.mulf %get3A_540, %gather3A : vector<16xf32>
        %add3A_542 = arith.constant 16 : i32
        %add3A_543 = arith.addi %add3A_542, %scan3A_442 : i32
        %swap3A_544 = arith.constant 0 : i32
        %swap3A_545 = arith.index_cast %swap3A_544 : i32 to index
        %swap3A_546 = arith.index_cast %add3A_543 : i32 to index
        %swap3A_547 = arith.constant 0 : index
        %swap3A_548 = tpu.vector_load %arg12[%swap3A_545, %swap3A_546, %swap3A_547] {strides = array<i32>} : memref<2x32x128xf32, #tpu.memory_space<vmem>>, vector<16xf32>,
        tpu.vector_store %arg12[%swap3A_545, %swap3A_546, %swap3A_547], %mul3A_541 {strides = array<i32>} : memref<2x32x128xf32, #tpu.memory_space<vmem>>, vector<16xf32>,
        %get3A_549 = arith.constant 0 : i32
        %get3A_550 = arith.index_cast %get3A_549 : i32 to index
        %get3A_551 = arith.index_cast %scan3A_442 : i32 to index
        %get3A_552 = arith.constant 144 : index
        %get3A_553 = tpu.vector_load %arg11[%get3A_550, %get3A_551, %get3A_552] {strides = array<i32>} : memref<2x16x256xf32, #tpu.memory_space<vmem>>, vector<16xf32>,
        %mul3A_554 = arith.mulf %get3A_553, %gather3A : vector<16xf32>
        %add3A_555 = arith.constant 16 : i32
        %add3A_556 = arith.addi %add3A_555, %scan3A_442 : i32
        %swap3A_557 = arith.constant 0 : i32
        %swap3A_558 = arith.index_cast %swap3A_557 : i32 to index
        %swap3A_559 = arith.index_cast %add3A_556 : i32 to index
        %swap3A_560 = arith.constant 16 : index
        %swap3A_561 = tpu.vector_load %arg12[%swap3A_558, %swap3A_559, %swap3A_560] {strides = array<i32>} : memref<2x32x128xf32, #tpu.memory_space<vmem>>, vector<16xf32>,
        tpu.vector_store %arg12[%swap3A_558, %swap3A_559, %swap3A_560], %mul3A_554 {strides = array<i32>} : memref<2x32x128xf32, #tpu.memory_space<vmem>>, vector<16xf32>,
        %get3A_562 = arith.constant 0 : i32
        %get3A_563 = arith.index_cast %get3A_562 : i32 to index
        %get3A_564 = arith.index_cast %scan3A_442 : i32 to index
        %get3A_565 = arith.constant 160 : index
        %get3A_566 = tpu.vector_load %arg11[%get3A_563, %get3A_564, %get3A_565] {strides = array<i32>} : memref<2x16x256xf32, #tpu.memory_space<vmem>>, vector<16xf32>,
        %mul3A_567 = arith.mulf %get3A_566, %gather3A : vector<16xf32>
        %add3A_568 = arith.constant 16 : i32
        %add3A_569 = arith.addi %add3A_568, %scan3A_442 : i32
        %swap3A_570 = arith.constant 0 : i32
        %swap3A_571 = arith.index_cast %swap3A_570 : i32 to index
        %swap3A_572 = arith.index_cast %add3A_569 : i32 to index
        %swap3A_573 = arith.constant 32 : index
        %swap3A_574 = tpu.vector_load %arg12[%swap3A_571, %swap3A_572, %swap3A_573] {strides = array<i32>} : memref<2x32x128xf32, #tpu.memory_space<vmem>>, vector<16xf32>,
        tpu.vector_store %arg12[%swap3A_571, %swap3A_572, %swap3A_573], %mul3A_567 {strides = array<i32>} : memref<2x32x128xf32, #tpu.memory_space<vmem>>, vector<16xf32>,
        %get3A_575 = arith.constant 0 : i32
        %get3A_576 = arith.index_cast %get3A_575 : i32 to index
        %get3A_577 = arith.index_cast %scan3A_442 : i32 to index
        %get3A_578 = arith.constant 176 : index
        %get3A_579 = tpu.vector_load %arg11[%get3A_576, %get3A_577, %get3A_578] {strides = array<i32>} : memref<2x16x256xf32, #tpu.memory_space<vmem>>, vector<16xf32>,
        %mul3A_580 = arith.mulf %get3A_579, %gather3A : vector<16xf32>
        %add3A_581 = arith.constant 16 : i32
        %add3A_582 = arith.addi %add3A_581, %scan3A_442 : i32
        %swap3A_583 = arith.constant 0 : i32
        %swap3A_584 = arith.index_cast %swap3A_583 : i32 to index
        %swap3A_585 = arith.index_cast %add3A_582 : i32 to index
        %swap3A_586 = arith.constant 48 : index
        %swap3A_587 = tpu.vector_load %arg12[%swap3A_584, %swap3A_585, %swap3A_586] {strides = array<i32>} : memref<2x32x128xf32, #tpu.memory_space<vmem>>, vector<16xf32>,
        tpu.vector_store %arg12[%swap3A_584, %swap3A_585, %swap3A_586], %mul3A_580 {strides = array<i32>} : memref<2x32x128xf32, #tpu.memory_space<vmem>>, vector<16xf32>,
        %get3A_588 = arith.constant 0 : i32
        %get3A_589 = arith.index_cast %get3A_588 : i32 to index
        %get3A_590 = arith.index_cast %scan3A_442 : i32 to index
        %get3A_591 = arith.constant 192 : index
        %get3A_592 = tpu.vector_load %arg11[%get3A_589, %get3A_590, %get3A_591] {strides = array<i32>} : memref<2x16x256xf32, #tpu.memory_space<vmem>>, vector<16xf32>,
        %mul3A_593 = arith.mulf %get3A_592, %gather3A : vector<16xf32>
        %add3A_594 = arith.constant 16 : i32
        %add3A_595 = arith.addi %add3A_594, %scan3A_442 : i32
        %swap3A_596 = arith.constant 0 : i32
        %swap3A_597 = arith.index_cast %swap3A_596 : i32 to index
        %swap3A_598 = arith.index_cast %add3A_595 : i32 to index
        %swap3A_599 = arith.constant 64 : index
        %swap3A_600 = tpu.vector_load %arg12[%swap3A_597, %swap3A_598, %swap3A_599] {strides = array<i32>} : memref<2x32x128xf32, #tpu.memory_space<vmem>>, vector<16xf32>,
        tpu.vector_store %arg12[%swap3A_597, %swap3A_598, %swap3A_599], %mul3A_593 {strides = array<i32>} : memref<2x32x128xf32, #tpu.memory_space<vmem>>, vector<16xf32>,
        %get3A_601 = arith.constant 0 : i32
        %get3A_602 = arith.index_cast %get3A_601 : i32 to index
        %get3A_603 = arith.index_cast %scan3A_442 : i32 to index
        %get3A_604 = arith.constant 208 : index
        %get3A_605 = tpu.vector_load %arg11[%get3A_602, %get3A_603, %get3A_604] {strides = array<i32>} : memref<2x16x256xf32, #tpu.memory_space<vmem>>, vector<16xf32>,
        %mul3A_606 = arith.mulf %get3A_605, %gather3A : vector<16xf32>
        %add3A_607 = arith.constant 16 : i32
        %add3A_608 = arith.addi %add3A_607, %scan3A_442 : i32
        %swap3A_609 = arith.constant 0 : i32
        %swap3A_610 = arith.index_cast %swap3A_609 : i32 to index
        %swap3A_611 = arith.index_cast %add3A_608 : i32 to index
        %swap3A_612 = arith.constant 80 : index
        %swap3A_613 = tpu.vector_load %arg12[%swap3A_610, %swap3A_611, %swap3A_612] {strides = array<i32>} : memref<2x32x128xf32, #tpu.memory_space<vmem>>, vector<16xf32>,
        tpu.vector_store %arg12[%swap3A_610, %swap3A_611, %swap3A_612], %mul3A_606 {strides = array<i32>} : memref<2x32x128xf32, #tpu.memory_space<vmem>>, vector<16xf32>,
        %get3A_614 = arith.constant 0 : i32
        %get3A_615 = arith.index_cast %get3A_614 : i32 to index
        %get3A_616 = arith.index_cast %scan3A_442 : i32 to index
        %get3A_617 = arith.constant 224 : index
        %get3A_618 = tpu.vector_load %arg11[%get3A_615, %get3A_616, %get3A_617] {strides = array<i32>} : memref<2x16x256xf32, #tpu.memory_space<vmem>>, vector<16xf32>,
        %mul3A_619 = arith.mulf %get3A_618, %gather3A : vector<16xf32>
        %add3A_620 = arith.constant 16 : i32
        %add3A_621 = arith.addi %add3A_620, %scan3A_442 : i32
        %swap3A_622 = arith.constant 0 : i32
        %swap3A_623 = arith.index_cast %swap3A_622 : i32 to index
        %swap3A_624 = arith.index_cast %add3A_621 : i32 to index
        %swap3A_625 = arith.constant 96 : index
        %swap3A_626 = tpu.vector_load %arg12[%swap3A_623, %swap3A_624, %swap3A_625] {strides = array<i32>} : memref<2x32x128xf32, #tpu.memory_space<vmem>>, vector<16xf32>,
        tpu.vector_store %arg12[%swap3A_623, %swap3A_624, %swap3A_625], %mul3A_619 {strides = array<i32>} : memref<2x32x128xf32, #tpu.memory_space<vmem>>, vector<16xf32>,
        %get3A_627 = arith.constant 0 : i32
        %get3A_628 = arith.index_cast %get3A_627 : i32 to index
        %get3A_629 = arith.index_cast %scan3A_442 : i32 to index
        %get3A_630 = arith.constant 240 : index
        %get3A_631 = tpu.vector_load %arg11[%get3A_628, %get3A_629, %get3A_630] {strides = array<i32>} : memref<2x16x256xf32, #tpu.memory_space<vmem>>, vector<16xf32>,
        %mul3A_632 = arith.mulf %get3A_631, %gather3A : vector<16xf32>
        %add3A_633 = arith.constant 16 : i32
        %add3A_634 = arith.addi %add3A_633, %scan3A_442 : i32
        %swap3A_635 = arith.constant 0 : i32
        %swap3A_636 = arith.index_cast %swap3A_635 : i32 to index
        %swap3A_637 = arith.index_cast %add3A_634 : i32 to index
        %swap3A_638 = arith.constant 112 : index
        %swap3A_639 = tpu.vector_load %arg12[%swap3A_636, %swap3A_637, %swap3A_638] {strides = array<i32>} : memref<2x32x128xf32, #tpu.memory_space<vmem>>, vector<16xf32>,
        tpu.vector_store %arg12[%swap3A_636, %swap3A_637, %swap3A_638], %mul3A_632 {strides = array<i32>} : memref<2x32x128xf32, #tpu.memory_space<vmem>>, vector<16xf32>,
      }
      %scan3A_319 = arith.constant 16 : i32
      %dma_start3A_320 = arith.constant 0 : i32
      %dma_start3A_321 = arith.constant 0 : i32
      %dma_start3A_322 = arith.constant 0 : i32
      %dma_start3A_323 = arith.constant 0 : i32
      %dma_start3A_324 = tpu.memref_slice %arg12[%dma_start3A_320, %dma_start3A_322, %dma_start3A_323] : memref<2x32x128xf32, #tpu.memory_space<vmem>> -> memref<1x16x128xf32, #tpu.memory_space<vmem>>
      %dma_start3A_325 = tpu.memref_squeeze %dma_start3A_324 : memref<1x16x128xf32, #tpu.memory_space<vmem>> -> memref<16x128xf32, #tpu.memory_space<vmem>>
      %dma_start3A_326 = arith.constant 0 : i32
      %dma_start3A_327 = tpu.memref_slice %arg10[%dma_start3A_321, %dma_start3A_326] : memref<4x16xi32, #tpu.memory_space<vmem>> -> memref<1x16xi32, #tpu.memory_space<vmem>>
      %dma_start3A_328 = tpu.memref_squeeze %dma_start3A_327 : memref<1x16xi32, #tpu.memory_space<vmem>> -> memref<16xi32, #tpu.memory_space<vmem>>
      %dma_start3A_329 = arith.constant 0 : i32
      %dma_start3A_330 = arith.constant 0 : i32
      %dma_start3A_331 = tpu.memref_slice %arg13[%dma_start3A_329, %dma_start3A_330] : memref<10240x128xf32, #tpu.memory_space<vmem_shared>> -> memref<10240x128xf32, #tpu.memory_space<vmem_shared>>
      tpu.enqueue_indirect_dma source(%dma_start3A_325 : memref<16x128xf32, #tpu.memory_space<vmem>>) target(%dma_start3A_331 : memref<10240x128xf32, #tpu.memory_space<vmem_shared>>) offsets(%dma_start3A_328 : memref<16xi32, #tpu.memory_space<vmem>>) semaphore(%arg16 : memref<!tpu.dma_semaphore, #tpu.memory_space<semaphore_mem>>) {add = true}
      %dma_start3A_332 = arith.constant 0 : i32
      %dma_start3A_333 = arith.constant 1 : i32
      %dma_start3A_334 = arith.constant 16 : i32
      %dma_start3A_335 = arith.constant 0 : i32
      %dma_start3A_336 = tpu.memref_slice %arg12[%dma_start3A_332, %dma_start3A_334, %dma_start3A_335] : memref<2x32x128xf32, #tpu.memory_space<vmem>> -> memref<1x16x128xf32, #tpu.memory_space<vmem>>
      %dma_start3A_337 = tpu.memref_squeeze %dma_start3A_336 : memref<1x16x128xf32, #tpu.memory_space<vmem>> -> memref<16x128xf32, #tpu.memory_space<vmem>>
      %dma_start3A_338 = arith.constant 0 : i32
      %dma_start3A_339 = tpu.memref_slice %arg10[%dma_start3A_333, %dma_start3A_338] : memref<4x16xi32, #tpu.memory_space<vmem>> -> memref<1x16xi32, #tpu.memory_space<vmem>>
      %dma_start3A_340 = tpu.memref_squeeze %dma_start3A_339 : memref<1x16xi32, #tpu.memory_space<vmem>> -> memref<16xi32, #tpu.memory_space<vmem>>
      %dma_start3A_341 = arith.constant 0 : i32
      %dma_start3A_342 = arith.constant 0 : i32
      %dma_start3A_343 = tpu.memref_slice %arg13[%dma_start3A_341, %dma_start3A_342] : memref<10240x128xf32, #tpu.memory_space<vmem_shared>> -> memref<10240x128xf32, #tpu.memory_space<vmem_shared>>
      tpu.enqueue_indirect_dma source(%dma_start3A_337 : memref<16x128xf32, #tpu.memory_space<vmem>>) target(%dma_start3A_343 : memref<10240x128xf32, #tpu.memory_space<vmem_shared>>) offsets(%dma_start3A_340 : memref<16xi32, #tpu.memory_space<vmem>>) semaphore(%arg16 : memref<!tpu.dma_semaphore, #tpu.memory_space<semaphore_mem>>) {add = true}
      %dma_wait3A_344 = arith.constant 1 : i32
      %dma_wait3A_345 = arith.constant 0 : i32
      %dma_wait3A_346 = arith.constant 0 : i32
      %dma_wait3A_347 = tpu.memref_slice %arg11[%dma_wait3A_344, %dma_wait3A_345, %dma_wait3A_346] : memref<2x16x256xf32, #tpu.memory_space<vmem>> -> memref<1x16x256xf32, #tpu.memory_space<vmem>>
      %dma_wait3A_348 = tpu.memref_squeeze %dma_wait3A_347 : memref<1x16x256xf32, #tpu.memory_space<vmem>> -> memref<16x256xf32, #tpu.memory_space<vmem>>
      %dma_wait3A_349 = arith.constant 0 : i32
      %dma_wait3A_350 = tpu.memref_slice %arg7[%dma_wait3A_349] : memref<10000xi32, #tpu.memory_space<vmem>> -> memref<16xi32, #tpu.memory_space<vmem>>
      %dma_wait3A_351 = arith.constant 0 : i32
      %dma_wait3A_352 = arith.constant 0 : i32
      %dma_wait3A_353 = tpu.memref_slice %arg2[%dma_wait3A_351, %dma_wait3A_352] : memref<10000x256xf32, #tpu.memory_space<hbm>> -> memref<10000x256xf32, #tpu.memory_space<hbm>>
      tpu.wait_indirect_dma semaphore(%arg15 : memref<!tpu.dma_semaphore, #tpu.memory_space<semaphore_mem>>) src(%dma_wait3A_353 : memref<10000x256xf32, #tpu.memory_space<hbm>>) dst(%dma_wait3A_348 : memref<16x256xf32, #tpu.memory_space<vmem>>)
      %lt3A_354 = arith.constant 311 : i32
      %lt3A_355 = arith.cmpi slt, %scan3A_255, %lt3A_354 : i32
      %convert_element_type3A_356 = arith.extui %lt3A_355 : i1 to i32
      %cond3A_357 = arith.constant 0 : i32
      %cond3A_358 = arith.cmpi ne, %convert_element_type3A_356, %cond3A_357 : i32
      scf.if %cond3A_358 {
        %add3A_442 = arith.constant 2 : i32
        %add3A_443 = arith.addi %mul3A_257, %add3A_442 : i32
        %mul3A_444 = arith.constant 16 : i32
        %mul3A_445 = arith.muli %add3A_443, %mul3A_444 : i32
        %dma_start3A_446 = arith.constant 0 : i32
        %dma_start3A_447 = arith.constant 0 : i32
        %dma_start3A_448 = arith.constant 0 : i32
        %dma_start3A_449 = tpu.memref_slice %arg11[%dma_start3A_446, %dma_start3A_447, %dma_start3A_448] : memref<2x16x256xf32, #tpu.memory_space<vmem>> -> memref<1x16x256xf32, #tpu.memory_space<vmem>>
        %dma_start3A_450 = tpu.memref_squeeze %dma_start3A_449 : memref<1x16x256xf32, #tpu.memory_space<vmem>> -> memref<16x256xf32, #tpu.memory_space<vmem>>
        %dma_start3A_451 = tpu.memref_slice %arg7[%mul3A_445] : memref<10000xi32, #tpu.memory_space<vmem>> -> memref<16xi32, #tpu.memory_space<vmem>>
        %dma_start3A_452 = arith.constant 0 : i32
        %dma_start3A_453 = arith.constant 0 : i32
        %dma_start3A_454 = tpu.memref_slice %arg2[%dma_start3A_452, %dma_start3A_453] : memref<10000x256xf32, #tpu.memory_space<hbm>> -> memref<10000x256xf32, #tpu.memory_space<hbm>>
        tpu.enqueue_indirect_dma source(%dma_start3A_454 : memref<10000x256xf32, #tpu.memory_space<hbm>>) target(%dma_start3A_450 : memref<16x256xf32, #tpu.memory_space<vmem>>) offsets(%dma_start3A_451 : memref<16xi32, #tpu.memory_space<vmem>>) semaphore(%arg14 : memref<!tpu.dma_semaphore, #tpu.memory_space<semaphore_mem>>)
      } else {
      }
      %add3A_359 = arith.constant 1 : i32
      %add3A_360 = arith.addi %mul3A_257, %add3A_359 : i32
      %gt3A_361 = arith.constant 0 : i32
      %gt3A_362 = arith.cmpi sgt, %scan3A_255, %gt3A_361 : i32
      %convert_element_type3A_363 = arith.extui %gt3A_362 : i1 to i32
      %cond3A_364 = arith.constant 0 : i32
      %cond3A_365 = arith.cmpi ne, %convert_element_type3A_363, %cond3A_364 : i32
      scf.if %cond3A_365 {
        %dma_wait3A_442 = arith.constant 1 : i32
        %dma_wait3A_443 = arith.constant 2 : i32
        %dma_wait3A_444 = arith.constant 0 : i32
        %dma_wait3A_445 = arith.constant 0 : i32
        %dma_wait3A_446 = tpu.memref_slice %arg12[%dma_wait3A_442, %dma_wait3A_444, %dma_wait3A_445] : memref<2x32x128xf32, #tpu.memory_space<vmem>> -> memref<1x16x128xf32, #tpu.memory_space<vmem>>
        %dma_wait3A_447 = tpu.memref_squeeze %dma_wait3A_446 : memref<1x16x128xf32, #tpu.memory_space<vmem>> -> memref<16x128xf32, #tpu.memory_space<vmem>>
        %dma_wait3A_448 = arith.constant 0 : i32
        %dma_wait3A_449 = tpu.memref_slice %arg10[%dma_wait3A_443, %dma_wait3A_448] : memref<4x16xi32, #tpu.memory_space<vmem>> -> memref<1x16xi32, #tpu.memory_space<vmem>>
        %dma_wait3A_450 = tpu.memref_squeeze %dma_wait3A_449 : memref<1x16xi32, #tpu.memory_space<vmem>> -> memref<16xi32, #tpu.memory_space<vmem>>
        %dma_wait3A_451 = arith.constant 0 : i32
        %dma_wait3A_452 = arith.constant 0 : i32
        %dma_wait3A_453 = tpu.memref_slice %arg13[%dma_wait3A_451, %dma_wait3A_452] : memref<10240x128xf32, #tpu.memory_space<vmem_shared>> -> memref<10240x128xf32, #tpu.memory_space<vmem_shared>>
        tpu.wait_indirect_dma semaphore(%arg17 : memref<!tpu.dma_semaphore, #tpu.memory_space<semaphore_mem>>) src(%dma_wait3A_447 : memref<16x128xf32, #tpu.memory_space<vmem>>) dst(%dma_wait3A_453 : memref<10240x128xf32, #tpu.memory_space<vmem_shared>>)
        %dma_wait3A_454 = arith.constant 1 : i32
        %dma_wait3A_455 = arith.constant 2 : i32
        %dma_wait3A_456 = arith.constant 0 : i32
        %dma_wait3A_457 = arith.constant 0 : i32
        %dma_wait3A_458 = tpu.memref_slice %arg12[%dma_wait3A_454, %dma_wait3A_456, %dma_wait3A_457] : memref<2x32x128xf32, #tpu.memory_space<vmem>> -> memref<1x16x128xf32, #tpu.memory_space<vmem>>
        %dma_wait3A_459 = tpu.memref_squeeze %dma_wait3A_458 : memref<1x16x128xf32, #tpu.memory_space<vmem>> -> memref<16x128xf32, #tpu.memory_space<vmem>>
        %dma_wait3A_460 = arith.constant 0 : i32
        %dma_wait3A_461 = tpu.memref_slice %arg10[%dma_wait3A_455, %dma_wait3A_460] : memref<4x16xi32, #tpu.memory_space<vmem>> -> memref<1x16xi32, #tpu.memory_space<vmem>>
        %dma_wait3A_462 = tpu.memref_squeeze %dma_wait3A_461 : memref<1x16xi32, #tpu.memory_space<vmem>> -> memref<16xi32, #tpu.memory_space<vmem>>
        %dma_wait3A_463 = arith.constant 0 : i32
        %dma_wait3A_464 = arith.constant 0 : i32
        %dma_wait3A_465 = tpu.memref_slice %arg13[%dma_wait3A_463, %dma_wait3A_464] : memref<10240x128xf32, #tpu.memory_space<vmem_shared>> -> memref<10240x128xf32, #tpu.memory_space<vmem_shared>>
        tpu.wait_indirect_dma semaphore(%arg17 : memref<!tpu.dma_semaphore, #tpu.memory_space<semaphore_mem>>) src(%dma_wait3A_459 : memref<16x128xf32, #tpu.memory_space<vmem>>) dst(%dma_wait3A_465 : memref<10240x128xf32, #tpu.memory_space<vmem_shared>>)
      } else {
      }
      %scan3A_366 = arith.constant 0 : i32
      %scan3A_367 = arith.constant 0 : i32
      %mul3A_368 = arith.constant 16 : i32
      %mul3A_369 = arith.muli %add3A_360, %mul3A_368 : i32
      %mul3A_370 = arith.constant 16 : i32
      %mul3A_371 = arith.muli %scan3A_367, %mul3A_370 : i32
      %add3A_372 = arith.addi %mul3A_369, %mul3A_371 : i32
      %get3A_373 = arith.index_cast %add3A_372 : i32 to index
      %get3A_374 = tpu.vector_load %arg8[%get3A_373] {strides = array<i32>} : memref<10000xi32, #tpu.memory_space<vmem>>, vector<16xi32>,
      %sub3A_375 = vector.broadcast %mul3A_0 : i32 to vector<16xi32>
      %sub3A_376 = arith.subi %get3A_374, %sub3A_375 : vector<16xi32>
      %ge3A_377 = arith.constant 0 : i32
      %ge3A_378 = vector.broadcast %ge3A_377 : i32 to vector<16xi32>
      %ge3A_379 = arith.cmpi sge, %sub3A_376, %ge3A_378 : vector<16xi32>
      %lt3A_380 = arith.constant 5000 : i32
      %lt3A_381 = vector.broadcast %lt3A_380 : i32 to vector<16xi32>
      %lt3A_382 = arith.cmpi slt, %sub3A_376, %lt3A_381 : vector<16xi32>
      %and3A_383 = arith.andi %ge3A_379, %lt3A_382 : vector<16xi1>
      %and3A_384 = arith.constant 63 : i32
      %and3A_385 = vector.broadcast %and3A_384 : i32 to vector<16xi32>
      %and3A_386 = arith.andi %get3A_374, %and3A_385 : vector<16xi32>
      %add3A_387 = arith.constant 5000 : i32
      %add3A_388 = vector.broadcast %add3A_387 : i32 to vector<16xi32>
      %add3A_389 = arith.addi %add3A_388, %and3A_386 : vector<16xi32>
      %select_n3A_390 = arith.select %and3A_383, %sub3A_376, %add3A_389 : vector<16xi1>, vector<16xi32>
      %mul3A_391 = arith.constant 16 : i32
      %mul3A_392 = arith.muli %scan3A_367, %mul3A_391 : i32
      %swap3A_393 = arith.constant 2 : i32
      %swap3A_394 = arith.index_cast %swap3A_393 : i32 to index
      %swap3A_395 = arith.index_cast %mul3A_392 : i32 to index
      %swap3A_396 = tpu.vector_load %arg10[%swap3A_394, %swap3A_395] {strides = array<i32>} : memref<4x16xi32, #tpu.memory_space<vmem>>, vector<16xi32>,
      tpu.vector_store %arg10[%swap3A_394, %swap3A_395], %select_n3A_390 {strides = array<i32>} : memref<4x16xi32, #tpu.memory_space<vmem>>, vector<16xi32>,
      %add3A_397 = arith.constant 5120 : i32
      %add3A_398 = vector.broadcast %add3A_397 : i32 to vector<16xi32>
      %add3A_399 = arith.addi %select_n3A_390, %add3A_398 : vector<16xi32>
      %mul3A_400 = arith.constant 16 : i32
      %mul3A_401 = arith.muli %scan3A_367, %mul3A_400 : i32
      %swap3A_402 = arith.constant 3 : i32
      %swap3A_403 = arith.index_cast %swap3A_402 : i32 to index
      %swap3A_404 = arith.index_cast %mul3A_401 : i32 to index
      %swap3A_405 = tpu.vector_load %arg10[%swap3A_403, %swap3A_404] {strides = array<i32>} : memref<4x16xi32, #tpu.memory_space<vmem>>, vector<16xi32>,
      tpu.vector_store %arg10[%swap3A_403, %swap3A_404], %add3A_399 {strides = array<i32>} : memref<4x16xi32, #tpu.memory_space<vmem>>, vector<16xi32>,
      %scan3A_406 = arith.constant 1 : i32
      %scan3A_407 = arith.constant 0 : i32
      %scan3A_408 = arith.constant 0 : i32
      %scan3A_409 = arith.constant 16 : i32
      %scan3A_410 = arith.addi %scan3A_408, %scan3A_409 : i32
      %scan3A_411 = arith.constant 1 : i32
      scf.for %scan3A_442 = %scan3A_408 to %scan3A_410 step %scan3A_411  : i32 {
        %mul3A_443 = arith.constant 16 : i32
        %mul3A_444 = arith.muli %add3A_360, %mul3A_443 : i32
        %broadcast_in_dim3A_445 = vector.broadcast %mul3A_444 : i32 to vector<16xi32>
        %add3A_446 = vector.broadcast %scan3A_442 : i32 to vector<16xi32>
        %add3A_447 = arith.addi %broadcast_in_dim3A_445, %add3A_446 : vector<16xi32>
        %gather3A = tpu.vector_load_idx %arg9[%add3A_447] : memref<10000xf32, #tpu.memory_space<vmem>>[vector<16xi32>], vector<16xf32>,
        %get3A_448 = arith.constant 1 : i32
        %get3A_449 = arith.index_cast %get3A_448 : i32 to index
        %get3A_450 = arith.index_cast %scan3A_442 : i32 to index
        %get3A_451 = arith.constant 0 : index
        %get3A_452 = tpu.vector_load %arg11[%get3A_449, %get3A_450, %get3A_451] {strides = array<i32>} : memref<2x16x256xf32, #tpu.memory_space<vmem>>, vector<16xf32>,
        %mul3A_453 = arith.mulf %get3A_452, %gather3A : vector<16xf32>
        %swap3A_454 = arith.constant 1 : i32
        %swap3A_455 = arith.index_cast %swap3A_454 : i32 to index
        %swap3A_456 = arith.index_cast %scan3A_442 : i32 to index
        %swap3A_457 = arith.constant 0 : index
        %swap3A_458 = tpu.vector_load %arg12[%swap3A_455, %swap3A_456, %swap3A_457] {strides = array<i32>} : memref<2x32x128xf32, #tpu.memory_space<vmem>>, vector<16xf32>,
        tpu.vector_store %arg12[%swap3A_455, %swap3A_456, %swap3A_457], %mul3A_453 {strides = array<i32>} : memref<2x32x128xf32, #tpu.memory_space<vmem>>, vector<16xf32>,
        %get3A_459 = arith.constant 1 : i32
        %get3A_460 = arith.index_cast %get3A_459 : i32 to index
        %get3A_461 = arith.index_cast %scan3A_442 : i32 to index
        %get3A_462 = arith.constant 16 : index
        %get3A_463 = tpu.vector_load %arg11[%get3A_460, %get3A_461, %get3A_462] {strides = array<i32>} : memref<2x16x256xf32, #tpu.memory_space<vmem>>, vector<16xf32>,
        %mul3A_464 = arith.mulf %get3A_463, %gather3A : vector<16xf32>
        %swap3A_465 = arith.constant 1 : i32
        %swap3A_466 = arith.index_cast %swap3A_465 : i32 to index
        %swap3A_467 = arith.index_cast %scan3A_442 : i32 to index
        %swap3A_468 = arith.constant 16 : index
        %swap3A_469 = tpu.vector_load %arg12[%swap3A_466, %swap3A_467, %swap3A_468] {strides = array<i32>} : memref<2x32x128xf32, #tpu.memory_space<vmem>>, vector<16xf32>,
        tpu.vector_store %arg12[%swap3A_466, %swap3A_467, %swap3A_468], %mul3A_464 {strides = array<i32>} : memref<2x32x128xf32, #tpu.memory_space<vmem>>, vector<16xf32>,
        %get3A_470 = arith.constant 1 : i32
        %get3A_471 = arith.index_cast %get3A_470 : i32 to index
        %get3A_472 = arith.index_cast %scan3A_442 : i32 to index
        %get3A_473 = arith.constant 32 : index
        %get3A_474 = tpu.vector_load %arg11[%get3A_471, %get3A_472, %get3A_473] {strides = array<i32>} : memref<2x16x256xf32, #tpu.memory_space<vmem>>, vector<16xf32>,
        %mul3A_475 = arith.mulf %get3A_474, %gather3A : vector<16xf32>
        %swap3A_476 = arith.constant 1 : i32
        %swap3A_477 = arith.index_cast %swap3A_476 : i32 to index
        %swap3A_478 = arith.index_cast %scan3A_442 : i32 to index
        %swap3A_479 = arith.constant 32 : index
        %swap3A_480 = tpu.vector_load %arg12[%swap3A_477, %swap3A_478, %swap3A_479] {strides = array<i32>} : memref<2x32x128xf32, #tpu.memory_space<vmem>>, vector<16xf32>,
        tpu.vector_store %arg12[%swap3A_477, %swap3A_478, %swap3A_479], %mul3A_475 {strides = array<i32>} : memref<2x32x128xf32, #tpu.memory_space<vmem>>, vector<16xf32>,
        %get3A_481 = arith.constant 1 : i32
        %get3A_482 = arith.index_cast %get3A_481 : i32 to index
        %get3A_483 = arith.index_cast %scan3A_442 : i32 to index
        %get3A_484 = arith.constant 48 : index
        %get3A_485 = tpu.vector_load %arg11[%get3A_482, %get3A_483, %get3A_484] {strides = array<i32>} : memref<2x16x256xf32, #tpu.memory_space<vmem>>, vector<16xf32>,
        %mul3A_486 = arith.mulf %get3A_485, %gather3A : vector<16xf32>
        %swap3A_487 = arith.constant 1 : i32
        %swap3A_488 = arith.index_cast %swap3A_487 : i32 to index
        %swap3A_489 = arith.index_cast %scan3A_442 : i32 to index
        %swap3A_490 = arith.constant 48 : index
        %swap3A_491 = tpu.vector_load %arg12[%swap3A_488, %swap3A_489, %swap3A_490] {strides = array<i32>} : memref<2x32x128xf32, #tpu.memory_space<vmem>>, vector<16xf32>,
        tpu.vector_store %arg12[%swap3A_488, %swap3A_489, %swap3A_490], %mul3A_486 {strides = array<i32>} : memref<2x32x128xf32, #tpu.memory_space<vmem>>, vector<16xf32>,
        %get3A_492 = arith.constant 1 : i32
        %get3A_493 = arith.index_cast %get3A_492 : i32 to index
        %get3A_494 = arith.index_cast %scan3A_442 : i32 to index
        %get3A_495 = arith.constant 64 : index
        %get3A_496 = tpu.vector_load %arg11[%get3A_493, %get3A_494, %get3A_495] {strides = array<i32>} : memref<2x16x256xf32, #tpu.memory_space<vmem>>, vector<16xf32>,
        %mul3A_497 = arith.mulf %get3A_496, %gather3A : vector<16xf32>
        %swap3A_498 = arith.constant 1 : i32
        %swap3A_499 = arith.index_cast %swap3A_498 : i32 to index
        %swap3A_500 = arith.index_cast %scan3A_442 : i32 to index
        %swap3A_501 = arith.constant 64 : index
        %swap3A_502 = tpu.vector_load %arg12[%swap3A_499, %swap3A_500, %swap3A_501] {strides = array<i32>} : memref<2x32x128xf32, #tpu.memory_space<vmem>>, vector<16xf32>,
        tpu.vector_store %arg12[%swap3A_499, %swap3A_500, %swap3A_501], %mul3A_497 {strides = array<i32>} : memref<2x32x128xf32, #tpu.memory_space<vmem>>, vector<16xf32>,
        %get3A_503 = arith.constant 1 : i32
        %get3A_504 = arith.index_cast %get3A_503 : i32 to index
        %get3A_505 = arith.index_cast %scan3A_442 : i32 to index
        %get3A_506 = arith.constant 80 : index
        %get3A_507 = tpu.vector_load %arg11[%get3A_504, %get3A_505, %get3A_506] {strides = array<i32>} : memref<2x16x256xf32, #tpu.memory_space<vmem>>, vector<16xf32>,
        %mul3A_508 = arith.mulf %get3A_507, %gather3A : vector<16xf32>
        %swap3A_509 = arith.constant 1 : i32
        %swap3A_510 = arith.index_cast %swap3A_509 : i32 to index
        %swap3A_511 = arith.index_cast %scan3A_442 : i32 to index
        %swap3A_512 = arith.constant 80 : index
        %swap3A_513 = tpu.vector_load %arg12[%swap3A_510, %swap3A_511, %swap3A_512] {strides = array<i32>} : memref<2x32x128xf32, #tpu.memory_space<vmem>>, vector<16xf32>,
        tpu.vector_store %arg12[%swap3A_510, %swap3A_511, %swap3A_512], %mul3A_508 {strides = array<i32>} : memref<2x32x128xf32, #tpu.memory_space<vmem>>, vector<16xf32>,
        %get3A_514 = arith.constant 1 : i32
        %get3A_515 = arith.index_cast %get3A_514 : i32 to index
        %get3A_516 = arith.index_cast %scan3A_442 : i32 to index
        %get3A_517 = arith.constant 96 : index
        %get3A_518 = tpu.vector_load %arg11[%get3A_515, %get3A_516, %get3A_517] {strides = array<i32>} : memref<2x16x256xf32, #tpu.memory_space<vmem>>, vector<16xf32>,
        %mul3A_519 = arith.mulf %get3A_518, %gather3A : vector<16xf32>
        %swap3A_520 = arith.constant 1 : i32
        %swap3A_521 = arith.index_cast %swap3A_520 : i32 to index
        %swap3A_522 = arith.index_cast %scan3A_442 : i32 to index
        %swap3A_523 = arith.constant 96 : index
        %swap3A_524 = tpu.vector_load %arg12[%swap3A_521, %swap3A_522, %swap3A_523] {strides = array<i32>} : memref<2x32x128xf32, #tpu.memory_space<vmem>>, vector<16xf32>,
        tpu.vector_store %arg12[%swap3A_521, %swap3A_522, %swap3A_523], %mul3A_519 {strides = array<i32>} : memref<2x32x128xf32, #tpu.memory_space<vmem>>, vector<16xf32>,
        %get3A_525 = arith.constant 1 : i32
        %get3A_526 = arith.index_cast %get3A_525 : i32 to index
        %get3A_527 = arith.index_cast %scan3A_442 : i32 to index
        %get3A_528 = arith.constant 112 : index
        %get3A_529 = tpu.vector_load %arg11[%get3A_526, %get3A_527, %get3A_528] {strides = array<i32>} : memref<2x16x256xf32, #tpu.memory_space<vmem>>, vector<16xf32>,
        %mul3A_530 = arith.mulf %get3A_529, %gather3A : vector<16xf32>
        %swap3A_531 = arith.constant 1 : i32
        %swap3A_532 = arith.index_cast %swap3A_531 : i32 to index
        %swap3A_533 = arith.index_cast %scan3A_442 : i32 to index
        %swap3A_534 = arith.constant 112 : index
        %swap3A_535 = tpu.vector_load %arg12[%swap3A_532, %swap3A_533, %swap3A_534] {strides = array<i32>} : memref<2x32x128xf32, #tpu.memory_space<vmem>>, vector<16xf32>,
        tpu.vector_store %arg12[%swap3A_532, %swap3A_533, %swap3A_534], %mul3A_530 {strides = array<i32>} : memref<2x32x128xf32, #tpu.memory_space<vmem>>, vector<16xf32>,
        %get3A_536 = arith.constant 1 : i32
        %get3A_537 = arith.index_cast %get3A_536 : i32 to index
        %get3A_538 = arith.index_cast %scan3A_442 : i32 to index
        %get3A_539 = arith.constant 128 : index
        %get3A_540 = tpu.vector_load %arg11[%get3A_537, %get3A_538, %get3A_539] {strides = array<i32>} : memref<2x16x256xf32, #tpu.memory_space<vmem>>, vector<16xf32>,
        %mul3A_541 = arith.mulf %get3A_540, %gather3A : vector<16xf32>
        %add3A_542 = arith.constant 16 : i32
        %add3A_543 = arith.addi %add3A_542, %scan3A_442 : i32
        %swap3A_544 = arith.constant 1 : i32
        %swap3A_545 = arith.index_cast %swap3A_544 : i32 to index
        %swap3A_546 = arith.index_cast %add3A_543 : i32 to index
        %swap3A_547 = arith.constant 0 : index
        %swap3A_548 = tpu.vector_load %arg12[%swap3A_545, %swap3A_546, %swap3A_547] {strides = array<i32>} : memref<2x32x128xf32, #tpu.memory_space<vmem>>, vector<16xf32>,
        tpu.vector_store %arg12[%swap3A_545, %swap3A_546, %swap3A_547], %mul3A_541 {strides = array<i32>} : memref<2x32x128xf32, #tpu.memory_space<vmem>>, vector<16xf32>,
        %get3A_549 = arith.constant 1 : i32
        %get3A_550 = arith.index_cast %get3A_549 : i32 to index
        %get3A_551 = arith.index_cast %scan3A_442 : i32 to index
        %get3A_552 = arith.constant 144 : index
        %get3A_553 = tpu.vector_load %arg11[%get3A_550, %get3A_551, %get3A_552] {strides = array<i32>} : memref<2x16x256xf32, #tpu.memory_space<vmem>>, vector<16xf32>,
        %mul3A_554 = arith.mulf %get3A_553, %gather3A : vector<16xf32>
        %add3A_555 = arith.constant 16 : i32
        %add3A_556 = arith.addi %add3A_555, %scan3A_442 : i32
        %swap3A_557 = arith.constant 1 : i32
        %swap3A_558 = arith.index_cast %swap3A_557 : i32 to index
        %swap3A_559 = arith.index_cast %add3A_556 : i32 to index
        %swap3A_560 = arith.constant 16 : index
        %swap3A_561 = tpu.vector_load %arg12[%swap3A_558, %swap3A_559, %swap3A_560] {strides = array<i32>} : memref<2x32x128xf32, #tpu.memory_space<vmem>>, vector<16xf32>,
        tpu.vector_store %arg12[%swap3A_558, %swap3A_559, %swap3A_560], %mul3A_554 {strides = array<i32>} : memref<2x32x128xf32, #tpu.memory_space<vmem>>, vector<16xf32>,
        %get3A_562 = arith.constant 1 : i32
        %get3A_563 = arith.index_cast %get3A_562 : i32 to index
        %get3A_564 = arith.index_cast %scan3A_442 : i32 to index
        %get3A_565 = arith.constant 160 : index
        %get3A_566 = tpu.vector_load %arg11[%get3A_563, %get3A_564, %get3A_565] {strides = array<i32>} : memref<2x16x256xf32, #tpu.memory_space<vmem>>, vector<16xf32>,
        %mul3A_567 = arith.mulf %get3A_566, %gather3A : vector<16xf32>
        %add3A_568 = arith.constant 16 : i32
        %add3A_569 = arith.addi %add3A_568, %scan3A_442 : i32
        %swap3A_570 = arith.constant 1 : i32
        %swap3A_571 = arith.index_cast %swap3A_570 : i32 to index
        %swap3A_572 = arith.index_cast %add3A_569 : i32 to index
        %swap3A_573 = arith.constant 32 : index
        %swap3A_574 = tpu.vector_load %arg12[%swap3A_571, %swap3A_572, %swap3A_573] {strides = array<i32>} : memref<2x32x128xf32, #tpu.memory_space<vmem>>, vector<16xf32>,
        tpu.vector_store %arg12[%swap3A_571, %swap3A_572, %swap3A_573], %mul3A_567 {strides = array<i32>} : memref<2x32x128xf32, #tpu.memory_space<vmem>>, vector<16xf32>,
        %get3A_575 = arith.constant 1 : i32
        %get3A_576 = arith.index_cast %get3A_575 : i32 to index
        %get3A_577 = arith.index_cast %scan3A_442 : i32 to index
        %get3A_578 = arith.constant 176 : index
        %get3A_579 = tpu.vector_load %arg11[%get3A_576, %get3A_577, %get3A_578] {strides = array<i32>} : memref<2x16x256xf32, #tpu.memory_space<vmem>>, vector<16xf32>,
        %mul3A_580 = arith.mulf %get3A_579, %gather3A : vector<16xf32>
        %add3A_581 = arith.constant 16 : i32
        %add3A_582 = arith.addi %add3A_581, %scan3A_442 : i32
        %swap3A_583 = arith.constant 1 : i32
        %swap3A_584 = arith.index_cast %swap3A_583 : i32 to index
        %swap3A_585 = arith.index_cast %add3A_582 : i32 to index
        %swap3A_586 = arith.constant 48 : index
        %swap3A_587 = tpu.vector_load %arg12[%swap3A_584, %swap3A_585, %swap3A_586] {strides = array<i32>} : memref<2x32x128xf32, #tpu.memory_space<vmem>>, vector<16xf32>,
        tpu.vector_store %arg12[%swap3A_584, %swap3A_585, %swap3A_586], %mul3A_580 {strides = array<i32>} : memref<2x32x128xf32, #tpu.memory_space<vmem>>, vector<16xf32>,
        %get3A_588 = arith.constant 1 : i32
        %get3A_589 = arith.index_cast %get3A_588 : i32 to index
        %get3A_590 = arith.index_cast %scan3A_442 : i32 to index
        %get3A_591 = arith.constant 192 : index
        %get3A_592 = tpu.vector_load %arg11[%get3A_589, %get3A_590, %get3A_591] {strides = array<i32>} : memref<2x16x256xf32, #tpu.memory_space<vmem>>, vector<16xf32>,
        %mul3A_593 = arith.mulf %get3A_592, %gather3A : vector<16xf32>
        %add3A_594 = arith.constant 16 : i32
        %add3A_595 = arith.addi %add3A_594, %scan3A_442 : i32
        %swap3A_596 = arith.constant 1 : i32
        %swap3A_597 = arith.index_cast %swap3A_596 : i32 to index
        %swap3A_598 = arith.index_cast %add3A_595 : i32 to index
        %swap3A_599 = arith.constant 64 : index
        %swap3A_600 = tpu.vector_load %arg12[%swap3A_597, %swap3A_598, %swap3A_599] {strides = array<i32>} : memref<2x32x128xf32, #tpu.memory_space<vmem>>, vector<16xf32>,
        tpu.vector_store %arg12[%swap3A_597, %swap3A_598, %swap3A_599], %mul3A_593 {strides = array<i32>} : memref<2x32x128xf32, #tpu.memory_space<vmem>>, vector<16xf32>,
        %get3A_601 = arith.constant 1 : i32
        %get3A_602 = arith.index_cast %get3A_601 : i32 to index
        %get3A_603 = arith.index_cast %scan3A_442 : i32 to index
        %get3A_604 = arith.constant 208 : index
        %get3A_605 = tpu.vector_load %arg11[%get3A_602, %get3A_603, %get3A_604] {strides = array<i32>} : memref<2x16x256xf32, #tpu.memory_space<vmem>>, vector<16xf32>,
        %mul3A_606 = arith.mulf %get3A_605, %gather3A : vector<16xf32>
        %add3A_607 = arith.constant 16 : i32
        %add3A_608 = arith.addi %add3A_607, %scan3A_442 : i32
        %swap3A_609 = arith.constant 1 : i32
        %swap3A_610 = arith.index_cast %swap3A_609 : i32 to index
        %swap3A_611 = arith.index_cast %add3A_608 : i32 to index
        %swap3A_612 = arith.constant 80 : index
        %swap3A_613 = tpu.vector_load %arg12[%swap3A_610, %swap3A_611, %swap3A_612] {strides = array<i32>} : memref<2x32x128xf32, #tpu.memory_space<vmem>>, vector<16xf32>,
        tpu.vector_store %arg12[%swap3A_610, %swap3A_611, %swap3A_612], %mul3A_606 {strides = array<i32>} : memref<2x32x128xf32, #tpu.memory_space<vmem>>, vector<16xf32>,
        %get3A_614 = arith.constant 1 : i32
        %get3A_615 = arith.index_cast %get3A_614 : i32 to index
        %get3A_616 = arith.index_cast %scan3A_442 : i32 to index
        %get3A_617 = arith.constant 224 : index
        %get3A_618 = tpu.vector_load %arg11[%get3A_615, %get3A_616, %get3A_617] {strides = array<i32>} : memref<2x16x256xf32, #tpu.memory_space<vmem>>, vector<16xf32>,
        %mul3A_619 = arith.mulf %get3A_618, %gather3A : vector<16xf32>
        %add3A_620 = arith.constant 16 : i32
        %add3A_621 = arith.addi %add3A_620, %scan3A_442 : i32
        %swap3A_622 = arith.constant 1 : i32
        %swap3A_623 = arith.index_cast %swap3A_622 : i32 to index
        %swap3A_624 = arith.index_cast %add3A_621 : i32 to index
        %swap3A_625 = arith.constant 96 : index
        %swap3A_626 = tpu.vector_load %arg12[%swap3A_623, %swap3A_624, %swap3A_625] {strides = array<i32>} : memref<2x32x128xf32, #tpu.memory_space<vmem>>, vector<16xf32>,
        tpu.vector_store %arg12[%swap3A_623, %swap3A_624, %swap3A_625], %mul3A_619 {strides = array<i32>} : memref<2x32x128xf32, #tpu.memory_space<vmem>>, vector<16xf32>,
        %get3A_627 = arith.constant 1 : i32
        %get3A_628 = arith.index_cast %get3A_627 : i32 to index
        %get3A_629 = arith.index_cast %scan3A_442 : i32 to index
        %get3A_630 = arith.constant 240 : index
        %get3A_631 = tpu.vector_load %arg11[%get3A_628, %get3A_629, %get3A_630] {strides = array<i32>} : memref<2x16x256xf32, #tpu.memory_space<vmem>>, vector<16xf32>,
        %mul3A_632 = arith.mulf %get3A_631, %gather3A : vector<16xf32>
        %add3A_633 = arith.constant 16 : i32
        %add3A_634 = arith.addi %add3A_633, %scan3A_442 : i32
        %swap3A_635 = arith.constant 1 : i32
        %swap3A_636 = arith.index_cast %swap3A_635 : i32 to index
        %swap3A_637 = arith.index_cast %add3A_634 : i32 to index
        %swap3A_638 = arith.constant 112 : index
        %swap3A_639 = tpu.vector_load %arg12[%swap3A_636, %swap3A_637, %swap3A_638] {strides = array<i32>} : memref<2x32x128xf32, #tpu.memory_space<vmem>>, vector<16xf32>,
        tpu.vector_store %arg12[%swap3A_636, %swap3A_637, %swap3A_638], %mul3A_632 {strides = array<i32>} : memref<2x32x128xf32, #tpu.memory_space<vmem>>, vector<16xf32>,
      }
      %scan3A_412 = arith.constant 16 : i32
      %dma_start3A_413 = arith.constant 1 : i32
      %dma_start3A_414 = arith.constant 2 : i32
      %dma_start3A_415 = arith.constant 0 : i32
      %dma_start3A_416 = arith.constant 0 : i32
      %dma_start3A_417 = tpu.memref_slice %arg12[%dma_start3A_413, %dma_start3A_415, %dma_start3A_416] : memref<2x32x128xf32, #tpu.memory_space<vmem>> -> memref<1x16x128xf32, #tpu.memory_space<vmem>>
      %dma_start3A_418 = tpu.memref_squeeze %dma_start3A_417 : memref<1x16x128xf32, #tpu.memory_space<vmem>> -> memref<16x128xf32, #tpu.memory_space<vmem>>
      %dma_start3A_419 = arith.constant 0 : i32
      %dma_start3A_420 = tpu.memref_slice %arg10[%dma_start3A_414, %dma_start3A_419] : memref<4x16xi32, #tpu.memory_space<vmem>> -> memref<1x16xi32, #tpu.memory_space<vmem>>
      %dma_start3A_421 = tpu.memref_squeeze %dma_start3A_420 : memref<1x16xi32, #tpu.memory_space<vmem>> -> memref<16xi32, #tpu.memory_space<vmem>>
      %dma_start3A_422 = arith.constant 0 : i32
      %dma_start3A_423 = arith.constant 0 : i32
      %dma_start3A_424 = tpu.memref_slice %arg13[%dma_start3A_422, %dma_start3A_423] : memref<10240x128xf32, #tpu.memory_space<vmem_shared>> -> memref<10240x128xf32, #tpu.memory_space<vmem_shared>>
      tpu.enqueue_indirect_dma source(%dma_start3A_418 : memref<16x128xf32, #tpu.memory_space<vmem>>) target(%dma_start3A_424 : memref<10240x128xf32, #tpu.memory_space<vmem_shared>>) offsets(%dma_start3A_421 : memref<16xi32, #tpu.memory_space<vmem>>) semaphore(%arg17 : memref<!tpu.dma_semaphore, #tpu.memory_space<semaphore_mem>>) {add = true}
      %dma_start3A_425 = arith.constant 1 : i32
      %dma_start3A_426 = arith.constant 3 : i32
      %dma_start3A_427 = arith.constant 16 : i32
      %dma_start3A_428 = arith.constant 0 : i32
      %dma_start3A_429 = tpu.memref_slice %arg12[%dma_start3A_425, %dma_start3A_427, %dma_start3A_428] : memref<2x32x128xf32, #tpu.memory_space<vmem>> -> memref<1x16x128xf32, #tpu.memory_space<vmem>>
      %dma_start3A_430 = tpu.memref_squeeze %dma_start3A_429 : memref<1x16x128xf32, #tpu.memory_space<vmem>> -> memref<16x128xf32, #tpu.memory_space<vmem>>
      %dma_start3A_431 = arith.constant 0 : i32
      %dma_start3A_432 = tpu.memref_slice %arg10[%dma_start3A_426, %dma_start3A_431] : memref<4x16xi32, #tpu.memory_space<vmem>> -> memref<1x16xi32, #tpu.memory_space<vmem>>
      %dma_start3A_433 = tpu.memref_squeeze %dma_start3A_432 : memref<1x16xi32, #tpu.memory_space<vmem>> -> memref<16xi32, #tpu.memory_space<vmem>>
      %dma_start3A_434 = arith.constant 0 : i32
      %dma_start3A_435 = arith.constant 0 : i32
      %dma_start3A_436 = tpu.memref_slice %arg13[%dma_start3A_434, %dma_start3A_435] : memref<10240x128xf32, #tpu.memory_space<vmem_shared>> -> memref<10240x128xf32, #tpu.memory_space<vmem_shared>>
      tpu.enqueue_indirect_dma source(%dma_start3A_430 : memref<16x128xf32, #tpu.memory_space<vmem>>) target(%dma_start3A_436 : memref<10240x128xf32, #tpu.memory_space<vmem_shared>>) offsets(%dma_start3A_433 : memref<16xi32, #tpu.memory_space<vmem>>) semaphore(%arg17 : memref<!tpu.dma_semaphore, #tpu.memory_space<semaphore_mem>>) {add = true}
      %lt3A_437 = arith.constant 311 : i32
      %lt3A_438 = arith.cmpi slt, %scan3A_255, %lt3A_437 : i32
      %convert_element_type3A_439 = arith.extui %lt3A_438 : i1 to i32
      %cond3A_440 = arith.constant 0 : i32
      %cond3A_441 = arith.cmpi ne, %convert_element_type3A_439, %cond3A_440 : i32
      scf.if %cond3A_441 {
        %dma_wait3A_442 = arith.constant 0 : i32
        %dma_wait3A_443 = arith.constant 0 : i32
        %dma_wait3A_444 = arith.constant 0 : i32
        %dma_wait3A_445 = tpu.memref_slice %arg11[%dma_wait3A_442, %dma_wait3A_443, %dma_wait3A_444] : memref<2x16x256xf32, #tpu.memory_space<vmem>> -> memref<1x16x256xf32, #tpu.memory_space<vmem>>
        %dma_wait3A_446 = tpu.memref_squeeze %dma_wait3A_445 : memref<1x16x256xf32, #tpu.memory_space<vmem>> -> memref<16x256xf32, #tpu.memory_space<vmem>>
        %dma_wait3A_447 = arith.constant 0 : i32
        %dma_wait3A_448 = tpu.memref_slice %arg7[%dma_wait3A_447] : memref<10000xi32, #tpu.memory_space<vmem>> -> memref<16xi32, #tpu.memory_space<vmem>>
        %dma_wait3A_449 = arith.constant 0 : i32
        %dma_wait3A_450 = arith.constant 0 : i32
        %dma_wait3A_451 = tpu.memref_slice %arg2[%dma_wait3A_449, %dma_wait3A_450] : memref<10000x256xf32, #tpu.memory_space<hbm>> -> memref<10000x256xf32, #tpu.memory_space<hbm>>
        tpu.wait_indirect_dma semaphore(%arg14 : memref<!tpu.dma_semaphore, #tpu.memory_space<semaphore_mem>>) src(%dma_wait3A_451 : memref<10000x256xf32, #tpu.memory_space<hbm>>) dst(%dma_wait3A_446 : memref<16x256xf32, #tpu.memory_space<vmem>>)
      } else {
      }
    }
    %scan3A_92 = arith.constant 312 : i32
    %dma_start3A_93 = arith.constant 0 : i32
    %dma_start3A_94 = arith.constant 0 : i32
    %dma_start3A_95 = arith.constant 0 : i32
    %dma_start3A_96 = tpu.memref_slice %arg11[%dma_start3A_93, %dma_start3A_94, %dma_start3A_95] : memref<2x16x256xf32, #tpu.memory_space<vmem>> -> memref<1x16x256xf32, #tpu.memory_space<vmem>>
    %dma_start3A_97 = tpu.memref_squeeze %dma_start3A_96 : memref<1x16x256xf32, #tpu.memory_space<vmem>> -> memref<16x256xf32, #tpu.memory_space<vmem>>
    %dma_start3A_98 = arith.constant 9984 : i32
    %dma_start3A_99 = tpu.memref_slice %arg7[%dma_start3A_98] : memref<10000xi32, #tpu.memory_space<vmem>> -> memref<16xi32, #tpu.memory_space<vmem>>
    %dma_start3A_100 = arith.constant 0 : i32
    %dma_start3A_101 = arith.constant 0 : i32
    %dma_start3A_102 = tpu.memref_slice %arg2[%dma_start3A_100, %dma_start3A_101] : memref<10000x256xf32, #tpu.memory_space<hbm>> -> memref<10000x256xf32, #tpu.memory_space<hbm>>
    tpu.enqueue_indirect_dma source(%dma_start3A_102 : memref<10000x256xf32, #tpu.memory_space<hbm>>) target(%dma_start3A_97 : memref<16x256xf32, #tpu.memory_space<vmem>>) offsets(%dma_start3A_99 : memref<16xi32, #tpu.memory_space<vmem>>) semaphore(%arg14 : memref<!tpu.dma_semaphore, #tpu.memory_space<semaphore_mem>>)
    %dma_wait3A_103 = arith.constant 0 : i32
    %dma_wait3A_104 = arith.constant 0 : i32
    %dma_wait3A_105 = arith.constant 0 : i32
    %dma_wait3A_106 = tpu.memref_slice %arg11[%dma_wait3A_103, %dma_wait3A_104, %dma_wait3A_105] : memref<2x16x256xf32, #tpu.memory_space<vmem>> -> memref<1x16x256xf32, #tpu.memory_space<vmem>>
    %dma_wait3A_107 = tpu.memref_squeeze %dma_wait3A_106 : memref<1x16x256xf32, #tpu.memory_space<vmem>> -> memref<16x256xf32, #tpu.memory_space<vmem>>
    %dma_wait3A_108 = arith.constant 0 : i32
    %dma_wait3A_109 = tpu.memref_slice %arg7[%dma_wait3A_108] : memref<10000xi32, #tpu.memory_space<vmem>> -> memref<16xi32, #tpu.memory_space<vmem>>
    %dma_wait3A_110 = arith.constant 0 : i32
    %dma_wait3A_111 = arith.constant 0 : i32
    %dma_wait3A_112 = tpu.memref_slice %arg2[%dma_wait3A_110, %dma_wait3A_111] : memref<10000x256xf32, #tpu.memory_space<hbm>> -> memref<10000x256xf32, #tpu.memory_space<hbm>>
    tpu.wait_indirect_dma semaphore(%arg14 : memref<!tpu.dma_semaphore, #tpu.memory_space<semaphore_mem>>) src(%dma_wait3A_112 : memref<10000x256xf32, #tpu.memory_space<hbm>>) dst(%dma_wait3A_107 : memref<16x256xf32, #tpu.memory_space<vmem>>)
    %dma_wait3A_113 = arith.constant 0 : i32
    %dma_wait3A_114 = arith.constant 0 : i32
    %dma_wait3A_115 = arith.constant 0 : i32
    %dma_wait3A_116 = arith.constant 0 : i32
    %dma_wait3A_117 = tpu.memref_slice %arg12[%dma_wait3A_113, %dma_wait3A_115, %dma_wait3A_116] : memref<2x32x128xf32, #tpu.memory_space<vmem>> -> memref<1x16x128xf32, #tpu.memory_space<vmem>>
    %dma_wait3A_118 = tpu.memref_squeeze %dma_wait3A_117 : memref<1x16x128xf32, #tpu.memory_space<vmem>> -> memref<16x128xf32, #tpu.memory_space<vmem>>
    %dma_wait3A_119 = arith.constant 0 : i32
    %dma_wait3A_120 = tpu.memref_slice %arg10[%dma_wait3A_114, %dma_wait3A_119] : memref<4x16xi32, #tpu.memory_space<vmem>> -> memref<1x16xi32, #tpu.memory_space<vmem>>
    %dma_wait3A_121 = tpu.memref_squeeze %dma_wait3A_120 : memref<1x16xi32, #tpu.memory_space<vmem>> -> memref<16xi32, #tpu.memory_space<vmem>>
    %dma_wait3A_122 = arith.constant 0 : i32
    %dma_wait3A_123 = arith.constant 0 : i32
    %dma_wait3A_124 = tpu.memref_slice %arg13[%dma_wait3A_122, %dma_wait3A_123] : memref<10240x128xf32, #tpu.memory_space<vmem_shared>> -> memref<10240x128xf32, #tpu.memory_space<vmem_shared>>
    tpu.wait_indirect_dma semaphore(%arg16 : memref<!tpu.dma_semaphore, #tpu.memory_space<semaphore_mem>>) src(%dma_wait3A_118 : memref<16x128xf32, #tpu.memory_space<vmem>>) dst(%dma_wait3A_124 : memref<10240x128xf32, #tpu.memory_space<vmem_shared>>)
    %dma_wait3A_125 = arith.constant 0 : i32
    %dma_wait3A_126 = arith.constant 0 : i32
    %dma_wait3A_127 = arith.constant 0 : i32
    %dma_wait3A_128 = arith.constant 0 : i32
    %dma_wait3A_129 = tpu.memref_slice %arg12[%dma_wait3A_125, %dma_wait3A_127, %dma_wait3A_128] : memref<2x32x128xf32, #tpu.memory_space<vmem>> -> memref<1x16x128xf32, #tpu.memory_space<vmem>>
    %dma_wait3A_130 = tpu.memref_squeeze %dma_wait3A_129 : memref<1x16x128xf32, #tpu.memory_space<vmem>> -> memref<16x128xf32, #tpu.memory_space<vmem>>
    %dma_wait3A_131 = arith.constant 0 : i32
    %dma_wait3A_132 = tpu.memref_slice %arg10[%dma_wait3A_126, %dma_wait3A_131] : memref<4x16xi32, #tpu.memory_space<vmem>> -> memref<1x16xi32, #tpu.memory_space<vmem>>
    %dma_wait3A_133 = tpu.memref_squeeze %dma_wait3A_132 : memref<1x16xi32, #tpu.memory_space<vmem>> -> memref<16xi32, #tpu.memory_space<vmem>>
    %dma_wait3A_134 = arith.constant 0 : i32
    %dma_wait3A_135 = arith.constant 0 : i32
    %dma_wait3A_136 = tpu.memref_slice %arg13[%dma_wait3A_134, %dma_wait3A_135] : memref<10240x128xf32, #tpu.memory_space<vmem_shared>> -> memref<10240x128xf32, #tpu.memory_space<vmem_shared>>
    tpu.wait_indirect_dma semaphore(%arg16 : memref<!tpu.dma_semaphore, #tpu.memory_space<semaphore_mem>>) src(%dma_wait3A_130 : memref<16x128xf32, #tpu.memory_space<vmem>>) dst(%dma_wait3A_136 : memref<10240x128xf32, #tpu.memory_space<vmem_shared>>)
    %scan3A_137 = arith.constant 0 : i32
    %scan3A_138 = arith.constant 0 : i32
    %mul3A_139 = arith.constant 16 : i32
    %mul3A_140 = arith.muli %scan3A_138, %mul3A_139 : i32
    %add3A_141 = arith.constant 9984 : i32
    %add3A_142 = arith.addi %add3A_141, %mul3A_140 : i32
    %get3A = arith.index_cast %add3A_142 : i32 to index
    %get3A_143 = tpu.vector_load %arg8[%get3A] {strides = array<i32>} : memref<10000xi32, #tpu.memory_space<vmem>>, vector<16xi32>,
    %sub3A = vector.broadcast %mul3A_0 : i32 to vector<16xi32>
    %sub3A_144 = arith.subi %get3A_143, %sub3A : vector<16xi32>
    %ge3A = arith.constant 0 : i32
    %ge3A_145 = vector.broadcast %ge3A : i32 to vector<16xi32>
    %ge3A_146 = arith.cmpi sge, %sub3A_144, %ge3A_145 : vector<16xi32>
    %lt3A = arith.constant 5000 : i32
    %lt3A_147 = vector.broadcast %lt3A : i32 to vector<16xi32>
    %lt3A_148 = arith.cmpi slt, %sub3A_144, %lt3A_147 : vector<16xi32>
    %and3A = arith.andi %ge3A_146, %lt3A_148 : vector<16xi1>
    %and3A_149 = arith.constant 63 : i32
    %and3A_150 = vector.broadcast %and3A_149 : i32 to vector<16xi32>
    %and3A_151 = arith.andi %get3A_143, %and3A_150 : vector<16xi32>
    %add3A_152 = arith.constant 5000 : i32
    %add3A_153 = vector.broadcast %add3A_152 : i32 to vector<16xi32>
    %add3A_154 = arith.addi %add3A_153, %and3A_151 : vector<16xi32>
    %select_n3A = arith.select %and3A, %sub3A_144, %add3A_154 : vector<16xi1>, vector<16xi32>
    %mul3A_155 = arith.constant 16 : i32
    %mul3A_156 = arith.muli %scan3A_138, %mul3A_155 : i32
    %swap3A = arith.constant 0 : i32
    %swap3A_157 = arith.index_cast %swap3A : i32 to index
    %swap3A_158 = arith.index_cast %mul3A_156 : i32 to index
    %swap3A_159 = tpu.vector_load %arg10[%swap3A_157, %swap3A_158] {strides = array<i32>} : memref<4x16xi32, #tpu.memory_space<vmem>>, vector<16xi32>,
    tpu.vector_store %arg10[%swap3A_157, %swap3A_158], %select_n3A {strides = array<i32>} : memref<4x16xi32, #tpu.memory_space<vmem>>, vector<16xi32>,
    %add3A_160 = arith.constant 5120 : i32
    %add3A_161 = vector.broadcast %add3A_160 : i32 to vector<16xi32>
    %add3A_162 = arith.addi %select_n3A, %add3A_161 : vector<16xi32>
    %mul3A_163 = arith.constant 16 : i32
    %mul3A_164 = arith.muli %scan3A_138, %mul3A_163 : i32
    %swap3A_165 = arith.constant 1 : i32
    %swap3A_166 = arith.index_cast %swap3A_165 : i32 to index
    %swap3A_167 = arith.index_cast %mul3A_164 : i32 to index
    %swap3A_168 = tpu.vector_load %arg10[%swap3A_166, %swap3A_167] {strides = array<i32>} : memref<4x16xi32, #tpu.memory_space<vmem>>, vector<16xi32>,
    tpu.vector_store %arg10[%swap3A_166, %swap3A_167], %add3A_162 {strides = array<i32>} : memref<4x16xi32, #tpu.memory_space<vmem>>, vector<16xi32>,
    %scan3A_169 = arith.constant 1 : i32
    %scan3A_170 = arith.constant 0 : i32
    %scan3A_171 = arith.constant 0 : i32
    %scan3A_172 = arith.constant 16 : i32
    %scan3A_173 = arith.addi %scan3A_171, %scan3A_172 : i32
    %scan3A_174 = arith.constant 1 : i32
    scf.for %scan3A_255 = %scan3A_171 to %scan3A_173 step %scan3A_174  : i32 {
      %broadcast_in_dim3A_256 = arith.constant 9984 : i32
      %broadcast_in_dim3A_257 = vector.broadcast %broadcast_in_dim3A_256 : i32 to vector<16xi32>
      %add3A_258 = vector.broadcast %scan3A_255 : i32 to vector<16xi32>
      %add3A_259 = arith.addi %broadcast_in_dim3A_257, %add3A_258 : vector<16xi32>
      %gather3A = tpu.vector_load_idx %arg9[%add3A_259] : memref<10000xf32, #tpu.memory_space<vmem>>[vector<16xi32>], vector<16xf32>,
      %get3A_260 = arith.constant 0 : i32
      %get3A_261 = arith.index_cast %get3A_260 : i32 to index
      %get3A_262 = arith.index_cast %scan3A_255 : i32 to index
      %get3A_263 = arith.constant 0 : index
      %get3A_264 = tpu.vector_load %arg11[%get3A_261, %get3A_262, %get3A_263] {strides = array<i32>} : memref<2x16x256xf32, #tpu.memory_space<vmem>>, vector<16xf32>,
      %mul3A_265 = arith.mulf %get3A_264, %gather3A : vector<16xf32>
      %swap3A_266 = arith.constant 0 : i32
      %swap3A_267 = arith.index_cast %swap3A_266 : i32 to index
      %swap3A_268 = arith.index_cast %scan3A_255 : i32 to index
      %swap3A_269 = arith.constant 0 : index
      %swap3A_270 = tpu.vector_load %arg12[%swap3A_267, %swap3A_268, %swap3A_269] {strides = array<i32>} : memref<2x32x128xf32, #tpu.memory_space<vmem>>, vector<16xf32>,
      tpu.vector_store %arg12[%swap3A_267, %swap3A_268, %swap3A_269], %mul3A_265 {strides = array<i32>} : memref<2x32x128xf32, #tpu.memory_space<vmem>>, vector<16xf32>,
      %get3A_271 = arith.constant 0 : i32
      %get3A_272 = arith.index_cast %get3A_271 : i32 to index
      %get3A_273 = arith.index_cast %scan3A_255 : i32 to index
      %get3A_274 = arith.constant 16 : index
      %get3A_275 = tpu.vector_load %arg11[%get3A_272, %get3A_273, %get3A_274] {strides = array<i32>} : memref<2x16x256xf32, #tpu.memory_space<vmem>>, vector<16xf32>,
      %mul3A_276 = arith.mulf %get3A_275, %gather3A : vector<16xf32>
      %swap3A_277 = arith.constant 0 : i32
      %swap3A_278 = arith.index_cast %swap3A_277 : i32 to index
      %swap3A_279 = arith.index_cast %scan3A_255 : i32 to index
      %swap3A_280 = arith.constant 16 : index
      %swap3A_281 = tpu.vector_load %arg12[%swap3A_278, %swap3A_279, %swap3A_280] {strides = array<i32>} : memref<2x32x128xf32, #tpu.memory_space<vmem>>, vector<16xf32>,
      tpu.vector_store %arg12[%swap3A_278, %swap3A_279, %swap3A_280], %mul3A_276 {strides = array<i32>} : memref<2x32x128xf32, #tpu.memory_space<vmem>>, vector<16xf32>,
      %get3A_282 = arith.constant 0 : i32
      %get3A_283 = arith.index_cast %get3A_282 : i32 to index
      %get3A_284 = arith.index_cast %scan3A_255 : i32 to index
      %get3A_285 = arith.constant 32 : index
      %get3A_286 = tpu.vector_load %arg11[%get3A_283, %get3A_284, %get3A_285] {strides = array<i32>} : memref<2x16x256xf32, #tpu.memory_space<vmem>>, vector<16xf32>,
      %mul3A_287 = arith.mulf %get3A_286, %gather3A : vector<16xf32>
      %swap3A_288 = arith.constant 0 : i32
      %swap3A_289 = arith.index_cast %swap3A_288 : i32 to index
      %swap3A_290 = arith.index_cast %scan3A_255 : i32 to index
      %swap3A_291 = arith.constant 32 : index
      %swap3A_292 = tpu.vector_load %arg12[%swap3A_289, %swap3A_290, %swap3A_291] {strides = array<i32>} : memref<2x32x128xf32, #tpu.memory_space<vmem>>, vector<16xf32>,
      tpu.vector_store %arg12[%swap3A_289, %swap3A_290, %swap3A_291], %mul3A_287 {strides = array<i32>} : memref<2x32x128xf32, #tpu.memory_space<vmem>>, vector<16xf32>,
      %get3A_293 = arith.constant 0 : i32
      %get3A_294 = arith.index_cast %get3A_293 : i32 to index
      %get3A_295 = arith.index_cast %scan3A_255 : i32 to index
      %get3A_296 = arith.constant 48 : index
      %get3A_297 = tpu.vector_load %arg11[%get3A_294, %get3A_295, %get3A_296] {strides = array<i32>} : memref<2x16x256xf32, #tpu.memory_space<vmem>>, vector<16xf32>,
      %mul3A_298 = arith.mulf %get3A_297, %gather3A : vector<16xf32>
      %swap3A_299 = arith.constant 0 : i32
      %swap3A_300 = arith.index_cast %swap3A_299 : i32 to index
      %swap3A_301 = arith.index_cast %scan3A_255 : i32 to index
      %swap3A_302 = arith.constant 48 : index
      %swap3A_303 = tpu.vector_load %arg12[%swap3A_300, %swap3A_301, %swap3A_302] {strides = array<i32>} : memref<2x32x128xf32, #tpu.memory_space<vmem>>, vector<16xf32>,
      tpu.vector_store %arg12[%swap3A_300, %swap3A_301, %swap3A_302], %mul3A_298 {strides = array<i32>} : memref<2x32x128xf32, #tpu.memory_space<vmem>>, vector<16xf32>,
      %get3A_304 = arith.constant 0 : i32
      %get3A_305 = arith.index_cast %get3A_304 : i32 to index
      %get3A_306 = arith.index_cast %scan3A_255 : i32 to index
      %get3A_307 = arith.constant 64 : index
      %get3A_308 = tpu.vector_load %arg11[%get3A_305, %get3A_306, %get3A_307] {strides = array<i32>} : memref<2x16x256xf32, #tpu.memory_space<vmem>>, vector<16xf32>,
      %mul3A_309 = arith.mulf %get3A_308, %gather3A : vector<16xf32>
      %swap3A_310 = arith.constant 0 : i32
      %swap3A_311 = arith.index_cast %swap3A_310 : i32 to index
      %swap3A_312 = arith.index_cast %scan3A_255 : i32 to index
      %swap3A_313 = arith.constant 64 : index
      %swap3A_314 = tpu.vector_load %arg12[%swap3A_311, %swap3A_312, %swap3A_313] {strides = array<i32>} : memref<2x32x128xf32, #tpu.memory_space<vmem>>, vector<16xf32>,
      tpu.vector_store %arg12[%swap3A_311, %swap3A_312, %swap3A_313], %mul3A_309 {strides = array<i32>} : memref<2x32x128xf32, #tpu.memory_space<vmem>>, vector<16xf32>,
      %get3A_315 = arith.constant 0 : i32
      %get3A_316 = arith.index_cast %get3A_315 : i32 to index
      %get3A_317 = arith.index_cast %scan3A_255 : i32 to index
      %get3A_318 = arith.constant 80 : index
      %get3A_319 = tpu.vector_load %arg11[%get3A_316, %get3A_317, %get3A_318] {strides = array<i32>} : memref<2x16x256xf32, #tpu.memory_space<vmem>>, vector<16xf32>,
      %mul3A_320 = arith.mulf %get3A_319, %gather3A : vector<16xf32>
      %swap3A_321 = arith.constant 0 : i32
      %swap3A_322 = arith.index_cast %swap3A_321 : i32 to index
      %swap3A_323 = arith.index_cast %scan3A_255 : i32 to index
      %swap3A_324 = arith.constant 80 : index
      %swap3A_325 = tpu.vector_load %arg12[%swap3A_322, %swap3A_323, %swap3A_324] {strides = array<i32>} : memref<2x32x128xf32, #tpu.memory_space<vmem>>, vector<16xf32>,
      tpu.vector_store %arg12[%swap3A_322, %swap3A_323, %swap3A_324], %mul3A_320 {strides = array<i32>} : memref<2x32x128xf32, #tpu.memory_space<vmem>>, vector<16xf32>,
      %get3A_326 = arith.constant 0 : i32
      %get3A_327 = arith.index_cast %get3A_326 : i32 to index
      %get3A_328 = arith.index_cast %scan3A_255 : i32 to index
      %get3A_329 = arith.constant 96 : index
      %get3A_330 = tpu.vector_load %arg11[%get3A_327, %get3A_328, %get3A_329] {strides = array<i32>} : memref<2x16x256xf32, #tpu.memory_space<vmem>>, vector<16xf32>,
      %mul3A_331 = arith.mulf %get3A_330, %gather3A : vector<16xf32>
      %swap3A_332 = arith.constant 0 : i32
      %swap3A_333 = arith.index_cast %swap3A_332 : i32 to index
      %swap3A_334 = arith.index_cast %scan3A_255 : i32 to index
      %swap3A_335 = arith.constant 96 : index
      %swap3A_336 = tpu.vector_load %arg12[%swap3A_333, %swap3A_334, %swap3A_335] {strides = array<i32>} : memref<2x32x128xf32, #tpu.memory_space<vmem>>, vector<16xf32>,
      tpu.vector_store %arg12[%swap3A_333, %swap3A_334, %swap3A_335], %mul3A_331 {strides = array<i32>} : memref<2x32x128xf32, #tpu.memory_space<vmem>>, vector<16xf32>,
      %get3A_337 = arith.constant 0 : i32
      %get3A_338 = arith.index_cast %get3A_337 : i32 to index
      %get3A_339 = arith.index_cast %scan3A_255 : i32 to index
      %get3A_340 = arith.constant 112 : index
      %get3A_341 = tpu.vector_load %arg11[%get3A_338, %get3A_339, %get3A_340] {strides = array<i32>} : memref<2x16x256xf32, #tpu.memory_space<vmem>>, vector<16xf32>,
      %mul3A_342 = arith.mulf %get3A_341, %gather3A : vector<16xf32>
      %swap3A_343 = arith.constant 0 : i32
      %swap3A_344 = arith.index_cast %swap3A_343 : i32 to index
      %swap3A_345 = arith.index_cast %scan3A_255 : i32 to index
      %swap3A_346 = arith.constant 112 : index
      %swap3A_347 = tpu.vector_load %arg12[%swap3A_344, %swap3A_345, %swap3A_346] {strides = array<i32>} : memref<2x32x128xf32, #tpu.memory_space<vmem>>, vector<16xf32>,
      tpu.vector_store %arg12[%swap3A_344, %swap3A_345, %swap3A_346], %mul3A_342 {strides = array<i32>} : memref<2x32x128xf32, #tpu.memory_space<vmem>>, vector<16xf32>,
      %get3A_348 = arith.constant 0 : i32
      %get3A_349 = arith.index_cast %get3A_348 : i32 to index
      %get3A_350 = arith.index_cast %scan3A_255 : i32 to index
      %get3A_351 = arith.constant 128 : index
      %get3A_352 = tpu.vector_load %arg11[%get3A_349, %get3A_350, %get3A_351] {strides = array<i32>} : memref<2x16x256xf32, #tpu.memory_space<vmem>>, vector<16xf32>,
      %mul3A_353 = arith.mulf %get3A_352, %gather3A : vector<16xf32>
      %add3A_354 = arith.constant 16 : i32
      %add3A_355 = arith.addi %add3A_354, %scan3A_255 : i32
      %swap3A_356 = arith.constant 0 : i32
      %swap3A_357 = arith.index_cast %swap3A_356 : i32 to index
      %swap3A_358 = arith.index_cast %add3A_355 : i32 to index
      %swap3A_359 = arith.constant 0 : index
      %swap3A_360 = tpu.vector_load %arg12[%swap3A_357, %swap3A_358, %swap3A_359] {strides = array<i32>} : memref<2x32x128xf32, #tpu.memory_space<vmem>>, vector<16xf32>,
      tpu.vector_store %arg12[%swap3A_357, %swap3A_358, %swap3A_359], %mul3A_353 {strides = array<i32>} : memref<2x32x128xf32, #tpu.memory_space<vmem>>, vector<16xf32>,
      %get3A_361 = arith.constant 0 : i32
      %get3A_362 = arith.index_cast %get3A_361 : i32 to index
      %get3A_363 = arith.index_cast %scan3A_255 : i32 to index
      %get3A_364 = arith.constant 144 : index
      %get3A_365 = tpu.vector_load %arg11[%get3A_362, %get3A_363, %get3A_364] {strides = array<i32>} : memref<2x16x256xf32, #tpu.memory_space<vmem>>, vector<16xf32>,
      %mul3A_366 = arith.mulf %get3A_365, %gather3A : vector<16xf32>
      %add3A_367 = arith.constant 16 : i32
      %add3A_368 = arith.addi %add3A_367, %scan3A_255 : i32
      %swap3A_369 = arith.constant 0 : i32
      %swap3A_370 = arith.index_cast %swap3A_369 : i32 to index
      %swap3A_371 = arith.index_cast %add3A_368 : i32 to index
      %swap3A_372 = arith.constant 16 : index
      %swap3A_373 = tpu.vector_load %arg12[%swap3A_370, %swap3A_371, %swap3A_372] {strides = array<i32>} : memref<2x32x128xf32, #tpu.memory_space<vmem>>, vector<16xf32>,
      tpu.vector_store %arg12[%swap3A_370, %swap3A_371, %swap3A_372], %mul3A_366 {strides = array<i32>} : memref<2x32x128xf32, #tpu.memory_space<vmem>>, vector<16xf32>,
      %get3A_374 = arith.constant 0 : i32
      %get3A_375 = arith.index_cast %get3A_374 : i32 to index
      %get3A_376 = arith.index_cast %scan3A_255 : i32 to index
      %get3A_377 = arith.constant 160 : index
      %get3A_378 = tpu.vector_load %arg11[%get3A_375, %get3A_376, %get3A_377] {strides = array<i32>} : memref<2x16x256xf32, #tpu.memory_space<vmem>>, vector<16xf32>,
      %mul3A_379 = arith.mulf %get3A_378, %gather3A : vector<16xf32>
      %add3A_380 = arith.constant 16 : i32
      %add3A_381 = arith.addi %add3A_380, %scan3A_255 : i32
      %swap3A_382 = arith.constant 0 : i32
      %swap3A_383 = arith.index_cast %swap3A_382 : i32 to index
      %swap3A_384 = arith.index_cast %add3A_381 : i32 to index
      %swap3A_385 = arith.constant 32 : index
      %swap3A_386 = tpu.vector_load %arg12[%swap3A_383, %swap3A_384, %swap3A_385] {strides = array<i32>} : memref<2x32x128xf32, #tpu.memory_space<vmem>>, vector<16xf32>,
      tpu.vector_store %arg12[%swap3A_383, %swap3A_384, %swap3A_385], %mul3A_379 {strides = array<i32>} : memref<2x32x128xf32, #tpu.memory_space<vmem>>, vector<16xf32>,
      %get3A_387 = arith.constant 0 : i32
      %get3A_388 = arith.index_cast %get3A_387 : i32 to index
      %get3A_389 = arith.index_cast %scan3A_255 : i32 to index
      %get3A_390 = arith.constant 176 : index
      %get3A_391 = tpu.vector_load %arg11[%get3A_388, %get3A_389, %get3A_390] {strides = array<i32>} : memref<2x16x256xf32, #tpu.memory_space<vmem>>, vector<16xf32>,
      %mul3A_392 = arith.mulf %get3A_391, %gather3A : vector<16xf32>
      %add3A_393 = arith.constant 16 : i32
      %add3A_394 = arith.addi %add3A_393, %scan3A_255 : i32
      %swap3A_395 = arith.constant 0 : i32
      %swap3A_396 = arith.index_cast %swap3A_395 : i32 to index
      %swap3A_397 = arith.index_cast %add3A_394 : i32 to index
      %swap3A_398 = arith.constant 48 : index
      %swap3A_399 = tpu.vector_load %arg12[%swap3A_396, %swap3A_397, %swap3A_398] {strides = array<i32>} : memref<2x32x128xf32, #tpu.memory_space<vmem>>, vector<16xf32>,
      tpu.vector_store %arg12[%swap3A_396, %swap3A_397, %swap3A_398], %mul3A_392 {strides = array<i32>} : memref<2x32x128xf32, #tpu.memory_space<vmem>>, vector<16xf32>,
      %get3A_400 = arith.constant 0 : i32
      %get3A_401 = arith.index_cast %get3A_400 : i32 to index
      %get3A_402 = arith.index_cast %scan3A_255 : i32 to index
      %get3A_403 = arith.constant 192 : index
      %get3A_404 = tpu.vector_load %arg11[%get3A_401, %get3A_402, %get3A_403] {strides = array<i32>} : memref<2x16x256xf32, #tpu.memory_space<vmem>>, vector<16xf32>,
      %mul3A_405 = arith.mulf %get3A_404, %gather3A : vector<16xf32>
      %add3A_406 = arith.constant 16 : i32
      %add3A_407 = arith.addi %add3A_406, %scan3A_255 : i32
      %swap3A_408 = arith.constant 0 : i32
      %swap3A_409 = arith.index_cast %swap3A_408 : i32 to index
      %swap3A_410 = arith.index_cast %add3A_407 : i32 to index
      %swap3A_411 = arith.constant 64 : index
      %swap3A_412 = tpu.vector_load %arg12[%swap3A_409, %swap3A_410, %swap3A_411] {strides = array<i32>} : memref<2x32x128xf32, #tpu.memory_space<vmem>>, vector<16xf32>,
      tpu.vector_store %arg12[%swap3A_409, %swap3A_410, %swap3A_411], %mul3A_405 {strides = array<i32>} : memref<2x32x128xf32, #tpu.memory_space<vmem>>, vector<16xf32>,
      %get3A_413 = arith.constant 0 : i32
      %get3A_414 = arith.index_cast %get3A_413 : i32 to index
      %get3A_415 = arith.index_cast %scan3A_255 : i32 to index
      %get3A_416 = arith.constant 208 : index
      %get3A_417 = tpu.vector_load %arg11[%get3A_414, %get3A_415, %get3A_416] {strides = array<i32>} : memref<2x16x256xf32, #tpu.memory_space<vmem>>, vector<16xf32>,
      %mul3A_418 = arith.mulf %get3A_417, %gather3A : vector<16xf32>
      %add3A_419 = arith.constant 16 : i32
      %add3A_420 = arith.addi %add3A_419, %scan3A_255 : i32
      %swap3A_421 = arith.constant 0 : i32
      %swap3A_422 = arith.index_cast %swap3A_421 : i32 to index
      %swap3A_423 = arith.index_cast %add3A_420 : i32 to index
      %swap3A_424 = arith.constant 80 : index
      %swap3A_425 = tpu.vector_load %arg12[%swap3A_422, %swap3A_423, %swap3A_424] {strides = array<i32>} : memref<2x32x128xf32, #tpu.memory_space<vmem>>, vector<16xf32>,
      tpu.vector_store %arg12[%swap3A_422, %swap3A_423, %swap3A_424], %mul3A_418 {strides = array<i32>} : memref<2x32x128xf32, #tpu.memory_space<vmem>>, vector<16xf32>,
      %get3A_426 = arith.constant 0 : i32
      %get3A_427 = arith.index_cast %get3A_426 : i32 to index
      %get3A_428 = arith.index_cast %scan3A_255 : i32 to index
      %get3A_429 = arith.constant 224 : index
      %get3A_430 = tpu.vector_load %arg11[%get3A_427, %get3A_428, %get3A_429] {strides = array<i32>} : memref<2x16x256xf32, #tpu.memory_space<vmem>>, vector<16xf32>,
      %mul3A_431 = arith.mulf %get3A_430, %gather3A : vector<16xf32>
      %add3A_432 = arith.constant 16 : i32
      %add3A_433 = arith.addi %add3A_432, %scan3A_255 : i32
      %swap3A_434 = arith.constant 0 : i32
      %swap3A_435 = arith.index_cast %swap3A_434 : i32 to index
      %swap3A_436 = arith.index_cast %add3A_433 : i32 to index
      %swap3A_437 = arith.constant 96 : index
      %swap3A_438 = tpu.vector_load %arg12[%swap3A_435, %swap3A_436, %swap3A_437] {strides = array<i32>} : memref<2x32x128xf32, #tpu.memory_space<vmem>>, vector<16xf32>,
      tpu.vector_store %arg12[%swap3A_435, %swap3A_436, %swap3A_437], %mul3A_431 {strides = array<i32>} : memref<2x32x128xf32, #tpu.memory_space<vmem>>, vector<16xf32>,
      %get3A_439 = arith.constant 0 : i32
      %get3A_440 = arith.index_cast %get3A_439 : i32 to index
      %get3A_441 = arith.index_cast %scan3A_255 : i32 to index
      %get3A_442 = arith.constant 240 : index
      %get3A_443 = tpu.vector_load %arg11[%get3A_440, %get3A_441, %get3A_442] {strides = array<i32>} : memref<2x16x256xf32, #tpu.memory_space<vmem>>, vector<16xf32>,
      %mul3A_444 = arith.mulf %get3A_443, %gather3A : vector<16xf32>
      %add3A_445 = arith.constant 16 : i32
      %add3A_446 = arith.addi %add3A_445, %scan3A_255 : i32
      %swap3A_447 = arith.constant 0 : i32
      %swap3A_448 = arith.index_cast %swap3A_447 : i32 to index
      %swap3A_449 = arith.index_cast %add3A_446 : i32 to index
      %swap3A_450 = arith.constant 112 : index
      %swap3A_451 = tpu.vector_load %arg12[%swap3A_448, %swap3A_449, %swap3A_450] {strides = array<i32>} : memref<2x32x128xf32, #tpu.memory_space<vmem>>, vector<16xf32>,
      tpu.vector_store %arg12[%swap3A_448, %swap3A_449, %swap3A_450], %mul3A_444 {strides = array<i32>} : memref<2x32x128xf32, #tpu.memory_space<vmem>>, vector<16xf32>,
    }
    %scan3A_175 = arith.constant 16 : i32
    %dma_start3A_176 = arith.constant 0 : i32
    %dma_start3A_177 = arith.constant 0 : i32
    %dma_start3A_178 = arith.constant 0 : i32
    %dma_start3A_179 = arith.constant 0 : i32
    %dma_start3A_180 = tpu.memref_slice %arg12[%dma_start3A_176, %dma_start3A_178, %dma_start3A_179] : memref<2x32x128xf32, #tpu.memory_space<vmem>> -> memref<1x16x128xf32, #tpu.memory_space<vmem>>
    %dma_start3A_181 = tpu.memref_squeeze %dma_start3A_180 : memref<1x16x128xf32, #tpu.memory_space<vmem>> -> memref<16x128xf32, #tpu.memory_space<vmem>>
    %dma_start3A_182 = arith.constant 0 : i32
    %dma_start3A_183 = tpu.memref_slice %arg10[%dma_start3A_177, %dma_start3A_182] : memref<4x16xi32, #tpu.memory_space<vmem>> -> memref<1x16xi32, #tpu.memory_space<vmem>>
    %dma_start3A_184 = tpu.memref_squeeze %dma_start3A_183 : memref<1x16xi32, #tpu.memory_space<vmem>> -> memref<16xi32, #tpu.memory_space<vmem>>
    %dma_start3A_185 = arith.constant 0 : i32
    %dma_start3A_186 = arith.constant 0 : i32
    %dma_start3A_187 = tpu.memref_slice %arg13[%dma_start3A_185, %dma_start3A_186] : memref<10240x128xf32, #tpu.memory_space<vmem_shared>> -> memref<10240x128xf32, #tpu.memory_space<vmem_shared>>
    tpu.enqueue_indirect_dma source(%dma_start3A_181 : memref<16x128xf32, #tpu.memory_space<vmem>>) target(%dma_start3A_187 : memref<10240x128xf32, #tpu.memory_space<vmem_shared>>) offsets(%dma_start3A_184 : memref<16xi32, #tpu.memory_space<vmem>>) semaphore(%arg16 : memref<!tpu.dma_semaphore, #tpu.memory_space<semaphore_mem>>) {add = true}
    %dma_start3A_188 = arith.constant 0 : i32
    %dma_start3A_189 = arith.constant 1 : i32
    %dma_start3A_190 = arith.constant 16 : i32
    %dma_start3A_191 = arith.constant 0 : i32
    %dma_start3A_192 = tpu.memref_slice %arg12[%dma_start3A_188, %dma_start3A_190, %dma_start3A_191] : memref<2x32x128xf32, #tpu.memory_space<vmem>> -> memref<1x16x128xf32, #tpu.memory_space<vmem>>
    %dma_start3A_193 = tpu.memref_squeeze %dma_start3A_192 : memref<1x16x128xf32, #tpu.memory_space<vmem>> -> memref<16x128xf32, #tpu.memory_space<vmem>>
    %dma_start3A_194 = arith.constant 0 : i32
    %dma_start3A_195 = tpu.memref_slice %arg10[%dma_start3A_189, %dma_start3A_194] : memref<4x16xi32, #tpu.memory_space<vmem>> -> memref<1x16xi32, #tpu.memory_space<vmem>>
    %dma_start3A_196 = tpu.memref_squeeze %dma_start3A_195 : memref<1x16xi32, #tpu.memory_space<vmem>> -> memref<16xi32, #tpu.memory_space<vmem>>
    %dma_start3A_197 = arith.constant 0 : i32
    %dma_start3A_198 = arith.constant 0 : i32
    %dma_start3A_199 = tpu.memref_slice %arg13[%dma_start3A_197, %dma_start3A_198] : memref<10240x128xf32, #tpu.memory_space<vmem_shared>> -> memref<10240x128xf32, #tpu.memory_space<vmem_shared>>
    tpu.enqueue_indirect_dma source(%dma_start3A_193 : memref<16x128xf32, #tpu.memory_space<vmem>>) target(%dma_start3A_199 : memref<10240x128xf32, #tpu.memory_space<vmem_shared>>) offsets(%dma_start3A_196 : memref<16xi32, #tpu.memory_space<vmem>>) semaphore(%arg16 : memref<!tpu.dma_semaphore, #tpu.memory_space<semaphore_mem>>) {add = true}
    %dma_wait3A_200 = arith.constant 0 : i32
    %dma_wait3A_201 = arith.constant 0 : i32
    %dma_wait3A_202 = arith.constant 0 : i32
    %dma_wait3A_203 = arith.constant 0 : i32
    %dma_wait3A_204 = tpu.memref_slice %arg12[%dma_wait3A_200, %dma_wait3A_202, %dma_wait3A_203] : memref<2x32x128xf32, #tpu.memory_space<vmem>> -> memref<1x16x128xf32, #tpu.memory_space<vmem>>
    %dma_wait3A_205 = tpu.memref_squeeze %dma_wait3A_204 : memref<1x16x128xf32, #tpu.memory_space<vmem>> -> memref<16x128xf32, #tpu.memory_space<vmem>>
    %dma_wait3A_206 = arith.constant 0 : i32
    %dma_wait3A_207 = tpu.memref_slice %arg10[%dma_wait3A_201, %dma_wait3A_206] : memref<4x16xi32, #tpu.memory_space<vmem>> -> memref<1x16xi32, #tpu.memory_space<vmem>>
    %dma_wait3A_208 = tpu.memref_squeeze %dma_wait3A_207 : memref<1x16xi32, #tpu.memory_space<vmem>> -> memref<16xi32, #tpu.memory_space<vmem>>
    %dma_wait3A_209 = arith.constant 0 : i32
    %dma_wait3A_210 = arith.constant 0 : i32
    %dma_wait3A_211 = tpu.memref_slice %arg13[%dma_wait3A_209, %dma_wait3A_210] : memref<10240x128xf32, #tpu.memory_space<vmem_shared>> -> memref<10240x128xf32, #tpu.memory_space<vmem_shared>>
    tpu.wait_indirect_dma semaphore(%arg16 : memref<!tpu.dma_semaphore, #tpu.memory_space<semaphore_mem>>) src(%dma_wait3A_205 : memref<16x128xf32, #tpu.memory_space<vmem>>) dst(%dma_wait3A_211 : memref<10240x128xf32, #tpu.memory_space<vmem_shared>>)
    %dma_wait3A_212 = arith.constant 0 : i32
    %dma_wait3A_213 = arith.constant 0 : i32
    %dma_wait3A_214 = arith.constant 0 : i32
    %dma_wait3A_215 = arith.constant 0 : i32
    %dma_wait3A_216 = tpu.memref_slice %arg12[%dma_wait3A_212, %dma_wait3A_214, %dma_wait3A_215] : memref<2x32x128xf32, #tpu.memory_space<vmem>> -> memref<1x16x128xf32, #tpu.memory_space<vmem>>
    %dma_wait3A_217 = tpu.memref_squeeze %dma_wait3A_216 : memref<1x16x128xf32, #tpu.memory_space<vmem>> -> memref<16x128xf32, #tpu.memory_space<vmem>>
    %dma_wait3A_218 = arith.constant 0 : i32
    %dma_wait3A_219 = tpu.memref_slice %arg10[%dma_wait3A_213, %dma_wait3A_218] : memref<4x16xi32, #tpu.memory_space<vmem>> -> memref<1x16xi32, #tpu.memory_space<vmem>>
    %dma_wait3A_220 = tpu.memref_squeeze %dma_wait3A_219 : memref<1x16xi32, #tpu.memory_space<vmem>> -> memref<16xi32, #tpu.memory_space<vmem>>
    %dma_wait3A_221 = arith.constant 0 : i32
    %dma_wait3A_222 = arith.constant 0 : i32
    %dma_wait3A_223 = tpu.memref_slice %arg13[%dma_wait3A_221, %dma_wait3A_222] : memref<10240x128xf32, #tpu.memory_space<vmem_shared>> -> memref<10240x128xf32, #tpu.memory_space<vmem_shared>>
    tpu.wait_indirect_dma semaphore(%arg16 : memref<!tpu.dma_semaphore, #tpu.memory_space<semaphore_mem>>) src(%dma_wait3A_217 : memref<16x128xf32, #tpu.memory_space<vmem>>) dst(%dma_wait3A_223 : memref<10240x128xf32, #tpu.memory_space<vmem_shared>>)
    %dma_wait3A_224 = arith.constant 1 : i32
    %dma_wait3A_225 = arith.constant 2 : i32
    %dma_wait3A_226 = arith.constant 0 : i32
    %dma_wait3A_227 = arith.constant 0 : i32
    %dma_wait3A_228 = tpu.memref_slice %arg12[%dma_wait3A_224, %dma_wait3A_226, %dma_wait3A_227] : memref<2x32x128xf32, #tpu.memory_space<vmem>> -> memref<1x16x128xf32, #tpu.memory_space<vmem>>
    %dma_wait3A_229 = tpu.memref_squeeze %dma_wait3A_228 : memref<1x16x128xf32, #tpu.memory_space<vmem>> -> memref<16x128xf32, #tpu.memory_space<vmem>>
    %dma_wait3A_230 = arith.constant 0 : i32
    %dma_wait3A_231 = tpu.memref_slice %arg10[%dma_wait3A_225, %dma_wait3A_230] : memref<4x16xi32, #tpu.memory_space<vmem>> -> memref<1x16xi32, #tpu.memory_space<vmem>>
    %dma_wait3A_232 = tpu.memref_squeeze %dma_wait3A_231 : memref<1x16xi32, #tpu.memory_space<vmem>> -> memref<16xi32, #tpu.memory_space<vmem>>
    %dma_wait3A_233 = arith.constant 0 : i32
    %dma_wait3A_234 = arith.constant 0 : i32
    %dma_wait3A_235 = tpu.memref_slice %arg13[%dma_wait3A_233, %dma_wait3A_234] : memref<10240x128xf32, #tpu.memory_space<vmem_shared>> -> memref<10240x128xf32, #tpu.memory_space<vmem_shared>>
    tpu.wait_indirect_dma semaphore(%arg17 : memref<!tpu.dma_semaphore, #tpu.memory_space<semaphore_mem>>) src(%dma_wait3A_229 : memref<16x128xf32, #tpu.memory_space<vmem>>) dst(%dma_wait3A_235 : memref<10240x128xf32, #tpu.memory_space<vmem_shared>>)
    %dma_wait3A_236 = arith.constant 1 : i32
    %dma_wait3A_237 = arith.constant 2 : i32
    %dma_wait3A_238 = arith.constant 0 : i32
    %dma_wait3A_239 = arith.constant 0 : i32
    %dma_wait3A_240 = tpu.memref_slice %arg12[%dma_wait3A_236, %dma_wait3A_238, %dma_wait3A_239] : memref<2x32x128xf32, #tpu.memory_space<vmem>> -> memref<1x16x128xf32, #tpu.memory_space<vmem>>
    %dma_wait3A_241 = tpu.memref_squeeze %dma_wait3A_240 : memref<1x16x128xf32, #tpu.memory_space<vmem>> -> memref<16x128xf32, #tpu.memory_space<vmem>>
    %dma_wait3A_242 = arith.constant 0 : i32
    %dma_wait3A_243 = tpu.memref_slice %arg10[%dma_wait3A_237, %dma_wait3A_242] : memref<4x16xi32, #tpu.memory_space<vmem>> -> memref<1x16xi32, #tpu.memory_space<vmem>>
    %dma_wait3A_244 = tpu.memref_squeeze %dma_wait3A_243 : memref<1x16xi32, #tpu.memory_space<vmem>> -> memref<16xi32, #tpu.memory_space<vmem>>
    %dma_wait3A_245 = arith.constant 0 : i32
    %dma_wait3A_246 = arith.constant 0 : i32
    %dma_wait3A_247 = tpu.memref_slice %arg13[%dma_wait3A_245, %dma_wait3A_246] : memref<10240x128xf32, #tpu.memory_space<vmem_shared>> -> memref<10240x128xf32, #tpu.memory_space<vmem_shared>>
    tpu.wait_indirect_dma semaphore(%arg17 : memref<!tpu.dma_semaphore, #tpu.memory_space<semaphore_mem>>) src(%dma_wait3A_241 : memref<16x128xf32, #tpu.memory_space<vmem>>) dst(%dma_wait3A_247 : memref<10240x128xf32, #tpu.memory_space<vmem_shared>>)
    %barrier3A_248 = arith.constant 0 : index
    tpu.barrier barrier_id(%barrier3A_248)
    %scan3A_249 = arith.constant 0 : i32
    %scan3A_250 = arith.constant 0 : i32
    %scan3A_251 = arith.constant 40 : i32
    %scan3A_252 = arith.addi %scan3A_250, %scan3A_251 : i32
    %scan3A_253 = arith.constant 1 : i32
    scf.for %scan3A_255 = %scan3A_250 to %scan3A_252 step %scan3A_253  : i32 {
      %mul3A_256 = arith.constant 16 : i32
      %mul3A_257 = arith.muli %mul3A_256, %scan3A_255 : i32
      %add3A_258 = arith.addi %arg1, %mul3A_257 : i32
      %lt3A_259 = arith.constant 625 : i32
      %lt3A_260 = arith.cmpi slt, %add3A_258, %lt3A_259 : i32
      %convert_element_type3A = arith.extui %lt3A_260 : i1 to i32
      %cond3A = arith.constant 0 : i32
      %cond3A_261 = arith.cmpi ne, %convert_element_type3A, %cond3A : i32
      scf.if %cond3A_261 {
        %mul3A_262 = arith.constant 8 : i32
        %mul3A_263 = arith.muli %add3A_258, %mul3A_262 : i32
        %add3A_264 = arith.addi %mul3A_0, %mul3A_263 : i32
        "tpu.region"() ({
          %run_scoped3A_268 = tpu.sem_alloc : memref<!tpu.dma_semaphore, #tpu.memory_space<semaphore_mem>>
          %dma_start3A_269 = arith.constant 0 : i32
          %dma_start3A_270 = tpu.memref_slice %arg6[%add3A_264, %dma_start3A_269] : memref<10000x256xf32, #tpu.memory_space<hbm>> -> memref<8x128xf32, #tpu.memory_space<hbm>>
          %dma_start3A_271 = arith.constant 0 : i32
          %dma_start3A_272 = tpu.memref_slice %arg13[%mul3A_263, %dma_start3A_271] : memref<10240x128xf32, #tpu.memory_space<vmem_shared>> -> memref<8x128xf32, #tpu.memory_space<vmem_shared>>
          tpu.enqueue_dma source(%dma_start3A_272 : memref<8x128xf32, #tpu.memory_space<vmem_shared>>) target(%dma_start3A_270 : memref<8x128xf32, #tpu.memory_space<hbm>>) target_semaphore(%run_scoped3A_268 : memref<!tpu.dma_semaphore, #tpu.memory_space<semaphore_mem>>)
          %dma_wait3A_273 = arith.constant 0 : i32
          %dma_wait3A_274 = tpu.memref_slice %arg6[%add3A_264, %dma_wait3A_273] : memref<10000x256xf32, #tpu.memory_space<hbm>> -> memref<8x128xf32, #tpu.memory_space<hbm>>
          %dma_wait3A_275 = arith.constant 0 : i32
          %dma_wait3A_276 = tpu.memref_slice %arg13[%mul3A_263, %dma_wait3A_275] : memref<10240x128xf32, #tpu.memory_space<vmem_shared>> -> memref<8x128xf32, #tpu.memory_space<vmem_shared>>
          tpu.wait_dma2 semaphore(%run_scoped3A_268 : memref<!tpu.dma_semaphore, #tpu.memory_space<semaphore_mem>>) src(%dma_wait3A_276 : memref<8x128xf32, #tpu.memory_space<vmem_shared>>) dst(%dma_wait3A_274 : memref<8x128xf32, #tpu.memory_space<hbm>>)
          tpu.yield
        }) : () -> ()
        %add3A_265 = arith.constant 5120 : i32
        %add3A_266 = arith.addi %add3A_265, %mul3A_263 : i32
        %add3A_267 = arith.addi %mul3A_0, %mul3A_263 : i32
        "tpu.region"() ({
          %run_scoped3A_268 = tpu.sem_alloc : memref<!tpu.dma_semaphore, #tpu.memory_space<semaphore_mem>>
          %dma_start3A_269 = arith.constant 128 : i32
          %dma_start3A_270 = tpu.memref_slice %arg6[%add3A_267, %dma_start3A_269] : memref<10000x256xf32, #tpu.memory_space<hbm>> -> memref<8x128xf32, #tpu.memory_space<hbm>>
          %dma_start3A_271 = arith.constant 0 : i32
          %dma_start3A_272 = tpu.memref_slice %arg13[%add3A_266, %dma_start3A_271] : memref<10240x128xf32, #tpu.memory_space<vmem_shared>> -> memref<8x128xf32, #tpu.memory_space<vmem_shared>>
          tpu.enqueue_dma source(%dma_start3A_272 : memref<8x128xf32, #tpu.memory_space<vmem_shared>>) target(%dma_start3A_270 : memref<8x128xf32, #tpu.memory_space<hbm>>) target_semaphore(%run_scoped3A_268 : memref<!tpu.dma_semaphore, #tpu.memory_space<semaphore_mem>>)
          %dma_wait3A_273 = arith.constant 128 : i32
          %dma_wait3A_274 = tpu.memref_slice %arg6[%add3A_267, %dma_wait3A_273] : memref<10000x256xf32, #tpu.memory_space<hbm>> -> memref<8x128xf32, #tpu.memory_space<hbm>>
          %dma_wait3A_275 = arith.constant 0 : i32
          %dma_wait3A_276 = tpu.memref_slice %arg13[%add3A_266, %dma_wait3A_275] : memref<10240x128xf32, #tpu.memory_space<vmem_shared>> -> memref<8x128xf32, #tpu.memory_space<vmem_shared>>
          tpu.wait_dma2 semaphore(%run_scoped3A_268 : memref<!tpu.dma_semaphore, #tpu.memory_space<semaphore_mem>>) src(%dma_wait3A_276 : memref<8x128xf32, #tpu.memory_space<vmem_shared>>) dst(%dma_wait3A_274 : memref<8x128xf32, #tpu.memory_space<hbm>>)
          tpu.yield
        }) : () -> ()
      } else {
      }
    }
    %scan3A_254 = arith.constant 40 : i32
    return
  }
}

#map = affine_map<(d0, d1) -> (0)>
#map1 = affine_map<(d0, d1) -> (0, 0)>
module attributes {stable_mosaic.version = 14 : i64} {
  func.func @k(%arg0: i32, %arg1: i32, %arg2: memref<160000xi32, #tpu.memory_space<hbm>>, %arg3: memref<160000xi32, #tpu.memory_space<hbm>>, %arg4: memref<10000x256xf32, #tpu.memory_space<hbm>>, %arg5: memref<10000x256xf32, #tpu.memory_space<hbm>>, %arg6: memref<256xf32, #tpu.memory_space<hbm>>, %arg7: memref<160000xf32, #tpu.memory_space<hbm>>, %arg8: memref<5000xi32, #tpu.memory_space<vmem>>, %arg9: memref<5000xi32, #tpu.memory_space<vmem>>, %arg10: memref<2x48x256xf32, #tpu.memory_space<vmem>>, %arg11: memref<2x48x256xf32, #tpu.memory_space<vmem>>, %arg12: memref<768xf32, #tpu.memory_space<vmem>>, %arg13: memref<48xf32, #tpu.memory_space<vmem>>, %arg14: memref<256xf32, #tpu.memory_space<vmem>>, %arg15: memref<!tpu.dma_semaphore, #tpu.memory_space<semaphore_mem>>, %arg16: memref<!tpu.dma_semaphore, #tpu.memory_space<semaphore_mem>>, %arg17: memref<!tpu.dma_semaphore, #tpu.memory_space<semaphore_mem>>, %arg18: memref<!tpu.dma_semaphore, #tpu.memory_space<semaphore_mem>>) attributes {dimension_semantics = [#tpu.dimension_semantics<core_parallel>, #tpu.dimension_semantics<subcore_parallel>], iteration_bounds = array<i64: 2, 16>, scalar_prefetch = 0 : i64, scratch_operands = 11 : i64, tpu.core_type = #tpu.core_type<sc_vector_subcore>, window_params = [{transform_indices = #map}, {transform_indices = #map}, {transform_indices = #map1}, {transform_indices = #map1}, {transform_indices = #map}, {transform_indices = #map}]} {
    %mul3A = arith.constant 2 : i32
    %mul3A_0 = arith.muli %arg1, %mul3A : i32
    %add3A = arith.addi %mul3A_0, %arg0 : i32
    %mul3A_1 = arith.constant 5000 : i32
    %mul3A_2 = arith.muli %add3A, %mul3A_1 : i32
    "tpu.region"() ({
      %run_scoped3A = tpu.sem_alloc : memref<!tpu.dma_semaphore, #tpu.memory_space<semaphore_mem>>
      tpu.enqueue_dma source(%arg6 : memref<256xf32, #tpu.memory_space<hbm>>) target(%arg14 : memref<256xf32, #tpu.memory_space<vmem>>) target_semaphore(%run_scoped3A : memref<!tpu.dma_semaphore, #tpu.memory_space<semaphore_mem>>)
      tpu.wait_dma2 semaphore(%run_scoped3A : memref<!tpu.dma_semaphore, #tpu.memory_space<semaphore_mem>>) src(%arg6 : memref<256xf32, #tpu.memory_space<hbm>>) dst(%arg14 : memref<256xf32, #tpu.memory_space<vmem>>)
      tpu.yield
    }) : () -> ()
    "tpu.region"() ({
      %run_scoped3A = tpu.sem_alloc : memref<!tpu.dma_semaphore, #tpu.memory_space<semaphore_mem>>
      %dma_start3A_131 = tpu.memref_slice %arg2[%mul3A_2] : memref<160000xi32, #tpu.memory_space<hbm>> -> memref<5000xi32, #tpu.memory_space<hbm>>
      %dma_start3A_132 = tpu.memref_slice %arg2[%mul3A_2] : memref<160000xi32, #tpu.memory_space<hbm>> -> memref<5000xi32, #tpu.memory_space<hbm>>
      tpu.enqueue_dma source(%dma_start3A_132 : memref<5000xi32, #tpu.memory_space<hbm>>) target(%arg8 : memref<5000xi32, #tpu.memory_space<vmem>>) target_semaphore(%run_scoped3A : memref<!tpu.dma_semaphore, #tpu.memory_space<semaphore_mem>>)
      %dma_wait3A_133 = tpu.memref_slice %arg2[%mul3A_2] : memref<160000xi32, #tpu.memory_space<hbm>> -> memref<5000xi32, #tpu.memory_space<hbm>>
      %dma_wait3A_134 = tpu.memref_slice %arg2[%mul3A_2] : memref<160000xi32, #tpu.memory_space<hbm>> -> memref<5000xi32, #tpu.memory_space<hbm>>
      tpu.wait_dma2 semaphore(%run_scoped3A : memref<!tpu.dma_semaphore, #tpu.memory_space<semaphore_mem>>) src(%dma_wait3A_134 : memref<5000xi32, #tpu.memory_space<hbm>>) dst(%arg8 : memref<5000xi32, #tpu.memory_space<vmem>>)
      tpu.yield
    }) : () -> ()
    "tpu.region"() ({
      %run_scoped3A = tpu.sem_alloc : memref<!tpu.dma_semaphore, #tpu.memory_space<semaphore_mem>>
      %dma_start3A_131 = tpu.memref_slice %arg3[%mul3A_2] : memref<160000xi32, #tpu.memory_space<hbm>> -> memref<5000xi32, #tpu.memory_space<hbm>>
      %dma_start3A_132 = tpu.memref_slice %arg3[%mul3A_2] : memref<160000xi32, #tpu.memory_space<hbm>> -> memref<5000xi32, #tpu.memory_space<hbm>>
      tpu.enqueue_dma source(%dma_start3A_132 : memref<5000xi32, #tpu.memory_space<hbm>>) target(%arg9 : memref<5000xi32, #tpu.memory_space<vmem>>) target_semaphore(%run_scoped3A : memref<!tpu.dma_semaphore, #tpu.memory_space<semaphore_mem>>)
      %dma_wait3A_133 = tpu.memref_slice %arg3[%mul3A_2] : memref<160000xi32, #tpu.memory_space<hbm>> -> memref<5000xi32, #tpu.memory_space<hbm>>
      %dma_wait3A_134 = tpu.memref_slice %arg3[%mul3A_2] : memref<160000xi32, #tpu.memory_space<hbm>> -> memref<5000xi32, #tpu.memory_space<hbm>>
      tpu.wait_dma2 semaphore(%run_scoped3A : memref<!tpu.dma_semaphore, #tpu.memory_space<semaphore_mem>>) src(%dma_wait3A_134 : memref<5000xi32, #tpu.memory_space<hbm>>) dst(%arg9 : memref<5000xi32, #tpu.memory_space<vmem>>)
      tpu.yield
    }) : () -> ()
    %get3A = arith.constant 0 : index
    %get3A_3 = tpu.vector_load %arg14[%get3A] {strides = array<i32>} : memref<256xf32, #tpu.memory_space<vmem>>, vector<16xf32>,
    %get3A_4 = arith.constant 16 : index
    %get3A_5 = tpu.vector_load %arg14[%get3A_4] {strides = array<i32>} : memref<256xf32, #tpu.memory_space<vmem>>, vector<16xf32>,
    %get3A_6 = arith.constant 32 : index
    %get3A_7 = tpu.vector_load %arg14[%get3A_6] {strides = array<i32>} : memref<256xf32, #tpu.memory_space<vmem>>, vector<16xf32>,
    %get3A_8 = arith.constant 48 : index
    %get3A_9 = tpu.vector_load %arg14[%get3A_8] {strides = array<i32>} : memref<256xf32, #tpu.memory_space<vmem>>, vector<16xf32>,
    %get3A_10 = arith.constant 64 : index
    %get3A_11 = tpu.vector_load %arg14[%get3A_10] {strides = array<i32>} : memref<256xf32, #tpu.memory_space<vmem>>, vector<16xf32>,
    %get3A_12 = arith.constant 80 : index
    %get3A_13 = tpu.vector_load %arg14[%get3A_12] {strides = array<i32>} : memref<256xf32, #tpu.memory_space<vmem>>, vector<16xf32>,
    %get3A_14 = arith.constant 96 : index
    %get3A_15 = tpu.vector_load %arg14[%get3A_14] {strides = array<i32>} : memref<256xf32, #tpu.memory_space<vmem>>, vector<16xf32>,
    %get3A_16 = arith.constant 112 : index
    %get3A_17 = tpu.vector_load %arg14[%get3A_16] {strides = array<i32>} : memref<256xf32, #tpu.memory_space<vmem>>, vector<16xf32>,
    %get3A_18 = arith.constant 128 : index
    %get3A_19 = tpu.vector_load %arg14[%get3A_18] {strides = array<i32>} : memref<256xf32, #tpu.memory_space<vmem>>, vector<16xf32>,
    %get3A_20 = arith.constant 144 : index
    %get3A_21 = tpu.vector_load %arg14[%get3A_20] {strides = array<i32>} : memref<256xf32, #tpu.memory_space<vmem>>, vector<16xf32>,
    %get3A_22 = arith.constant 160 : index
    %get3A_23 = tpu.vector_load %arg14[%get3A_22] {strides = array<i32>} : memref<256xf32, #tpu.memory_space<vmem>>, vector<16xf32>,
    %get3A_24 = arith.constant 176 : index
    %get3A_25 = tpu.vector_load %arg14[%get3A_24] {strides = array<i32>} : memref<256xf32, #tpu.memory_space<vmem>>, vector<16xf32>,
    %get3A_26 = arith.constant 192 : index
    %get3A_27 = tpu.vector_load %arg14[%get3A_26] {strides = array<i32>} : memref<256xf32, #tpu.memory_space<vmem>>, vector<16xf32>,
    %get3A_28 = arith.constant 208 : index
    %get3A_29 = tpu.vector_load %arg14[%get3A_28] {strides = array<i32>} : memref<256xf32, #tpu.memory_space<vmem>>, vector<16xf32>,
    %get3A_30 = arith.constant 224 : index
    %get3A_31 = tpu.vector_load %arg14[%get3A_30] {strides = array<i32>} : memref<256xf32, #tpu.memory_space<vmem>>, vector<16xf32>,
    %get3A_32 = arith.constant 240 : index
    %get3A_33 = tpu.vector_load %arg14[%get3A_32] {strides = array<i32>} : memref<256xf32, #tpu.memory_space<vmem>>, vector<16xf32>,
    %iota3A = tpu.iota {dimensions = array<i32: 0>} : vector<16xi32>
    %dma_start3A = arith.constant 0 : i32
    %dma_start3A_34 = arith.constant 0 : i32
    %dma_start3A_35 = arith.constant 0 : i32
    %dma_start3A_36 = tpu.memref_slice %arg10[%dma_start3A, %dma_start3A_34, %dma_start3A_35] : memref<2x48x256xf32, #tpu.memory_space<vmem>> -> memref<1x40x256xf32, #tpu.memory_space<vmem>>
    %dma_start3A_37 = tpu.memref_squeeze %dma_start3A_36 : memref<1x40x256xf32, #tpu.memory_space<vmem>> -> memref<40x256xf32, #tpu.memory_space<vmem>>
    %dma_start3A_38 = arith.constant 0 : i32
    %dma_start3A_39 = tpu.memref_slice %arg8[%dma_start3A_38] : memref<5000xi32, #tpu.memory_space<vmem>> -> memref<40xi32, #tpu.memory_space<vmem>>
    %dma_start3A_40 = arith.constant 0 : i32
    %dma_start3A_41 = arith.constant 0 : i32
    %dma_start3A_42 = tpu.memref_slice %arg4[%dma_start3A_40, %dma_start3A_41] : memref<10000x256xf32, #tpu.memory_space<hbm>> -> memref<10000x256xf32, #tpu.memory_space<hbm>>
    tpu.enqueue_indirect_dma source(%dma_start3A_42 : memref<10000x256xf32, #tpu.memory_space<hbm>>) target(%dma_start3A_37 : memref<40x256xf32, #tpu.memory_space<vmem>>) offsets(%dma_start3A_39 : memref<40xi32, #tpu.memory_space<vmem>>) semaphore(%arg15 : memref<!tpu.dma_semaphore, #tpu.memory_space<semaphore_mem>>)
    %dma_start3A_43 = arith.constant 0 : i32
    %dma_start3A_44 = arith.constant 0 : i32
    %dma_start3A_45 = arith.constant 0 : i32
    %dma_start3A_46 = tpu.memref_slice %arg11[%dma_start3A_43, %dma_start3A_44, %dma_start3A_45] : memref<2x48x256xf32, #tpu.memory_space<vmem>> -> memref<1x40x256xf32, #tpu.memory_space<vmem>>
    %dma_start3A_47 = tpu.memref_squeeze %dma_start3A_46 : memref<1x40x256xf32, #tpu.memory_space<vmem>> -> memref<40x256xf32, #tpu.memory_space<vmem>>
    %dma_start3A_48 = arith.constant 0 : i32
    %dma_start3A_49 = tpu.memref_slice %arg9[%dma_start3A_48] : memref<5000xi32, #tpu.memory_space<vmem>> -> memref<40xi32, #tpu.memory_space<vmem>>
    %dma_start3A_50 = arith.constant 0 : i32
    %dma_start3A_51 = arith.constant 0 : i32
    %dma_start3A_52 = tpu.memref_slice %arg5[%dma_start3A_50, %dma_start3A_51] : memref<10000x256xf32, #tpu.memory_space<hbm>> -> memref<10000x256xf32, #tpu.memory_space<hbm>>
    tpu.enqueue_indirect_dma source(%dma_start3A_52 : memref<10000x256xf32, #tpu.memory_space<hbm>>) target(%dma_start3A_47 : memref<40x256xf32, #tpu.memory_space<vmem>>) offsets(%dma_start3A_49 : memref<40xi32, #tpu.memory_space<vmem>>) semaphore(%arg17 : memref<!tpu.dma_semaphore, #tpu.memory_space<semaphore_mem>>)
    %dma_wait3A = arith.constant 0 : i32
    %dma_wait3A_53 = arith.constant 0 : i32
    %dma_wait3A_54 = arith.constant 0 : i32
    %dma_wait3A_55 = tpu.memref_slice %arg10[%dma_wait3A, %dma_wait3A_53, %dma_wait3A_54] : memref<2x48x256xf32, #tpu.memory_space<vmem>> -> memref<1x40x256xf32, #tpu.memory_space<vmem>>
    %dma_wait3A_56 = tpu.memref_squeeze %dma_wait3A_55 : memref<1x40x256xf32, #tpu.memory_space<vmem>> -> memref<40x256xf32, #tpu.memory_space<vmem>>
    %dma_wait3A_57 = arith.constant 0 : i32
    %dma_wait3A_58 = tpu.memref_slice %arg8[%dma_wait3A_57] : memref<5000xi32, #tpu.memory_space<vmem>> -> memref<40xi32, #tpu.memory_space<vmem>>
    %dma_wait3A_59 = arith.constant 0 : i32
    %dma_wait3A_60 = arith.constant 0 : i32
    %dma_wait3A_61 = tpu.memref_slice %arg4[%dma_wait3A_59, %dma_wait3A_60] : memref<10000x256xf32, #tpu.memory_space<hbm>> -> memref<10000x256xf32, #tpu.memory_space<hbm>>
    tpu.wait_indirect_dma semaphore(%arg15 : memref<!tpu.dma_semaphore, #tpu.memory_space<semaphore_mem>>) src(%dma_wait3A_61 : memref<10000x256xf32, #tpu.memory_space<hbm>>) dst(%dma_wait3A_56 : memref<40x256xf32, #tpu.memory_space<vmem>>)
    %dma_wait3A_62 = arith.constant 0 : i32
    %dma_wait3A_63 = arith.constant 0 : i32
    %dma_wait3A_64 = arith.constant 0 : i32
    %dma_wait3A_65 = tpu.memref_slice %arg11[%dma_wait3A_62, %dma_wait3A_63, %dma_wait3A_64] : memref<2x48x256xf32, #tpu.memory_space<vmem>> -> memref<1x40x256xf32, #tpu.memory_space<vmem>>
    %dma_wait3A_66 = tpu.memref_squeeze %dma_wait3A_65 : memref<1x40x256xf32, #tpu.memory_space<vmem>> -> memref<40x256xf32, #tpu.memory_space<vmem>>
    %dma_wait3A_67 = arith.constant 0 : i32
    %dma_wait3A_68 = tpu.memref_slice %arg9[%dma_wait3A_67] : memref<5000xi32, #tpu.memory_space<vmem>> -> memref<40xi32, #tpu.memory_space<vmem>>
    %dma_wait3A_69 = arith.constant 0 : i32
    %dma_wait3A_70 = arith.constant 0 : i32
    %dma_wait3A_71 = tpu.memref_slice %arg5[%dma_wait3A_69, %dma_wait3A_70] : memref<10000x256xf32, #tpu.memory_space<hbm>> -> memref<10000x256xf32, #tpu.memory_space<hbm>>
    tpu.wait_indirect_dma semaphore(%arg17 : memref<!tpu.dma_semaphore, #tpu.memory_space<semaphore_mem>>) src(%dma_wait3A_71 : memref<10000x256xf32, #tpu.memory_space<hbm>>) dst(%dma_wait3A_66 : memref<40x256xf32, #tpu.memory_space<vmem>>)
    %scan3A = arith.constant 0 : i32
    %scan3A_72 = arith.constant 0 : i32
    %scan3A_73 = arith.constant 62 : i32
    %scan3A_74 = arith.addi %scan3A_72, %scan3A_73 : i32
    %scan3A_75 = arith.constant 1 : i32
    scf.for %scan3A_131 = %scan3A_72 to %scan3A_74 step %scan3A_75  : i32 {
      %mul3A_132 = arith.constant 2 : i32
      %mul3A_133 = arith.muli %mul3A_132, %scan3A_131 : i32
      %add3A_134 = arith.constant 1 : i32
      %add3A_135 = arith.addi %mul3A_133, %add3A_134 : i32
      %mul3A_136 = arith.constant 40 : i32
      %mul3A_137 = arith.muli %add3A_135, %mul3A_136 : i32
      %dma_start3A_138 = arith.constant 1 : i32
      %dma_start3A_139 = arith.constant 0 : i32
      %dma_start3A_140 = arith.constant 0 : i32
      %dma_start3A_141 = tpu.memref_slice %arg10[%dma_start3A_138, %dma_start3A_139, %dma_start3A_140] : memref<2x48x256xf32, #tpu.memory_space<vmem>> -> memref<1x40x256xf32, #tpu.memory_space<vmem>>
      %dma_start3A_142 = tpu.memref_squeeze %dma_start3A_141 : memref<1x40x256xf32, #tpu.memory_space<vmem>> -> memref<40x256xf32, #tpu.memory_space<vmem>>
      %dma_start3A_143 = tpu.memref_slice %arg8[%mul3A_137] : memref<5000xi32, #tpu.memory_space<vmem>> -> memref<40xi32, #tpu.memory_space<vmem>>
      %dma_start3A_144 = arith.constant 0 : i32
      %dma_start3A_145 = arith.constant 0 : i32
      %dma_start3A_146 = tpu.memref_slice %arg4[%dma_start3A_144, %dma_start3A_145] : memref<10000x256xf32, #tpu.memory_space<hbm>> -> memref<10000x256xf32, #tpu.memory_space<hbm>>
      tpu.enqueue_indirect_dma source(%dma_start3A_146 : memref<10000x256xf32, #tpu.memory_space<hbm>>) target(%dma_start3A_142 : memref<40x256xf32, #tpu.memory_space<vmem>>) offsets(%dma_start3A_143 : memref<40xi32, #tpu.memory_space<vmem>>) semaphore(%arg16 : memref<!tpu.dma_semaphore, #tpu.memory_space<semaphore_mem>>)
      %mul3A_147 = arith.constant 40 : i32
      %mul3A_148 = arith.muli %add3A_135, %mul3A_147 : i32
      %dma_start3A_149 = arith.constant 1 : i32
      %dma_start3A_150 = arith.constant 0 : i32
      %dma_start3A_151 = arith.constant 0 : i32
      %dma_start3A_152 = tpu.memref_slice %arg11[%dma_start3A_149, %dma_start3A_150, %dma_start3A_151] : memref<2x48x256xf32, #tpu.memory_space<vmem>> -> memref<1x40x256xf32, #tpu.memory_space<vmem>>
      %dma_start3A_153 = tpu.memref_squeeze %dma_start3A_152 : memref<1x40x256xf32, #tpu.memory_space<vmem>> -> memref<40x256xf32, #tpu.memory_space<vmem>>
      %dma_start3A_154 = tpu.memref_slice %arg9[%mul3A_148] : memref<5000xi32, #tpu.memory_space<vmem>> -> memref<40xi32, #tpu.memory_space<vmem>>
      %dma_start3A_155 = arith.constant 0 : i32
      %dma_start3A_156 = arith.constant 0 : i32
      %dma_start3A_157 = tpu.memref_slice %arg5[%dma_start3A_155, %dma_start3A_156] : memref<10000x256xf32, #tpu.memory_space<hbm>> -> memref<10000x256xf32, #tpu.memory_space<hbm>>
      tpu.enqueue_indirect_dma source(%dma_start3A_157 : memref<10000x256xf32, #tpu.memory_space<hbm>>) target(%dma_start3A_153 : memref<40x256xf32, #tpu.memory_space<vmem>>) offsets(%dma_start3A_154 : memref<40xi32, #tpu.memory_space<vmem>>) semaphore(%arg18 : memref<!tpu.dma_semaphore, #tpu.memory_space<semaphore_mem>>)
      %scan3A_158 = arith.constant 0 : i32
      %scan3A_159 = arith.constant 0 : i32
      %scan3A_160 = arith.constant 48 : i32
      %scan3A_161 = arith.addi %scan3A_159, %scan3A_160 : i32
      %scan3A_162 = arith.constant 1 : i32
      scf.for %scan3A_217 = %scan3A_159 to %scan3A_161 step %scan3A_162  : i32 {
        %broadcast_in_dim3A = arith.constant 0.000000e+00 : f32
        %broadcast_in_dim3A_218 = vector.broadcast %broadcast_in_dim3A : f32 to vector<16xf32>
        %get3A_219 = arith.constant 0 : i32
        %get3A_220 = arith.index_cast %get3A_219 : i32 to index
        %get3A_221 = arith.index_cast %scan3A_217 : i32 to index
        %get3A_222 = arith.constant 0 : index
        %get3A_223 = tpu.vector_load %arg10[%get3A_220, %get3A_221, %get3A_222] {strides = array<i32>} : memref<2x48x256xf32, #tpu.memory_space<vmem>>, vector<16xf32>,
        %get3A_224 = arith.constant 0 : i32
        %get3A_225 = arith.index_cast %get3A_224 : i32 to index
        %get3A_226 = arith.index_cast %scan3A_217 : i32 to index
        %get3A_227 = arith.constant 0 : index
        %get3A_228 = tpu.vector_load %arg11[%get3A_225, %get3A_226, %get3A_227] {strides = array<i32>} : memref<2x48x256xf32, #tpu.memory_space<vmem>>, vector<16xf32>,
        %add3A_229 = arith.addf %get3A_223, %get3A_228 : vector<16xf32>
        %max3A = arith.constant 0.000000e+00 : f32
        %max3A_230 = vector.broadcast %max3A : f32 to vector<16xf32>
        %max3A_231 = arith.maximumf %add3A_229, %max3A_230 : vector<16xf32>
        %mul3A_232 = arith.mulf %max3A_231, %get3A_3 : vector<16xf32>
        %add3A_233 = arith.addf %broadcast_in_dim3A_218, %mul3A_232 : vector<16xf32>
        %get3A_234 = arith.constant 0 : i32
        %get3A_235 = arith.index_cast %get3A_234 : i32 to index
        %get3A_236 = arith.index_cast %scan3A_217 : i32 to index
        %get3A_237 = arith.constant 16 : index
        %get3A_238 = tpu.vector_load %arg10[%get3A_235, %get3A_236, %get3A_237] {strides = array<i32>} : memref<2x48x256xf32, #tpu.memory_space<vmem>>, vector<16xf32>,
        %get3A_239 = arith.constant 0 : i32
        %get3A_240 = arith.index_cast %get3A_239 : i32 to index
        %get3A_241 = arith.index_cast %scan3A_217 : i32 to index
        %get3A_242 = arith.constant 16 : index
        %get3A_243 = tpu.vector_load %arg11[%get3A_240, %get3A_241, %get3A_242] {strides = array<i32>} : memref<2x48x256xf32, #tpu.memory_space<vmem>>, vector<16xf32>,
        %add3A_244 = arith.addf %get3A_238, %get3A_243 : vector<16xf32>
        %max3A_245 = arith.constant 0.000000e+00 : f32
        %max3A_246 = vector.broadcast %max3A_245 : f32 to vector<16xf32>
        %max3A_247 = arith.maximumf %add3A_244, %max3A_246 : vector<16xf32>
        %mul3A_248 = arith.mulf %max3A_247, %get3A_5 : vector<16xf32>
        %add3A_249 = arith.addf %add3A_233, %mul3A_248 : vector<16xf32>
        %get3A_250 = arith.constant 0 : i32
        %get3A_251 = arith.index_cast %get3A_250 : i32 to index
        %get3A_252 = arith.index_cast %scan3A_217 : i32 to index
        %get3A_253 = arith.constant 32 : index
        %get3A_254 = tpu.vector_load %arg10[%get3A_251, %get3A_252, %get3A_253] {strides = array<i32>} : memref<2x48x256xf32, #tpu.memory_space<vmem>>, vector<16xf32>,
        %get3A_255 = arith.constant 0 : i32
        %get3A_256 = arith.index_cast %get3A_255 : i32 to index
        %get3A_257 = arith.index_cast %scan3A_217 : i32 to index
        %get3A_258 = arith.constant 32 : index
        %get3A_259 = tpu.vector_load %arg11[%get3A_256, %get3A_257, %get3A_258] {strides = array<i32>} : memref<2x48x256xf32, #tpu.memory_space<vmem>>, vector<16xf32>,
        %add3A_260 = arith.addf %get3A_254, %get3A_259 : vector<16xf32>
        %max3A_261 = arith.constant 0.000000e+00 : f32
        %max3A_262 = vector.broadcast %max3A_261 : f32 to vector<16xf32>
        %max3A_263 = arith.maximumf %add3A_260, %max3A_262 : vector<16xf32>
        %mul3A_264 = arith.mulf %max3A_263, %get3A_7 : vector<16xf32>
        %add3A_265 = arith.addf %add3A_249, %mul3A_264 : vector<16xf32>
        %get3A_266 = arith.constant 0 : i32
        %get3A_267 = arith.index_cast %get3A_266 : i32 to index
        %get3A_268 = arith.index_cast %scan3A_217 : i32 to index
        %get3A_269 = arith.constant 48 : index
        %get3A_270 = tpu.vector_load %arg10[%get3A_267, %get3A_268, %get3A_269] {strides = array<i32>} : memref<2x48x256xf32, #tpu.memory_space<vmem>>, vector<16xf32>,
        %get3A_271 = arith.constant 0 : i32
        %get3A_272 = arith.index_cast %get3A_271 : i32 to index
        %get3A_273 = arith.index_cast %scan3A_217 : i32 to index
        %get3A_274 = arith.constant 48 : index
        %get3A_275 = tpu.vector_load %arg11[%get3A_272, %get3A_273, %get3A_274] {strides = array<i32>} : memref<2x48x256xf32, #tpu.memory_space<vmem>>, vector<16xf32>,
        %add3A_276 = arith.addf %get3A_270, %get3A_275 : vector<16xf32>
        %max3A_277 = arith.constant 0.000000e+00 : f32
        %max3A_278 = vector.broadcast %max3A_277 : f32 to vector<16xf32>
        %max3A_279 = arith.maximumf %add3A_276, %max3A_278 : vector<16xf32>
        %mul3A_280 = arith.mulf %max3A_279, %get3A_9 : vector<16xf32>
        %add3A_281 = arith.addf %add3A_265, %mul3A_280 : vector<16xf32>
        %get3A_282 = arith.constant 0 : i32
        %get3A_283 = arith.index_cast %get3A_282 : i32 to index
        %get3A_284 = arith.index_cast %scan3A_217 : i32 to index
        %get3A_285 = arith.constant 64 : index
        %get3A_286 = tpu.vector_load %arg10[%get3A_283, %get3A_284, %get3A_285] {strides = array<i32>} : memref<2x48x256xf32, #tpu.memory_space<vmem>>, vector<16xf32>,
        %get3A_287 = arith.constant 0 : i32
        %get3A_288 = arith.index_cast %get3A_287 : i32 to index
        %get3A_289 = arith.index_cast %scan3A_217 : i32 to index
        %get3A_290 = arith.constant 64 : index
        %get3A_291 = tpu.vector_load %arg11[%get3A_288, %get3A_289, %get3A_290] {strides = array<i32>} : memref<2x48x256xf32, #tpu.memory_space<vmem>>, vector<16xf32>,
        %add3A_292 = arith.addf %get3A_286, %get3A_291 : vector<16xf32>
        %max3A_293 = arith.constant 0.000000e+00 : f32
        %max3A_294 = vector.broadcast %max3A_293 : f32 to vector<16xf32>
        %max3A_295 = arith.maximumf %add3A_292, %max3A_294 : vector<16xf32>
        %mul3A_296 = arith.mulf %max3A_295, %get3A_11 : vector<16xf32>
        %add3A_297 = arith.addf %add3A_281, %mul3A_296 : vector<16xf32>
        %get3A_298 = arith.constant 0 : i32
        %get3A_299 = arith.index_cast %get3A_298 : i32 to index
        %get3A_300 = arith.index_cast %scan3A_217 : i32 to index
        %get3A_301 = arith.constant 80 : index
        %get3A_302 = tpu.vector_load %arg10[%get3A_299, %get3A_300, %get3A_301] {strides = array<i32>} : memref<2x48x256xf32, #tpu.memory_space<vmem>>, vector<16xf32>,
        %get3A_303 = arith.constant 0 : i32
        %get3A_304 = arith.index_cast %get3A_303 : i32 to index
        %get3A_305 = arith.index_cast %scan3A_217 : i32 to index
        %get3A_306 = arith.constant 80 : index
        %get3A_307 = tpu.vector_load %arg11[%get3A_304, %get3A_305, %get3A_306] {strides = array<i32>} : memref<2x48x256xf32, #tpu.memory_space<vmem>>, vector<16xf32>,
        %add3A_308 = arith.addf %get3A_302, %get3A_307 : vector<16xf32>
        %max3A_309 = arith.constant 0.000000e+00 : f32
        %max3A_310 = vector.broadcast %max3A_309 : f32 to vector<16xf32>
        %max3A_311 = arith.maximumf %add3A_308, %max3A_310 : vector<16xf32>
        %mul3A_312 = arith.mulf %max3A_311, %get3A_13 : vector<16xf32>
        %add3A_313 = arith.addf %add3A_297, %mul3A_312 : vector<16xf32>
        %get3A_314 = arith.constant 0 : i32
        %get3A_315 = arith.index_cast %get3A_314 : i32 to index
        %get3A_316 = arith.index_cast %scan3A_217 : i32 to index
        %get3A_317 = arith.constant 96 : index
        %get3A_318 = tpu.vector_load %arg10[%get3A_315, %get3A_316, %get3A_317] {strides = array<i32>} : memref<2x48x256xf32, #tpu.memory_space<vmem>>, vector<16xf32>,
        %get3A_319 = arith.constant 0 : i32
        %get3A_320 = arith.index_cast %get3A_319 : i32 to index
        %get3A_321 = arith.index_cast %scan3A_217 : i32 to index
        %get3A_322 = arith.constant 96 : index
        %get3A_323 = tpu.vector_load %arg11[%get3A_320, %get3A_321, %get3A_322] {strides = array<i32>} : memref<2x48x256xf32, #tpu.memory_space<vmem>>, vector<16xf32>,
        %add3A_324 = arith.addf %get3A_318, %get3A_323 : vector<16xf32>
        %max3A_325 = arith.constant 0.000000e+00 : f32
        %max3A_326 = vector.broadcast %max3A_325 : f32 to vector<16xf32>
        %max3A_327 = arith.maximumf %add3A_324, %max3A_326 : vector<16xf32>
        %mul3A_328 = arith.mulf %max3A_327, %get3A_15 : vector<16xf32>
        %add3A_329 = arith.addf %add3A_313, %mul3A_328 : vector<16xf32>
        %get3A_330 = arith.constant 0 : i32
        %get3A_331 = arith.index_cast %get3A_330 : i32 to index
        %get3A_332 = arith.index_cast %scan3A_217 : i32 to index
        %get3A_333 = arith.constant 112 : index
        %get3A_334 = tpu.vector_load %arg10[%get3A_331, %get3A_332, %get3A_333] {strides = array<i32>} : memref<2x48x256xf32, #tpu.memory_space<vmem>>, vector<16xf32>,
        %get3A_335 = arith.constant 0 : i32
        %get3A_336 = arith.index_cast %get3A_335 : i32 to index
        %get3A_337 = arith.index_cast %scan3A_217 : i32 to index
        %get3A_338 = arith.constant 112 : index
        %get3A_339 = tpu.vector_load %arg11[%get3A_336, %get3A_337, %get3A_338] {strides = array<i32>} : memref<2x48x256xf32, #tpu.memory_space<vmem>>, vector<16xf32>,
        %add3A_340 = arith.addf %get3A_334, %get3A_339 : vector<16xf32>
        %max3A_341 = arith.constant 0.000000e+00 : f32
        %max3A_342 = vector.broadcast %max3A_341 : f32 to vector<16xf32>
        %max3A_343 = arith.maximumf %add3A_340, %max3A_342 : vector<16xf32>
        %mul3A_344 = arith.mulf %max3A_343, %get3A_17 : vector<16xf32>
        %add3A_345 = arith.addf %add3A_329, %mul3A_344 : vector<16xf32>
        %get3A_346 = arith.constant 0 : i32
        %get3A_347 = arith.index_cast %get3A_346 : i32 to index
        %get3A_348 = arith.index_cast %scan3A_217 : i32 to index
        %get3A_349 = arith.constant 128 : index
        %get3A_350 = tpu.vector_load %arg10[%get3A_347, %get3A_348, %get3A_349] {strides = array<i32>} : memref<2x48x256xf32, #tpu.memory_space<vmem>>, vector<16xf32>,
        %get3A_351 = arith.constant 0 : i32
        %get3A_352 = arith.index_cast %get3A_351 : i32 to index
        %get3A_353 = arith.index_cast %scan3A_217 : i32 to index
        %get3A_354 = arith.constant 128 : index
        %get3A_355 = tpu.vector_load %arg11[%get3A_352, %get3A_353, %get3A_354] {strides = array<i32>} : memref<2x48x256xf32, #tpu.memory_space<vmem>>, vector<16xf32>,
        %add3A_356 = arith.addf %get3A_350, %get3A_355 : vector<16xf32>
        %max3A_357 = arith.constant 0.000000e+00 : f32
        %max3A_358 = vector.broadcast %max3A_357 : f32 to vector<16xf32>
        %max3A_359 = arith.maximumf %add3A_356, %max3A_358 : vector<16xf32>
        %mul3A_360 = arith.mulf %max3A_359, %get3A_19 : vector<16xf32>
        %add3A_361 = arith.addf %add3A_345, %mul3A_360 : vector<16xf32>
        %get3A_362 = arith.constant 0 : i32
        %get3A_363 = arith.index_cast %get3A_362 : i32 to index
        %get3A_364 = arith.index_cast %scan3A_217 : i32 to index
        %get3A_365 = arith.constant 144 : index
        %get3A_366 = tpu.vector_load %arg10[%get3A_363, %get3A_364, %get3A_365] {strides = array<i32>} : memref<2x48x256xf32, #tpu.memory_space<vmem>>, vector<16xf32>,
        %get3A_367 = arith.constant 0 : i32
        %get3A_368 = arith.index_cast %get3A_367 : i32 to index
        %get3A_369 = arith.index_cast %scan3A_217 : i32 to index
        %get3A_370 = arith.constant 144 : index
        %get3A_371 = tpu.vector_load %arg11[%get3A_368, %get3A_369, %get3A_370] {strides = array<i32>} : memref<2x48x256xf32, #tpu.memory_space<vmem>>, vector<16xf32>,
        %add3A_372 = arith.addf %get3A_366, %get3A_371 : vector<16xf32>
        %max3A_373 = arith.constant 0.000000e+00 : f32
        %max3A_374 = vector.broadcast %max3A_373 : f32 to vector<16xf32>
        %max3A_375 = arith.maximumf %add3A_372, %max3A_374 : vector<16xf32>
        %mul3A_376 = arith.mulf %max3A_375, %get3A_21 : vector<16xf32>
        %add3A_377 = arith.addf %add3A_361, %mul3A_376 : vector<16xf32>
        %get3A_378 = arith.constant 0 : i32
        %get3A_379 = arith.index_cast %get3A_378 : i32 to index
        %get3A_380 = arith.index_cast %scan3A_217 : i32 to index
        %get3A_381 = arith.constant 160 : index
        %get3A_382 = tpu.vector_load %arg10[%get3A_379, %get3A_380, %get3A_381] {strides = array<i32>} : memref<2x48x256xf32, #tpu.memory_space<vmem>>, vector<16xf32>,
        %get3A_383 = arith.constant 0 : i32
        %get3A_384 = arith.index_cast %get3A_383 : i32 to index
        %get3A_385 = arith.index_cast %scan3A_217 : i32 to index
        %get3A_386 = arith.constant 160 : index
        %get3A_387 = tpu.vector_load %arg11[%get3A_384, %get3A_385, %get3A_386] {strides = array<i32>} : memref<2x48x256xf32, #tpu.memory_space<vmem>>, vector<16xf32>,
        %add3A_388 = arith.addf %get3A_382, %get3A_387 : vector<16xf32>
        %max3A_389 = arith.constant 0.000000e+00 : f32
        %max3A_390 = vector.broadcast %max3A_389 : f32 to vector<16xf32>
        %max3A_391 = arith.maximumf %add3A_388, %max3A_390 : vector<16xf32>
        %mul3A_392 = arith.mulf %max3A_391, %get3A_23 : vector<16xf32>
        %add3A_393 = arith.addf %add3A_377, %mul3A_392 : vector<16xf32>
        %get3A_394 = arith.constant 0 : i32
        %get3A_395 = arith.index_cast %get3A_394 : i32 to index
        %get3A_396 = arith.index_cast %scan3A_217 : i32 to index
        %get3A_397 = arith.constant 176 : index
        %get3A_398 = tpu.vector_load %arg10[%get3A_395, %get3A_396, %get3A_397] {strides = array<i32>} : memref<2x48x256xf32, #tpu.memory_space<vmem>>, vector<16xf32>,
        %get3A_399 = arith.constant 0 : i32
        %get3A_400 = arith.index_cast %get3A_399 : i32 to index
        %get3A_401 = arith.index_cast %scan3A_217 : i32 to index
        %get3A_402 = arith.constant 176 : index
        %get3A_403 = tpu.vector_load %arg11[%get3A_400, %get3A_401, %get3A_402] {strides = array<i32>} : memref<2x48x256xf32, #tpu.memory_space<vmem>>, vector<16xf32>,
        %add3A_404 = arith.addf %get3A_398, %get3A_403 : vector<16xf32>
        %max3A_405 = arith.constant 0.000000e+00 : f32
        %max3A_406 = vector.broadcast %max3A_405 : f32 to vector<16xf32>
        %max3A_407 = arith.maximumf %add3A_404, %max3A_406 : vector<16xf32>
        %mul3A_408 = arith.mulf %max3A_407, %get3A_25 : vector<16xf32>
        %add3A_409 = arith.addf %add3A_393, %mul3A_408 : vector<16xf32>
        %get3A_410 = arith.constant 0 : i32
        %get3A_411 = arith.index_cast %get3A_410 : i32 to index
        %get3A_412 = arith.index_cast %scan3A_217 : i32 to index
        %get3A_413 = arith.constant 192 : index
        %get3A_414 = tpu.vector_load %arg10[%get3A_411, %get3A_412, %get3A_413] {strides = array<i32>} : memref<2x48x256xf32, #tpu.memory_space<vmem>>, vector<16xf32>,
        %get3A_415 = arith.constant 0 : i32
        %get3A_416 = arith.index_cast %get3A_415 : i32 to index
        %get3A_417 = arith.index_cast %scan3A_217 : i32 to index
        %get3A_418 = arith.constant 192 : index
        %get3A_419 = tpu.vector_load %arg11[%get3A_416, %get3A_417, %get3A_418] {strides = array<i32>} : memref<2x48x256xf32, #tpu.memory_space<vmem>>, vector<16xf32>,
        %add3A_420 = arith.addf %get3A_414, %get3A_419 : vector<16xf32>
        %max3A_421 = arith.constant 0.000000e+00 : f32
        %max3A_422 = vector.broadcast %max3A_421 : f32 to vector<16xf32>
        %max3A_423 = arith.maximumf %add3A_420, %max3A_422 : vector<16xf32>
        %mul3A_424 = arith.mulf %max3A_423, %get3A_27 : vector<16xf32>
        %add3A_425 = arith.addf %add3A_409, %mul3A_424 : vector<16xf32>
        %get3A_426 = arith.constant 0 : i32
        %get3A_427 = arith.index_cast %get3A_426 : i32 to index
        %get3A_428 = arith.index_cast %scan3A_217 : i32 to index
        %get3A_429 = arith.constant 208 : index
        %get3A_430 = tpu.vector_load %arg10[%get3A_427, %get3A_428, %get3A_429] {strides = array<i32>} : memref<2x48x256xf32, #tpu.memory_space<vmem>>, vector<16xf32>,
        %get3A_431 = arith.constant 0 : i32
        %get3A_432 = arith.index_cast %get3A_431 : i32 to index
        %get3A_433 = arith.index_cast %scan3A_217 : i32 to index
        %get3A_434 = arith.constant 208 : index
        %get3A_435 = tpu.vector_load %arg11[%get3A_432, %get3A_433, %get3A_434] {strides = array<i32>} : memref<2x48x256xf32, #tpu.memory_space<vmem>>, vector<16xf32>,
        %add3A_436 = arith.addf %get3A_430, %get3A_435 : vector<16xf32>
        %max3A_437 = arith.constant 0.000000e+00 : f32
        %max3A_438 = vector.broadcast %max3A_437 : f32 to vector<16xf32>
        %max3A_439 = arith.maximumf %add3A_436, %max3A_438 : vector<16xf32>
        %mul3A_440 = arith.mulf %max3A_439, %get3A_29 : vector<16xf32>
        %add3A_441 = arith.addf %add3A_425, %mul3A_440 : vector<16xf32>
        %get3A_442 = arith.constant 0 : i32
        %get3A_443 = arith.index_cast %get3A_442 : i32 to index
        %get3A_444 = arith.index_cast %scan3A_217 : i32 to index
        %get3A_445 = arith.constant 224 : index
        %get3A_446 = tpu.vector_load %arg10[%get3A_443, %get3A_444, %get3A_445] {strides = array<i32>} : memref<2x48x256xf32, #tpu.memory_space<vmem>>, vector<16xf32>,
        %get3A_447 = arith.constant 0 : i32
        %get3A_448 = arith.index_cast %get3A_447 : i32 to index
        %get3A_449 = arith.index_cast %scan3A_217 : i32 to index
        %get3A_450 = arith.constant 224 : index
        %get3A_451 = tpu.vector_load %arg11[%get3A_448, %get3A_449, %get3A_450] {strides = array<i32>} : memref<2x48x256xf32, #tpu.memory_space<vmem>>, vector<16xf32>,
        %add3A_452 = arith.addf %get3A_446, %get3A_451 : vector<16xf32>
        %max3A_453 = arith.constant 0.000000e+00 : f32
        %max3A_454 = vector.broadcast %max3A_453 : f32 to vector<16xf32>
        %max3A_455 = arith.maximumf %add3A_452, %max3A_454 : vector<16xf32>
        %mul3A_456 = arith.mulf %max3A_455, %get3A_31 : vector<16xf32>
        %add3A_457 = arith.addf %add3A_441, %mul3A_456 : vector<16xf32>
        %get3A_458 = arith.constant 0 : i32
        %get3A_459 = arith.index_cast %get3A_458 : i32 to index
        %get3A_460 = arith.index_cast %scan3A_217 : i32 to index
        %get3A_461 = arith.constant 240 : index
        %get3A_462 = tpu.vector_load %arg10[%get3A_459, %get3A_460, %get3A_461] {strides = array<i32>} : memref<2x48x256xf32, #tpu.memory_space<vmem>>, vector<16xf32>,
        %get3A_463 = arith.constant 0 : i32
        %get3A_464 = arith.index_cast %get3A_463 : i32 to index
        %get3A_465 = arith.index_cast %scan3A_217 : i32 to index
        %get3A_466 = arith.constant 240 : index
        %get3A_467 = tpu.vector_load %arg11[%get3A_464, %get3A_465, %get3A_466] {strides = array<i32>} : memref<2x48x256xf32, #tpu.memory_space<vmem>>, vector<16xf32>,
        %add3A_468 = arith.addf %get3A_462, %get3A_467 : vector<16xf32>
        %max3A_469 = arith.constant 0.000000e+00 : f32
        %max3A_470 = vector.broadcast %max3A_469 : f32 to vector<16xf32>
        %max3A_471 = arith.maximumf %add3A_468, %max3A_470 : vector<16xf32>
        %mul3A_472 = arith.mulf %max3A_471, %get3A_33 : vector<16xf32>
        %add3A_473 = arith.addf %add3A_457, %mul3A_472 : vector<16xf32>
        %mul3A_474 = arith.constant 16 : i32
        %mul3A_475 = arith.muli %scan3A_217, %mul3A_474 : i32
        %swap3A = arith.index_cast %mul3A_475 : i32 to index
        %swap3A_476 = tpu.vector_load %arg12[%swap3A] {strides = array<i32>} : memref<768xf32, #tpu.memory_space<vmem>>, vector<16xf32>,
        tpu.vector_store %arg12[%swap3A], %add3A_473 {strides = array<i32>} : memref<768xf32, #tpu.memory_space<vmem>>, vector<16xf32>,
      }
      %scan3A_163 = arith.constant 48 : i32
      %scan3A_164 = arith.constant 0 : i32
      %scan3A_165 = arith.constant 0 : i32
      %scan3A_166 = arith.constant 3 : i32
      %scan3A_167 = arith.addi %scan3A_165, %scan3A_166 : i32
      %scan3A_168 = arith.constant 1 : i32
      scf.for %scan3A_217 = %scan3A_165 to %scan3A_167 step %scan3A_168  : i32 {
        %mul3A_218 = arith.constant 16 : i32
        %mul3A_219 = arith.muli %scan3A_217, %mul3A_218 : i32
        %add3A_220 = vector.broadcast %mul3A_219 : i32 to vector<16xi32>
        %add3A_221 = arith.addi %add3A_220, %iota3A : vector<16xi32>
        %mul3A_222 = arith.constant 16 : i32
        %mul3A_223 = vector.broadcast %mul3A_222 : i32 to vector<16xi32>
        %mul3A_224 = arith.muli %add3A_221, %mul3A_223 : vector<16xi32>
        %broadcast_in_dim3A = arith.constant 0.000000e+00 : f32
        %broadcast_in_dim3A_225 = vector.broadcast %broadcast_in_dim3A : f32 to vector<16xf32>
        %add3A_226 = arith.constant 0 : i32
        %add3A_227 = vector.broadcast %add3A_226 : i32 to vector<16xi32>
        %add3A_228 = arith.addi %mul3A_224, %add3A_227 : vector<16xi32>
        %gather3A = tpu.vector_load_idx %arg12[%add3A_228] : memref<768xf32, #tpu.memory_space<vmem>>[vector<16xi32>], vector<16xf32>,
        %add3A_229 = arith.addf %broadcast_in_dim3A_225, %gather3A : vector<16xf32>
        %add3A_230 = arith.constant 1 : i32
        %add3A_231 = vector.broadcast %add3A_230 : i32 to vector<16xi32>
        %add3A_232 = arith.addi %mul3A_224, %add3A_231 : vector<16xi32>
        %gather3A_233 = tpu.vector_load_idx %arg12[%add3A_232] : memref<768xf32, #tpu.memory_space<vmem>>[vector<16xi32>], vector<16xf32>,
        %add3A_234 = arith.addf %add3A_229, %gather3A_233 : vector<16xf32>
        %add3A_235 = arith.constant 2 : i32
        %add3A_236 = vector.broadcast %add3A_235 : i32 to vector<16xi32>
        %add3A_237 = arith.addi %mul3A_224, %add3A_236 : vector<16xi32>
        %gather3A_238 = tpu.vector_load_idx %arg12[%add3A_237] : memref<768xf32, #tpu.memory_space<vmem>>[vector<16xi32>], vector<16xf32>,
        %add3A_239 = arith.addf %add3A_234, %gather3A_238 : vector<16xf32>
        %add3A_240 = arith.constant 3 : i32
        %add3A_241 = vector.broadcast %add3A_240 : i32 to vector<16xi32>
        %add3A_242 = arith.addi %mul3A_224, %add3A_241 : vector<16xi32>
        %gather3A_243 = tpu.vector_load_idx %arg12[%add3A_242] : memref<768xf32, #tpu.memory_space<vmem>>[vector<16xi32>], vector<16xf32>,
        %add3A_244 = arith.addf %add3A_239, %gather3A_243 : vector<16xf32>
        %add3A_245 = arith.constant 4 : i32
        %add3A_246 = vector.broadcast %add3A_245 : i32 to vector<16xi32>
        %add3A_247 = arith.addi %mul3A_224, %add3A_246 : vector<16xi32>
        %gather3A_248 = tpu.vector_load_idx %arg12[%add3A_247] : memref<768xf32, #tpu.memory_space<vmem>>[vector<16xi32>], vector<16xf32>,
        %add3A_249 = arith.addf %add3A_244, %gather3A_248 : vector<16xf32>
        %add3A_250 = arith.constant 5 : i32
        %add3A_251 = vector.broadcast %add3A_250 : i32 to vector<16xi32>
        %add3A_252 = arith.addi %mul3A_224, %add3A_251 : vector<16xi32>
        %gather3A_253 = tpu.vector_load_idx %arg12[%add3A_252] : memref<768xf32, #tpu.memory_space<vmem>>[vector<16xi32>], vector<16xf32>,
        %add3A_254 = arith.addf %add3A_249, %gather3A_253 : vector<16xf32>
        %add3A_255 = arith.constant 6 : i32
        %add3A_256 = vector.broadcast %add3A_255 : i32 to vector<16xi32>
        %add3A_257 = arith.addi %mul3A_224, %add3A_256 : vector<16xi32>
        %gather3A_258 = tpu.vector_load_idx %arg12[%add3A_257] : memref<768xf32, #tpu.memory_space<vmem>>[vector<16xi32>], vector<16xf32>,
        %add3A_259 = arith.addf %add3A_254, %gather3A_258 : vector<16xf32>
        %add3A_260 = arith.constant 7 : i32
        %add3A_261 = vector.broadcast %add3A_260 : i32 to vector<16xi32>
        %add3A_262 = arith.addi %mul3A_224, %add3A_261 : vector<16xi32>
        %gather3A_263 = tpu.vector_load_idx %arg12[%add3A_262] : memref<768xf32, #tpu.memory_space<vmem>>[vector<16xi32>], vector<16xf32>,
        %add3A_264 = arith.addf %add3A_259, %gather3A_263 : vector<16xf32>
        %add3A_265 = arith.constant 8 : i32
        %add3A_266 = vector.broadcast %add3A_265 : i32 to vector<16xi32>
        %add3A_267 = arith.addi %mul3A_224, %add3A_266 : vector<16xi32>
        %gather3A_268 = tpu.vector_load_idx %arg12[%add3A_267] : memref<768xf32, #tpu.memory_space<vmem>>[vector<16xi32>], vector<16xf32>,
        %add3A_269 = arith.addf %add3A_264, %gather3A_268 : vector<16xf32>
        %add3A_270 = arith.constant 9 : i32
        %add3A_271 = vector.broadcast %add3A_270 : i32 to vector<16xi32>
        %add3A_272 = arith.addi %mul3A_224, %add3A_271 : vector<16xi32>
        %gather3A_273 = tpu.vector_load_idx %arg12[%add3A_272] : memref<768xf32, #tpu.memory_space<vmem>>[vector<16xi32>], vector<16xf32>,
        %add3A_274 = arith.addf %add3A_269, %gather3A_273 : vector<16xf32>
        %add3A_275 = arith.constant 10 : i32
        %add3A_276 = vector.broadcast %add3A_275 : i32 to vector<16xi32>
        %add3A_277 = arith.addi %mul3A_224, %add3A_276 : vector<16xi32>
        %gather3A_278 = tpu.vector_load_idx %arg12[%add3A_277] : memref<768xf32, #tpu.memory_space<vmem>>[vector<16xi32>], vector<16xf32>,
        %add3A_279 = arith.addf %add3A_274, %gather3A_278 : vector<16xf32>
        %add3A_280 = arith.constant 11 : i32
        %add3A_281 = vector.broadcast %add3A_280 : i32 to vector<16xi32>
        %add3A_282 = arith.addi %mul3A_224, %add3A_281 : vector<16xi32>
        %gather3A_283 = tpu.vector_load_idx %arg12[%add3A_282] : memref<768xf32, #tpu.memory_space<vmem>>[vector<16xi32>], vector<16xf32>,
        %add3A_284 = arith.addf %add3A_279, %gather3A_283 : vector<16xf32>
        %add3A_285 = arith.constant 12 : i32
        %add3A_286 = vector.broadcast %add3A_285 : i32 to vector<16xi32>
        %add3A_287 = arith.addi %mul3A_224, %add3A_286 : vector<16xi32>
        %gather3A_288 = tpu.vector_load_idx %arg12[%add3A_287] : memref<768xf32, #tpu.memory_space<vmem>>[vector<16xi32>], vector<16xf32>,
        %add3A_289 = arith.addf %add3A_284, %gather3A_288 : vector<16xf32>
        %add3A_290 = arith.constant 13 : i32
        %add3A_291 = vector.broadcast %add3A_290 : i32 to vector<16xi32>
        %add3A_292 = arith.addi %mul3A_224, %add3A_291 : vector<16xi32>
        %gather3A_293 = tpu.vector_load_idx %arg12[%add3A_292] : memref<768xf32, #tpu.memory_space<vmem>>[vector<16xi32>], vector<16xf32>,
        %add3A_294 = arith.addf %add3A_289, %gather3A_293 : vector<16xf32>
        %add3A_295 = arith.constant 14 : i32
        %add3A_296 = vector.broadcast %add3A_295 : i32 to vector<16xi32>
        %add3A_297 = arith.addi %mul3A_224, %add3A_296 : vector<16xi32>
        %gather3A_298 = tpu.vector_load_idx %arg12[%add3A_297] : memref<768xf32, #tpu.memory_space<vmem>>[vector<16xi32>], vector<16xf32>,
        %add3A_299 = arith.addf %add3A_294, %gather3A_298 : vector<16xf32>
        %add3A_300 = arith.constant 15 : i32
        %add3A_301 = vector.broadcast %add3A_300 : i32 to vector<16xi32>
        %add3A_302 = arith.addi %mul3A_224, %add3A_301 : vector<16xi32>
        %gather3A_303 = tpu.vector_load_idx %arg12[%add3A_302] : memref<768xf32, #tpu.memory_space<vmem>>[vector<16xi32>], vector<16xf32>,
        %add3A_304 = arith.addf %add3A_299, %gather3A_303 : vector<16xf32>
        %mul3A_305 = arith.constant 16 : i32
        %mul3A_306 = arith.muli %scan3A_217, %mul3A_305 : i32
        %swap3A = arith.index_cast %mul3A_306 : i32 to index
        %swap3A_307 = tpu.vector_load %arg13[%swap3A] {strides = array<i32>} : memref<48xf32, #tpu.memory_space<vmem>>, vector<16xf32>,
        tpu.vector_store %arg13[%swap3A], %add3A_304 {strides = array<i32>} : memref<48xf32, #tpu.memory_space<vmem>>, vector<16xf32>,
      }
      %scan3A_169 = arith.constant 3 : i32
      %mul3A_170 = arith.constant 40 : i32
      %mul3A_171 = arith.muli %mul3A_133, %mul3A_170 : i32
      %add3A_172 = arith.addi %mul3A_2, %mul3A_171 : i32
      "tpu.region"() ({
        %run_scoped3A = tpu.sem_alloc : memref<!tpu.dma_semaphore, #tpu.memory_space<semaphore_mem>>
        %dma_start3A_217 = arith.constant 0 : i32
        %dma_start3A_218 = tpu.memref_slice %arg13[%dma_start3A_217] : memref<48xf32, #tpu.memory_space<vmem>> -> memref<40xf32, #tpu.memory_space<vmem>>
        %dma_start3A_219 = tpu.memref_slice %arg7[%add3A_172] : memref<160000xf32, #tpu.memory_space<hbm>> -> memref<40xf32, #tpu.memory_space<hbm>>
        %dma_start3A_220 = tpu.memref_slice %arg7[%add3A_172] : memref<160000xf32, #tpu.memory_space<hbm>> -> memref<40xf32, #tpu.memory_space<hbm>>
        %dma_start3A_221 = arith.constant 0 : i32
        %dma_start3A_222 = tpu.memref_slice %arg13[%dma_start3A_221] : memref<48xf32, #tpu.memory_space<vmem>> -> memref<40xf32, #tpu.memory_space<vmem>>
        tpu.enqueue_dma source(%dma_start3A_222 : memref<40xf32, #tpu.memory_space<vmem>>) target(%dma_start3A_220 : memref<40xf32, #tpu.memory_space<hbm>>) target_semaphore(%run_scoped3A : memref<!tpu.dma_semaphore, #tpu.memory_space<semaphore_mem>>)
        %dma_wait3A_223 = arith.constant 0 : i32
        %dma_wait3A_224 = tpu.memref_slice %arg13[%dma_wait3A_223] : memref<48xf32, #tpu.memory_space<vmem>> -> memref<40xf32, #tpu.memory_space<vmem>>
        %dma_wait3A_225 = tpu.memref_slice %arg7[%add3A_172] : memref<160000xf32, #tpu.memory_space<hbm>> -> memref<40xf32, #tpu.memory_space<hbm>>
        %dma_wait3A_226 = tpu.memref_slice %arg7[%add3A_172] : memref<160000xf32, #tpu.memory_space<hbm>> -> memref<40xf32, #tpu.memory_space<hbm>>
        %dma_wait3A_227 = arith.constant 0 : i32
        %dma_wait3A_228 = tpu.memref_slice %arg13[%dma_wait3A_227] : memref<48xf32, #tpu.memory_space<vmem>> -> memref<40xf32, #tpu.memory_space<vmem>>
        tpu.wait_dma2 semaphore(%run_scoped3A : memref<!tpu.dma_semaphore, #tpu.memory_space<semaphore_mem>>) src(%dma_wait3A_228 : memref<40xf32, #tpu.memory_space<vmem>>) dst(%dma_wait3A_226 : memref<40xf32, #tpu.memory_space<hbm>>)
        tpu.yield
      }) : () -> ()
      %dma_wait3A_173 = arith.constant 1 : i32
      %dma_wait3A_174 = arith.constant 0 : i32
      %dma_wait3A_175 = arith.constant 0 : i32
      %dma_wait3A_176 = tpu.memref_slice %arg10[%dma_wait3A_173, %dma_wait3A_174, %dma_wait3A_175] : memref<2x48x256xf32, #tpu.memory_space<vmem>> -> memref<1x40x256xf32, #tpu.memory_space<vmem>>
      %dma_wait3A_177 = tpu.memref_squeeze %dma_wait3A_176 : memref<1x40x256xf32, #tpu.memory_space<vmem>> -> memref<40x256xf32, #tpu.memory_space<vmem>>
      %dma_wait3A_178 = arith.constant 0 : i32
      %dma_wait3A_179 = tpu.memref_slice %arg8[%dma_wait3A_178] : memref<5000xi32, #tpu.memory_space<vmem>> -> memref<40xi32, #tpu.memory_space<vmem>>
      %dma_wait3A_180 = arith.constant 0 : i32
      %dma_wait3A_181 = arith.constant 0 : i32
      %dma_wait3A_182 = tpu.memref_slice %arg4[%dma_wait3A_180, %dma_wait3A_181] : memref<10000x256xf32, #tpu.memory_space<hbm>> -> memref<10000x256xf32, #tpu.memory_space<hbm>>
      tpu.wait_indirect_dma semaphore(%arg16 : memref<!tpu.dma_semaphore, #tpu.memory_space<semaphore_mem>>) src(%dma_wait3A_182 : memref<10000x256xf32, #tpu.memory_space<hbm>>) dst(%dma_wait3A_177 : memref<40x256xf32, #tpu.memory_space<vmem>>)
      %dma_wait3A_183 = arith.constant 1 : i32
      %dma_wait3A_184 = arith.constant 0 : i32
      %dma_wait3A_185 = arith.constant 0 : i32
      %dma_wait3A_186 = tpu.memref_slice %arg11[%dma_wait3A_183, %dma_wait3A_184, %dma_wait3A_185] : memref<2x48x256xf32, #tpu.memory_space<vmem>> -> memref<1x40x256xf32, #tpu.memory_space<vmem>>
      %dma_wait3A_187 = tpu.memref_squeeze %dma_wait3A_186 : memref<1x40x256xf32, #tpu.memory_space<vmem>> -> memref<40x256xf32, #tpu.memory_space<vmem>>
      %dma_wait3A_188 = arith.constant 0 : i32
      %dma_wait3A_189 = tpu.memref_slice %arg9[%dma_wait3A_188] : memref<5000xi32, #tpu.memory_space<vmem>> -> memref<40xi32, #tpu.memory_space<vmem>>
      %dma_wait3A_190 = arith.constant 0 : i32
      %dma_wait3A_191 = arith.constant 0 : i32
      %dma_wait3A_192 = tpu.memref_slice %arg5[%dma_wait3A_190, %dma_wait3A_191] : memref<10000x256xf32, #tpu.memory_space<hbm>> -> memref<10000x256xf32, #tpu.memory_space<hbm>>
      tpu.wait_indirect_dma semaphore(%arg18 : memref<!tpu.dma_semaphore, #tpu.memory_space<semaphore_mem>>) src(%dma_wait3A_192 : memref<10000x256xf32, #tpu.memory_space<hbm>>) dst(%dma_wait3A_187 : memref<40x256xf32, #tpu.memory_space<vmem>>)
      %lt3A = arith.constant 61 : i32
      %lt3A_193 = arith.cmpi slt, %scan3A_131, %lt3A : i32
      %convert_element_type3A = arith.extui %lt3A_193 : i1 to i32
      %cond3A = arith.constant 0 : i32
      %cond3A_194 = arith.cmpi ne, %convert_element_type3A, %cond3A : i32
      scf.if %cond3A_194 {
        %add3A_217 = arith.constant 2 : i32
        %add3A_218 = arith.addi %mul3A_133, %add3A_217 : i32
        %mul3A_219 = arith.constant 40 : i32
        %mul3A_220 = arith.muli %add3A_218, %mul3A_219 : i32
        %dma_start3A_221 = arith.constant 0 : i32
        %dma_start3A_222 = arith.constant 0 : i32
        %dma_start3A_223 = arith.constant 0 : i32
        %dma_start3A_224 = tpu.memref_slice %arg10[%dma_start3A_221, %dma_start3A_222, %dma_start3A_223] : memref<2x48x256xf32, #tpu.memory_space<vmem>> -> memref<1x40x256xf32, #tpu.memory_space<vmem>>
        %dma_start3A_225 = tpu.memref_squeeze %dma_start3A_224 : memref<1x40x256xf32, #tpu.memory_space<vmem>> -> memref<40x256xf32, #tpu.memory_space<vmem>>
        %dma_start3A_226 = tpu.memref_slice %arg8[%mul3A_220] : memref<5000xi32, #tpu.memory_space<vmem>> -> memref<40xi32, #tpu.memory_space<vmem>>
        %dma_start3A_227 = arith.constant 0 : i32
        %dma_start3A_228 = arith.constant 0 : i32
        %dma_start3A_229 = tpu.memref_slice %arg4[%dma_start3A_227, %dma_start3A_228] : memref<10000x256xf32, #tpu.memory_space<hbm>> -> memref<10000x256xf32, #tpu.memory_space<hbm>>
        tpu.enqueue_indirect_dma source(%dma_start3A_229 : memref<10000x256xf32, #tpu.memory_space<hbm>>) target(%dma_start3A_225 : memref<40x256xf32, #tpu.memory_space<vmem>>) offsets(%dma_start3A_226 : memref<40xi32, #tpu.memory_space<vmem>>) semaphore(%arg15 : memref<!tpu.dma_semaphore, #tpu.memory_space<semaphore_mem>>)
        %mul3A_230 = arith.constant 40 : i32
        %mul3A_231 = arith.muli %add3A_218, %mul3A_230 : i32
        %dma_start3A_232 = arith.constant 0 : i32
        %dma_start3A_233 = arith.constant 0 : i32
        %dma_start3A_234 = arith.constant 0 : i32
        %dma_start3A_235 = tpu.memref_slice %arg11[%dma_start3A_232, %dma_start3A_233, %dma_start3A_234] : memref<2x48x256xf32, #tpu.memory_space<vmem>> -> memref<1x40x256xf32, #tpu.memory_space<vmem>>
        %dma_start3A_236 = tpu.memref_squeeze %dma_start3A_235 : memref<1x40x256xf32, #tpu.memory_space<vmem>> -> memref<40x256xf32, #tpu.memory_space<vmem>>
        %dma_start3A_237 = tpu.memref_slice %arg9[%mul3A_231] : memref<5000xi32, #tpu.memory_space<vmem>> -> memref<40xi32, #tpu.memory_space<vmem>>
        %dma_start3A_238 = arith.constant 0 : i32
        %dma_start3A_239 = arith.constant 0 : i32
        %dma_start3A_240 = tpu.memref_slice %arg5[%dma_start3A_238, %dma_start3A_239] : memref<10000x256xf32, #tpu.memory_space<hbm>> -> memref<10000x256xf32, #tpu.memory_space<hbm>>
        tpu.enqueue_indirect_dma source(%dma_start3A_240 : memref<10000x256xf32, #tpu.memory_space<hbm>>) target(%dma_start3A_236 : memref<40x256xf32, #tpu.memory_space<vmem>>) offsets(%dma_start3A_237 : memref<40xi32, #tpu.memory_space<vmem>>) semaphore(%arg17 : memref<!tpu.dma_semaphore, #tpu.memory_space<semaphore_mem>>)
      } else {
      }
      %add3A_195 = arith.constant 1 : i32
      %add3A_196 = arith.addi %mul3A_133, %add3A_195 : i32
      %scan3A_197 = arith.constant 0 : i32
      %scan3A_198 = arith.constant 0 : i32
      %scan3A_199 = arith.constant 48 : i32
      %scan3A_200 = arith.addi %scan3A_198, %scan3A_199 : i32
      %scan3A_201 = arith.constant 1 : i32
      scf.for %scan3A_217 = %scan3A_198 to %scan3A_200 step %scan3A_201  : i32 {
        %broadcast_in_dim3A = arith.constant 0.000000e+00 : f32
        %broadcast_in_dim3A_218 = vector.broadcast %broadcast_in_dim3A : f32 to vector<16xf32>
        %get3A_219 = arith.constant 1 : i32
        %get3A_220 = arith.index_cast %get3A_219 : i32 to index
        %get3A_221 = arith.index_cast %scan3A_217 : i32 to index
        %get3A_222 = arith.constant 0 : index
        %get3A_223 = tpu.vector_load %arg10[%get3A_220, %get3A_221, %get3A_222] {strides = array<i32>} : memref<2x48x256xf32, #tpu.memory_space<vmem>>, vector<16xf32>,
        %get3A_224 = arith.constant 1 : i32
        %get3A_225 = arith.index_cast %get3A_224 : i32 to index
        %get3A_226 = arith.index_cast %scan3A_217 : i32 to index
        %get3A_227 = arith.constant 0 : index
        %get3A_228 = tpu.vector_load %arg11[%get3A_225, %get3A_226, %get3A_227] {strides = array<i32>} : memref<2x48x256xf32, #tpu.memory_space<vmem>>, vector<16xf32>,
        %add3A_229 = arith.addf %get3A_223, %get3A_228 : vector<16xf32>
        %max3A = arith.constant 0.000000e+00 : f32
        %max3A_230 = vector.broadcast %max3A : f32 to vector<16xf32>
        %max3A_231 = arith.maximumf %add3A_229, %max3A_230 : vector<16xf32>
        %mul3A_232 = arith.mulf %max3A_231, %get3A_3 : vector<16xf32>
        %add3A_233 = arith.addf %broadcast_in_dim3A_218, %mul3A_232 : vector<16xf32>
        %get3A_234 = arith.constant 1 : i32
        %get3A_235 = arith.index_cast %get3A_234 : i32 to index
        %get3A_236 = arith.index_cast %scan3A_217 : i32 to index
        %get3A_237 = arith.constant 16 : index
        %get3A_238 = tpu.vector_load %arg10[%get3A_235, %get3A_236, %get3A_237] {strides = array<i32>} : memref<2x48x256xf32, #tpu.memory_space<vmem>>, vector<16xf32>,
        %get3A_239 = arith.constant 1 : i32
        %get3A_240 = arith.index_cast %get3A_239 : i32 to index
        %get3A_241 = arith.index_cast %scan3A_217 : i32 to index
        %get3A_242 = arith.constant 16 : index
        %get3A_243 = tpu.vector_load %arg11[%get3A_240, %get3A_241, %get3A_242] {strides = array<i32>} : memref<2x48x256xf32, #tpu.memory_space<vmem>>, vector<16xf32>,
        %add3A_244 = arith.addf %get3A_238, %get3A_243 : vector<16xf32>
        %max3A_245 = arith.constant 0.000000e+00 : f32
        %max3A_246 = vector.broadcast %max3A_245 : f32 to vector<16xf32>
        %max3A_247 = arith.maximumf %add3A_244, %max3A_246 : vector<16xf32>
        %mul3A_248 = arith.mulf %max3A_247, %get3A_5 : vector<16xf32>
        %add3A_249 = arith.addf %add3A_233, %mul3A_248 : vector<16xf32>
        %get3A_250 = arith.constant 1 : i32
        %get3A_251 = arith.index_cast %get3A_250 : i32 to index
        %get3A_252 = arith.index_cast %scan3A_217 : i32 to index
        %get3A_253 = arith.constant 32 : index
        %get3A_254 = tpu.vector_load %arg10[%get3A_251, %get3A_252, %get3A_253] {strides = array<i32>} : memref<2x48x256xf32, #tpu.memory_space<vmem>>, vector<16xf32>,
        %get3A_255 = arith.constant 1 : i32
        %get3A_256 = arith.index_cast %get3A_255 : i32 to index
        %get3A_257 = arith.index_cast %scan3A_217 : i32 to index
        %get3A_258 = arith.constant 32 : index
        %get3A_259 = tpu.vector_load %arg11[%get3A_256, %get3A_257, %get3A_258] {strides = array<i32>} : memref<2x48x256xf32, #tpu.memory_space<vmem>>, vector<16xf32>,
        %add3A_260 = arith.addf %get3A_254, %get3A_259 : vector<16xf32>
        %max3A_261 = arith.constant 0.000000e+00 : f32
        %max3A_262 = vector.broadcast %max3A_261 : f32 to vector<16xf32>
        %max3A_263 = arith.maximumf %add3A_260, %max3A_262 : vector<16xf32>
        %mul3A_264 = arith.mulf %max3A_263, %get3A_7 : vector<16xf32>
        %add3A_265 = arith.addf %add3A_249, %mul3A_264 : vector<16xf32>
        %get3A_266 = arith.constant 1 : i32
        %get3A_267 = arith.index_cast %get3A_266 : i32 to index
        %get3A_268 = arith.index_cast %scan3A_217 : i32 to index
        %get3A_269 = arith.constant 48 : index
        %get3A_270 = tpu.vector_load %arg10[%get3A_267, %get3A_268, %get3A_269] {strides = array<i32>} : memref<2x48x256xf32, #tpu.memory_space<vmem>>, vector<16xf32>,
        %get3A_271 = arith.constant 1 : i32
        %get3A_272 = arith.index_cast %get3A_271 : i32 to index
        %get3A_273 = arith.index_cast %scan3A_217 : i32 to index
        %get3A_274 = arith.constant 48 : index
        %get3A_275 = tpu.vector_load %arg11[%get3A_272, %get3A_273, %get3A_274] {strides = array<i32>} : memref<2x48x256xf32, #tpu.memory_space<vmem>>, vector<16xf32>,
        %add3A_276 = arith.addf %get3A_270, %get3A_275 : vector<16xf32>
        %max3A_277 = arith.constant 0.000000e+00 : f32
        %max3A_278 = vector.broadcast %max3A_277 : f32 to vector<16xf32>
        %max3A_279 = arith.maximumf %add3A_276, %max3A_278 : vector<16xf32>
        %mul3A_280 = arith.mulf %max3A_279, %get3A_9 : vector<16xf32>
        %add3A_281 = arith.addf %add3A_265, %mul3A_280 : vector<16xf32>
        %get3A_282 = arith.constant 1 : i32
        %get3A_283 = arith.index_cast %get3A_282 : i32 to index
        %get3A_284 = arith.index_cast %scan3A_217 : i32 to index
        %get3A_285 = arith.constant 64 : index
        %get3A_286 = tpu.vector_load %arg10[%get3A_283, %get3A_284, %get3A_285] {strides = array<i32>} : memref<2x48x256xf32, #tpu.memory_space<vmem>>, vector<16xf32>,
        %get3A_287 = arith.constant 1 : i32
        %get3A_288 = arith.index_cast %get3A_287 : i32 to index
        %get3A_289 = arith.index_cast %scan3A_217 : i32 to index
        %get3A_290 = arith.constant 64 : index
        %get3A_291 = tpu.vector_load %arg11[%get3A_288, %get3A_289, %get3A_290] {strides = array<i32>} : memref<2x48x256xf32, #tpu.memory_space<vmem>>, vector<16xf32>,
        %add3A_292 = arith.addf %get3A_286, %get3A_291 : vector<16xf32>
        %max3A_293 = arith.constant 0.000000e+00 : f32
        %max3A_294 = vector.broadcast %max3A_293 : f32 to vector<16xf32>
        %max3A_295 = arith.maximumf %add3A_292, %max3A_294 : vector<16xf32>
        %mul3A_296 = arith.mulf %max3A_295, %get3A_11 : vector<16xf32>
        %add3A_297 = arith.addf %add3A_281, %mul3A_296 : vector<16xf32>
        %get3A_298 = arith.constant 1 : i32
        %get3A_299 = arith.index_cast %get3A_298 : i32 to index
        %get3A_300 = arith.index_cast %scan3A_217 : i32 to index
        %get3A_301 = arith.constant 80 : index
        %get3A_302 = tpu.vector_load %arg10[%get3A_299, %get3A_300, %get3A_301] {strides = array<i32>} : memref<2x48x256xf32, #tpu.memory_space<vmem>>, vector<16xf32>,
        %get3A_303 = arith.constant 1 : i32
        %get3A_304 = arith.index_cast %get3A_303 : i32 to index
        %get3A_305 = arith.index_cast %scan3A_217 : i32 to index
        %get3A_306 = arith.constant 80 : index
        %get3A_307 = tpu.vector_load %arg11[%get3A_304, %get3A_305, %get3A_306] {strides = array<i32>} : memref<2x48x256xf32, #tpu.memory_space<vmem>>, vector<16xf32>,
        %add3A_308 = arith.addf %get3A_302, %get3A_307 : vector<16xf32>
        %max3A_309 = arith.constant 0.000000e+00 : f32
        %max3A_310 = vector.broadcast %max3A_309 : f32 to vector<16xf32>
        %max3A_311 = arith.maximumf %add3A_308, %max3A_310 : vector<16xf32>
        %mul3A_312 = arith.mulf %max3A_311, %get3A_13 : vector<16xf32>
        %add3A_313 = arith.addf %add3A_297, %mul3A_312 : vector<16xf32>
        %get3A_314 = arith.constant 1 : i32
        %get3A_315 = arith.index_cast %get3A_314 : i32 to index
        %get3A_316 = arith.index_cast %scan3A_217 : i32 to index
        %get3A_317 = arith.constant 96 : index
        %get3A_318 = tpu.vector_load %arg10[%get3A_315, %get3A_316, %get3A_317] {strides = array<i32>} : memref<2x48x256xf32, #tpu.memory_space<vmem>>, vector<16xf32>,
        %get3A_319 = arith.constant 1 : i32
        %get3A_320 = arith.index_cast %get3A_319 : i32 to index
        %get3A_321 = arith.index_cast %scan3A_217 : i32 to index
        %get3A_322 = arith.constant 96 : index
        %get3A_323 = tpu.vector_load %arg11[%get3A_320, %get3A_321, %get3A_322] {strides = array<i32>} : memref<2x48x256xf32, #tpu.memory_space<vmem>>, vector<16xf32>,
        %add3A_324 = arith.addf %get3A_318, %get3A_323 : vector<16xf32>
        %max3A_325 = arith.constant 0.000000e+00 : f32
        %max3A_326 = vector.broadcast %max3A_325 : f32 to vector<16xf32>
        %max3A_327 = arith.maximumf %add3A_324, %max3A_326 : vector<16xf32>
        %mul3A_328 = arith.mulf %max3A_327, %get3A_15 : vector<16xf32>
        %add3A_329 = arith.addf %add3A_313, %mul3A_328 : vector<16xf32>
        %get3A_330 = arith.constant 1 : i32
        %get3A_331 = arith.index_cast %get3A_330 : i32 to index
        %get3A_332 = arith.index_cast %scan3A_217 : i32 to index
        %get3A_333 = arith.constant 112 : index
        %get3A_334 = tpu.vector_load %arg10[%get3A_331, %get3A_332, %get3A_333] {strides = array<i32>} : memref<2x48x256xf32, #tpu.memory_space<vmem>>, vector<16xf32>,
        %get3A_335 = arith.constant 1 : i32
        %get3A_336 = arith.index_cast %get3A_335 : i32 to index
        %get3A_337 = arith.index_cast %scan3A_217 : i32 to index
        %get3A_338 = arith.constant 112 : index
        %get3A_339 = tpu.vector_load %arg11[%get3A_336, %get3A_337, %get3A_338] {strides = array<i32>} : memref<2x48x256xf32, #tpu.memory_space<vmem>>, vector<16xf32>,
        %add3A_340 = arith.addf %get3A_334, %get3A_339 : vector<16xf32>
        %max3A_341 = arith.constant 0.000000e+00 : f32
        %max3A_342 = vector.broadcast %max3A_341 : f32 to vector<16xf32>
        %max3A_343 = arith.maximumf %add3A_340, %max3A_342 : vector<16xf32>
        %mul3A_344 = arith.mulf %max3A_343, %get3A_17 : vector<16xf32>
        %add3A_345 = arith.addf %add3A_329, %mul3A_344 : vector<16xf32>
        %get3A_346 = arith.constant 1 : i32
        %get3A_347 = arith.index_cast %get3A_346 : i32 to index
        %get3A_348 = arith.index_cast %scan3A_217 : i32 to index
        %get3A_349 = arith.constant 128 : index
        %get3A_350 = tpu.vector_load %arg10[%get3A_347, %get3A_348, %get3A_349] {strides = array<i32>} : memref<2x48x256xf32, #tpu.memory_space<vmem>>, vector<16xf32>,
        %get3A_351 = arith.constant 1 : i32
        %get3A_352 = arith.index_cast %get3A_351 : i32 to index
        %get3A_353 = arith.index_cast %scan3A_217 : i32 to index
        %get3A_354 = arith.constant 128 : index
        %get3A_355 = tpu.vector_load %arg11[%get3A_352, %get3A_353, %get3A_354] {strides = array<i32>} : memref<2x48x256xf32, #tpu.memory_space<vmem>>, vector<16xf32>,
        %add3A_356 = arith.addf %get3A_350, %get3A_355 : vector<16xf32>
        %max3A_357 = arith.constant 0.000000e+00 : f32
        %max3A_358 = vector.broadcast %max3A_357 : f32 to vector<16xf32>
        %max3A_359 = arith.maximumf %add3A_356, %max3A_358 : vector<16xf32>
        %mul3A_360 = arith.mulf %max3A_359, %get3A_19 : vector<16xf32>
        %add3A_361 = arith.addf %add3A_345, %mul3A_360 : vector<16xf32>
        %get3A_362 = arith.constant 1 : i32
        %get3A_363 = arith.index_cast %get3A_362 : i32 to index
        %get3A_364 = arith.index_cast %scan3A_217 : i32 to index
        %get3A_365 = arith.constant 144 : index
        %get3A_366 = tpu.vector_load %arg10[%get3A_363, %get3A_364, %get3A_365] {strides = array<i32>} : memref<2x48x256xf32, #tpu.memory_space<vmem>>, vector<16xf32>,
        %get3A_367 = arith.constant 1 : i32
        %get3A_368 = arith.index_cast %get3A_367 : i32 to index
        %get3A_369 = arith.index_cast %scan3A_217 : i32 to index
        %get3A_370 = arith.constant 144 : index
        %get3A_371 = tpu.vector_load %arg11[%get3A_368, %get3A_369, %get3A_370] {strides = array<i32>} : memref<2x48x256xf32, #tpu.memory_space<vmem>>, vector<16xf32>,
        %add3A_372 = arith.addf %get3A_366, %get3A_371 : vector<16xf32>
        %max3A_373 = arith.constant 0.000000e+00 : f32
        %max3A_374 = vector.broadcast %max3A_373 : f32 to vector<16xf32>
        %max3A_375 = arith.maximumf %add3A_372, %max3A_374 : vector<16xf32>
        %mul3A_376 = arith.mulf %max3A_375, %get3A_21 : vector<16xf32>
        %add3A_377 = arith.addf %add3A_361, %mul3A_376 : vector<16xf32>
        %get3A_378 = arith.constant 1 : i32
        %get3A_379 = arith.index_cast %get3A_378 : i32 to index
        %get3A_380 = arith.index_cast %scan3A_217 : i32 to index
        %get3A_381 = arith.constant 160 : index
        %get3A_382 = tpu.vector_load %arg10[%get3A_379, %get3A_380, %get3A_381] {strides = array<i32>} : memref<2x48x256xf32, #tpu.memory_space<vmem>>, vector<16xf32>,
        %get3A_383 = arith.constant 1 : i32
        %get3A_384 = arith.index_cast %get3A_383 : i32 to index
        %get3A_385 = arith.index_cast %scan3A_217 : i32 to index
        %get3A_386 = arith.constant 160 : index
        %get3A_387 = tpu.vector_load %arg11[%get3A_384, %get3A_385, %get3A_386] {strides = array<i32>} : memref<2x48x256xf32, #tpu.memory_space<vmem>>, vector<16xf32>,
        %add3A_388 = arith.addf %get3A_382, %get3A_387 : vector<16xf32>
        %max3A_389 = arith.constant 0.000000e+00 : f32
        %max3A_390 = vector.broadcast %max3A_389 : f32 to vector<16xf32>
        %max3A_391 = arith.maximumf %add3A_388, %max3A_390 : vector<16xf32>
        %mul3A_392 = arith.mulf %max3A_391, %get3A_23 : vector<16xf32>
        %add3A_393 = arith.addf %add3A_377, %mul3A_392 : vector<16xf32>
        %get3A_394 = arith.constant 1 : i32
        %get3A_395 = arith.index_cast %get3A_394 : i32 to index
        %get3A_396 = arith.index_cast %scan3A_217 : i32 to index
        %get3A_397 = arith.constant 176 : index
        %get3A_398 = tpu.vector_load %arg10[%get3A_395, %get3A_396, %get3A_397] {strides = array<i32>} : memref<2x48x256xf32, #tpu.memory_space<vmem>>, vector<16xf32>,
        %get3A_399 = arith.constant 1 : i32
        %get3A_400 = arith.index_cast %get3A_399 : i32 to index
        %get3A_401 = arith.index_cast %scan3A_217 : i32 to index
        %get3A_402 = arith.constant 176 : index
        %get3A_403 = tpu.vector_load %arg11[%get3A_400, %get3A_401, %get3A_402] {strides = array<i32>} : memref<2x48x256xf32, #tpu.memory_space<vmem>>, vector<16xf32>,
        %add3A_404 = arith.addf %get3A_398, %get3A_403 : vector<16xf32>
        %max3A_405 = arith.constant 0.000000e+00 : f32
        %max3A_406 = vector.broadcast %max3A_405 : f32 to vector<16xf32>
        %max3A_407 = arith.maximumf %add3A_404, %max3A_406 : vector<16xf32>
        %mul3A_408 = arith.mulf %max3A_407, %get3A_25 : vector<16xf32>
        %add3A_409 = arith.addf %add3A_393, %mul3A_408 : vector<16xf32>
        %get3A_410 = arith.constant 1 : i32
        %get3A_411 = arith.index_cast %get3A_410 : i32 to index
        %get3A_412 = arith.index_cast %scan3A_217 : i32 to index
        %get3A_413 = arith.constant 192 : index
        %get3A_414 = tpu.vector_load %arg10[%get3A_411, %get3A_412, %get3A_413] {strides = array<i32>} : memref<2x48x256xf32, #tpu.memory_space<vmem>>, vector<16xf32>,
        %get3A_415 = arith.constant 1 : i32
        %get3A_416 = arith.index_cast %get3A_415 : i32 to index
        %get3A_417 = arith.index_cast %scan3A_217 : i32 to index
        %get3A_418 = arith.constant 192 : index
        %get3A_419 = tpu.vector_load %arg11[%get3A_416, %get3A_417, %get3A_418] {strides = array<i32>} : memref<2x48x256xf32, #tpu.memory_space<vmem>>, vector<16xf32>,
        %add3A_420 = arith.addf %get3A_414, %get3A_419 : vector<16xf32>
        %max3A_421 = arith.constant 0.000000e+00 : f32
        %max3A_422 = vector.broadcast %max3A_421 : f32 to vector<16xf32>
        %max3A_423 = arith.maximumf %add3A_420, %max3A_422 : vector<16xf32>
        %mul3A_424 = arith.mulf %max3A_423, %get3A_27 : vector<16xf32>
        %add3A_425 = arith.addf %add3A_409, %mul3A_424 : vector<16xf32>
        %get3A_426 = arith.constant 1 : i32
        %get3A_427 = arith.index_cast %get3A_426 : i32 to index
        %get3A_428 = arith.index_cast %scan3A_217 : i32 to index
        %get3A_429 = arith.constant 208 : index
        %get3A_430 = tpu.vector_load %arg10[%get3A_427, %get3A_428, %get3A_429] {strides = array<i32>} : memref<2x48x256xf32, #tpu.memory_space<vmem>>, vector<16xf32>,
        %get3A_431 = arith.constant 1 : i32
        %get3A_432 = arith.index_cast %get3A_431 : i32 to index
        %get3A_433 = arith.index_cast %scan3A_217 : i32 to index
        %get3A_434 = arith.constant 208 : index
        %get3A_435 = tpu.vector_load %arg11[%get3A_432, %get3A_433, %get3A_434] {strides = array<i32>} : memref<2x48x256xf32, #tpu.memory_space<vmem>>, vector<16xf32>,
        %add3A_436 = arith.addf %get3A_430, %get3A_435 : vector<16xf32>
        %max3A_437 = arith.constant 0.000000e+00 : f32
        %max3A_438 = vector.broadcast %max3A_437 : f32 to vector<16xf32>
        %max3A_439 = arith.maximumf %add3A_436, %max3A_438 : vector<16xf32>
        %mul3A_440 = arith.mulf %max3A_439, %get3A_29 : vector<16xf32>
        %add3A_441 = arith.addf %add3A_425, %mul3A_440 : vector<16xf32>
        %get3A_442 = arith.constant 1 : i32
        %get3A_443 = arith.index_cast %get3A_442 : i32 to index
        %get3A_444 = arith.index_cast %scan3A_217 : i32 to index
        %get3A_445 = arith.constant 224 : index
        %get3A_446 = tpu.vector_load %arg10[%get3A_443, %get3A_444, %get3A_445] {strides = array<i32>} : memref<2x48x256xf32, #tpu.memory_space<vmem>>, vector<16xf32>,
        %get3A_447 = arith.constant 1 : i32
        %get3A_448 = arith.index_cast %get3A_447 : i32 to index
        %get3A_449 = arith.index_cast %scan3A_217 : i32 to index
        %get3A_450 = arith.constant 224 : index
        %get3A_451 = tpu.vector_load %arg11[%get3A_448, %get3A_449, %get3A_450] {strides = array<i32>} : memref<2x48x256xf32, #tpu.memory_space<vmem>>, vector<16xf32>,
        %add3A_452 = arith.addf %get3A_446, %get3A_451 : vector<16xf32>
        %max3A_453 = arith.constant 0.000000e+00 : f32
        %max3A_454 = vector.broadcast %max3A_453 : f32 to vector<16xf32>
        %max3A_455 = arith.maximumf %add3A_452, %max3A_454 : vector<16xf32>
        %mul3A_456 = arith.mulf %max3A_455, %get3A_31 : vector<16xf32>
        %add3A_457 = arith.addf %add3A_441, %mul3A_456 : vector<16xf32>
        %get3A_458 = arith.constant 1 : i32
        %get3A_459 = arith.index_cast %get3A_458 : i32 to index
        %get3A_460 = arith.index_cast %scan3A_217 : i32 to index
        %get3A_461 = arith.constant 240 : index
        %get3A_462 = tpu.vector_load %arg10[%get3A_459, %get3A_460, %get3A_461] {strides = array<i32>} : memref<2x48x256xf32, #tpu.memory_space<vmem>>, vector<16xf32>,
        %get3A_463 = arith.constant 1 : i32
        %get3A_464 = arith.index_cast %get3A_463 : i32 to index
        %get3A_465 = arith.index_cast %scan3A_217 : i32 to index
        %get3A_466 = arith.constant 240 : index
        %get3A_467 = tpu.vector_load %arg11[%get3A_464, %get3A_465, %get3A_466] {strides = array<i32>} : memref<2x48x256xf32, #tpu.memory_space<vmem>>, vector<16xf32>,
        %add3A_468 = arith.addf %get3A_462, %get3A_467 : vector<16xf32>
        %max3A_469 = arith.constant 0.000000e+00 : f32
        %max3A_470 = vector.broadcast %max3A_469 : f32 to vector<16xf32>
        %max3A_471 = arith.maximumf %add3A_468, %max3A_470 : vector<16xf32>
        %mul3A_472 = arith.mulf %max3A_471, %get3A_33 : vector<16xf32>
        %add3A_473 = arith.addf %add3A_457, %mul3A_472 : vector<16xf32>
        %mul3A_474 = arith.constant 16 : i32
        %mul3A_475 = arith.muli %scan3A_217, %mul3A_474 : i32
        %swap3A = arith.index_cast %mul3A_475 : i32 to index
        %swap3A_476 = tpu.vector_load %arg12[%swap3A] {strides = array<i32>} : memref<768xf32, #tpu.memory_space<vmem>>, vector<16xf32>,
        tpu.vector_store %arg12[%swap3A], %add3A_473 {strides = array<i32>} : memref<768xf32, #tpu.memory_space<vmem>>, vector<16xf32>,
      }
      %scan3A_202 = arith.constant 48 : i32
      %scan3A_203 = arith.constant 0 : i32
      %scan3A_204 = arith.constant 0 : i32
      %scan3A_205 = arith.constant 3 : i32
      %scan3A_206 = arith.addi %scan3A_204, %scan3A_205 : i32
      %scan3A_207 = arith.constant 1 : i32
      scf.for %scan3A_217 = %scan3A_204 to %scan3A_206 step %scan3A_207  : i32 {
        %mul3A_218 = arith.constant 16 : i32
        %mul3A_219 = arith.muli %scan3A_217, %mul3A_218 : i32
        %add3A_220 = vector.broadcast %mul3A_219 : i32 to vector<16xi32>
        %add3A_221 = arith.addi %add3A_220, %iota3A : vector<16xi32>
        %mul3A_222 = arith.constant 16 : i32
        %mul3A_223 = vector.broadcast %mul3A_222 : i32 to vector<16xi32>
        %mul3A_224 = arith.muli %add3A_221, %mul3A_223 : vector<16xi32>
        %broadcast_in_dim3A = arith.constant 0.000000e+00 : f32
        %broadcast_in_dim3A_225 = vector.broadcast %broadcast_in_dim3A : f32 to vector<16xf32>
        %add3A_226 = arith.constant 0 : i32
        %add3A_227 = vector.broadcast %add3A_226 : i32 to vector<16xi32>
        %add3A_228 = arith.addi %mul3A_224, %add3A_227 : vector<16xi32>
        %gather3A = tpu.vector_load_idx %arg12[%add3A_228] : memref<768xf32, #tpu.memory_space<vmem>>[vector<16xi32>], vector<16xf32>,
        %add3A_229 = arith.addf %broadcast_in_dim3A_225, %gather3A : vector<16xf32>
        %add3A_230 = arith.constant 1 : i32
        %add3A_231 = vector.broadcast %add3A_230 : i32 to vector<16xi32>
        %add3A_232 = arith.addi %mul3A_224, %add3A_231 : vector<16xi32>
        %gather3A_233 = tpu.vector_load_idx %arg12[%add3A_232] : memref<768xf32, #tpu.memory_space<vmem>>[vector<16xi32>], vector<16xf32>,
        %add3A_234 = arith.addf %add3A_229, %gather3A_233 : vector<16xf32>
        %add3A_235 = arith.constant 2 : i32
        %add3A_236 = vector.broadcast %add3A_235 : i32 to vector<16xi32>
        %add3A_237 = arith.addi %mul3A_224, %add3A_236 : vector<16xi32>
        %gather3A_238 = tpu.vector_load_idx %arg12[%add3A_237] : memref<768xf32, #tpu.memory_space<vmem>>[vector<16xi32>], vector<16xf32>,
        %add3A_239 = arith.addf %add3A_234, %gather3A_238 : vector<16xf32>
        %add3A_240 = arith.constant 3 : i32
        %add3A_241 = vector.broadcast %add3A_240 : i32 to vector<16xi32>
        %add3A_242 = arith.addi %mul3A_224, %add3A_241 : vector<16xi32>
        %gather3A_243 = tpu.vector_load_idx %arg12[%add3A_242] : memref<768xf32, #tpu.memory_space<vmem>>[vector<16xi32>], vector<16xf32>,
        %add3A_244 = arith.addf %add3A_239, %gather3A_243 : vector<16xf32>
        %add3A_245 = arith.constant 4 : i32
        %add3A_246 = vector.broadcast %add3A_245 : i32 to vector<16xi32>
        %add3A_247 = arith.addi %mul3A_224, %add3A_246 : vector<16xi32>
        %gather3A_248 = tpu.vector_load_idx %arg12[%add3A_247] : memref<768xf32, #tpu.memory_space<vmem>>[vector<16xi32>], vector<16xf32>,
        %add3A_249 = arith.addf %add3A_244, %gather3A_248 : vector<16xf32>
        %add3A_250 = arith.constant 5 : i32
        %add3A_251 = vector.broadcast %add3A_250 : i32 to vector<16xi32>
        %add3A_252 = arith.addi %mul3A_224, %add3A_251 : vector<16xi32>
        %gather3A_253 = tpu.vector_load_idx %arg12[%add3A_252] : memref<768xf32, #tpu.memory_space<vmem>>[vector<16xi32>], vector<16xf32>,
        %add3A_254 = arith.addf %add3A_249, %gather3A_253 : vector<16xf32>
        %add3A_255 = arith.constant 6 : i32
        %add3A_256 = vector.broadcast %add3A_255 : i32 to vector<16xi32>
        %add3A_257 = arith.addi %mul3A_224, %add3A_256 : vector<16xi32>
        %gather3A_258 = tpu.vector_load_idx %arg12[%add3A_257] : memref<768xf32, #tpu.memory_space<vmem>>[vector<16xi32>], vector<16xf32>,
        %add3A_259 = arith.addf %add3A_254, %gather3A_258 : vector<16xf32>
        %add3A_260 = arith.constant 7 : i32
        %add3A_261 = vector.broadcast %add3A_260 : i32 to vector<16xi32>
        %add3A_262 = arith.addi %mul3A_224, %add3A_261 : vector<16xi32>
        %gather3A_263 = tpu.vector_load_idx %arg12[%add3A_262] : memref<768xf32, #tpu.memory_space<vmem>>[vector<16xi32>], vector<16xf32>,
        %add3A_264 = arith.addf %add3A_259, %gather3A_263 : vector<16xf32>
        %add3A_265 = arith.constant 8 : i32
        %add3A_266 = vector.broadcast %add3A_265 : i32 to vector<16xi32>
        %add3A_267 = arith.addi %mul3A_224, %add3A_266 : vector<16xi32>
        %gather3A_268 = tpu.vector_load_idx %arg12[%add3A_267] : memref<768xf32, #tpu.memory_space<vmem>>[vector<16xi32>], vector<16xf32>,
        %add3A_269 = arith.addf %add3A_264, %gather3A_268 : vector<16xf32>
        %add3A_270 = arith.constant 9 : i32
        %add3A_271 = vector.broadcast %add3A_270 : i32 to vector<16xi32>
        %add3A_272 = arith.addi %mul3A_224, %add3A_271 : vector<16xi32>
        %gather3A_273 = tpu.vector_load_idx %arg12[%add3A_272] : memref<768xf32, #tpu.memory_space<vmem>>[vector<16xi32>], vector<16xf32>,
        %add3A_274 = arith.addf %add3A_269, %gather3A_273 : vector<16xf32>
        %add3A_275 = arith.constant 10 : i32
        %add3A_276 = vector.broadcast %add3A_275 : i32 to vector<16xi32>
        %add3A_277 = arith.addi %mul3A_224, %add3A_276 : vector<16xi32>
        %gather3A_278 = tpu.vector_load_idx %arg12[%add3A_277] : memref<768xf32, #tpu.memory_space<vmem>>[vector<16xi32>], vector<16xf32>,
        %add3A_279 = arith.addf %add3A_274, %gather3A_278 : vector<16xf32>
        %add3A_280 = arith.constant 11 : i32
        %add3A_281 = vector.broadcast %add3A_280 : i32 to vector<16xi32>
        %add3A_282 = arith.addi %mul3A_224, %add3A_281 : vector<16xi32>
        %gather3A_283 = tpu.vector_load_idx %arg12[%add3A_282] : memref<768xf32, #tpu.memory_space<vmem>>[vector<16xi32>], vector<16xf32>,
        %add3A_284 = arith.addf %add3A_279, %gather3A_283 : vector<16xf32>
        %add3A_285 = arith.constant 12 : i32
        %add3A_286 = vector.broadcast %add3A_285 : i32 to vector<16xi32>
        %add3A_287 = arith.addi %mul3A_224, %add3A_286 : vector<16xi32>
        %gather3A_288 = tpu.vector_load_idx %arg12[%add3A_287] : memref<768xf32, #tpu.memory_space<vmem>>[vector<16xi32>], vector<16xf32>,
        %add3A_289 = arith.addf %add3A_284, %gather3A_288 : vector<16xf32>
        %add3A_290 = arith.constant 13 : i32
        %add3A_291 = vector.broadcast %add3A_290 : i32 to vector<16xi32>
        %add3A_292 = arith.addi %mul3A_224, %add3A_291 : vector<16xi32>
        %gather3A_293 = tpu.vector_load_idx %arg12[%add3A_292] : memref<768xf32, #tpu.memory_space<vmem>>[vector<16xi32>], vector<16xf32>,
        %add3A_294 = arith.addf %add3A_289, %gather3A_293 : vector<16xf32>
        %add3A_295 = arith.constant 14 : i32
        %add3A_296 = vector.broadcast %add3A_295 : i32 to vector<16xi32>
        %add3A_297 = arith.addi %mul3A_224, %add3A_296 : vector<16xi32>
        %gather3A_298 = tpu.vector_load_idx %arg12[%add3A_297] : memref<768xf32, #tpu.memory_space<vmem>>[vector<16xi32>], vector<16xf32>,
        %add3A_299 = arith.addf %add3A_294, %gather3A_298 : vector<16xf32>
        %add3A_300 = arith.constant 15 : i32
        %add3A_301 = vector.broadcast %add3A_300 : i32 to vector<16xi32>
        %add3A_302 = arith.addi %mul3A_224, %add3A_301 : vector<16xi32>
        %gather3A_303 = tpu.vector_load_idx %arg12[%add3A_302] : memref<768xf32, #tpu.memory_space<vmem>>[vector<16xi32>], vector<16xf32>,
        %add3A_304 = arith.addf %add3A_299, %gather3A_303 : vector<16xf32>
        %mul3A_305 = arith.constant 16 : i32
        %mul3A_306 = arith.muli %scan3A_217, %mul3A_305 : i32
        %swap3A = arith.index_cast %mul3A_306 : i32 to index
        %swap3A_307 = tpu.vector_load %arg13[%swap3A] {strides = array<i32>} : memref<48xf32, #tpu.memory_space<vmem>>, vector<16xf32>,
        tpu.vector_store %arg13[%swap3A], %add3A_304 {strides = array<i32>} : memref<48xf32, #tpu.memory_space<vmem>>, vector<16xf32>,
      }
      %scan3A_208 = arith.constant 3 : i32
      %mul3A_209 = arith.constant 40 : i32
      %mul3A_210 = arith.muli %add3A_196, %mul3A_209 : i32
      %add3A_211 = arith.addi %mul3A_2, %mul3A_210 : i32
      "tpu.region"() ({
        %run_scoped3A = tpu.sem_alloc : memref<!tpu.dma_semaphore, #tpu.memory_space<semaphore_mem>>
        %dma_start3A_217 = arith.constant 0 : i32
        %dma_start3A_218 = tpu.memref_slice %arg13[%dma_start3A_217] : memref<48xf32, #tpu.memory_space<vmem>> -> memref<40xf32, #tpu.memory_space<vmem>>
        %dma_start3A_219 = tpu.memref_slice %arg7[%add3A_211] : memref<160000xf32, #tpu.memory_space<hbm>> -> memref<40xf32, #tpu.memory_space<hbm>>
        %dma_start3A_220 = tpu.memref_slice %arg7[%add3A_211] : memref<160000xf32, #tpu.memory_space<hbm>> -> memref<40xf32, #tpu.memory_space<hbm>>
        %dma_start3A_221 = arith.constant 0 : i32
        %dma_start3A_222 = tpu.memref_slice %arg13[%dma_start3A_221] : memref<48xf32, #tpu.memory_space<vmem>> -> memref<40xf32, #tpu.memory_space<vmem>>
        tpu.enqueue_dma source(%dma_start3A_222 : memref<40xf32, #tpu.memory_space<vmem>>) target(%dma_start3A_220 : memref<40xf32, #tpu.memory_space<hbm>>) target_semaphore(%run_scoped3A : memref<!tpu.dma_semaphore, #tpu.memory_space<semaphore_mem>>)
        %dma_wait3A_223 = arith.constant 0 : i32
        %dma_wait3A_224 = tpu.memref_slice %arg13[%dma_wait3A_223] : memref<48xf32, #tpu.memory_space<vmem>> -> memref<40xf32, #tpu.memory_space<vmem>>
        %dma_wait3A_225 = tpu.memref_slice %arg7[%add3A_211] : memref<160000xf32, #tpu.memory_space<hbm>> -> memref<40xf32, #tpu.memory_space<hbm>>
        %dma_wait3A_226 = tpu.memref_slice %arg7[%add3A_211] : memref<160000xf32, #tpu.memory_space<hbm>> -> memref<40xf32, #tpu.memory_space<hbm>>
        %dma_wait3A_227 = arith.constant 0 : i32
        %dma_wait3A_228 = tpu.memref_slice %arg13[%dma_wait3A_227] : memref<48xf32, #tpu.memory_space<vmem>> -> memref<40xf32, #tpu.memory_space<vmem>>
        tpu.wait_dma2 semaphore(%run_scoped3A : memref<!tpu.dma_semaphore, #tpu.memory_space<semaphore_mem>>) src(%dma_wait3A_228 : memref<40xf32, #tpu.memory_space<vmem>>) dst(%dma_wait3A_226 : memref<40xf32, #tpu.memory_space<hbm>>)
        tpu.yield
      }) : () -> ()
      %lt3A_212 = arith.constant 61 : i32
      %lt3A_213 = arith.cmpi slt, %scan3A_131, %lt3A_212 : i32
      %convert_element_type3A_214 = arith.extui %lt3A_213 : i1 to i32
      %cond3A_215 = arith.constant 0 : i32
      %cond3A_216 = arith.cmpi ne, %convert_element_type3A_214, %cond3A_215 : i32
      scf.if %cond3A_216 {
        %dma_wait3A_217 = arith.constant 0 : i32
        %dma_wait3A_218 = arith.constant 0 : i32
        %dma_wait3A_219 = arith.constant 0 : i32
        %dma_wait3A_220 = tpu.memref_slice %arg10[%dma_wait3A_217, %dma_wait3A_218, %dma_wait3A_219] : memref<2x48x256xf32, #tpu.memory_space<vmem>> -> memref<1x40x256xf32, #tpu.memory_space<vmem>>
        %dma_wait3A_221 = tpu.memref_squeeze %dma_wait3A_220 : memref<1x40x256xf32, #tpu.memory_space<vmem>> -> memref<40x256xf32, #tpu.memory_space<vmem>>
        %dma_wait3A_222 = arith.constant 0 : i32
        %dma_wait3A_223 = tpu.memref_slice %arg8[%dma_wait3A_222] : memref<5000xi32, #tpu.memory_space<vmem>> -> memref<40xi32, #tpu.memory_space<vmem>>
        %dma_wait3A_224 = arith.constant 0 : i32
        %dma_wait3A_225 = arith.constant 0 : i32
        %dma_wait3A_226 = tpu.memref_slice %arg4[%dma_wait3A_224, %dma_wait3A_225] : memref<10000x256xf32, #tpu.memory_space<hbm>> -> memref<10000x256xf32, #tpu.memory_space<hbm>>
        tpu.wait_indirect_dma semaphore(%arg15 : memref<!tpu.dma_semaphore, #tpu.memory_space<semaphore_mem>>) src(%dma_wait3A_226 : memref<10000x256xf32, #tpu.memory_space<hbm>>) dst(%dma_wait3A_221 : memref<40x256xf32, #tpu.memory_space<vmem>>)
        %dma_wait3A_227 = arith.constant 0 : i32
        %dma_wait3A_228 = arith.constant 0 : i32
        %dma_wait3A_229 = arith.constant 0 : i32
        %dma_wait3A_230 = tpu.memref_slice %arg11[%dma_wait3A_227, %dma_wait3A_228, %dma_wait3A_229] : memref<2x48x256xf32, #tpu.memory_space<vmem>> -> memref<1x40x256xf32, #tpu.memory_space<vmem>>
        %dma_wait3A_231 = tpu.memref_squeeze %dma_wait3A_230 : memref<1x40x256xf32, #tpu.memory_space<vmem>> -> memref<40x256xf32, #tpu.memory_space<vmem>>
        %dma_wait3A_232 = arith.constant 0 : i32
        %dma_wait3A_233 = tpu.memref_slice %arg9[%dma_wait3A_232] : memref<5000xi32, #tpu.memory_space<vmem>> -> memref<40xi32, #tpu.memory_space<vmem>>
        %dma_wait3A_234 = arith.constant 0 : i32
        %dma_wait3A_235 = arith.constant 0 : i32
        %dma_wait3A_236 = tpu.memref_slice %arg5[%dma_wait3A_234, %dma_wait3A_235] : memref<10000x256xf32, #tpu.memory_space<hbm>> -> memref<10000x256xf32, #tpu.memory_space<hbm>>
        tpu.wait_indirect_dma semaphore(%arg17 : memref<!tpu.dma_semaphore, #tpu.memory_space<semaphore_mem>>) src(%dma_wait3A_236 : memref<10000x256xf32, #tpu.memory_space<hbm>>) dst(%dma_wait3A_231 : memref<40x256xf32, #tpu.memory_space<vmem>>)
      } else {
      }
    }
    %scan3A_76 = arith.constant 62 : i32
    %dma_start3A_77 = arith.constant 0 : i32
    %dma_start3A_78 = arith.constant 0 : i32
    %dma_start3A_79 = arith.constant 0 : i32
    %dma_start3A_80 = tpu.memref_slice %arg10[%dma_start3A_77, %dma_start3A_78, %dma_start3A_79] : memref<2x48x256xf32, #tpu.memory_space<vmem>> -> memref<1x40x256xf32, #tpu.memory_space<vmem>>
    %dma_start3A_81 = tpu.memref_squeeze %dma_start3A_80 : memref<1x40x256xf32, #tpu.memory_space<vmem>> -> memref<40x256xf32, #tpu.memory_space<vmem>>
    %dma_start3A_82 = arith.constant 4960 : i32
    %dma_start3A_83 = tpu.memref_slice %arg8[%dma_start3A_82] : memref<5000xi32, #tpu.memory_space<vmem>> -> memref<40xi32, #tpu.memory_space<vmem>>
    %dma_start3A_84 = arith.constant 0 : i32
    %dma_start3A_85 = arith.constant 0 : i32
    %dma_start3A_86 = tpu.memref_slice %arg4[%dma_start3A_84, %dma_start3A_85] : memref<10000x256xf32, #tpu.memory_space<hbm>> -> memref<10000x256xf32, #tpu.memory_space<hbm>>
    tpu.enqueue_indirect_dma source(%dma_start3A_86 : memref<10000x256xf32, #tpu.memory_space<hbm>>) target(%dma_start3A_81 : memref<40x256xf32, #tpu.memory_space<vmem>>) offsets(%dma_start3A_83 : memref<40xi32, #tpu.memory_space<vmem>>) semaphore(%arg15 : memref<!tpu.dma_semaphore, #tpu.memory_space<semaphore_mem>>)
    %dma_start3A_87 = arith.constant 0 : i32
    %dma_start3A_88 = arith.constant 0 : i32
    %dma_start3A_89 = arith.constant 0 : i32
    %dma_start3A_90 = tpu.memref_slice %arg11[%dma_start3A_87, %dma_start3A_88, %dma_start3A_89] : memref<2x48x256xf32, #tpu.memory_space<vmem>> -> memref<1x40x256xf32, #tpu.memory_space<vmem>>
    %dma_start3A_91 = tpu.memref_squeeze %dma_start3A_90 : memref<1x40x256xf32, #tpu.memory_space<vmem>> -> memref<40x256xf32, #tpu.memory_space<vmem>>
    %dma_start3A_92 = arith.constant 4960 : i32
    %dma_start3A_93 = tpu.memref_slice %arg9[%dma_start3A_92] : memref<5000xi32, #tpu.memory_space<vmem>> -> memref<40xi32, #tpu.memory_space<vmem>>
    %dma_start3A_94 = arith.constant 0 : i32
    %dma_start3A_95 = arith.constant 0 : i32
    %dma_start3A_96 = tpu.memref_slice %arg5[%dma_start3A_94, %dma_start3A_95] : memref<10000x256xf32, #tpu.memory_space<hbm>> -> memref<10000x256xf32, #tpu.memory_space<hbm>>
    tpu.enqueue_indirect_dma source(%dma_start3A_96 : memref<10000x256xf32, #tpu.memory_space<hbm>>) target(%dma_start3A_91 : memref<40x256xf32, #tpu.memory_space<vmem>>) offsets(%dma_start3A_93 : memref<40xi32, #tpu.memory_space<vmem>>) semaphore(%arg17 : memref<!tpu.dma_semaphore, #tpu.memory_space<semaphore_mem>>)
    %dma_wait3A_97 = arith.constant 0 : i32
    %dma_wait3A_98 = arith.constant 0 : i32
    %dma_wait3A_99 = arith.constant 0 : i32
    %dma_wait3A_100 = tpu.memref_slice %arg10[%dma_wait3A_97, %dma_wait3A_98, %dma_wait3A_99] : memref<2x48x256xf32, #tpu.memory_space<vmem>> -> memref<1x40x256xf32, #tpu.memory_space<vmem>>
    %dma_wait3A_101 = tpu.memref_squeeze %dma_wait3A_100 : memref<1x40x256xf32, #tpu.memory_space<vmem>> -> memref<40x256xf32, #tpu.memory_space<vmem>>
    %dma_wait3A_102 = arith.constant 0 : i32
    %dma_wait3A_103 = tpu.memref_slice %arg8[%dma_wait3A_102] : memref<5000xi32, #tpu.memory_space<vmem>> -> memref<40xi32, #tpu.memory_space<vmem>>
    %dma_wait3A_104 = arith.constant 0 : i32
    %dma_wait3A_105 = arith.constant 0 : i32
    %dma_wait3A_106 = tpu.memref_slice %arg4[%dma_wait3A_104, %dma_wait3A_105] : memref<10000x256xf32, #tpu.memory_space<hbm>> -> memref<10000x256xf32, #tpu.memory_space<hbm>>
    tpu.wait_indirect_dma semaphore(%arg15 : memref<!tpu.dma_semaphore, #tpu.memory_space<semaphore_mem>>) src(%dma_wait3A_106 : memref<10000x256xf32, #tpu.memory_space<hbm>>) dst(%dma_wait3A_101 : memref<40x256xf32, #tpu.memory_space<vmem>>)
    %dma_wait3A_107 = arith.constant 0 : i32
    %dma_wait3A_108 = arith.constant 0 : i32
    %dma_wait3A_109 = arith.constant 0 : i32
    %dma_wait3A_110 = tpu.memref_slice %arg11[%dma_wait3A_107, %dma_wait3A_108, %dma_wait3A_109] : memref<2x48x256xf32, #tpu.memory_space<vmem>> -> memref<1x40x256xf32, #tpu.memory_space<vmem>>
    %dma_wait3A_111 = tpu.memref_squeeze %dma_wait3A_110 : memref<1x40x256xf32, #tpu.memory_space<vmem>> -> memref<40x256xf32, #tpu.memory_space<vmem>>
    %dma_wait3A_112 = arith.constant 0 : i32
    %dma_wait3A_113 = tpu.memref_slice %arg9[%dma_wait3A_112] : memref<5000xi32, #tpu.memory_space<vmem>> -> memref<40xi32, #tpu.memory_space<vmem>>
    %dma_wait3A_114 = arith.constant 0 : i32
    %dma_wait3A_115 = arith.constant 0 : i32
    %dma_wait3A_116 = tpu.memref_slice %arg5[%dma_wait3A_114, %dma_wait3A_115] : memref<10000x256xf32, #tpu.memory_space<hbm>> -> memref<10000x256xf32, #tpu.memory_space<hbm>>
    tpu.wait_indirect_dma semaphore(%arg17 : memref<!tpu.dma_semaphore, #tpu.memory_space<semaphore_mem>>) src(%dma_wait3A_116 : memref<10000x256xf32, #tpu.memory_space<hbm>>) dst(%dma_wait3A_111 : memref<40x256xf32, #tpu.memory_space<vmem>>)
    %scan3A_117 = arith.constant 0 : i32
    %scan3A_118 = arith.constant 0 : i32
    %scan3A_119 = arith.constant 48 : i32
    %scan3A_120 = arith.addi %scan3A_118, %scan3A_119 : i32
    %scan3A_121 = arith.constant 1 : i32
    scf.for %scan3A_131 = %scan3A_118 to %scan3A_120 step %scan3A_121  : i32 {
      %broadcast_in_dim3A = arith.constant 0.000000e+00 : f32
      %broadcast_in_dim3A_132 = vector.broadcast %broadcast_in_dim3A : f32 to vector<16xf32>
      %get3A_133 = arith.constant 0 : i32
      %get3A_134 = arith.index_cast %get3A_133 : i32 to index
      %get3A_135 = arith.index_cast %scan3A_131 : i32 to index
      %get3A_136 = arith.constant 0 : index
      %get3A_137 = tpu.vector_load %arg10[%get3A_134, %get3A_135, %get3A_136] {strides = array<i32>} : memref<2x48x256xf32, #tpu.memory_space<vmem>>, vector<16xf32>,
      %get3A_138 = arith.constant 0 : i32
      %get3A_139 = arith.index_cast %get3A_138 : i32 to index
      %get3A_140 = arith.index_cast %scan3A_131 : i32 to index
      %get3A_141 = arith.constant 0 : index
      %get3A_142 = tpu.vector_load %arg11[%get3A_139, %get3A_140, %get3A_141] {strides = array<i32>} : memref<2x48x256xf32, #tpu.memory_space<vmem>>, vector<16xf32>,
      %add3A_143 = arith.addf %get3A_137, %get3A_142 : vector<16xf32>
      %max3A = arith.constant 0.000000e+00 : f32
      %max3A_144 = vector.broadcast %max3A : f32 to vector<16xf32>
      %max3A_145 = arith.maximumf %add3A_143, %max3A_144 : vector<16xf32>
      %mul3A_146 = arith.mulf %max3A_145, %get3A_3 : vector<16xf32>
      %add3A_147 = arith.addf %broadcast_in_dim3A_132, %mul3A_146 : vector<16xf32>
      %get3A_148 = arith.constant 0 : i32
      %get3A_149 = arith.index_cast %get3A_148 : i32 to index
      %get3A_150 = arith.index_cast %scan3A_131 : i32 to index
      %get3A_151 = arith.constant 16 : index
      %get3A_152 = tpu.vector_load %arg10[%get3A_149, %get3A_150, %get3A_151] {strides = array<i32>} : memref<2x48x256xf32, #tpu.memory_space<vmem>>, vector<16xf32>,
      %get3A_153 = arith.constant 0 : i32
      %get3A_154 = arith.index_cast %get3A_153 : i32 to index
      %get3A_155 = arith.index_cast %scan3A_131 : i32 to index
      %get3A_156 = arith.constant 16 : index
      %get3A_157 = tpu.vector_load %arg11[%get3A_154, %get3A_155, %get3A_156] {strides = array<i32>} : memref<2x48x256xf32, #tpu.memory_space<vmem>>, vector<16xf32>,
      %add3A_158 = arith.addf %get3A_152, %get3A_157 : vector<16xf32>
      %max3A_159 = arith.constant 0.000000e+00 : f32
      %max3A_160 = vector.broadcast %max3A_159 : f32 to vector<16xf32>
      %max3A_161 = arith.maximumf %add3A_158, %max3A_160 : vector<16xf32>
      %mul3A_162 = arith.mulf %max3A_161, %get3A_5 : vector<16xf32>
      %add3A_163 = arith.addf %add3A_147, %mul3A_162 : vector<16xf32>
      %get3A_164 = arith.constant 0 : i32
      %get3A_165 = arith.index_cast %get3A_164 : i32 to index
      %get3A_166 = arith.index_cast %scan3A_131 : i32 to index
      %get3A_167 = arith.constant 32 : index
      %get3A_168 = tpu.vector_load %arg10[%get3A_165, %get3A_166, %get3A_167] {strides = array<i32>} : memref<2x48x256xf32, #tpu.memory_space<vmem>>, vector<16xf32>,
      %get3A_169 = arith.constant 0 : i32
      %get3A_170 = arith.index_cast %get3A_169 : i32 to index
      %get3A_171 = arith.index_cast %scan3A_131 : i32 to index
      %get3A_172 = arith.constant 32 : index
      %get3A_173 = tpu.vector_load %arg11[%get3A_170, %get3A_171, %get3A_172] {strides = array<i32>} : memref<2x48x256xf32, #tpu.memory_space<vmem>>, vector<16xf32>,
      %add3A_174 = arith.addf %get3A_168, %get3A_173 : vector<16xf32>
      %max3A_175 = arith.constant 0.000000e+00 : f32
      %max3A_176 = vector.broadcast %max3A_175 : f32 to vector<16xf32>
      %max3A_177 = arith.maximumf %add3A_174, %max3A_176 : vector<16xf32>
      %mul3A_178 = arith.mulf %max3A_177, %get3A_7 : vector<16xf32>
      %add3A_179 = arith.addf %add3A_163, %mul3A_178 : vector<16xf32>
      %get3A_180 = arith.constant 0 : i32
      %get3A_181 = arith.index_cast %get3A_180 : i32 to index
      %get3A_182 = arith.index_cast %scan3A_131 : i32 to index
      %get3A_183 = arith.constant 48 : index
      %get3A_184 = tpu.vector_load %arg10[%get3A_181, %get3A_182, %get3A_183] {strides = array<i32>} : memref<2x48x256xf32, #tpu.memory_space<vmem>>, vector<16xf32>,
      %get3A_185 = arith.constant 0 : i32
      %get3A_186 = arith.index_cast %get3A_185 : i32 to index
      %get3A_187 = arith.index_cast %scan3A_131 : i32 to index
      %get3A_188 = arith.constant 48 : index
      %get3A_189 = tpu.vector_load %arg11[%get3A_186, %get3A_187, %get3A_188] {strides = array<i32>} : memref<2x48x256xf32, #tpu.memory_space<vmem>>, vector<16xf32>,
      %add3A_190 = arith.addf %get3A_184, %get3A_189 : vector<16xf32>
      %max3A_191 = arith.constant 0.000000e+00 : f32
      %max3A_192 = vector.broadcast %max3A_191 : f32 to vector<16xf32>
      %max3A_193 = arith.maximumf %add3A_190, %max3A_192 : vector<16xf32>
      %mul3A_194 = arith.mulf %max3A_193, %get3A_9 : vector<16xf32>
      %add3A_195 = arith.addf %add3A_179, %mul3A_194 : vector<16xf32>
      %get3A_196 = arith.constant 0 : i32
      %get3A_197 = arith.index_cast %get3A_196 : i32 to index
      %get3A_198 = arith.index_cast %scan3A_131 : i32 to index
      %get3A_199 = arith.constant 64 : index
      %get3A_200 = tpu.vector_load %arg10[%get3A_197, %get3A_198, %get3A_199] {strides = array<i32>} : memref<2x48x256xf32, #tpu.memory_space<vmem>>, vector<16xf32>,
      %get3A_201 = arith.constant 0 : i32
      %get3A_202 = arith.index_cast %get3A_201 : i32 to index
      %get3A_203 = arith.index_cast %scan3A_131 : i32 to index
      %get3A_204 = arith.constant 64 : index
      %get3A_205 = tpu.vector_load %arg11[%get3A_202, %get3A_203, %get3A_204] {strides = array<i32>} : memref<2x48x256xf32, #tpu.memory_space<vmem>>, vector<16xf32>,
      %add3A_206 = arith.addf %get3A_200, %get3A_205 : vector<16xf32>
      %max3A_207 = arith.constant 0.000000e+00 : f32
      %max3A_208 = vector.broadcast %max3A_207 : f32 to vector<16xf32>
      %max3A_209 = arith.maximumf %add3A_206, %max3A_208 : vector<16xf32>
      %mul3A_210 = arith.mulf %max3A_209, %get3A_11 : vector<16xf32>
      %add3A_211 = arith.addf %add3A_195, %mul3A_210 : vector<16xf32>
      %get3A_212 = arith.constant 0 : i32
      %get3A_213 = arith.index_cast %get3A_212 : i32 to index
      %get3A_214 = arith.index_cast %scan3A_131 : i32 to index
      %get3A_215 = arith.constant 80 : index
      %get3A_216 = tpu.vector_load %arg10[%get3A_213, %get3A_214, %get3A_215] {strides = array<i32>} : memref<2x48x256xf32, #tpu.memory_space<vmem>>, vector<16xf32>,
      %get3A_217 = arith.constant 0 : i32
      %get3A_218 = arith.index_cast %get3A_217 : i32 to index
      %get3A_219 = arith.index_cast %scan3A_131 : i32 to index
      %get3A_220 = arith.constant 80 : index
      %get3A_221 = tpu.vector_load %arg11[%get3A_218, %get3A_219, %get3A_220] {strides = array<i32>} : memref<2x48x256xf32, #tpu.memory_space<vmem>>, vector<16xf32>,
      %add3A_222 = arith.addf %get3A_216, %get3A_221 : vector<16xf32>
      %max3A_223 = arith.constant 0.000000e+00 : f32
      %max3A_224 = vector.broadcast %max3A_223 : f32 to vector<16xf32>
      %max3A_225 = arith.maximumf %add3A_222, %max3A_224 : vector<16xf32>
      %mul3A_226 = arith.mulf %max3A_225, %get3A_13 : vector<16xf32>
      %add3A_227 = arith.addf %add3A_211, %mul3A_226 : vector<16xf32>
      %get3A_228 = arith.constant 0 : i32
      %get3A_229 = arith.index_cast %get3A_228 : i32 to index
      %get3A_230 = arith.index_cast %scan3A_131 : i32 to index
      %get3A_231 = arith.constant 96 : index
      %get3A_232 = tpu.vector_load %arg10[%get3A_229, %get3A_230, %get3A_231] {strides = array<i32>} : memref<2x48x256xf32, #tpu.memory_space<vmem>>, vector<16xf32>,
      %get3A_233 = arith.constant 0 : i32
      %get3A_234 = arith.index_cast %get3A_233 : i32 to index
      %get3A_235 = arith.index_cast %scan3A_131 : i32 to index
      %get3A_236 = arith.constant 96 : index
      %get3A_237 = tpu.vector_load %arg11[%get3A_234, %get3A_235, %get3A_236] {strides = array<i32>} : memref<2x48x256xf32, #tpu.memory_space<vmem>>, vector<16xf32>,
      %add3A_238 = arith.addf %get3A_232, %get3A_237 : vector<16xf32>
      %max3A_239 = arith.constant 0.000000e+00 : f32
      %max3A_240 = vector.broadcast %max3A_239 : f32 to vector<16xf32>
      %max3A_241 = arith.maximumf %add3A_238, %max3A_240 : vector<16xf32>
      %mul3A_242 = arith.mulf %max3A_241, %get3A_15 : vector<16xf32>
      %add3A_243 = arith.addf %add3A_227, %mul3A_242 : vector<16xf32>
      %get3A_244 = arith.constant 0 : i32
      %get3A_245 = arith.index_cast %get3A_244 : i32 to index
      %get3A_246 = arith.index_cast %scan3A_131 : i32 to index
      %get3A_247 = arith.constant 112 : index
      %get3A_248 = tpu.vector_load %arg10[%get3A_245, %get3A_246, %get3A_247] {strides = array<i32>} : memref<2x48x256xf32, #tpu.memory_space<vmem>>, vector<16xf32>,
      %get3A_249 = arith.constant 0 : i32
      %get3A_250 = arith.index_cast %get3A_249 : i32 to index
      %get3A_251 = arith.index_cast %scan3A_131 : i32 to index
      %get3A_252 = arith.constant 112 : index
      %get3A_253 = tpu.vector_load %arg11[%get3A_250, %get3A_251, %get3A_252] {strides = array<i32>} : memref<2x48x256xf32, #tpu.memory_space<vmem>>, vector<16xf32>,
      %add3A_254 = arith.addf %get3A_248, %get3A_253 : vector<16xf32>
      %max3A_255 = arith.constant 0.000000e+00 : f32
      %max3A_256 = vector.broadcast %max3A_255 : f32 to vector<16xf32>
      %max3A_257 = arith.maximumf %add3A_254, %max3A_256 : vector<16xf32>
      %mul3A_258 = arith.mulf %max3A_257, %get3A_17 : vector<16xf32>
      %add3A_259 = arith.addf %add3A_243, %mul3A_258 : vector<16xf32>
      %get3A_260 = arith.constant 0 : i32
      %get3A_261 = arith.index_cast %get3A_260 : i32 to index
      %get3A_262 = arith.index_cast %scan3A_131 : i32 to index
      %get3A_263 = arith.constant 128 : index
      %get3A_264 = tpu.vector_load %arg10[%get3A_261, %get3A_262, %get3A_263] {strides = array<i32>} : memref<2x48x256xf32, #tpu.memory_space<vmem>>, vector<16xf32>,
      %get3A_265 = arith.constant 0 : i32
      %get3A_266 = arith.index_cast %get3A_265 : i32 to index
      %get3A_267 = arith.index_cast %scan3A_131 : i32 to index
      %get3A_268 = arith.constant 128 : index
      %get3A_269 = tpu.vector_load %arg11[%get3A_266, %get3A_267, %get3A_268] {strides = array<i32>} : memref<2x48x256xf32, #tpu.memory_space<vmem>>, vector<16xf32>,
      %add3A_270 = arith.addf %get3A_264, %get3A_269 : vector<16xf32>
      %max3A_271 = arith.constant 0.000000e+00 : f32
      %max3A_272 = vector.broadcast %max3A_271 : f32 to vector<16xf32>
      %max3A_273 = arith.maximumf %add3A_270, %max3A_272 : vector<16xf32>
      %mul3A_274 = arith.mulf %max3A_273, %get3A_19 : vector<16xf32>
      %add3A_275 = arith.addf %add3A_259, %mul3A_274 : vector<16xf32>
      %get3A_276 = arith.constant 0 : i32
      %get3A_277 = arith.index_cast %get3A_276 : i32 to index
      %get3A_278 = arith.index_cast %scan3A_131 : i32 to index
      %get3A_279 = arith.constant 144 : index
      %get3A_280 = tpu.vector_load %arg10[%get3A_277, %get3A_278, %get3A_279] {strides = array<i32>} : memref<2x48x256xf32, #tpu.memory_space<vmem>>, vector<16xf32>,
      %get3A_281 = arith.constant 0 : i32
      %get3A_282 = arith.index_cast %get3A_281 : i32 to index
      %get3A_283 = arith.index_cast %scan3A_131 : i32 to index
      %get3A_284 = arith.constant 144 : index
      %get3A_285 = tpu.vector_load %arg11[%get3A_282, %get3A_283, %get3A_284] {strides = array<i32>} : memref<2x48x256xf32, #tpu.memory_space<vmem>>, vector<16xf32>,
      %add3A_286 = arith.addf %get3A_280, %get3A_285 : vector<16xf32>
      %max3A_287 = arith.constant 0.000000e+00 : f32
      %max3A_288 = vector.broadcast %max3A_287 : f32 to vector<16xf32>
      %max3A_289 = arith.maximumf %add3A_286, %max3A_288 : vector<16xf32>
      %mul3A_290 = arith.mulf %max3A_289, %get3A_21 : vector<16xf32>
      %add3A_291 = arith.addf %add3A_275, %mul3A_290 : vector<16xf32>
      %get3A_292 = arith.constant 0 : i32
      %get3A_293 = arith.index_cast %get3A_292 : i32 to index
      %get3A_294 = arith.index_cast %scan3A_131 : i32 to index
      %get3A_295 = arith.constant 160 : index
      %get3A_296 = tpu.vector_load %arg10[%get3A_293, %get3A_294, %get3A_295] {strides = array<i32>} : memref<2x48x256xf32, #tpu.memory_space<vmem>>, vector<16xf32>,
      %get3A_297 = arith.constant 0 : i32
      %get3A_298 = arith.index_cast %get3A_297 : i32 to index
      %get3A_299 = arith.index_cast %scan3A_131 : i32 to index
      %get3A_300 = arith.constant 160 : index
      %get3A_301 = tpu.vector_load %arg11[%get3A_298, %get3A_299, %get3A_300] {strides = array<i32>} : memref<2x48x256xf32, #tpu.memory_space<vmem>>, vector<16xf32>,
      %add3A_302 = arith.addf %get3A_296, %get3A_301 : vector<16xf32>
      %max3A_303 = arith.constant 0.000000e+00 : f32
      %max3A_304 = vector.broadcast %max3A_303 : f32 to vector<16xf32>
      %max3A_305 = arith.maximumf %add3A_302, %max3A_304 : vector<16xf32>
      %mul3A_306 = arith.mulf %max3A_305, %get3A_23 : vector<16xf32>
      %add3A_307 = arith.addf %add3A_291, %mul3A_306 : vector<16xf32>
      %get3A_308 = arith.constant 0 : i32
      %get3A_309 = arith.index_cast %get3A_308 : i32 to index
      %get3A_310 = arith.index_cast %scan3A_131 : i32 to index
      %get3A_311 = arith.constant 176 : index
      %get3A_312 = tpu.vector_load %arg10[%get3A_309, %get3A_310, %get3A_311] {strides = array<i32>} : memref<2x48x256xf32, #tpu.memory_space<vmem>>, vector<16xf32>,
      %get3A_313 = arith.constant 0 : i32
      %get3A_314 = arith.index_cast %get3A_313 : i32 to index
      %get3A_315 = arith.index_cast %scan3A_131 : i32 to index
      %get3A_316 = arith.constant 176 : index
      %get3A_317 = tpu.vector_load %arg11[%get3A_314, %get3A_315, %get3A_316] {strides = array<i32>} : memref<2x48x256xf32, #tpu.memory_space<vmem>>, vector<16xf32>,
      %add3A_318 = arith.addf %get3A_312, %get3A_317 : vector<16xf32>
      %max3A_319 = arith.constant 0.000000e+00 : f32
      %max3A_320 = vector.broadcast %max3A_319 : f32 to vector<16xf32>
      %max3A_321 = arith.maximumf %add3A_318, %max3A_320 : vector<16xf32>
      %mul3A_322 = arith.mulf %max3A_321, %get3A_25 : vector<16xf32>
      %add3A_323 = arith.addf %add3A_307, %mul3A_322 : vector<16xf32>
      %get3A_324 = arith.constant 0 : i32
      %get3A_325 = arith.index_cast %get3A_324 : i32 to index
      %get3A_326 = arith.index_cast %scan3A_131 : i32 to index
      %get3A_327 = arith.constant 192 : index
      %get3A_328 = tpu.vector_load %arg10[%get3A_325, %get3A_326, %get3A_327] {strides = array<i32>} : memref<2x48x256xf32, #tpu.memory_space<vmem>>, vector<16xf32>,
      %get3A_329 = arith.constant 0 : i32
      %get3A_330 = arith.index_cast %get3A_329 : i32 to index
      %get3A_331 = arith.index_cast %scan3A_131 : i32 to index
      %get3A_332 = arith.constant 192 : index
      %get3A_333 = tpu.vector_load %arg11[%get3A_330, %get3A_331, %get3A_332] {strides = array<i32>} : memref<2x48x256xf32, #tpu.memory_space<vmem>>, vector<16xf32>,
      %add3A_334 = arith.addf %get3A_328, %get3A_333 : vector<16xf32>
      %max3A_335 = arith.constant 0.000000e+00 : f32
      %max3A_336 = vector.broadcast %max3A_335 : f32 to vector<16xf32>
      %max3A_337 = arith.maximumf %add3A_334, %max3A_336 : vector<16xf32>
      %mul3A_338 = arith.mulf %max3A_337, %get3A_27 : vector<16xf32>
      %add3A_339 = arith.addf %add3A_323, %mul3A_338 : vector<16xf32>
      %get3A_340 = arith.constant 0 : i32
      %get3A_341 = arith.index_cast %get3A_340 : i32 to index
      %get3A_342 = arith.index_cast %scan3A_131 : i32 to index
      %get3A_343 = arith.constant 208 : index
      %get3A_344 = tpu.vector_load %arg10[%get3A_341, %get3A_342, %get3A_343] {strides = array<i32>} : memref<2x48x256xf32, #tpu.memory_space<vmem>>, vector<16xf32>,
      %get3A_345 = arith.constant 0 : i32
      %get3A_346 = arith.index_cast %get3A_345 : i32 to index
      %get3A_347 = arith.index_cast %scan3A_131 : i32 to index
      %get3A_348 = arith.constant 208 : index
      %get3A_349 = tpu.vector_load %arg11[%get3A_346, %get3A_347, %get3A_348] {strides = array<i32>} : memref<2x48x256xf32, #tpu.memory_space<vmem>>, vector<16xf32>,
      %add3A_350 = arith.addf %get3A_344, %get3A_349 : vector<16xf32>
      %max3A_351 = arith.constant 0.000000e+00 : f32
      %max3A_352 = vector.broadcast %max3A_351 : f32 to vector<16xf32>
      %max3A_353 = arith.maximumf %add3A_350, %max3A_352 : vector<16xf32>
      %mul3A_354 = arith.mulf %max3A_353, %get3A_29 : vector<16xf32>
      %add3A_355 = arith.addf %add3A_339, %mul3A_354 : vector<16xf32>
      %get3A_356 = arith.constant 0 : i32
      %get3A_357 = arith.index_cast %get3A_356 : i32 to index
      %get3A_358 = arith.index_cast %scan3A_131 : i32 to index
      %get3A_359 = arith.constant 224 : index
      %get3A_360 = tpu.vector_load %arg10[%get3A_357, %get3A_358, %get3A_359] {strides = array<i32>} : memref<2x48x256xf32, #tpu.memory_space<vmem>>, vector<16xf32>,
      %get3A_361 = arith.constant 0 : i32
      %get3A_362 = arith.index_cast %get3A_361 : i32 to index
      %get3A_363 = arith.index_cast %scan3A_131 : i32 to index
      %get3A_364 = arith.constant 224 : index
      %get3A_365 = tpu.vector_load %arg11[%get3A_362, %get3A_363, %get3A_364] {strides = array<i32>} : memref<2x48x256xf32, #tpu.memory_space<vmem>>, vector<16xf32>,
      %add3A_366 = arith.addf %get3A_360, %get3A_365 : vector<16xf32>
      %max3A_367 = arith.constant 0.000000e+00 : f32
      %max3A_368 = vector.broadcast %max3A_367 : f32 to vector<16xf32>
      %max3A_369 = arith.maximumf %add3A_366, %max3A_368 : vector<16xf32>
      %mul3A_370 = arith.mulf %max3A_369, %get3A_31 : vector<16xf32>
      %add3A_371 = arith.addf %add3A_355, %mul3A_370 : vector<16xf32>
      %get3A_372 = arith.constant 0 : i32
      %get3A_373 = arith.index_cast %get3A_372 : i32 to index
      %get3A_374 = arith.index_cast %scan3A_131 : i32 to index
      %get3A_375 = arith.constant 240 : index
      %get3A_376 = tpu.vector_load %arg10[%get3A_373, %get3A_374, %get3A_375] {strides = array<i32>} : memref<2x48x256xf32, #tpu.memory_space<vmem>>, vector<16xf32>,
      %get3A_377 = arith.constant 0 : i32
      %get3A_378 = arith.index_cast %get3A_377 : i32 to index
      %get3A_379 = arith.index_cast %scan3A_131 : i32 to index
      %get3A_380 = arith.constant 240 : index
      %get3A_381 = tpu.vector_load %arg11[%get3A_378, %get3A_379, %get3A_380] {strides = array<i32>} : memref<2x48x256xf32, #tpu.memory_space<vmem>>, vector<16xf32>,
      %add3A_382 = arith.addf %get3A_376, %get3A_381 : vector<16xf32>
      %max3A_383 = arith.constant 0.000000e+00 : f32
      %max3A_384 = vector.broadcast %max3A_383 : f32 to vector<16xf32>
      %max3A_385 = arith.maximumf %add3A_382, %max3A_384 : vector<16xf32>
      %mul3A_386 = arith.mulf %max3A_385, %get3A_33 : vector<16xf32>
      %add3A_387 = arith.addf %add3A_371, %mul3A_386 : vector<16xf32>
      %mul3A_388 = arith.constant 16 : i32
      %mul3A_389 = arith.muli %scan3A_131, %mul3A_388 : i32
      %swap3A = arith.index_cast %mul3A_389 : i32 to index
      %swap3A_390 = tpu.vector_load %arg12[%swap3A] {strides = array<i32>} : memref<768xf32, #tpu.memory_space<vmem>>, vector<16xf32>,
      tpu.vector_store %arg12[%swap3A], %add3A_387 {strides = array<i32>} : memref<768xf32, #tpu.memory_space<vmem>>, vector<16xf32>,
    }
    %scan3A_122 = arith.constant 48 : i32
    %scan3A_123 = arith.constant 0 : i32
    %scan3A_124 = arith.constant 0 : i32
    %scan3A_125 = arith.constant 3 : i32
    %scan3A_126 = arith.addi %scan3A_124, %scan3A_125 : i32
    %scan3A_127 = arith.constant 1 : i32
    scf.for %scan3A_131 = %scan3A_124 to %scan3A_126 step %scan3A_127  : i32 {
      %mul3A_132 = arith.constant 16 : i32
      %mul3A_133 = arith.muli %scan3A_131, %mul3A_132 : i32
      %add3A_134 = vector.broadcast %mul3A_133 : i32 to vector<16xi32>
      %add3A_135 = arith.addi %add3A_134, %iota3A : vector<16xi32>
      %mul3A_136 = arith.constant 16 : i32
      %mul3A_137 = vector.broadcast %mul3A_136 : i32 to vector<16xi32>
      %mul3A_138 = arith.muli %add3A_135, %mul3A_137 : vector<16xi32>
      %broadcast_in_dim3A = arith.constant 0.000000e+00 : f32
      %broadcast_in_dim3A_139 = vector.broadcast %broadcast_in_dim3A : f32 to vector<16xf32>
      %add3A_140 = arith.constant 0 : i32
      %add3A_141 = vector.broadcast %add3A_140 : i32 to vector<16xi32>
      %add3A_142 = arith.addi %mul3A_138, %add3A_141 : vector<16xi32>
      %gather3A = tpu.vector_load_idx %arg12[%add3A_142] : memref<768xf32, #tpu.memory_space<vmem>>[vector<16xi32>], vector<16xf32>,
      %add3A_143 = arith.addf %broadcast_in_dim3A_139, %gather3A : vector<16xf32>
      %add3A_144 = arith.constant 1 : i32
      %add3A_145 = vector.broadcast %add3A_144 : i32 to vector<16xi32>
      %add3A_146 = arith.addi %mul3A_138, %add3A_145 : vector<16xi32>
      %gather3A_147 = tpu.vector_load_idx %arg12[%add3A_146] : memref<768xf32, #tpu.memory_space<vmem>>[vector<16xi32>], vector<16xf32>,
      %add3A_148 = arith.addf %add3A_143, %gather3A_147 : vector<16xf32>
      %add3A_149 = arith.constant 2 : i32
      %add3A_150 = vector.broadcast %add3A_149 : i32 to vector<16xi32>
      %add3A_151 = arith.addi %mul3A_138, %add3A_150 : vector<16xi32>
      %gather3A_152 = tpu.vector_load_idx %arg12[%add3A_151] : memref<768xf32, #tpu.memory_space<vmem>>[vector<16xi32>], vector<16xf32>,
      %add3A_153 = arith.addf %add3A_148, %gather3A_152 : vector<16xf32>
      %add3A_154 = arith.constant 3 : i32
      %add3A_155 = vector.broadcast %add3A_154 : i32 to vector<16xi32>
      %add3A_156 = arith.addi %mul3A_138, %add3A_155 : vector<16xi32>
      %gather3A_157 = tpu.vector_load_idx %arg12[%add3A_156] : memref<768xf32, #tpu.memory_space<vmem>>[vector<16xi32>], vector<16xf32>,
      %add3A_158 = arith.addf %add3A_153, %gather3A_157 : vector<16xf32>
      %add3A_159 = arith.constant 4 : i32
      %add3A_160 = vector.broadcast %add3A_159 : i32 to vector<16xi32>
      %add3A_161 = arith.addi %mul3A_138, %add3A_160 : vector<16xi32>
      %gather3A_162 = tpu.vector_load_idx %arg12[%add3A_161] : memref<768xf32, #tpu.memory_space<vmem>>[vector<16xi32>], vector<16xf32>,
      %add3A_163 = arith.addf %add3A_158, %gather3A_162 : vector<16xf32>
      %add3A_164 = arith.constant 5 : i32
      %add3A_165 = vector.broadcast %add3A_164 : i32 to vector<16xi32>
      %add3A_166 = arith.addi %mul3A_138, %add3A_165 : vector<16xi32>
      %gather3A_167 = tpu.vector_load_idx %arg12[%add3A_166] : memref<768xf32, #tpu.memory_space<vmem>>[vector<16xi32>], vector<16xf32>,
      %add3A_168 = arith.addf %add3A_163, %gather3A_167 : vector<16xf32>
      %add3A_169 = arith.constant 6 : i32
      %add3A_170 = vector.broadcast %add3A_169 : i32 to vector<16xi32>
      %add3A_171 = arith.addi %mul3A_138, %add3A_170 : vector<16xi32>
      %gather3A_172 = tpu.vector_load_idx %arg12[%add3A_171] : memref<768xf32, #tpu.memory_space<vmem>>[vector<16xi32>], vector<16xf32>,
      %add3A_173 = arith.addf %add3A_168, %gather3A_172 : vector<16xf32>
      %add3A_174 = arith.constant 7 : i32
      %add3A_175 = vector.broadcast %add3A_174 : i32 to vector<16xi32>
      %add3A_176 = arith.addi %mul3A_138, %add3A_175 : vector<16xi32>
      %gather3A_177 = tpu.vector_load_idx %arg12[%add3A_176] : memref<768xf32, #tpu.memory_space<vmem>>[vector<16xi32>], vector<16xf32>,
      %add3A_178 = arith.addf %add3A_173, %gather3A_177 : vector<16xf32>
      %add3A_179 = arith.constant 8 : i32
      %add3A_180 = vector.broadcast %add3A_179 : i32 to vector<16xi32>
      %add3A_181 = arith.addi %mul3A_138, %add3A_180 : vector<16xi32>
      %gather3A_182 = tpu.vector_load_idx %arg12[%add3A_181] : memref<768xf32, #tpu.memory_space<vmem>>[vector<16xi32>], vector<16xf32>,
      %add3A_183 = arith.addf %add3A_178, %gather3A_182 : vector<16xf32>
      %add3A_184 = arith.constant 9 : i32
      %add3A_185 = vector.broadcast %add3A_184 : i32 to vector<16xi32>
      %add3A_186 = arith.addi %mul3A_138, %add3A_185 : vector<16xi32>
      %gather3A_187 = tpu.vector_load_idx %arg12[%add3A_186] : memref<768xf32, #tpu.memory_space<vmem>>[vector<16xi32>], vector<16xf32>,
      %add3A_188 = arith.addf %add3A_183, %gather3A_187 : vector<16xf32>
      %add3A_189 = arith.constant 10 : i32
      %add3A_190 = vector.broadcast %add3A_189 : i32 to vector<16xi32>
      %add3A_191 = arith.addi %mul3A_138, %add3A_190 : vector<16xi32>
      %gather3A_192 = tpu.vector_load_idx %arg12[%add3A_191] : memref<768xf32, #tpu.memory_space<vmem>>[vector<16xi32>], vector<16xf32>,
      %add3A_193 = arith.addf %add3A_188, %gather3A_192 : vector<16xf32>
      %add3A_194 = arith.constant 11 : i32
      %add3A_195 = vector.broadcast %add3A_194 : i32 to vector<16xi32>
      %add3A_196 = arith.addi %mul3A_138, %add3A_195 : vector<16xi32>
      %gather3A_197 = tpu.vector_load_idx %arg12[%add3A_196] : memref<768xf32, #tpu.memory_space<vmem>>[vector<16xi32>], vector<16xf32>,
      %add3A_198 = arith.addf %add3A_193, %gather3A_197 : vector<16xf32>
      %add3A_199 = arith.constant 12 : i32
      %add3A_200 = vector.broadcast %add3A_199 : i32 to vector<16xi32>
      %add3A_201 = arith.addi %mul3A_138, %add3A_200 : vector<16xi32>
      %gather3A_202 = tpu.vector_load_idx %arg12[%add3A_201] : memref<768xf32, #tpu.memory_space<vmem>>[vector<16xi32>], vector<16xf32>,
      %add3A_203 = arith.addf %add3A_198, %gather3A_202 : vector<16xf32>
      %add3A_204 = arith.constant 13 : i32
      %add3A_205 = vector.broadcast %add3A_204 : i32 to vector<16xi32>
      %add3A_206 = arith.addi %mul3A_138, %add3A_205 : vector<16xi32>
      %gather3A_207 = tpu.vector_load_idx %arg12[%add3A_206] : memref<768xf32, #tpu.memory_space<vmem>>[vector<16xi32>], vector<16xf32>,
      %add3A_208 = arith.addf %add3A_203, %gather3A_207 : vector<16xf32>
      %add3A_209 = arith.constant 14 : i32
      %add3A_210 = vector.broadcast %add3A_209 : i32 to vector<16xi32>
      %add3A_211 = arith.addi %mul3A_138, %add3A_210 : vector<16xi32>
      %gather3A_212 = tpu.vector_load_idx %arg12[%add3A_211] : memref<768xf32, #tpu.memory_space<vmem>>[vector<16xi32>], vector<16xf32>,
      %add3A_213 = arith.addf %add3A_208, %gather3A_212 : vector<16xf32>
      %add3A_214 = arith.constant 15 : i32
      %add3A_215 = vector.broadcast %add3A_214 : i32 to vector<16xi32>
      %add3A_216 = arith.addi %mul3A_138, %add3A_215 : vector<16xi32>
      %gather3A_217 = tpu.vector_load_idx %arg12[%add3A_216] : memref<768xf32, #tpu.memory_space<vmem>>[vector<16xi32>], vector<16xf32>,
      %add3A_218 = arith.addf %add3A_213, %gather3A_217 : vector<16xf32>
      %mul3A_219 = arith.constant 16 : i32
      %mul3A_220 = arith.muli %scan3A_131, %mul3A_219 : i32
      %swap3A = arith.index_cast %mul3A_220 : i32 to index
      %swap3A_221 = tpu.vector_load %arg13[%swap3A] {strides = array<i32>} : memref<48xf32, #tpu.memory_space<vmem>>, vector<16xf32>,
      tpu.vector_store %arg13[%swap3A], %add3A_218 {strides = array<i32>} : memref<48xf32, #tpu.memory_space<vmem>>, vector<16xf32>,
    }
    %scan3A_128 = arith.constant 3 : i32
    %add3A_129 = arith.constant 4960 : i32
    %add3A_130 = arith.addi %mul3A_2, %add3A_129 : i32
    "tpu.region"() ({
      %run_scoped3A = tpu.sem_alloc : memref<!tpu.dma_semaphore, #tpu.memory_space<semaphore_mem>>
      %dma_start3A_131 = arith.constant 0 : i32
      %dma_start3A_132 = tpu.memref_slice %arg13[%dma_start3A_131] : memref<48xf32, #tpu.memory_space<vmem>> -> memref<40xf32, #tpu.memory_space<vmem>>
      %dma_start3A_133 = tpu.memref_slice %arg7[%add3A_130] : memref<160000xf32, #tpu.memory_space<hbm>> -> memref<40xf32, #tpu.memory_space<hbm>>
      %dma_start3A_134 = tpu.memref_slice %arg7[%add3A_130] : memref<160000xf32, #tpu.memory_space<hbm>> -> memref<40xf32, #tpu.memory_space<hbm>>
      %dma_start3A_135 = arith.constant 0 : i32
      %dma_start3A_136 = tpu.memref_slice %arg13[%dma_start3A_135] : memref<48xf32, #tpu.memory_space<vmem>> -> memref<40xf32, #tpu.memory_space<vmem>>
      tpu.enqueue_dma source(%dma_start3A_136 : memref<40xf32, #tpu.memory_space<vmem>>) target(%dma_start3A_134 : memref<40xf32, #tpu.memory_space<hbm>>) target_semaphore(%run_scoped3A : memref<!tpu.dma_semaphore, #tpu.memory_space<semaphore_mem>>)
      %dma_wait3A_137 = arith.constant 0 : i32
      %dma_wait3A_138 = tpu.memref_slice %arg13[%dma_wait3A_137] : memref<48xf32, #tpu.memory_space<vmem>> -> memref<40xf32, #tpu.memory_space<vmem>>
      %dma_wait3A_139 = tpu.memref_slice %arg7[%add3A_130] : memref<160000xf32, #tpu.memory_space<hbm>> -> memref<40xf32, #tpu.memory_space<hbm>>
      %dma_wait3A_140 = tpu.memref_slice %arg7[%add3A_130] : memref<160000xf32, #tpu.memory_space<hbm>> -> memref<40xf32, #tpu.memory_space<hbm>>
      %dma_wait3A_141 = arith.constant 0 : i32
      %dma_wait3A_142 = tpu.memref_slice %arg13[%dma_wait3A_141] : memref<48xf32, #tpu.memory_space<vmem>> -> memref<40xf32, #tpu.memory_space<vmem>>
      tpu.wait_dma2 semaphore(%run_scoped3A : memref<!tpu.dma_semaphore, #tpu.memory_space<semaphore_mem>>) src(%dma_wait3A_142 : memref<40xf32, #tpu.memory_space<vmem>>) dst(%dma_wait3A_140 : memref<40xf32, #tpu.memory_space<hbm>>)
      tpu.yield
    }) : () -> ()
    return
  }
}

module attributes {stable_mosaic.version = 14 : i64} {
  func.func @body(%arg0: i32, %arg1: memref<1000x256xf32, #tpu.memory_space<vmem>>, %arg2: memref<512x256xf32, #tpu.memory_space<vmem>>, %arg3: memref<1x256xf32, #tpu.memory_space<vmem>>, %arg4: memref<1000x256xf32, #tpu.memory_space<vmem>>, %arg5: memref<1000x256xf32, #tpu.memory_space<vmem>>) attributes {dimension_semantics = [#tpu.dimension_semantics<arbitrary>], iteration_bounds = array<i64: 10>, scalar_prefetch = 0 : i64, scratch_operands = 0 : i64, tpu.core_type = #tpu.core_type<tc>, window_params = [{transform_indices = @transform_0, window_bounds = array<i64: 1000, 256>}, {pipeline_mode = #tpu.pipeline_mode<synchronous>, transform_indices = @transform_1, window_bounds = array<i64: 512, 256>}, {pipeline_mode = #tpu.pipeline_mode<synchronous>, transform_indices = @transform_2, window_bounds = array<i64: 1, 256>}, {transform_indices = @transform_3, window_bounds = array<i64: 1000, 256>}, {transform_indices = @transform_4, window_bounds = array<i64: 1000, 256>}]} {
    %get3A = arith.constant 0 : index
    %get3A_0 = arith.constant 0 : index
    %get3A_1 = vector.load %arg1[%get3A, %get3A_0] : memref<1000x256xf32, #tpu.memory_space<vmem>>, vector<1000x256xf32>
    %get3A_2 = arith.constant 0 : index
    %get3A_3 = arith.constant 0 : index
    %get3A_4 = vector.load %arg2[%get3A_2, %get3A_3] : memref<512x256xf32, #tpu.memory_space<vmem>>, vector<256x256xf32>
    %dot_general3A = arith.constant dense<0.000000e+00> : vector<1000x256xf32>
    %dot_general3A_5 = tpu.matmul %get3A_1, %get3A_4, %dot_general3A {dimension_numbers = #tpu.dot_dimension_numbers<[1], [0], [0], [1], [0, 0, 1, 1], [], []>, transpose_lhs_hint = false} : vector<1000x256xf32>, vector<256x256xf32>, vector<1000x256xf32> -> vector<1000x256xf32>
    %get3A_6 = arith.constant 0 : index
    %get3A_7 = arith.constant 0 : index
    %get3A_8 = vector.load %arg3[%get3A_6, %get3A_7] : memref<1x256xf32, #tpu.memory_space<vmem>>, vector<1x256xf32>
    %add3A = vector.broadcast %get3A_8 : vector<1x256xf32> to vector<1000x256xf32>
    %add3A_9 = arith.addf %dot_general3A_5, %add3A : vector<1000x256xf32>
    %swap3A = arith.constant 0 : index
    %swap3A_10 = arith.constant 0 : index
    %swap3A_11 = vector.load %arg4[%swap3A, %swap3A_10] : memref<1000x256xf32, #tpu.memory_space<vmem>>, vector<1000x256xf32>
    tpu.vector_store %arg4[%swap3A, %swap3A_10], %add3A_9 {strides = array<i32>} : memref<1000x256xf32, #tpu.memory_space<vmem>>, vector<1000x256xf32>,
    %get3A_12 = arith.constant 256 : index
    %get3A_13 = arith.constant 0 : index
    %get3A_14 = vector.load %arg2[%get3A_12, %get3A_13] : memref<512x256xf32, #tpu.memory_space<vmem>>, vector<256x256xf32>
    %dot_general3A_15 = arith.constant dense<0.000000e+00> : vector<1000x256xf32>
    %dot_general3A_16 = tpu.matmul %get3A_1, %get3A_14, %dot_general3A_15 {dimension_numbers = #tpu.dot_dimension_numbers<[1], [0], [0], [1], [0, 0, 1, 1], [], []>, transpose_lhs_hint = false} : vector<1000x256xf32>, vector<256x256xf32>, vector<1000x256xf32> -> vector<1000x256xf32>
    %swap3A_17 = arith.constant 0 : index
    %swap3A_18 = arith.constant 0 : index
    %swap3A_19 = vector.load %arg5[%swap3A_17, %swap3A_18] : memref<1000x256xf32, #tpu.memory_space<vmem>>, vector<1000x256xf32>
    tpu.vector_store %arg5[%swap3A_17, %swap3A_18], %dot_general3A_16 {strides = array<i32>} : memref<1000x256xf32, #tpu.memory_space<vmem>>, vector<1000x256xf32>,
    return
  }
  func.func @transform_0(%arg0: i32) -> (i32, i32) {
    %c0_i32 = arith.constant 0 : i32
    %c0_i32_0 = arith.constant 0 : i32
    return %arg0, %c0_i32 : i32, i32
  }
  func.func @transform_1(%arg0: i32) -> (i32, i32) {
    %c0_i32 = arith.constant 0 : i32
    %c0_i32_0 = arith.constant 0 : i32
    %c0_i32_1 = arith.constant 0 : i32
    return %c0_i32, %c0_i32_0 : i32, i32
  }
  func.func @transform_2(%arg0: i32) -> (i32, i32) {
    %c0_i32 = arith.constant 0 : i32
    %c0_i32_0 = arith.constant 0 : i32
    %c0_i32_1 = arith.constant 0 : i32
    return %c0_i32, %c0_i32_0 : i32, i32
  }
  func.func @transform_3(%arg0: i32) -> (i32, i32) {
    %c0_i32 = arith.constant 0 : i32
    %c0_i32_0 = arith.constant 0 : i32
    return %arg0, %c0_i32 : i32, i32
  }
  func.func @transform_4(%arg0: i32) -> (i32, i32) {
    %c0_i32 = arith.constant 0 : i32
    %c0_i32_0 = arith.constant 0 : i32
    return %arg0, %c0_i32 : i32, i32
  }
}

module attributes {stable_mosaic.version = 14 : i64} {
  func.func @body(%arg0: memref<1250x128xf32, #tpu.memory_space<vmem>>, %arg1: memref<1250x128xf32, #tpu.memory_space<vmem>>) attributes {dimension_semantics = [], scalar_prefetch = 0 : i64, scratch_operands = 0 : i64, tpu.core_type = #tpu.core_type<tc>} {
    %get3A = arith.constant 0 : index
    %get3A_0 = arith.constant 0 : index
    %get3A_1 = vector.load %arg0[%get3A, %get3A_0] : memref<1250x128xf32, #tpu.memory_space<vmem>>, vector<1250x128xf32>
    %reduce_max3A = vector.shape_cast %get3A_1 : vector<1250x128xf32> to vector<1x1250x128xf32>
    %reduce_max3A_2 = arith.constant dense<0xFF800000> : vector<1xf32>
    %reduce_max3A_3 = vector.multi_reduction <maximumf>, %reduce_max3A, %reduce_max3A_2 [1, 2] : vector<1x1250x128xf32> to vector<1xf32>
    %reduce_max3A_4 = vector.shape_cast %reduce_max3A_3 : vector<1xf32> to vector<1x1x1xf32>
    %reduce_max3A_5 = vector.extract %reduce_max3A_4[0, 0, 0] : f32 from vector<1x1x1xf32>
    %sub3A = vector.broadcast %reduce_max3A_5 : f32 to vector<1250x128xf32>
    %sub3A_6 = arith.subf %get3A_1, %sub3A : vector<1250x128xf32>
    %exp3A = math.exp %sub3A_6 : vector<1250x128xf32>
    %reduce_sum3A = vector.shape_cast %exp3A : vector<1250x128xf32> to vector<1x1250x128xf32>
    %reduce_sum3A_7 = arith.constant dense<0.000000e+00> : vector<1xf32>
    %reduce_sum3A_8 = vector.multi_reduction <add>, %reduce_sum3A, %reduce_sum3A_7 [1, 2] : vector<1x1250x128xf32> to vector<1xf32>
    %reduce_sum3A_9 = vector.shape_cast %reduce_sum3A_8 : vector<1xf32> to vector<1x1x1xf32>
    %reduce_sum3A_10 = vector.extract %reduce_sum3A_9[0, 0, 0] : f32 from vector<1x1x1xf32>
    %div3A = arith.constant 1.000000e+00 : f32
    %div3A_11 = arith.divf %div3A, %reduce_sum3A_10 : f32
    %mul3A = vector.broadcast %div3A_11 : f32 to vector<1250x128xf32>
    %mul3A_12 = arith.mulf %exp3A, %mul3A : vector<1250x128xf32>
    %swap3A = arith.constant 0 : index
    %swap3A_13 = arith.constant 0 : index
    %swap3A_14 = vector.load %arg1[%swap3A, %swap3A_13] : memref<1250x128xf32, #tpu.memory_space<vmem>>, vector<1250x128xf32>
    tpu.vector_store %arg1[%swap3A, %swap3A_13], %mul3A_12 {strides = array<i32>} : memref<1250x128xf32, #tpu.memory_space<vmem>>, vector<1250x128xf32>,
    return
  }
}

</mosaic_0001>

<sc_bundles>
// kernel: kernel.6.cloned.1.call-start
scs
__scs_entry_jumppad:
0x0: {  	(pc) =	sbr.rel $0x88, $3  }
0x1: {  	(tag) =	ssettag $0x0;
	lr =	simm.s32 $0x1  }
0x2: {  	[smem:$0x3F9C] =	sst lr;
	_ =	strace $0xD0000000  }
0x3: {  	_ = 	snop  }
0x4: {  	_ = 	snop  }
0x5: {  	_ = 	snop  }
0x6: {  	_ = 	snop  }
0x7: {  	_ = 	snop  }
__scs_overlays_trampoline_lowered:
0x8: {  	[smem:$0x3FAB] =	sst s0  }
0x9: {  	[smem:$0x3FAC] =	sst s1  }
0xa: {  	[smem:$0x3FAD] =	sst s2  }
0xb: {  	[smem:$0x3FAE] =	sst s3  }
0xc: {  	[smem:$0x3FAF] =	sst s4  }
0xd: {  	[smem:$0x3FB0] =	sst s5  }
0xe: {  	[smem:$0x3FB1] =	sst s6  }
0xf: {  	[smem:$0x3FB2] =	sst s7  }
0x10: {  	[smem:$0x3FB3] =	sst s8  }
0x11: {  	[smem:$0x3FB4] =	sst s9;
	s0 =	simm.s32 @!p0 $0x0  }
0x12: {  	s1 =	sld [smem:$0x3F9A];
	s0 =	simm.s32 @p0 $0x1  }
0x13: {  	[smem:$0x3FB5] =	sst s0;
	s0 =	simm.s32 @!p1 $0x0  }
0x14: {  	s2 =	sld [smem:$0x3F99];
	s0 =	simm.s32 @p1 $0x1  }
0x15: {  	[smem:$0x3FB6] =	sst s0;
	s0 =	simm.s32 @!p2 $0x0  }
0x16: {  	s3 =	sld [smem:$0x3FDB];
	s0 =	simm.s32 @p2 $0x1  }
0x17: {  	s4 =	simm.s32 $0x1BF5;
	[smem:$0x3FB8] =	sst s0  }
0x18: {  	s0 =	sld [smem:$0x3F9B];
	_ =	swait.ge [sflag:s4], $0x0  }
0x19: {  	s7 =	sld [smem:$0x3F9C]  }
0x1a: {  	s8 =	sadd.s32 $0xFFFFE003, lr  }
0x1b: {  	s9 =	sadd.s32 $0xFFFFFEF7, lr;
	s5 =	simm.s32 $0xFFFFFFFF;
	p2 =	slt.u32 s8, $0xFFFFF086  }
0x1c: {  	p1 =	slt.u32 s9, $0xF7A;
	s5 =	simm.s32 @!p2 $0x0  }
0x1d: {  	s5 =	simm.s32 @p1 $0x1;
	p0 =	seq.s32 s7, s2  }
0x1e: {  	s7 =	smul.u32 @!p0 $0xF7A, s2;
	p2 =	seq.s32 @!p0 s5, $0x0  }
0x1f: {  	s9 =	smul.u32 $0xF7A, s1;
	s8 =	simm.s32 @!p0 $0x1BF5;
	p2 =	por !p2, p0  }
0x20: {  	[sflag:s8] =	ssyncset.s32 @!p0 $0xFFFFF086;
	s6 =	sadd.s32 @!p0 s3, s7;
	s7 =	simm.s32 @!p0 $0x108  }
0x21: {  	s3 =	sadd.s32 s3, s9;
	s6 =	sadd.s32 @!p0 $0x88, s6;
	s7 =	simm.s32 @p2 $0x1082  }
0x22: {  	[simem:s7], [sflag:s8] =	dma.local @!p0 [hbm:s6], $0xF7A  }
0x23: {  	s9 =	sor.u32 $0xD0000000, s2;
	s6 =	simm.s32 $0x108;
	_ =	swait.ge @!p0 [sflag:s8], $0x0  }
0x24: {  	s3 =	sadd.s32 $0x88, s3;
	s6 =	simm.s32 @!p1 $0x1082;
	[sflag:s4] =	ssyncset.s32 $0xFFFFF086  }
0x25: {  	[simem:s6], [sflag:s4] =	dma.local [hbm:s3], $0xF7A  }
0x26: {  	[smem:$0x3F9C] =	sst s1;
	(tag) =	ssettag s2;
	_ =	strace s9  }
0x27: {  	s1 =	sld [smem:$0x3FAC]  }
0x28: {  	s2 =	sld [smem:$0x3FAD]  }
0x29: {  	s4 =	sld [smem:$0x3FAF]  }
0x2a: {  	p0 =	seq.s32 s5, $0x0;
	s5 =	sld [smem:$0x3FB0]  }
0x2b: {  	s6 =	sld [smem:$0x3FB1]  }
0x2c: {  	s7 =	sld [smem:$0x3FB2]  }
0x2d: {  	s3 =	simm.s32 $0x108;
	s8 =	sld [smem:$0x3FB3]  }
0x2e: {  	s3 =	simm.s32 @!p0 $0x1082;
	s9 =	sld [smem:$0x3FB4]  }
0x2f: {  	lr =	sadd.s32 s0, s3;
	s0 =	sld [smem:$0x3FAB]  }
0x30: {  	s3 =	sld [smem:$0x3FAE]  }
0x31: {  	[smem:$0x3FB7] =	sst s10  }
0x32: {  	s10 =	sld [smem:$0x3FB5];
	_ =	sdelay $0x3  }
0x33: {  	p0 =	seq.s32 s10, $0x1;
	s10 =	sld [smem:$0x3FB7];
	_ =	sdelay $0x3  }
0x34: {  	[smem:$0x3FB7] =	sst s10  }
0x35: {  	s10 =	sld [smem:$0x3FB6];
	_ =	sdelay $0x3  }
0x36: {  	p1 =	seq.s32 s10, $0x1;
	s10 =	sld [smem:$0x3FB7];
	_ =	sdelay $0x3  }
0x37: {  	[smem:$0x3FB7] =	sst s10  }
0x38: {  	s10 =	sld [smem:$0x3FB8]  }
0x39: {  	_ = 	snop;
	(pc) =	sbr.ind lr, $3  }
0x3a: {  	_ = 	snop  }
0x3b: {  	_ = 	snop  }
0x3c: {  	p2 =	seq.s32 s10, $0x1;
	s10 =	sld [smem:$0x3FB7]  }
0x3d: {  	_ =	shalt  }
0x3e: {  	_ =	shalt  }
0x3f: {  	_ =	shalt  }
0x40: {  	_ =	shalt  }
0x41: {  	_ =	shalt  }
0x42: {  	_ =	shalt  }
0x43: {  	_ =	shalt  }
0x44: {  	_ =	shalt  }
0x45: {  	_ =	shalt  }
0x46: {  	_ =	shalt  }
0x47: {  	_ =	shalt  }
0x48: {  	_ =	shalt  }
0x49: {  	_ =	shalt  }
0x4a: {  	_ =	shalt  }
0x4b: {  	_ =	shalt  }
0x4c: {  	_ =	shalt  }
0x4d: {  	_ =	shalt  }
0x4e: {  	_ =	shalt  }
0x4f: {  	_ =	shalt  }
0x50: {  	_ =	shalt  }
0x51: {  	_ =	shalt  }
0x52: {  	_ =	shalt  }
0x53: {  	_ =	shalt  }
0x54: {  	_ =	shalt  }
0x55: {  	_ =	shalt  }
0x56: {  	_ =	shalt  }
0x57: {  	_ =	shalt  }
0x58: {  	_ =	shalt  }
0x59: {  	_ =	shalt  }
0x5a: {  	_ =	shalt  }
0x5b: {  	_ =	shalt  }
0x5c: {  	_ =	shalt  }
0x5d: {  	_ =	shalt  }
0x5e: {  	_ =	shalt  }
0x5f: {  	_ =	shalt  }
0x60: {  	_ =	shalt  }
0x61: {  	_ =	shalt  }
0x62: {  	_ =	shalt  }
0x63: {  	_ =	shalt  }
0x64: {  	_ =	shalt  }
0x65: {  	_ =	shalt  }
0x66: {  	_ =	shalt  }
0x67: {  	_ =	shalt  }
0x68: {  	_ =	shalt  }
0x69: {  	_ =	shalt  }
0x6a: {  	_ =	shalt  }
0x6b: {  	_ =	shalt  }
0x6c: {  	_ =	shalt  }
0x6d: {  	_ =	shalt  }
0x6e: {  	_ =	shalt  }
0x6f: {  	_ =	shalt  }
0x70: {  	_ =	shalt  }
0x71: {  	_ =	shalt  }
0x72: {  	_ =	shalt  }
0x73: {  	_ =	shalt  }
0x74: {  	_ =	shalt  }
0x75: {  	_ =	shalt  }
0x76: {  	_ =	shalt  }
0x77: {  	_ =	shalt  }
0x78: {  	_ =	shalt  }
0x79: {  	_ =	shalt  }
0x7a: {  	_ =	shalt  }
0x7b: {  	_ =	shalt  }
0x7c: {  	_ =	shalt  }
0x7d: {  	_ =	shalt  }
0x7e: {  	_ =	shalt  }
0x7f: {  	_ =	shalt  }
0x80: {  	_ =	shalt  }
0x81: {  	_ =	shalt  }
0x82: {  	_ =	shalt  }
0x83: {  	_ =	shalt  }
0x84: {  	_ =	shalt  }
0x85: {  	_ =	shalt  }
0x86: {  	_ =	shalt  }
0x87: {  	_ =	shalt  }
.Lfunc_end0:
.L_simem_size_0:
called_computation_lowered:
.L_overlay_start_0:
0x88: {  	s2 =	sld [smem:$0x3FD9]  }
0x89: {  	s3 =	sld [smem:$0x3FFE];
	_ =	sdelay $0x1  }
0x8a: {  	s1 =	srdreg.scid  }
0x8b: {  	s0 =	sand.u32 $0x1, s1  }
0x8c: {  	s14 =	sshll.u32 s0, $0xA;
	s2 =	sadd.s32 s3, s2  }
0x8d: {  	s2 =	sadd.s32 s2, s14  }
0x8e: {  	[smem:$0x3FC3] =	sst s2  }
0x8f: {  	_ = 	snop  }
0x90: {  	s2 =	sld [smem:$0x3FD0];
	_ =	sdelay $0x2  }
0x91: {  	s4 =	simm.s32 $0xA;
	s5 =	simm.s32 $0x10;
	s15 =	sld [smem:$0x3FC5]  }
0x92: {  	[smem:s5], [sflag:s4] =	dma.local [hbm:s2], $0x1  }
0x93: {  	_ =	swait.eq [sflag:s4], $0x1  }
0x94: {  	[sflag:s4] =	ssyncset.done $0x0  }
0x95: {  	[sflag:s4] =	ssyncadd.s32 $0xFFFFFFFF  }
0x96: {  	s16 =	sld [smem:$0x10];
	(tm) =	ssettm $0x1  }
0x97: {  	s17 =	sld [smem:$0x3FFB];
	_ =	sdelay $0x3  }
0x98: {  	_ =	strace s17  }
0x99: {  	s4 =	sld [smem:$0x3FFC];
	_ =	sdelay $0x3  }
0x9a: {  	_ =	strace s4  }
0x9b: {  	s4 =	sld [smem:$0x3FFD];
	_ =	sdelay $0x3  }
0x9c: {  	_ =	strace s4  }
0x9d: {  	_ =	strace $0x8FFFFFFF  }
0x9e: {  	s18 =	sld [smem:$0x3FDB];
	_ =	sdelay $0x1  }
0x9f: {  	s19 =	simm.s32 $_scs_section_size  }
0xa0: {  	s6 =	simm.s32 $_size__tile_overlayer_lowered;
	s7 =	simm.s32 $_tile_overlayer_lowered  }
0xa1: {  	s22 =	simm.s32 $0x1BFF;
	s21 =	sshll.u32 s7, $0x1;
	s4 =	sadd.s32 s19, s18  }
0xa2: {  	s8 =	simm.s32 $0x0;
	s20 =	sshll.u32 s6, $0x1;
	s6 =	sadd.s32 s21, s4  }
0xa3: {  	[timem:s8], [sflag:s22] =	dma.local [hbm:s6], s20  }
0xa4: {  	_ =	swait.ge [sflag:s22], s20  }
0xa5: {  	s5 =	ssub.s32 $0x0, s20;
	[sflag:s22] =	ssyncset.done $0x0  }
0xa6: {  	[sflag:s22] =	ssyncadd.s32 s5;
	_ =	sdelay $0x1  }
0xa7: {  	s23 =	simm.s32 $0x1B8B  }
0xa8: {  	_ =	swait.ge [sflag:s23], $0x1  }
0xa9: {  	[sflag:s23] =	ssyncset.done $0x0  }
0xaa: {  	s25 =	simm.s32 $0x1B8E;
	s24 =	sld [smem:$0x3FFE];
	[sflag:s23] =	ssyncadd.s32 $0xFFFFFFFF  }
0xab: {  	s26 =	simm.s32 $execute0_lowered;
	[smem:$0x3FD2] =	sst s25  }
0xac: {  	s6 =	sshll.u32 s26, $0x1;
	_ =	strace $0x80000046;
	[dreg:$0x1] =	wrdreg $0xFFFFFFFF  }
0xad: {  	s28 =	simm.s32 $_size_execute0_lowered;
	s4 =	sadd.s32 s4, s6;
	[dreg:$0x0] =	wrdreg $0x0  }
0xae: {  	s6 =	sshll.u32 s28, $0x1;
	[dreg:$0x2] =	wrdreg s4  }
0xaf: {  	[dreg:$0x3] =	wrdreg s6  }
0xb0: {  	[dreg:$0x4] =	wrdreg $0xC0  }
0xb1: {  	_ =	task [dreg:s8], $0x5FFFF  }
0xb2: {  	[dreg:$0x1] =	wrdreg $0xFFFFFFFF  }
0xb3: {  	[dreg:$0x0] =	wrdreg $0x60  }
0xb4: {  	[dreg:$0x2] =	wrdreg s24  }
0xb5: {  	[dreg:$0x3] =	wrdreg s16  }
0xb6: {  	[dreg:$0x4] =	wrdreg s15  }
0xb7: {  	[dreg:$0x5] =	wrdreg $0x9  }
0xb8: {  	_ =	task.clear_ibuf [dreg:s8], $0x6FFFF;
	_ =	strace $0x90000046  }
0xb9: {  	s29 =	simm.s32 $0x9;
	_ =	strace $0x80000048  }
0xba: {  	_ =	swait.ge [sflag:s29], $0x1  }
0xbb: {  	[sflag:s29] =	ssyncadd.s32 $0xFFFFFFFF  }
0xbc: {  	_ =	strace $0x90000048  }
0xbd: {  	_ =	sfence  }
0xbe: {  	s30 =	sld [smem:$0x0];
	_ =	sdelay $0x2  }
0xbf: {  	s31 =	sshll.u32 s1, $0xD;
	s1 =	sshrl.u32 s1, $0x2  }
0xc0: {  	s3 =	sand.u32 $0x4000, s31;
	s1 =	sadd.s32 s1, s30  }
0xc1: {  	s0 =	sor.u32 s3, s0;
	s1 =	sshll.u32 s1, $0x11  }
0xc2: {  	s0 =	sor.u32 s1, s0  }
0xc3: {  	s0 =	sadd.s32 $0x8F2B, s0  }
0xc4: {  	[sflag:s0] =	ssyncadd.remote.s32 $0x1  }
0xc5: {  	_ =	sfence.sel $0xFFFF  }
0xc6: {  	[dreg:$0x0] =	wrdreg $0xFFFFFFFF;
	(pc) =	sbr.abs _section_cstart, $3  }
0xc7: {  	[dreg:$0x1] =	wrdreg $0xFFFFFFFF  }
0xc8: {  	_ =	task.clear_ibuf [dreg:s8], $0x2FFFF;
	_ =	strace $0x9FFFFFFF  }
0xc9: {  	(tm) =	ssettm $0x7FFFFFFF  }
tec
execute0_lowered:
.L_overlay_start_1:
0x0: {  	(tag) =	ssettag $0x1  }
0x1: {  	s0 =	srdreg.scid  }
0x2: {  	s2 =	stileid.u32;
	s1 =	rddreg [dreg:$0x0]  }
0x3: {  	s5 =	simm.s32 $0x0;
	s13 =	simm.s32 $0x5;
	s28 =	simm.s32 $0x5800  }
0x4: {  	s29 =	simm.s32 $0x6000;
	s30 =	simm.s32 $0x6800;
	s31 =	simm.s32 $0x7000  }
0x5: {  	s12 =	simm.s32 $0xC800;
	s14 =	simm.s32 $0xD000;
	s9 =	simm.s32 $0xE800  }
0x6: {  	s10 =	simm.s32 $0xEB00;
	s11 =	simm.s32 $0x2;
	s15 =	simm.s32 $0x4  }
0x7: {  	s17 =	simm.s32 $0x0;
	s0 =	sand.u32 $0x1, s0;
	s3 =	sshll.u32 s2, $0x1  }
0x8: {  	s2 =	rddreg [dreg:$0x1];
	s3 =	sor.u32 s0, s3;
	s0 =	ssub.s32 $0x2, s0  }
0x9: {  	[smem:$0x7FF] =	sst s5;
	s4 =	smul.u32 $0x1388, s3;
	s23 =	sshrl.u32 s0, $0x1  }
0xa: {  	s6 =	sadd.s32 $0xB000, s1;
	s7 =	sadd.s32 $0x59200, s1;
	s0 =	ssub.s32 s0, s23  }
0xb: {  	_ =	strace $0x80000047;
	s3 =	sshrl.u32 s4, $0x3;
	s0 =	smax.u32 s0, $0x1  }
0xc: {  	s8 =	sadd.s32 s3, s1;
	s25 =	sadd.s32 s7, s3;
	[dreg:$0x7] =	wrdreg s0  }
0xd: {  	s0 =	simm.s32 $0xB800;
	s3 =	simm.s32 $0xC000;
	s24 =	sadd.s32 $0x6000, s8  }
0xe: {  	v3 =	vlaneseq.u32;
	s26 =	sadd.s32 $0x1000, s8;
	s1 =	sadd.s32 $0x26C, s25;
	[dreg:$0x4] =	wrdreg s24  }
0xf: {  	vm0 =	vmmov $0xffff;
	v1 =	vshrl.u32 v3, $0x3;
	v0 =	vand.u32 $0x7, v3;
	s25 =	simm.s32 $0x1;
	s8 =	simm.s32 $0xD800;
	[dreg:$0x5] =	wrdreg s26  }
0x10: {  	v2 =	vor.u32 $0x8, v3;
	v3 =	vmul.u32 $0x10, v3;
	v1 =	vmul.u32 $0x8, v1;
	[dreg:$0x6] =	wrdreg s1;
	s26 =	simm.s32 $0x3;
	s1 =	simm.s32 $0x7800  }
.LBB2_1:
0x11: {  	[dreg:$0x8] =	wrdreg s17  }
0x12: {  	s16 =	rddreg [dreg:$0x2];
	s19 =	simm.s32 $0xEB80  }
0x13: {  	[tilespmem:s19], [sflag:$0x5] =	stream.linear.gather [hbm4b:s16+s5], $0x100, $0x38;
	[tilespmem:$0xEC80] =	vst v63  }
0x14: {  	_ =	swait.ge [sflag:s13], $0x100  }
0x15: {  	[sflag:s13] =	ssyncset.done $0x0  }
0x16: {  	s20 =	rddreg [dreg:$0x4];
	[sflag:s13] =	ssyncadd.s32 $0xFFFFFF00  }
0x17: {  	[tilespmem:s5], [sflag:$0x5] =	stream.linear.gather [hbm4b:s20+s5], $0x1388, $0x38;
	[tilespmem:$0xEC80] =	vst v63  }
0x18: {  	_ =	swait.ge [sflag:s13], $0x1388  }
0x19: {  	[sflag:s13] =	ssyncset.done $0x0  }
0x1a: {  	s22 =	simm.s32 $0x1400;
	s21 =	rddreg [dreg:$0x5];
	[sflag:s13] =	ssyncadd.s32 $0xFFFFEC78  }
0x1b: {  	[tilespmem:s22], [sflag:$0x5] =	stream.linear.gather [hbm4b:s21+s5], $0x1388, $0x38;
	[tilespmem:$0xEC80] =	vst v63  }
0x1c: {  	_ =	swait.ge [sflag:s13], $0x1388  }
0x1d: {  	[sflag:s13] =	ssyncset.done $0x0  }
0x1e: {  	[sflag:s13] =	ssyncadd.s32 $0xFFFFEC78  }
0x1f: {  	v19 =	vld [tilespmem:$0xEB80]  }
0x20: {  	v4 =	vld [tilespmem:$0x0]  }
0x21: {  	v18 =	vld [tilespmem:$0xEB90]  }
0x22: {  	v17 =	vld [tilespmem:$0xEBA0]  }
0x23: {  	v16 =	vld [tilespmem:$0xEBB0]  }
0x24: {  	v15 =	vld [tilespmem:$0xEBC0]  }
0x25: {  	v14 =	vld [tilespmem:$0xEBD0];
	v5 =	vshll.u32 v4, $0x1  }
0x26: {  	v13 =	vld [tilespmem:$0xEBE0];
	v4 =	vand.u32 $0x7, v4;
	v5 =	vand.u32 $0xFFFFFFF0, v5  }
0x27: {  	v12 =	vld [tilespmem:$0xEBF0];
	v4 =	vor.u32 v4, v5  }
0x28: {  	v11 =	vld [tilespmem:$0xEC00];
	v5 =	vperm.xlane v4, v0  }
0x29: {  	v10 =	vld [tilespmem:$0xEC10]  }
0x2a: {  	v9 =	vld [tilespmem:$0xEC20];
	v4 =	vperm.xlane v4, v2;
	v20 =	vadd.s32 v1, v5  }
0x2b: {  	v8 =	vld [tilespmem:$0xEC30]  }
0x2c: {  	v7 =	vld [tilespmem:$0xEC40];
	v21 =	vadd.s32 v1, v4  }
0x2d: {  	v6 =	vld [tilespmem:$0xEC50]  }
0x2e: {  	s23 =	simm.s32 $0x2800;
	v5 =	vld [tilespmem:$0xEC60]  }
0x2f: {  	v4 =	vld [tilespmem:$0xEC70];
	[tilespmem:s23], [sflag:$0x1] =	stream.indirect_vreg.gather [hbm4b:s2+s5], $0x80, v20, vm0, $0xb8  }
0x30: {  	s24 =	simm.s32 $0x3000  }
0x31: {  	[tilespmem:s24], [sflag:$0x1] =	stream.indirect_vreg.gather [hbm4b:s2+s5], $0x80, v21, vm0, $0xb8;
	[tilespmem:$0xEC80] =	vst v63  }
0x32: {  	v20 =	vld [tilespmem:$0x10];
	_ =	sdelay $0x4  }
0x33: {  	v59 =	vshll.u32 v20, $0x1  }
0x34: {  	v20 =	vand.u32 $0x7, v20;
	v21 =	vand.u32 $0xFFFFFFF0, v59  }
0x35: {  	v20 =	vor.u32 v20, v21  }
0x36: {  	v21 =	vperm.xlane v20, v0;
	_ =	sdelay $0x1  }
0x37: {  	v20 =	vperm.xlane v20, v2;
	v21 =	vadd.s32 v1, v21;
	_ =	sdelay $0x1  }
0x38: {  	v20 =	vadd.s32 v1, v20;
	_ =	sdelay $0x1  }
0x39: {  	s17 =	simm.s32 $0x3800  }
0x3a: {  	[tilespmem:s17], [sflag:$0x1] =	stream.indirect_vreg.gather [hbm4b:s2+s5], $0x80, v21, vm0, $0xb8;
	[tilespmem:$0xEC80] =	vst v63  }
0x3b: {  	s18 =	simm.s32 $0x4000  }
0x3c: {  	[tilespmem:s18], [sflag:$0x1] =	stream.indirect_vreg.gather [hbm4b:s2+s5], $0x80, v20, vm0, $0xb8;
	[tilespmem:$0xEC80] =	vst v63  }
0x3d: {  	v20 =	vld.msk [tilespmem:$0x20], $0xff;
	_ =	sdelay $0x4  }
0x3e: {  	v60 =	vshll.u32 v20, $0x1  }
0x3f: {  	v20 =	vand.u32 $0x7, v20;
	v21 =	vand.u32 $0xFFFFFFF0, v60  }
0x40: {  	v20 =	vor.u32 v20, v21  }
0x41: {  	v20 =	vperm.xlane v20, v0;
	_ =	sdelay $0x1  }
0x42: {  	v20 =	vadd.s32 v1, v20;
	_ =	sdelay $0x3  }
0x43: {  	s19 =	simm.s32 $0x4800  }
0x44: {  	[tilespmem:s19], [sflag:$0x1] =	stream.indirect_vreg.gather [hbm4b:s2+s5], $0x80, v20, vm0, $0xb8;
	[tilespmem:$0xEC80] =	vst v63  }
0x45: {  	v20 =	vld [tilespmem:$0x1400];
	_ =	sdelay $0x4  }
0x46: {  	v61 =	vshll.u32 v20, $0x1  }
0x47: {  	v20 =	vand.u32 $0x7, v20;
	v21 =	vand.u32 $0xFFFFFFF0, v61  }
0x48: {  	v20 =	vor.u32 v20, v21  }
0x49: {  	v21 =	vperm.xlane v20, v0;
	_ =	sdelay $0x1  }
0x4a: {  	v20 =	vperm.xlane v20, v2;
	v21 =	vadd.s32 v1, v21;
	_ =	sdelay $0x1  }
0x4b: {  	v20 =	vadd.s32 v1, v20;
	_ =	sdelay $0x1  }
0x4c: {  	s20 =	simm.s32 $0x8800  }
0x4d: {  	[tilespmem:s20], [sflag:$0x3] =	stream.indirect_vreg.gather [hbm4b:s6+s5], $0x80, v21, vm0, $0xb8;
	[tilespmem:$0xEC80] =	vst v63  }
0x4e: {  	s21 =	simm.s32 $0x9000  }
0x4f: {  	[tilespmem:s21], [sflag:$0x3] =	stream.indirect_vreg.gather [hbm4b:s6+s5], $0x80, v20, vm0, $0xb8;
	[tilespmem:$0xEC80] =	vst v63  }
0x50: {  	v20 =	vld [tilespmem:$0x1410];
	_ =	sdelay $0x4  }
0x51: {  	v62 =	vshll.u32 v20, $0x1  }
0x52: {  	v20 =	vand.u32 $0x7, v20;
	v21 =	vand.u32 $0xFFFFFFF0, v62  }
0x53: {  	v20 =	vor.u32 v20, v21  }
0x54: {  	v21 =	vperm.xlane v20, v0;
	_ =	sdelay $0x1  }
0x55: {  	v20 =	vperm.xlane v20, v2;
	v21 =	vadd.s32 v1, v21;
	_ =	sdelay $0x1  }
0x56: {  	v20 =	vadd.s32 v1, v20;
	_ =	sdelay $0x1  }
0x57: {  	s22 =	simm.s32 $0x9800  }
0x58: {  	[tilespmem:s22], [sflag:$0x3] =	stream.indirect_vreg.gather [hbm4b:s6+s5], $0x80, v21, vm0, $0xb8;
	[tilespmem:$0xEC80] =	vst v63  }
0x59: {  	s23 =	simm.s32 $0xA000  }
0x5a: {  	[tilespmem:s23], [sflag:$0x3] =	stream.indirect_vreg.gather [hbm4b:s6+s5], $0x80, v20, vm0, $0xb8;
	[tilespmem:$0xEC80] =	vst v63  }
0x5b: {  	v20 =	vld.msk [tilespmem:$0x1420], $0xff;
	_ =	sdelay $0x4  }
0x5c: {  	v63 =	vshll.u32 v20, $0x1  }
0x5d: {  	v20 =	vand.u32 $0x7, v20;
	v21 =	vand.u32 $0xFFFFFFF0, v63  }
0x5e: {  	v20 =	vor.u32 v20, v21  }
0x5f: {  	v20 =	vperm.xlane v20, v0;
	_ =	sdelay $0x1  }
0x60: {  	v20 =	vadd.s32 v1, v20;
	_ =	sdelay $0x3  }
0x61: {  	s24 =	simm.s32 $0xA800  }
0x62: {  	[tilespmem:s24], [sflag:$0x3] =	stream.indirect_vreg.gather [hbm4b:s6+s5], $0x80, v20, vm0, $0xb8;
	[tilespmem:$0xEC80] =	vst v63  }
0x63: {  	_ =	swait.ge [sflag:s25], $0x2800  }
0x64: {  	[sflag:s25] =	ssyncset.done $0x0  }
0x65: {  	[sflag:s25] =	ssyncadd.s32 $0xFFFFD800  }
0x66: {  	_ =	swait.ge [sflag:s26], $0x2800  }
0x67: {  	[sflag:s26] =	ssyncset.done $0x0  }
0x68: {  	s16 =	simm.s32 $0x0;
	[sflag:s26] =	ssyncadd.s32 $0xFFFFD800  }
.LBB2_2:
0x69: {  	s18 =	smul.u32 $0x50, s16;
	_ =	sdelay $0x1  }
0x6a: {  	v20 =	vld [tilespmem:s18+$0x28];
	_ =	sdelay $0x4  }
0x6b: {  	v21 =	vshll.u32 v20, $0x1  }
0x6c: {  	v20 =	vand.u32 $0x7, v20;
	v21 =	vand.u32 $0xFFFFFFF0, v21  }
0x6d: {  	v20 =	vor.u32 v20, v21  }
0x6e: {  	v21 =	vperm.xlane v20, v0;
	_ =	sdelay $0x1  }
0x6f: {  	v20 =	vperm.xlane v20, v2;
	v21 =	vadd.s32 v1, v21;
	_ =	sdelay $0x1  }
0x70: {  	v20 =	vadd.s32 v1, v20;
	_ =	sdelay $0x1  }
0x71: {  	s19 =	simm.s32 $0x0  }
0x72: {  	[tilespmem:s28], [sflag:$0x2] =	stream.indirect_vreg.gather [hbm4b:s2+s19], $0x80, v21, vm0, $0xb8;
	[tilespmem:$0xEC80] =	vst v63  }
0x73: {  	_ = 	snop  }
0x74: {  	[tilespmem:s29], [sflag:$0x2] =	stream.indirect_vreg.gather [hbm4b:s2+s19], $0x80, v20, vm0, $0xb8;
	[tilespmem:$0xEC80] =	vst v63  }
0x75: {  	v20 =	vld [tilespmem:s18+$0x38];
	_ =	sdelay $0x4  }
0x76: {  	v52 =	vshll.u32 v20, $0x1  }
0x77: {  	v20 =	vand.u32 $0x7, v20;
	v21 =	vand.u32 $0xFFFFFFF0, v52  }
0x78: {  	v20 =	vor.u32 v20, v21  }
0x79: {  	v21 =	vperm.xlane v20, v0;
	_ =	sdelay $0x1  }
0x7a: {  	v20 =	vperm.xlane v20, v2;
	v21 =	vadd.s32 v1, v21;
	_ =	sdelay $0x1  }
0x7b: {  	v20 =	vadd.s32 v1, v20;
	_ =	sdelay $0x2  }
0x7c: {  	[tilespmem:s30], [sflag:$0x2] =	stream.indirect_vreg.gather [hbm4b:s2+s19], $0x80, v21, vm0, $0xb8;
	[tilespmem:$0xEC80] =	vst v63  }
0x7d: {  	_ = 	snop  }
0x7e: {  	[tilespmem:s31], [sflag:$0x2] =	stream.indirect_vreg.gather [hbm4b:s2+s19], $0x80, v20, vm0, $0xb8;
	[tilespmem:$0xEC80] =	vst v63  }
0x7f: {  	v20 =	vld.msk [tilespmem:s18+$0x48], $0xff;
	_ =	sdelay $0x4  }
0x80: {  	v53 =	vshll.u32 v20, $0x1  }
0x81: {  	v20 =	vand.u32 $0x7, v20;
	v21 =	vand.u32 $0xFFFFFFF0, v53  }
0x82: {  	v20 =	vor.u32 v20, v21  }
0x83: {  	v20 =	vperm.xlane v20, v0;
	_ =	sdelay $0x1  }
0x84: {  	v20 =	vadd.s32 v1, v20;
	_ =	sdelay $0x4  }
0x85: {  	[tilespmem:s1], [sflag:$0x2] =	stream.indirect_vreg.gather [hbm4b:s2+s19], $0x80, v20, vm0, $0xb8;
	[tilespmem:$0xEC80] =	vst v63  }
0x86: {  	v20 =	vld [tilespmem:s18+$0x1428];
	_ =	sdelay $0x4  }
0x87: {  	v54 =	vshll.u32 v20, $0x1  }
0x88: {  	v20 =	vand.u32 $0x7, v20;
	v21 =	vand.u32 $0xFFFFFFF0, v54  }
0x89: {  	v20 =	vor.u32 v20, v21  }
0x8a: {  	v21 =	vperm.xlane v20, v0;
	_ =	sdelay $0x1  }
0x8b: {  	v20 =	vperm.xlane v20, v2;
	v21 =	vadd.s32 v1, v21;
	_ =	sdelay $0x1  }
0x8c: {  	v20 =	vadd.s32 v1, v20;
	_ =	sdelay $0x2  }
0x8d: {  	[tilespmem:s0], [sflag:$0x4] =	stream.indirect_vreg.gather [hbm4b:s6+s19], $0x80, v21, vm0, $0xb8;
	[tilespmem:$0xEC80] =	vst v63  }
0x8e: {  	_ = 	snop  }
0x8f: {  	[tilespmem:s3], [sflag:$0x4] =	stream.indirect_vreg.gather [hbm4b:s6+s19], $0x80, v20, vm0, $0xb8;
	[tilespmem:$0xEC80] =	vst v63  }
0x90: {  	v20 =	vld [tilespmem:s18+$0x1438];
	_ =	sdelay $0x4  }
0x91: {  	v55 =	vshll.u32 v20, $0x1  }
0x92: {  	v20 =	vand.u32 $0x7, v20;
	v21 =	vand.u32 $0xFFFFFFF0, v55  }
0x93: {  	v20 =	vor.u32 v20, v21  }
0x94: {  	v21 =	vperm.xlane v20, v0;
	_ =	sdelay $0x1  }
0x95: {  	v20 =	vperm.xlane v20, v2;
	v21 =	vadd.s32 v1, v21;
	_ =	sdelay $0x1  }
0x96: {  	v20 =	vadd.s32 v1, v20;
	_ =	sdelay $0x2  }
0x97: {  	[tilespmem:s12], [sflag:$0x4] =	stream.indirect_vreg.gather [hbm4b:s6+s19], $0x80, v21, vm0, $0xb8;
	[tilespmem:$0xEC80] =	vst v63  }
0x98: {  	_ = 	snop  }
0x99: {  	[tilespmem:s14], [sflag:$0x4] =	stream.indirect_vreg.gather [hbm4b:s6+s19], $0x80, v20, vm0, $0xb8;
	[tilespmem:$0xEC80] =	vst v63  }
0x9a: {  	v20 =	vld.msk [tilespmem:s18+$0x1448], $0xff;
	_ =	sdelay $0x4  }
0x9b: {  	v56 =	vshll.u32 v20, $0x1  }
0x9c: {  	v20 =	vand.u32 $0x7, v20;
	v21 =	vand.u32 $0xFFFFFFF0, v56  }
0x9d: {  	v20 =	vor.u32 v20, v21  }
0x9e: {  	v20 =	vperm.xlane v20, v0;
	_ =	sdelay $0x1  }
0x9f: {  	v20 =	vadd.s32 v1, v20;
	_ =	sdelay $0x2  }
0xa0: {  	s17 =	sand.u32 $0x3800, s19;
	s20 =	sand.u32 $0x380, s19  }
0xa1: {  	s17 =	sor.u32 s20, s17  }
0xa2: {  	[tilespmem:s8], [sflag:$0x4] =	stream.indirect_vreg.gather [hbm4b:s6+s19], $0x80, v20, vm0, $0xb8;
	[tilespmem:$0xEC80] =	vst v63  }
0xa3: {  	v20 =	vld [tilespmem:s17+$0x8800]  }
0xa4: {  	v57 =	vld [tilespmem:s17+$0x2800]  }
0xa5: {  	v22 =	vld [tilespmem:s17+$0x2810]  }
0xa6: {  	v23 =	vld [tilespmem:s17+$0x8810]  }
0xa7: {  	v24 =	vld [tilespmem:s17+$0x2820]  }
0xa8: {  	v25 =	vld [tilespmem:s17+$0x8820]  }
0xa9: {  	v58 =	vld [tilespmem:s17+$0x2830];
	v20 =	vadd.f32 v20, v57  }
0xaa: {  	v26 =	vld [tilespmem:s17+$0x8830]  }
0xab: {  	v59 =	vld [tilespmem:s17+$0x2840];
	v22 =	vadd.f32 v23, v22;
	v20 =	vmax.f32 v20, $0.0e+00  }
0xac: {  	v27 =	vld [tilespmem:s17+$0x8840];
	v20 =	vmul.f32 v20, v19  }
0xad: {  	v60 =	vld [tilespmem:s17+$0x2850];
	v24 =	vadd.f32 v25, v24;
	v22 =	vmax.f32 v22, $0.0e+00  }
0xae: {  	v28 =	vld [tilespmem:s17+$0x8850];
	v22 =	vmul.f32 v22, v18;
	v20 =	vadd.f32 $0.0e+00, v20  }
0xaf: {  	v61 =	vld [tilespmem:s17+$0x2860];
	v21 =	vadd.f32 v26, v58;
	v24 =	vmax.f32 v24, $0.0e+00  }
0xb0: {  	v63 =	vld [tilespmem:s17+$0x8860];
	v62 =	vmul.f32 v24, v17;
	v20 =	vadd.f32 v22, v20  }
0xb1: {  	v32 =	vld [tilespmem:s17+$0x2870];
	v23 =	vadd.f32 v27, v59;
	v21 =	vmax.f32 v21, $0.0e+00  }
0xb2: {  	v33 =	vld [tilespmem:s17+$0x8870];
	v21 =	vmul.f32 v21, v16;
	v20 =	vadd.f32 v62, v20  }
0xb3: {  	v34 =	vld [tilespmem:s17+$0x2C00];
	v25 =	vadd.f32 v28, v60;
	v23 =	vmax.f32 v23, $0.0e+00  }
0xb4: {  	v36 =	vld [tilespmem:s17+$0x8C00];
	v35 =	vmul.f32 v23, v15;
	v20 =	vadd.f32 v21, v20  }
0xb5: {  	v37 =	vld [tilespmem:s17+$0x2C10];
	v25 =	vmax.f32 v25, $0.0e+00;
	v24 =	vadd.f32 v63, v61  }
0xb6: {  	v39 =	vld [tilespmem:s17+$0x8C10];
	v38 =	vmul.f32 v25, v14;
	v20 =	vadd.f32 v35, v20  }
0xb7: {  	v40 =	vld [tilespmem:s17+$0x2C20];
	v24 =	vmax.f32 v24, $0.0e+00;
	v22 =	vadd.f32 v33, v32  }
0xb8: {  	v42 =	vld [tilespmem:s17+$0x8C20];
	v41 =	vmul.f32 v24, v13;
	v20 =	vadd.f32 v38, v20  }
0xb9: {  	v43 =	vld [tilespmem:s17+$0x2C30];
	v23 =	vadd.f32 v36, v34;
	v22 =	vmax.f32 v22, $0.0e+00  }
0xba: {  	v45 =	vld [tilespmem:s17+$0x8C30];
	v44 =	vmul.f32 v22, v12;
	v20 =	vadd.f32 v41, v20  }
0xbb: {  	v46 =	vld [tilespmem:s17+$0x2C40];
	v25 =	vadd.f32 v39, v37;
	v23 =	vmax.f32 v23, $0.0e+00  }
0xbc: {  	v48 =	vld [tilespmem:s17+$0x8C40];
	v47 =	vmul.f32 v23, v11;
	v20 =	vadd.f32 v44, v20  }
0xbd: {  	v49 =	vld [tilespmem:s17+$0x2C50];
	v25 =	vmax.f32 v25, $0.0e+00;
	v24 =	vadd.f32 v42, v40  }
0xbe: {  	v51 =	vld [tilespmem:s17+$0x8C50];
	v50 =	vmul.f32 v25, v10;
	v20 =	vadd.f32 v47, v20  }
0xbf: {  	v52 =	vld [tilespmem:s17+$0x2C60];
	v24 =	vmax.f32 v24, $0.0e+00;
	v22 =	vadd.f32 v45, v43  }
0xc0: {  	v54 =	vld [tilespmem:s17+$0x8C60];
	v53 =	vmul.f32 v24, v9;
	v20 =	vadd.f32 v50, v20  }
0xc1: {  	v55 =	vld [tilespmem:s17+$0x2C70];
	v23 =	vadd.f32 v48, v46;
	v22 =	vmax.f32 v22, $0.0e+00  }
0xc2: {  	v57 =	vld [tilespmem:s17+$0x8C70];
	v56 =	vmul.f32 v22, v8;
	v20 =	vadd.f32 v53, v20  }
0xc3: {  	v25 =	vadd.f32 v51, v49;
	v23 =	vmax.f32 v23, $0.0e+00  }
0xc4: {  	v58 =	vmul.f32 v23, v7;
	v20 =	vadd.f32 v56, v20  }
0xc5: {  	v59 =	vmax.f32 v25, $0.0e+00;
	v24 =	vadd.f32 v54, v52  }
0xc6: {  	v60 =	vmul.f32 v59, v6;
	v20 =	vadd.f32 v58, v20  }
0xc7: {  	v61 =	vmax.f32 v24, $0.0e+00;
	v22 =	vadd.f32 v57, v55  }
0xc8: {  	v62 =	vmul.f32 v61, v5;
	v20 =	vadd.f32 v60, v20  }
0xc9: {  	v22 =	vmax.f32 v22, $0.0e+00  }
0xca: {  	v63 =	vmul.f32 v22, v4;
	v20 =	vadd.f32 v62, v20;
	_ =	sdelay $0x1  }
0xcb: {  	s24 =	simm.s32 $0x100;
	s22 =	simm.s32 $0x80;
	v20 =	vadd.f32 v63, v20  }
0xcc: {  	s21 =	sand.u32 $0x3800, s24;
	s23 =	sand.u32 $0x380, s22;
	s20 =	simm.s32 $0xE800  }
0xcd: {  	s21 =	sor.u32 s23, s21;
	s23 =	simm.s32 $0x200;
	s17 =	sadd.s32 $0x28, s18;
	[tilespmem:s20+$0x0] =	vst v20  }
.LBB2_3:
0xce: {  	p0 =	sne.s32 s23, $0x2F00;
	v20 =	vld [tilespmem:s21+$0x8800]  }
0xcf: {  	v21 =	vld [tilespmem:s21+$0x2800]  }
0xd0: {  	v22 =	vld [tilespmem:s21+$0x2810]  }
0xd1: {  	v23 =	vld [tilespmem:s21+$0x8810]  }
0xd2: {  	v24 =	vld [tilespmem:s21+$0x2820]  }
0xd3: {  	v25 =	vld [tilespmem:s21+$0x8820]  }
0xd4: {  	v20 =	vadd.f32 v20, v21;
	v21 =	vld [tilespmem:s21+$0x2830]  }
0xd5: {  	v26 =	vld [tilespmem:s21+$0x8830]  }
0xd6: {  	v20 =	vmax.f32 v20, $0.0e+00;
	v22 =	vadd.f32 v23, v22;
	v23 =	vld [tilespmem:s21+$0x2840]  }
0xd7: {  	v20 =	vmul.f32 v20, v19;
	v27 =	vld [tilespmem:s21+$0x8840]  }
0xd8: {  	v22 =	vmax.f32 v22, $0.0e+00;
	v24 =	vadd.f32 v25, v24;
	v25 =	vld [tilespmem:s21+$0x2850]  }
0xd9: {  	v20 =	vadd.f32 $0.0e+00, v20;
	v22 =	vmul.f32 v22, v18;
	v28 =	vld [tilespmem:s21+$0x8850]  }
0xda: {  	v24 =	vmax.f32 v24, $0.0e+00;
	v21 =	vadd.f32 v26, v21;
	v26 =	vld [tilespmem:s21+$0x2860]  }
0xdb: {  	v20 =	vadd.f32 v22, v20;
	v22 =	vmul.f32 v24, v17;
	v24 =	vld [tilespmem:s21+$0x8860]  }
0xdc: {  	v21 =	vmax.f32 v21, $0.0e+00;
	v23 =	vadd.f32 v27, v23;
	v27 =	vld [tilespmem:s21+$0x2870]  }
0xdd: {  	v20 =	vadd.f32 v22, v20;
	v21 =	vmul.f32 v21, v16;
	v22 =	vld [tilespmem:s21+$0x8870]  }
0xde: {  	v23 =	vmax.f32 v23, $0.0e+00;
	v25 =	vadd.f32 v28, v25;
	v28 =	vld [tilespmem:s21+$0x2C00]  }
0xdf: {  	v20 =	vadd.f32 v21, v20;
	v21 =	vmul.f32 v23, v15;
	v23 =	vld [tilespmem:s21+$0x8C00]  }
0xe0: {  	v25 =	vmax.f32 v25, $0.0e+00;
	v24 =	vadd.f32 v24, v26;
	v26 =	vld [tilespmem:s21+$0x2C10]  }
0xe1: {  	v20 =	vadd.f32 v21, v20;
	v21 =	vmul.f32 v25, v14;
	v25 =	vld [tilespmem:s21+$0x8C10]  }
0xe2: {  	v24 =	vmax.f32 v24, $0.0e+00;
	v22 =	vadd.f32 v22, v27;
	v27 =	vld [tilespmem:s21+$0x2C20]  }
0xe3: {  	v20 =	vadd.f32 v21, v20;
	v21 =	vmul.f32 v24, v13;
	v24 =	vld [tilespmem:s21+$0x8C20]  }
0xe4: {  	v22 =	vmax.f32 v22, $0.0e+00;
	v23 =	vadd.f32 v23, v28;
	v28 =	vld [tilespmem:s21+$0x2C30]  }
0xe5: {  	v20 =	vadd.f32 v21, v20;
	v21 =	vmul.f32 v22, v12;
	v22 =	vld [tilespmem:s21+$0x8C30]  }
0xe6: {  	v23 =	vmax.f32 v23, $0.0e+00;
	v25 =	vadd.f32 v25, v26;
	v26 =	vld [tilespmem:s21+$0x2C40]  }
0xe7: {  	v20 =	vadd.f32 v21, v20;
	v21 =	vmul.f32 v23, v11;
	v23 =	vld [tilespmem:s21+$0x8C40]  }
0xe8: {  	v25 =	vmax.f32 v25, $0.0e+00;
	v24 =	vadd.f32 v24, v27;
	v27 =	vld [tilespmem:s21+$0x2C50]  }
0xe9: {  	v20 =	vadd.f32 v21, v20;
	v21 =	vmul.f32 v25, v10;
	v25 =	vld [tilespmem:s21+$0x8C50]  }
0xea: {  	v24 =	vmax.f32 v24, $0.0e+00;
	v22 =	vadd.f32 v22, v28;
	v28 =	vld [tilespmem:s21+$0x2C60]  }
0xeb: {  	v20 =	vadd.f32 v21, v20;
	v21 =	vmul.f32 v24, v9;
	v24 =	vld [tilespmem:s21+$0x8C60]  }
0xec: {  	v22 =	vmax.f32 v22, $0.0e+00;
	v23 =	vadd.f32 v23, v26;
	v26 =	vld [tilespmem:s21+$0x2C70]  }
0xed: {  	v20 =	vadd.f32 v21, v20;
	v21 =	vmul.f32 v22, v8;
	v22 =	vld [tilespmem:s21+$0x8C70]  }
0xee: {  	v23 =	vmax.f32 v23, $0.0e+00;
	v25 =	vadd.f32 v25, v27  }
0xef: {  	v20 =	vadd.f32 v21, v20;
	v21 =	vmul.f32 v23, v7  }
0xf0: {  	v23 =	vmax.f32 v25, $0.0e+00;
	v24 =	vadd.f32 v24, v28  }
0xf1: {  	v20 =	vadd.f32 v21, v20;
	v21 =	vmul.f32 v23, v6  }
0xf2: {  	v23 =	vmax.f32 v24, $0.0e+00;
	v22 =	vadd.f32 v22, v26  }
0xf3: {  	v20 =	vadd.f32 v21, v20;
	v21 =	vmul.f32 v23, v5  }
0xf4: {  	v22 =	vmax.f32 v22, $0.0e+00  }
.Ltmp0:
0xf5: {  	v20 =	vadd.f32 v21, v20;
	v21 =	vmul.f32 v22, v4;
	(pc) =	sbr.rel @p0 .LBB2_3-.Ltmp0, $4  }
0xf6: {  	_ = 	snop  }
0xf7: {  	s22 =	sadd.s32 $0x80, s22;
	v20 =	vadd.f32 v21, v20  }
0xf8: {  	s20 =	sadd.s32 $0x10, s20;
	s24 =	sand.u32 $0x380, s22;
	s21 =	sand.u32 $0x3800, s23  }
0xf9: {  	s23 =	sadd.s32 $0x100, s23;
	s21 =	sor.u32 s24, s21;
	[tilespmem:s20+$0x0] =	vst v20  }
0xfa: {  	v20 =	vld [tilespmem:s21+$0x8800]  }
0xfb: {  	v21 =	vld [tilespmem:s21+$0x2800]  }
0xfc: {  	v22 =	vld [tilespmem:s21+$0x2810]  }
0xfd: {  	v23 =	vld [tilespmem:s21+$0x8810]  }
0xfe: {  	v24 =	vld [tilespmem:s21+$0x2820]  }
0xff: {  	v25 =	vld [tilespmem:s21+$0x8820]  }
0x100: {  	v26 =	vld [tilespmem:s21+$0x8830];
	v20 =	vadd.f32 v20, v21  }
0x101: {  	v21 =	vld [tilespmem:s21+$0x2830]  }
0x102: {  	v27 =	vld [tilespmem:s21+$0x8840];
	v22 =	vadd.f32 v23, v22;
	v20 =	vmax.f32 v20, $0.0e+00  }
0x103: {  	v23 =	vld [tilespmem:s21+$0x2840];
	v20 =	vmul.f32 v20, v19  }
0x104: {  	v33 =	vld [tilespmem:s21+$0x2850];
	v24 =	vadd.f32 v25, v24;
	v22 =	vmax.f32 v22, $0.0e+00  }
0x105: {  	v28 =	vld [tilespmem:s21+$0x8850];
	v22 =	vmul.f32 v22, v18;
	v20 =	vadd.f32 $0.0e+00, v20  }
0x106: {  	v34 =	vld [tilespmem:s21+$0x2860];
	v24 =	vmax.f32 v24, $0.0e+00;
	v21 =	vadd.f32 v26, v21  }
0x107: {  	v35 =	vld [tilespmem:s21+$0x8860];
	v20 =	vadd.f32 v22, v20;
	v22 =	vmul.f32 v24, v17  }
0x108: {  	v36 =	vld [tilespmem:s21+$0x2870];
	v23 =	vadd.f32 v27, v23;
	v21 =	vmax.f32 v21, $0.0e+00  }
0x109: {  	v21 =	vmul.f32 v21, v16;
	v20 =	vadd.f32 v22, v20;
	v22 =	vld [tilespmem:s21+$0x8870]  }
0x10a: {  	v37 =	vld [tilespmem:s21+$0x2C00];
	v25 =	vadd.f32 v28, v33;
	v23 =	vmax.f32 v23, $0.0e+00  }
0x10b: {  	v20 =	vadd.f32 v21, v20;
	v21 =	vmul.f32 v23, v15;
	v23 =	vld [tilespmem:s21+$0x8C00]  }
0x10c: {  	v38 =	vld [tilespmem:s21+$0x2C10];
	v25 =	vmax.f32 v25, $0.0e+00;
	v24 =	vadd.f32 v35, v34  }
0x10d: {  	v39 =	vld [tilespmem:s21+$0x8C10];
	v20 =	vadd.f32 v21, v20;
	v21 =	vmul.f32 v25, v14  }
0x10e: {  	v40 =	vld [tilespmem:s21+$0x2C20];
	v24 =	vmax.f32 v24, $0.0e+00;
	v22 =	vadd.f32 v22, v36  }
0x10f: {  	v41 =	vld [tilespmem:s21+$0x8C20];
	v20 =	vadd.f32 v21, v20;
	v21 =	vmul.f32 v24, v13  }
0x110: {  	v42 =	vld [tilespmem:s21+$0x2C30];
	v22 =	vmax.f32 v22, $0.0e+00;
	v23 =	vadd.f32 v23, v37  }
0x111: {  	v20 =	vadd.f32 v21, v20;
	v21 =	vmul.f32 v22, v12;
	v22 =	vld [tilespmem:s21+$0x8C30]  }
0x112: {  	v43 =	vld [tilespmem:s21+$0x2C40];
	v25 =	vadd.f32 v39, v38;
	v23 =	vmax.f32 v23, $0.0e+00  }
0x113: {  	v20 =	vadd.f32 v21, v20;
	v21 =	vmul.f32 v23, v11;
	v23 =	vld [tilespmem:s21+$0x8C40]  }
0x114: {  	v44 =	vld [tilespmem:s21+$0x2C50];
	v25 =	vmax.f32 v25, $0.0e+00;
	v24 =	vadd.f32 v41, v40  }
0x115: {  	v45 =	vld [tilespmem:s21+$0x8C50];
	v20 =	vadd.f32 v21, v20;
	v21 =	vmul.f32 v25, v10  }
0x116: {  	v46 =	vld [tilespmem:s21+$0x2C60];
	v24 =	vmax.f32 v24, $0.0e+00;
	v22 =	vadd.f32 v22, v42  }
0x117: {  	v47 =	vld [tilespmem:s21+$0x8C60];
	v20 =	vadd.f32 v21, v20;
	v21 =	vmul.f32 v24, v9  }
0x118: {  	v48 =	vld [tilespmem:s21+$0x2C70];
	v22 =	vmax.f32 v22, $0.0e+00;
	v23 =	vadd.f32 v23, v43  }
0x119: {  	v20 =	vadd.f32 v21, v20;
	v21 =	vmul.f32 v22, v8;
	v22 =	vld [tilespmem:s21+$0x8C70]  }
0x11a: {  	v25 =	vadd.f32 v45, v44;
	v23 =	vmax.f32 v23, $0.0e+00  }
0x11b: {  	v20 =	vadd.f32 v21, v20;
	v21 =	vmul.f32 v23, v7  }
0x11c: {  	v24 =	vadd.f32 v47, v46;
	v23 =	vmax.f32 v25, $0.0e+00  }
0x11d: {  	v20 =	vadd.f32 v21, v20;
	v21 =	vmul.f32 v23, v6  }
0x11e: {  	v23 =	vmax.f32 v24, $0.0e+00;
	v22 =	vadd.f32 v22, v48  }
0x11f: {  	v20 =	vadd.f32 v21, v20;
	v21 =	vmul.f32 v23, v5;
	v23 =	vmov s19  }
0x120: {  	v22 =	vmax.f32 v22, $0.0e+00;
	v23 =	vshll.u32 v23, $0x4  }
0x121: {  	v20 =	vadd.f32 v21, v20;
	v21 =	vmul.f32 v22, v4;
	v22 =	vor.u32 v3, v23;
	_ =	sdelay $0x1  }
0x122: {  	v20 =	vadd.f32 v21, v20;
	v21 =	vor.u32 $0x1, v22  }
0x123: {  	s24 =	sadd.s32 $0x10, s20  }
0x124: {  	[tilespmem:s24+$0x0] =	vst v20;
	v20 =	vor.u32 $0x2, v22  }
0x125: {  	v23 =	vld.idx.msk [tilespmem:v22+s9+$0x0], $0xffff  }
0x126: {  	v49 =	vor.u32 $0x3, v22  }
0x127: {  	v21 =	vld.idx.msk [tilespmem:v21+s9+$0x0], $0xffff  }
0x128: {  	v50 =	vor.u32 $0x4, v22  }
0x129: {  	v20 =	vld.idx.msk [tilespmem:v20+s9+$0x0], $0xffff  }
0x12a: {  	v51 =	vor.u32 $0x5, v22;
	v23 =	vadd.f32 $0.0e+00, v23  }
0x12b: {  	v24 =	vld.idx.msk [tilespmem:v49+s9+$0x0], $0xffff  }
0x12c: {  	v52 =	vor.u32 $0x6, v22;
	v21 =	vadd.f32 v21, v23  }
0x12d: {  	v23 =	vld.idx.msk [tilespmem:v50+s9+$0x0], $0xffff  }
0x12e: {  	v53 =	vor.u32 $0x7, v22;
	v20 =	vadd.f32 v20, v21  }
0x12f: {  	v21 =	vld.idx.msk [tilespmem:v51+s9+$0x0], $0xffff  }
0x130: {  	v54 =	vor.u32 $0x8, v22;
	v20 =	vadd.f32 v24, v20  }
0x131: {  	v55 =	vld.idx.msk [tilespmem:v52+s9+$0x0], $0xffff  }
0x132: {  	v56 =	vor.u32 $0x9, v22;
	v20 =	vadd.f32 v23, v20  }
0x133: {  	v23 =	vld.idx.msk [tilespmem:v53+s9+$0x0], $0xffff  }
0x134: {  	v57 =	vor.u32 $0xA, v22;
	v20 =	vadd.f32 v21, v20  }
0x135: {  	v21 =	vld.idx.msk [tilespmem:v54+s9+$0x0], $0xffff  }
0x136: {  	v58 =	vor.u32 $0xB, v22;
	v20 =	vadd.f32 v55, v20  }
0x137: {  	v59 =	vld.idx.msk [tilespmem:v56+s9+$0x0], $0xffff  }
0x138: {  	v60 =	vor.u32 $0xC, v22;
	v20 =	vadd.f32 v23, v20  }
0x139: {  	v23 =	vld.idx.msk [tilespmem:v57+s9+$0x0], $0xffff  }
0x13a: {  	v61 =	vor.u32 $0xD, v22;
	v20 =	vadd.f32 v21, v20  }
0x13b: {  	v21 =	vld.idx.msk [tilespmem:v58+s9+$0x0], $0xffff  }
0x13c: {  	v62 =	vor.u32 $0xE, v22;
	v20 =	vadd.f32 v59, v20  }
0x13d: {  	v63 =	vld.idx.msk [tilespmem:v60+s9+$0x0], $0xffff  }
0x13e: {  	v22 =	vor.u32 $0xF, v22;
	v20 =	vadd.f32 v23, v20  }
0x13f: {  	v23 =	vld.idx.msk [tilespmem:v61+s9+$0x0], $0xffff  }
0x140: {  	v20 =	vadd.f32 v21, v20  }
0x141: {  	v21 =	vld.idx.msk [tilespmem:v62+s9+$0x0], $0xffff  }
0x142: {  	v20 =	vadd.f32 v63, v20  }
0x143: {  	v22 =	vld.idx.msk [tilespmem:v22+s9+$0x0], $0xffff  }
0x144: {  	v20 =	vadd.f32 v23, v20;
	_ =	sdelay $0x1  }
0x145: {  	v20 =	vadd.f32 v21, v20;
	_ =	sdelay $0x1  }
0x146: {  	s20 =	simm.s32 $0x10;
	s19 =	simm.s32 $0xEB00;
	v20 =	vadd.f32 v22, v20  }
.LBB2_5:
0x147: {  	p0 =	sne.s32 s20, $0x20  }
0x148: {  	s21 =	smov.u32 s20;
	s20 =	sadd.s32 $0x10, s20;
	[tilespmem:s19+$0x0] =	vst v20;
	s19 =	sadd.s32 $0x10, s19  }
0x149: {  	v20 =	vmov s21  }
0x14a: {  	v20 =	vshll.u32 v20, $0x4  }
0x14b: {  	v20 =	vor.u32 v3, v20  }
0x14c: {  	v21 =	vor.u32 $0x1, v20;
	v22 =	vor.u32 $0x2, v20;
	v23 =	vor.u32 $0x3, v20  }
0x14d: {  	v24 =	vor.u32 $0x4, v20;
	v25 =	vor.u32 $0x5, v20;
	v26 =	vor.u32 $0x6, v20  }
0x14e: {  	v27 =	vor.u32 $0x7, v20;
	v28 =	vor.u32 $0x8, v20;
	v29 =	vor.u32 $0x9, v20  }
0x14f: {  	v30 =	vor.u32 $0xA, v20;
	v31 =	vor.u32 $0xB, v20;
	v32 =	vor.u32 $0xC, v20  }
0x150: {  	v34 =	vor.u32 $0xD, v20;
	v35 =	vor.u32 $0xE, v20;
	v33 =	vld.idx.msk [tilespmem:v20+s9+$0x0], $0xffff;
	v20 =	vor.u32 $0xF, v20;
	_ =	sdelay $0x1  }
0x151: {  	v21 =	vld.idx.msk [tilespmem:v21+s9+$0x0], $0xffff;
	_ =	sdelay $0x1  }
0x152: {  	v22 =	vld.idx.msk [tilespmem:v22+s9+$0x0], $0xffff;
	_ =	sdelay $0x1  }
0x153: {  	v33 =	vadd.f32 $0.0e+00, v33;
	v23 =	vld.idx.msk [tilespmem:v23+s9+$0x0], $0xffff;
	_ =	sdelay $0x1  }
0x154: {  	v21 =	vadd.f32 v21, v33;
	v24 =	vld.idx.msk [tilespmem:v24+s9+$0x0], $0xffff;
	_ =	sdelay $0x1  }
0x155: {  	v21 =	vadd.f32 v22, v21;
	v22 =	vld.idx.msk [tilespmem:v25+s9+$0x0], $0xffff;
	_ =	sdelay $0x1  }
0x156: {  	v21 =	vadd.f32 v23, v21;
	v23 =	vld.idx.msk [tilespmem:v26+s9+$0x0], $0xffff;
	_ =	sdelay $0x1  }
0x157: {  	v21 =	vadd.f32 v24, v21;
	v24 =	vld.idx.msk [tilespmem:v27+s9+$0x0], $0xffff;
	_ =	sdelay $0x1  }
0x158: {  	v21 =	vadd.f32 v22, v21;
	v22 =	vld.idx.msk [tilespmem:v28+s9+$0x0], $0xffff;
	_ =	sdelay $0x1  }
0x159: {  	v21 =	vadd.f32 v23, v21;
	v23 =	vld.idx.msk [tilespmem:v29+s9+$0x0], $0xffff;
	_ =	sdelay $0x1  }
0x15a: {  	v21 =	vadd.f32 v24, v21;
	v24 =	vld.idx.msk [tilespmem:v30+s9+$0x0], $0xffff;
	_ =	sdelay $0x1  }
0x15b: {  	v21 =	vadd.f32 v22, v21;
	v22 =	vld.idx.msk [tilespmem:v31+s9+$0x0], $0xffff;
	_ =	sdelay $0x1  }
0x15c: {  	v21 =	vadd.f32 v23, v21;
	v23 =	vld.idx.msk [tilespmem:v32+s9+$0x0], $0xffff;
	_ =	sdelay $0x1  }
0x15d: {  	v21 =	vadd.f32 v24, v21;
	v24 =	vld.idx.msk [tilespmem:v34+s9+$0x0], $0xffff;
	_ =	sdelay $0x1  }
0x15e: {  	v21 =	vadd.f32 v22, v21;
	v22 =	vld.idx.msk [tilespmem:v35+s9+$0x0], $0xffff;
	_ =	sdelay $0x1  }
0x15f: {  	v21 =	vadd.f32 v23, v21;
	v20 =	vld.idx.msk [tilespmem:v20+s9+$0x0], $0xffff;
	_ =	sdelay $0x1  }
.Ltmp1:
0x160: {  	v21 =	vadd.f32 v24, v21;
	(pc) =	sbr.rel @p0 .LBB2_5-.Ltmp1, $3  }
0x161: {  	_ = 	snop  }
0x162: {  	v21 =	vadd.f32 v22, v21;
	_ =	sdelay $0x1  }
0x163: {  	v20 =	vadd.f32 v20, v21  }
0x164: {  	s20 =	sadd.s32 s4, s18  }
0x165: {  	s20 =	sshrl.u32 s20, $0x3  }
0x166: {  	[tilespmem:s19+$0x0] =	vst v20;
	s24 =	sadd.s32 s7, s20  }
0x167: {  	[hbm4b:s24+s5] =	stream.linear.scatter [tilespmem:s10], [sflag:$0x5], $0x28, $0x38;
	[tilespmem:$0xEC80] =	vst v63  }
0x168: {  	_ =	swait.ge [sflag:s13], $0x28  }
0x169: {  	[sflag:s13] =	ssyncset.done $0x0  }
0x16a: {  	[sflag:s13] =	ssyncadd.s32 $0xFFFFFFD8  }
0x16b: {  	p0 =	seq.s32 s16, $0x3D;
	_ =	swait.ge [sflag:s11], $0x2800  }
.Ltmp2:
0x16c: {  	[sflag:s11] =	ssyncset.done $0x0;
	(pc) =	sbr.rel @p0 .LBB2_8-.Ltmp2, $4  }
0x16d: {  	[sflag:s11] =	ssyncadd.s32 $0xFFFFD800  }
0x16e: {  	_ =	swait.ge [sflag:s15], $0x2800  }
0x16f: {  	[sflag:s15] =	ssyncset.done $0x0  }
0x170: {  	[sflag:s15] =	ssyncadd.s32 $0xFFFFD800  }
0x171: {  	v20 =	vld [tilespmem:s18+$0x50];
	_ =	sdelay $0x4  }
0x172: {  	v21 =	vshll.u32 v20, $0x1  }
0x173: {  	v20 =	vand.u32 $0x7, v20;
	v21 =	vand.u32 $0xFFFFFFF0, v21  }
0x174: {  	v20 =	vor.u32 v20, v21  }
0x175: {  	v21 =	vperm.xlane v20, v0;
	_ =	sdelay $0x1  }
0x176: {  	v20 =	vperm.xlane v20, v2;
	v21 =	vadd.s32 v1, v21;
	_ =	sdelay $0x1  }
0x177: {  	v20 =	vadd.s32 v1, v20;
	_ =	sdelay $0x1  }
0x178: {  	s19 =	simm.s32 $0x2800  }
0x179: {  	[tilespmem:s19], [sflag:$0x1] =	stream.indirect_vreg.gather [hbm4b:s2+s5], $0x80, v21, vm0, $0xb8;
	[tilespmem:$0xEC80] =	vst v63  }
0x17a: {  	s21 =	simm.s32 $0x3000  }
0x17b: {  	[tilespmem:s21], [sflag:$0x1] =	stream.indirect_vreg.gather [hbm4b:s2+s5], $0x80, v20, vm0, $0xb8;
	[tilespmem:$0xEC80] =	vst v63  }
0x17c: {  	v20 =	vld [tilespmem:s18+$0x60];
	_ =	sdelay $0x4  }
0x17d: {  	v59 =	vshll.u32 v20, $0x1  }
0x17e: {  	v20 =	vand.u32 $0x7, v20;
	v21 =	vand.u32 $0xFFFFFFF0, v59  }
0x17f: {  	v20 =	vor.u32 v20, v21  }
0x180: {  	v21 =	vperm.xlane v20, v0;
	_ =	sdelay $0x1  }
0x181: {  	v20 =	vperm.xlane v20, v2;
	v21 =	vadd.s32 v1, v21;
	_ =	sdelay $0x1  }
0x182: {  	v20 =	vadd.s32 v1, v20;
	_ =	sdelay $0x1  }
0x183: {  	s22 =	simm.s32 $0x3800  }
0x184: {  	[tilespmem:s22], [sflag:$0x1] =	stream.indirect_vreg.gather [hbm4b:s2+s5], $0x80, v21, vm0, $0xb8;
	[tilespmem:$0xEC80] =	vst v63  }
0x185: {  	s23 =	simm.s32 $0x4000  }
0x186: {  	[tilespmem:s23], [sflag:$0x1] =	stream.indirect_vreg.gather [hbm4b:s2+s5], $0x80, v20, vm0, $0xb8;
	[tilespmem:$0xEC80] =	vst v63  }
0x187: {  	v20 =	vld.msk [tilespmem:s18+$0x70], $0xff;
	_ =	sdelay $0x4  }
0x188: {  	v60 =	vshll.u32 v20, $0x1  }
0x189: {  	v20 =	vand.u32 $0x7, v20;
	v21 =	vand.u32 $0xFFFFFFF0, v60  }
0x18a: {  	v20 =	vor.u32 v20, v21  }
0x18b: {  	v20 =	vperm.xlane v20, v0;
	_ =	sdelay $0x1  }
0x18c: {  	v20 =	vadd.s32 v1, v20;
	_ =	sdelay $0x3  }
0x18d: {  	s24 =	simm.s32 $0x4800  }
0x18e: {  	[tilespmem:s24], [sflag:$0x1] =	stream.indirect_vreg.gather [hbm4b:s2+s5], $0x80, v20, vm0, $0xb8;
	[tilespmem:$0xEC80] =	vst v63  }
0x18f: {  	v20 =	vld [tilespmem:s18+$0x1450];
	_ =	sdelay $0x4  }
0x190: {  	v61 =	vshll.u32 v20, $0x1  }
0x191: {  	v20 =	vand.u32 $0x7, v20;
	v21 =	vand.u32 $0xFFFFFFF0, v61  }
0x192: {  	v20 =	vor.u32 v20, v21  }
0x193: {  	v21 =	vperm.xlane v20, v0;
	_ =	sdelay $0x1  }
0x194: {  	v20 =	vperm.xlane v20, v2;
	v21 =	vadd.s32 v1, v21;
	_ =	sdelay $0x1  }
0x195: {  	v20 =	vadd.s32 v1, v20;
	_ =	sdelay $0x1  }
0x196: {  	s20 =	simm.s32 $0x8800  }
0x197: {  	[tilespmem:s20], [sflag:$0x3] =	stream.indirect_vreg.gather [hbm4b:s6+s5], $0x80, v21, vm0, $0xb8;
	[tilespmem:$0xEC80] =	vst v63  }
0x198: {  	s21 =	simm.s32 $0x9000  }
0x199: {  	[tilespmem:s21], [sflag:$0x3] =	stream.indirect_vreg.gather [hbm4b:s6+s5], $0x80, v20, vm0, $0xb8;
	[tilespmem:$0xEC80] =	vst v63  }
0x19a: {  	v20 =	vld [tilespmem:s18+$0x1460];
	_ =	sdelay $0x4  }
0x19b: {  	v62 =	vshll.u32 v20, $0x1  }
0x19c: {  	v20 =	vand.u32 $0x7, v20;
	v21 =	vand.u32 $0xFFFFFFF0, v62  }
0x19d: {  	v20 =	vor.u32 v20, v21  }
0x19e: {  	v21 =	vperm.xlane v20, v0;
	_ =	sdelay $0x1  }
0x19f: {  	v20 =	vperm.xlane v20, v2;
	v21 =	vadd.s32 v1, v21;
	_ =	sdelay $0x1  }
0x1a0: {  	v20 =	vadd.s32 v1, v20;
	_ =	sdelay $0x1  }
0x1a1: {  	s22 =	simm.s32 $0x9800  }
0x1a2: {  	[tilespmem:s22], [sflag:$0x3] =	stream.indirect_vreg.gather [hbm4b:s6+s5], $0x80, v21, vm0, $0xb8;
	[tilespmem:$0xEC80] =	vst v63  }
0x1a3: {  	s23 =	simm.s32 $0xA000  }
0x1a4: {  	[tilespmem:s23], [sflag:$0x3] =	stream.indirect_vreg.gather [hbm4b:s6+s5], $0x80, v20, vm0, $0xb8;
	[tilespmem:$0xEC80] =	vst v63  }
0x1a5: {  	v20 =	vld.msk [tilespmem:s18+$0x1470], $0xff;
	_ =	sdelay $0x4  }
0x1a6: {  	v63 =	vshll.u32 v20, $0x1  }
0x1a7: {  	v20 =	vand.u32 $0x7, v20;
	v21 =	vand.u32 $0xFFFFFFF0, v63  }
0x1a8: {  	v20 =	vor.u32 v20, v21  }
0x1a9: {  	v20 =	vperm.xlane v20, v0;
	_ =	sdelay $0x1  }
0x1aa: {  	v20 =	vadd.s32 v1, v20;
	_ =	sdelay $0x3  }
0x1ab: {  	s24 =	simm.s32 $0xA800  }
0x1ac: {  	[tilespmem:s24], [sflag:$0x3] =	stream.indirect_vreg.gather [hbm4b:s6+s5], $0x80, v20, vm0, $0xb8;
	[tilespmem:$0xEC80] =	vst v63  }
.LBB2_8:
0x1ad: {  	s18 =	simm.s32 $0x0  }
0x1ae: {  	s19 =	sand.u32 $0x3800, s18;
	s20 =	sand.u32 $0x380, s18  }
0x1af: {  	s19 =	sor.u32 s20, s19  }
0x1b0: {  	v20 =	vld [tilespmem:s19+$0xB800]  }
0x1b1: {  	v21 =	vld [tilespmem:s19+$0x5800]  }
0x1b2: {  	v22 =	vld [tilespmem:s19+$0x5810]  }
0x1b3: {  	v23 =	vld [tilespmem:s19+$0xB810]  }
0x1b4: {  	v24 =	vld [tilespmem:s19+$0x5820]  }
0x1b5: {  	v25 =	vld [tilespmem:s19+$0xB820]  }
0x1b6: {  	v58 =	vld [tilespmem:s19+$0x5830];
	v20 =	vadd.f32 v20, v21  }
0x1b7: {  	v26 =	vld [tilespmem:s19+$0xB830]  }
0x1b8: {  	v59 =	vld [tilespmem:s19+$0x5840];
	v22 =	vadd.f32 v23, v22;
	v20 =	vmax.f32 v20, $0.0e+00  }
0x1b9: {  	v27 =	vld [tilespmem:s19+$0xB840];
	v20 =	vmul.f32 v20, v19  }
0x1ba: {  	v60 =	vld [tilespmem:s19+$0x5850];
	v24 =	vadd.f32 v25, v24;
	v22 =	vmax.f32 v22, $0.0e+00  }
0x1bb: {  	v28 =	vld [tilespmem:s19+$0xB850];
	v22 =	vmul.f32 v22, v18;
	v20 =	vadd.f32 $0.0e+00, v20  }
0x1bc: {  	v61 =	vld [tilespmem:s19+$0x5860];
	v21 =	vadd.f32 v26, v58;
	v24 =	vmax.f32 v24, $0.0e+00  }
0x1bd: {  	v63 =	vld [tilespmem:s19+$0xB860];
	v62 =	vmul.f32 v24, v17;
	v20 =	vadd.f32 v22, v20  }
0x1be: {  	v32 =	vld [tilespmem:s19+$0x5870];
	v23 =	vadd.f32 v27, v59;
	v21 =	vmax.f32 v21, $0.0e+00  }
0x1bf: {  	v33 =	vld [tilespmem:s19+$0xB870];
	v21 =	vmul.f32 v21, v16;
	v20 =	vadd.f32 v62, v20  }
0x1c0: {  	v34 =	vld [tilespmem:s19+$0x5C00];
	v25 =	vadd.f32 v28, v60;
	v23 =	vmax.f32 v23, $0.0e+00  }
0x1c1: {  	v36 =	vld [tilespmem:s19+$0xBC00];
	v35 =	vmul.f32 v23, v15;
	v20 =	vadd.f32 v21, v20  }
0x1c2: {  	v37 =	vld [tilespmem:s19+$0x5C10];
	v25 =	vmax.f32 v25, $0.0e+00;
	v24 =	vadd.f32 v63, v61  }
0x1c3: {  	v39 =	vld [tilespmem:s19+$0xBC10];
	v38 =	vmul.f32 v25, v14;
	v20 =	vadd.f32 v35, v20  }
0x1c4: {  	v40 =	vld [tilespmem:s19+$0x5C20];
	v24 =	vmax.f32 v24, $0.0e+00;
	v22 =	vadd.f32 v33, v32  }
0x1c5: {  	v42 =	vld [tilespmem:s19+$0xBC20];
	v41 =	vmul.f32 v24, v13;
	v20 =	vadd.f32 v38, v20  }
0x1c6: {  	v43 =	vld [tilespmem:s19+$0x5C30];
	v23 =	vadd.f32 v36, v34;
	v22 =	vmax.f32 v22, $0.0e+00  }
0x1c7: {  	v45 =	vld [tilespmem:s19+$0xBC30];
	v44 =	vmul.f32 v22, v12;
	v20 =	vadd.f32 v41, v20  }
0x1c8: {  	v46 =	vld [tilespmem:s19+$0x5C40];
	v25 =	vadd.f32 v39, v37;
	v23 =	vmax.f32 v23, $0.0e+00  }
0x1c9: {  	v48 =	vld [tilespmem:s19+$0xBC40];
	v47 =	vmul.f32 v23, v11;
	v20 =	vadd.f32 v44, v20  }
0x1ca: {  	v49 =	vld [tilespmem:s19+$0x5C50];
	v25 =	vmax.f32 v25, $0.0e+00;
	v24 =	vadd.f32 v42, v40  }
0x1cb: {  	v51 =	vld [tilespmem:s19+$0xBC50];
	v50 =	vmul.f32 v25, v10;
	v20 =	vadd.f32 v47, v20  }
0x1cc: {  	v52 =	vld [tilespmem:s19+$0x5C60];
	v24 =	vmax.f32 v24, $0.0e+00;
	v22 =	vadd.f32 v45, v43  }
0x1cd: {  	v54 =	vld [tilespmem:s19+$0xBC60];
	v53 =	vmul.f32 v24, v9;
	v20 =	vadd.f32 v50, v20  }
0x1ce: {  	v55 =	vld [tilespmem:s19+$0x5C70];
	v23 =	vadd.f32 v48, v46;
	v22 =	vmax.f32 v22, $0.0e+00  }
0x1cf: {  	v57 =	vld [tilespmem:s19+$0xBC70];
	v56 =	vmul.f32 v22, v8;
	v20 =	vadd.f32 v53, v20  }
0x1d0: {  	v25 =	vadd.f32 v51, v49;
	v23 =	vmax.f32 v23, $0.0e+00  }
0x1d1: {  	v58 =	vmul.f32 v23, v7;
	v20 =	vadd.f32 v56, v20  }
0x1d2: {  	v59 =	vmax.f32 v25, $0.0e+00;
	v24 =	vadd.f32 v54, v52  }
0x1d3: {  	v60 =	vmul.f32 v59, v6;
	v20 =	vadd.f32 v58, v20  }
0x1d4: {  	v61 =	vmax.f32 v24, $0.0e+00;
	v22 =	vadd.f32 v57, v55  }
0x1d5: {  	v62 =	vmul.f32 v61, v5;
	v20 =	vadd.f32 v60, v20  }
0x1d6: {  	v22 =	vmax.f32 v22, $0.0e+00  }
0x1d7: {  	v63 =	vmul.f32 v22, v4;
	v20 =	vadd.f32 v62, v20;
	_ =	sdelay $0x1  }
0x1d8: {  	s24 =	simm.s32 $0x100;
	s21 =	simm.s32 $0x80;
	v20 =	vadd.f32 v63, v20  }
0x1d9: {  	s22 =	sand.u32 $0x380, s21;
	s20 =	sand.u32 $0x3800, s24;
	s19 =	simm.s32 $0xE800  }
0x1da: {  	s20 =	sor.u32 s22, s20;
	s22 =	simm.s32 $0x200;
	[tilespmem:s19+$0x0] =	vst v20  }
.LBB2_9:
0x1db: {  	p1 =	sne.s32 s22, $0x2F00;
	v20 =	vld [tilespmem:s20+$0xB800]  }
0x1dc: {  	v21 =	vld [tilespmem:s20+$0x5800]  }
0x1dd: {  	v22 =	vld [tilespmem:s20+$0x5810]  }
0x1de: {  	v23 =	vld [tilespmem:s20+$0xB810]  }
0x1df: {  	v24 =	vld [tilespmem:s20+$0x5820]  }
0x1e0: {  	v25 =	vld [tilespmem:s20+$0xB820]  }
0x1e1: {  	v20 =	vadd.f32 v20, v21;
	v21 =	vld [tilespmem:s20+$0x5830]  }
0x1e2: {  	v26 =	vld [tilespmem:s20+$0xB830]  }
0x1e3: {  	v20 =	vmax.f32 v20, $0.0e+00;
	v22 =	vadd.f32 v23, v22;
	v23 =	vld [tilespmem:s20+$0x5840]  }
0x1e4: {  	v20 =	vmul.f32 v20, v19;
	v27 =	vld [tilespmem:s20+$0xB840]  }
0x1e5: {  	v22 =	vmax.f32 v22, $0.0e+00;
	v24 =	vadd.f32 v25, v24;
	v25 =	vld [tilespmem:s20+$0x5850]  }
0x1e6: {  	v20 =	vadd.f32 $0.0e+00, v20;
	v22 =	vmul.f32 v22, v18;
	v28 =	vld [tilespmem:s20+$0xB850]  }
0x1e7: {  	v24 =	vmax.f32 v24, $0.0e+00;
	v21 =	vadd.f32 v26, v21;
	v26 =	vld [tilespmem:s20+$0x5860]  }
0x1e8: {  	v20 =	vadd.f32 v22, v20;
	v22 =	vmul.f32 v24, v17;
	v24 =	vld [tilespmem:s20+$0xB860]  }
0x1e9: {  	v21 =	vmax.f32 v21, $0.0e+00;
	v23 =	vadd.f32 v27, v23;
	v27 =	vld [tilespmem:s20+$0x5870]  }
0x1ea: {  	v20 =	vadd.f32 v22, v20;
	v21 =	vmul.f32 v21, v16;
	v22 =	vld [tilespmem:s20+$0xB870]  }
0x1eb: {  	v23 =	vmax.f32 v23, $0.0e+00;
	v25 =	vadd.f32 v28, v25;
	v28 =	vld [tilespmem:s20+$0x5C00]  }
0x1ec: {  	v20 =	vadd.f32 v21, v20;
	v21 =	vmul.f32 v23, v15;
	v23 =	vld [tilespmem:s20+$0xBC00]  }
0x1ed: {  	v25 =	vmax.f32 v25, $0.0e+00;
	v24 =	vadd.f32 v24, v26;
	v26 =	vld [tilespmem:s20+$0x5C10]  }
0x1ee: {  	v20 =	vadd.f32 v21, v20;
	v21 =	vmul.f32 v25, v14;
	v25 =	vld [tilespmem:s20+$0xBC10]  }
0x1ef: {  	v24 =	vmax.f32 v24, $0.0e+00;
	v22 =	vadd.f32 v22, v27;
	v27 =	vld [tilespmem:s20+$0x5C20]  }
0x1f0: {  	v20 =	vadd.f32 v21, v20;
	v21 =	vmul.f32 v24, v13;
	v24 =	vld [tilespmem:s20+$0xBC20]  }
0x1f1: {  	v22 =	vmax.f32 v22, $0.0e+00;
	v23 =	vadd.f32 v23, v28;
	v28 =	vld [tilespmem:s20+$0x5C30]  }
0x1f2: {  	v20 =	vadd.f32 v21, v20;
	v21 =	vmul.f32 v22, v12;
	v22 =	vld [tilespmem:s20+$0xBC30]  }
0x1f3: {  	v23 =	vmax.f32 v23, $0.0e+00;
	v25 =	vadd.f32 v25, v26;
	v26 =	vld [tilespmem:s20+$0x5C40]  }
0x1f4: {  	v20 =	vadd.f32 v21, v20;
	v21 =	vmul.f32 v23, v11;
	v23 =	vld [tilespmem:s20+$0xBC40]  }
0x1f5: {  	v25 =	vmax.f32 v25, $0.0e+00;
	v24 =	vadd.f32 v24, v27;
	v27 =	vld [tilespmem:s20+$0x5C50]  }
0x1f6: {  	v20 =	vadd.f32 v21, v20;
	v21 =	vmul.f32 v25, v10;
	v25 =	vld [tilespmem:s20+$0xBC50]  }
0x1f7: {  	v24 =	vmax.f32 v24, $0.0e+00;
	v22 =	vadd.f32 v22, v28;
	v28 =	vld [tilespmem:s20+$0x5C60]  }
0x1f8: {  	v20 =	vadd.f32 v21, v20;
	v21 =	vmul.f32 v24, v9;
	v24 =	vld [tilespmem:s20+$0xBC60]  }
0x1f9: {  	v22 =	vmax.f32 v22, $0.0e+00;
	v23 =	vadd.f32 v23, v26;
	v26 =	vld [tilespmem:s20+$0x5C70]  }
0x1fa: {  	v20 =	vadd.f32 v21, v20;
	v21 =	vmul.f32 v22, v8;
	v22 =	vld [tilespmem:s20+$0xBC70]  }
0x1fb: {  	v23 =	vmax.f32 v23, $0.0e+00;
	v25 =	vadd.f32 v25, v27  }
0x1fc: {  	v20 =	vadd.f32 v21, v20;
	v21 =	vmul.f32 v23, v7  }
0x1fd: {  	v23 =	vmax.f32 v25, $0.0e+00;
	v24 =	vadd.f32 v24, v28  }
0x1fe: {  	v20 =	vadd.f32 v21, v20;
	v21 =	vmul.f32 v23, v6  }
0x1ff: {  	v23 =	vmax.f32 v24, $0.0e+00;
	v22 =	vadd.f32 v22, v26  }
0x200: {  	v20 =	vadd.f32 v21, v20;
	v21 =	vmul.f32 v23, v5  }
0x201: {  	v22 =	vmax.f32 v22, $0.0e+00  }
.Ltmp3:
0x202: {  	v20 =	vadd.f32 v21, v20;
	v21 =	vmul.f32 v22, v4;
	(pc) =	sbr.rel @p1 .LBB2_9-.Ltmp3, $4  }
0x203: {  	_ = 	snop  }
0x204: {  	s21 =	sadd.s32 $0x80, s21;
	v20 =	vadd.f32 v21, v20  }
0x205: {  	s19 =	sadd.s32 $0x10, s19;
	s23 =	sand.u32 $0x380, s21;
	s20 =	sand.u32 $0x3800, s22  }
0x206: {  	s22 =	sadd.s32 $0x100, s22;
	s20 =	sor.u32 s23, s20;
	[tilespmem:s19+$0x0] =	vst v20  }
0x207: {  	v20 =	vld [tilespmem:s20+$0xB800]  }
0x208: {  	v21 =	vld [tilespmem:s20+$0x5800]  }
0x209: {  	v22 =	vld [tilespmem:s20+$0x5810]  }
0x20a: {  	v23 =	vld [tilespmem:s20+$0xB810]  }
0x20b: {  	v24 =	vld [tilespmem:s20+$0x5820]  }
0x20c: {  	v25 =	vld [tilespmem:s20+$0xB820]  }
0x20d: {  	v26 =	vld [tilespmem:s20+$0xB830];
	v20 =	vadd.f32 v20, v21  }
0x20e: {  	v21 =	vld [tilespmem:s20+$0x5830]  }
0x20f: {  	v27 =	vld [tilespmem:s20+$0xB840];
	v22 =	vadd.f32 v23, v22;
	v20 =	vmax.f32 v20, $0.0e+00  }
0x210: {  	v23 =	vld [tilespmem:s20+$0x5840];
	v20 =	vmul.f32 v20, v19  }
0x211: {  	v33 =	vld [tilespmem:s20+$0x5850];
	v24 =	vadd.f32 v25, v24;
	v22 =	vmax.f32 v22, $0.0e+00  }
0x212: {  	v28 =	vld [tilespmem:s20+$0xB850];
	v22 =	vmul.f32 v22, v18;
	v20 =	vadd.f32 $0.0e+00, v20  }
0x213: {  	v34 =	vld [tilespmem:s20+$0x5860];
	v24 =	vmax.f32 v24, $0.0e+00;
	v21 =	vadd.f32 v26, v21  }
0x214: {  	v35 =	vld [tilespmem:s20+$0xB860];
	v20 =	vadd.f32 v22, v20;
	v22 =	vmul.f32 v24, v17  }
0x215: {  	v36 =	vld [tilespmem:s20+$0x5870];
	v23 =	vadd.f32 v27, v23;
	v21 =	vmax.f32 v21, $0.0e+00  }
0x216: {  	v21 =	vmul.f32 v21, v16;
	v20 =	vadd.f32 v22, v20;
	v22 =	vld [tilespmem:s20+$0xB870]  }
0x217: {  	v37 =	vld [tilespmem:s20+$0x5C00];
	v25 =	vadd.f32 v28, v33;
	v23 =	vmax.f32 v23, $0.0e+00  }
0x218: {  	v20 =	vadd.f32 v21, v20;
	v21 =	vmul.f32 v23, v15;
	v23 =	vld [tilespmem:s20+$0xBC00]  }
0x219: {  	v38 =	vld [tilespmem:s20+$0x5C10];
	v25 =	vmax.f32 v25, $0.0e+00;
	v24 =	vadd.f32 v35, v34  }
0x21a: {  	v39 =	vld [tilespmem:s20+$0xBC10];
	v20 =	vadd.f32 v21, v20;
	v21 =	vmul.f32 v25, v14  }
0x21b: {  	v40 =	vld [tilespmem:s20+$0x5C20];
	v24 =	vmax.f32 v24, $0.0e+00;
	v22 =	vadd.f32 v22, v36  }
0x21c: {  	v41 =	vld [tilespmem:s20+$0xBC20];
	v20 =	vadd.f32 v21, v20;
	v21 =	vmul.f32 v24, v13  }
0x21d: {  	v42 =	vld [tilespmem:s20+$0x5C30];
	v22 =	vmax.f32 v22, $0.0e+00;
	v23 =	vadd.f32 v23, v37  }
0x21e: {  	v20 =	vadd.f32 v21, v20;
	v21 =	vmul.f32 v22, v12;
	v22 =	vld [tilespmem:s20+$0xBC30]  }
0x21f: {  	v43 =	vld [tilespmem:s20+$0x5C40];
	v25 =	vadd.f32 v39, v38;
	v23 =	vmax.f32 v23, $0.0e+00  }
0x220: {  	v20 =	vadd.f32 v21, v20;
	v21 =	vmul.f32 v23, v11;
	v23 =	vld [tilespmem:s20+$0xBC40]  }
0x221: {  	v44 =	vld [tilespmem:s20+$0x5C50];
	v25 =	vmax.f32 v25, $0.0e+00;
	v24 =	vadd.f32 v41, v40  }
0x222: {  	v45 =	vld [tilespmem:s20+$0xBC50];
	v20 =	vadd.f32 v21, v20;
	v21 =	vmul.f32 v25, v10  }
0x223: {  	v46 =	vld [tilespmem:s20+$0x5C60];
	v24 =	vmax.f32 v24, $0.0e+00;
	v22 =	vadd.f32 v22, v42  }
0x224: {  	v47 =	vld [tilespmem:s20+$0xBC60];
	v20 =	vadd.f32 v21, v20;
	v21 =	vmul.f32 v24, v9  }
0x225: {  	v48 =	vld [tilespmem:s20+$0x5C70];
	v22 =	vmax.f32 v22, $0.0e+00;
	v23 =	vadd.f32 v23, v43  }
0x226: {  	v20 =	vadd.f32 v21, v20;
	v21 =	vmul.f32 v22, v8;
	v22 =	vld [tilespmem:s20+$0xBC70]  }
0x227: {  	v25 =	vadd.f32 v45, v44;
	v23 =	vmax.f32 v23, $0.0e+00  }
0x228: {  	v20 =	vadd.f32 v21, v20;
	v21 =	vmul.f32 v23, v7  }
0x229: {  	v24 =	vadd.f32 v47, v46;
	v23 =	vmax.f32 v25, $0.0e+00  }
0x22a: {  	v20 =	vadd.f32 v21, v20;
	v21 =	vmul.f32 v23, v6  }
0x22b: {  	v23 =	vmax.f32 v24, $0.0e+00;
	v22 =	vadd.f32 v22, v48  }
0x22c: {  	v20 =	vadd.f32 v21, v20;
	v21 =	vmul.f32 v23, v5;
	v23 =	vmov s18  }
0x22d: {  	v22 =	vmax.f32 v22, $0.0e+00;
	v23 =	vshll.u32 v23, $0x4  }
0x22e: {  	v20 =	vadd.f32 v21, v20;
	v21 =	vmul.f32 v22, v4;
	v22 =	vor.u32 v3, v23;
	_ =	sdelay $0x1  }
0x22f: {  	v20 =	vadd.f32 v21, v20;
	v21 =	vor.u32 $0x1, v22  }
0x230: {  	s24 =	sadd.s32 $0x10, s19  }
0x231: {  	[tilespmem:s24+$0x0] =	vst v20;
	v20 =	vor.u32 $0x2, v22  }
0x232: {  	v23 =	vld.idx.msk [tilespmem:v22+s9+$0x0], $0xffff  }
0x233: {  	v49 =	vor.u32 $0x3, v22  }
0x234: {  	v21 =	vld.idx.msk [tilespmem:v21+s9+$0x0], $0xffff  }
0x235: {  	v50 =	vor.u32 $0x4, v22  }
0x236: {  	v20 =	vld.idx.msk [tilespmem:v20+s9+$0x0], $0xffff  }
0x237: {  	v51 =	vor.u32 $0x5, v22;
	v23 =	vadd.f32 $0.0e+00, v23  }
0x238: {  	v24 =	vld.idx.msk [tilespmem:v49+s9+$0x0], $0xffff  }
0x239: {  	v52 =	vor.u32 $0x6, v22;
	v21 =	vadd.f32 v21, v23  }
0x23a: {  	v23 =	vld.idx.msk [tilespmem:v50+s9+$0x0], $0xffff  }
0x23b: {  	v53 =	vor.u32 $0x7, v22;
	v20 =	vadd.f32 v20, v21  }
0x23c: {  	v21 =	vld.idx.msk [tilespmem:v51+s9+$0x0], $0xffff  }
0x23d: {  	v54 =	vor.u32 $0x8, v22;
	v20 =	vadd.f32 v24, v20  }
0x23e: {  	v55 =	vld.idx.msk [tilespmem:v52+s9+$0x0], $0xffff  }
0x23f: {  	v56 =	vor.u32 $0x9, v22;
	v20 =	vadd.f32 v23, v20  }
0x240: {  	v23 =	vld.idx.msk [tilespmem:v53+s9+$0x0], $0xffff  }
0x241: {  	v57 =	vor.u32 $0xA, v22;
	v20 =	vadd.f32 v21, v20  }
0x242: {  	v21 =	vld.idx.msk [tilespmem:v54+s9+$0x0], $0xffff  }
0x243: {  	v58 =	vor.u32 $0xB, v22;
	v20 =	vadd.f32 v55, v20  }
0x244: {  	v59 =	vld.idx.msk [tilespmem:v56+s9+$0x0], $0xffff  }
0x245: {  	v60 =	vor.u32 $0xC, v22;
	v20 =	vadd.f32 v23, v20  }
0x246: {  	v23 =	vld.idx.msk [tilespmem:v57+s9+$0x0], $0xffff  }
0x247: {  	v61 =	vor.u32 $0xD, v22;
	v20 =	vadd.f32 v21, v20  }
0x248: {  	v21 =	vld.idx.msk [tilespmem:v58+s9+$0x0], $0xffff  }
0x249: {  	v62 =	vor.u32 $0xE, v22;
	v20 =	vadd.f32 v59, v20  }
0x24a: {  	v63 =	vld.idx.msk [tilespmem:v60+s9+$0x0], $0xffff  }
0x24b: {  	v22 =	vor.u32 $0xF, v22;
	v20 =	vadd.f32 v23, v20  }
0x24c: {  	v23 =	vld.idx.msk [tilespmem:v61+s9+$0x0], $0xffff  }
0x24d: {  	v20 =	vadd.f32 v21, v20  }
0x24e: {  	v21 =	vld.idx.msk [tilespmem:v62+s9+$0x0], $0xffff  }
0x24f: {  	v20 =	vadd.f32 v63, v20  }
0x250: {  	v22 =	vld.idx.msk [tilespmem:v22+s9+$0x0], $0xffff  }
0x251: {  	v20 =	vadd.f32 v23, v20;
	_ =	sdelay $0x1  }
0x252: {  	v20 =	vadd.f32 v21, v20;
	_ =	sdelay $0x1  }
0x253: {  	s19 =	simm.s32 $0x10;
	s18 =	simm.s32 $0xEB00;
	v20 =	vadd.f32 v22, v20  }
.LBB2_11:
0x254: {  	p1 =	sne.s32 s19, $0x20  }
0x255: {  	s20 =	smov.u32 s19;
	s19 =	sadd.s32 $0x10, s19;
	[tilespmem:s18+$0x0] =	vst v20;
	s18 =	sadd.s32 $0x10, s18  }
0x256: {  	v20 =	vmov s20  }
0x257: {  	v20 =	vshll.u32 v20, $0x4  }
0x258: {  	v20 =	vor.u32 v3, v20  }
0x259: {  	v21 =	vor.u32 $0x1, v20;
	v22 =	vor.u32 $0x2, v20;
	v23 =	vor.u32 $0x3, v20  }
0x25a: {  	v24 =	vor.u32 $0x4, v20;
	v25 =	vor.u32 $0x5, v20;
	v26 =	vor.u32 $0x6, v20  }
0x25b: {  	v27 =	vor.u32 $0x7, v20;
	v28 =	vor.u32 $0x8, v20;
	v29 =	vor.u32 $0x9, v20  }
0x25c: {  	v30 =	vor.u32 $0xA, v20;
	v31 =	vor.u32 $0xB, v20;
	v32 =	vor.u32 $0xC, v20  }
0x25d: {  	v34 =	vor.u32 $0xD, v20;
	v35 =	vor.u32 $0xE, v20;
	v33 =	vld.idx.msk [tilespmem:v20+s9+$0x0], $0xffff;
	v20 =	vor.u32 $0xF, v20;
	_ =	sdelay $0x1  }
0x25e: {  	v21 =	vld.idx.msk [tilespmem:v21+s9+$0x0], $0xffff;
	_ =	sdelay $0x1  }
0x25f: {  	v22 =	vld.idx.msk [tilespmem:v22+s9+$0x0], $0xffff;
	_ =	sdelay $0x1  }
0x260: {  	v33 =	vadd.f32 $0.0e+00, v33;
	v23 =	vld.idx.msk [tilespmem:v23+s9+$0x0], $0xffff;
	_ =	sdelay $0x1  }
0x261: {  	v21 =	vadd.f32 v21, v33;
	v24 =	vld.idx.msk [tilespmem:v24+s9+$0x0], $0xffff;
	_ =	sdelay $0x1  }
0x262: {  	v21 =	vadd.f32 v22, v21;
	v22 =	vld.idx.msk [tilespmem:v25+s9+$0x0], $0xffff;
	_ =	sdelay $0x1  }
0x263: {  	v21 =	vadd.f32 v23, v21;
	v23 =	vld.idx.msk [tilespmem:v26+s9+$0x0], $0xffff;
	_ =	sdelay $0x1  }
0x264: {  	v21 =	vadd.f32 v24, v21;
	v24 =	vld.idx.msk [tilespmem:v27+s9+$0x0], $0xffff;
	_ =	sdelay $0x1  }
0x265: {  	v21 =	vadd.f32 v22, v21;
	v22 =	vld.idx.msk [tilespmem:v28+s9+$0x0], $0xffff;
	_ =	sdelay $0x1  }
0x266: {  	v21 =	vadd.f32 v23, v21;
	v23 =	vld.idx.msk [tilespmem:v29+s9+$0x0], $0xffff;
	_ =	sdelay $0x1  }
0x267: {  	v21 =	vadd.f32 v24, v21;
	v24 =	vld.idx.msk [tilespmem:v30+s9+$0x0], $0xffff;
	_ =	sdelay $0x1  }
0x268: {  	v21 =	vadd.f32 v22, v21;
	v22 =	vld.idx.msk [tilespmem:v31+s9+$0x0], $0xffff;
	_ =	sdelay $0x1  }
0x269: {  	v21 =	vadd.f32 v23, v21;
	v23 =	vld.idx.msk [tilespmem:v32+s9+$0x0], $0xffff;
	_ =	sdelay $0x1  }
0x26a: {  	v21 =	vadd.f32 v24, v21;
	v24 =	vld.idx.msk [tilespmem:v34+s9+$0x0], $0xffff;
	_ =	sdelay $0x1  }
0x26b: {  	v21 =	vadd.f32 v22, v21;
	v22 =	vld.idx.msk [tilespmem:v35+s9+$0x0], $0xffff;
	_ =	sdelay $0x1  }
0x26c: {  	v21 =	vadd.f32 v23, v21;
	v20 =	vld.idx.msk [tilespmem:v20+s9+$0x0], $0xffff;
	_ =	sdelay $0x1  }
.Ltmp4:
0x26d: {  	v21 =	vadd.f32 v24, v21;
	(pc) =	sbr.rel @p1 .LBB2_11-.Ltmp4, $3  }
0x26e: {  	_ = 	snop  }
0x26f: {  	v21 =	vadd.f32 v22, v21;
	_ =	sdelay $0x1  }
0x270: {  	v20 =	vadd.f32 v20, v21  }
0x271: {  	s17 =	sadd.s32 s4, s17  }
0x272: {  	s17 =	sshrl.u32 s17, $0x3  }
.Ltmp5:
0x273: {  	[tilespmem:s18+$0x0] =	vst v20;
	s17 =	sadd.s32 s7, s17;
	(pc) =	sbr.rel @p0 .LBB2_14-.Ltmp5, $4  }
0x274: {  	[hbm4b:s17+s5] =	stream.linear.scatter [tilespmem:s10], [sflag:$0x5], $0x28, $0x38;
	[tilespmem:$0xEC80] =	vst v63  }
0x275: {  	_ =	swait.ge [sflag:s13], $0x28  }
0x276: {  	[sflag:s13] =	ssyncset.done $0x0  }
0x277: {  	[sflag:s13] =	ssyncadd.s32 $0xFFFFFFD8  }
0x278: {  	_ =	swait.ge [sflag:s25], $0x2800  }
.Ltmp6:
0x279: {  	[sflag:s25] =	ssyncset.done $0x0;
	(pc) =	sbr.rel .LBB2_2-.Ltmp6, $4  }
0x27a: {  	[sflag:s25] =	ssyncadd.s32 $0xFFFFD800  }
0x27b: {  	_ =	swait.ge [sflag:s26], $0x2800  }
0x27c: {  	[sflag:s26] =	ssyncset.done $0x0  }
0x27d: {  	s16 =	sadd.s32 $0x1, s16;
	[sflag:s26] =	ssyncadd.s32 $0xFFFFD800  }
.LBB2_14:
0x27e: {  	v20 =	vld [tilespmem:$0x1360];
	_ =	sdelay $0x4  }
0x27f: {  	v21 =	vshll.u32 v20, $0x1  }
0x280: {  	v20 =	vand.u32 $0x7, v20;
	v21 =	vand.u32 $0xFFFFFFF0, v21  }
0x281: {  	v20 =	vor.u32 v20, v21  }
0x282: {  	v21 =	vperm.xlane v20, v0;
	_ =	sdelay $0x1  }
0x283: {  	v20 =	vperm.xlane v20, v2;
	v21 =	vadd.s32 v1, v21;
	_ =	sdelay $0x1  }
0x284: {  	v20 =	vadd.s32 v1, v20;
	_ =	sdelay $0x1  }
0x285: {  	s16 =	simm.s32 $0x0;
	s17 =	simm.s32 $0x2800  }
0x286: {  	[tilespmem:s17], [sflag:$0x1] =	stream.indirect_vreg.gather [hbm4b:s2+s16], $0x80, v21, vm0, $0xb8;
	[tilespmem:$0xEC80] =	vst v63  }
0x287: {  	s21 =	simm.s32 $0x3000  }
0x288: {  	[tilespmem:s21], [sflag:$0x1] =	stream.indirect_vreg.gather [hbm4b:s2+s16], $0x80, v20, vm0, $0xb8;
	[tilespmem:$0xEC80] =	vst v63  }
0x289: {  	v20 =	vld [tilespmem:$0x1370];
	_ =	sdelay $0x4  }
0x28a: {  	v52 =	vshll.u32 v20, $0x1  }
0x28b: {  	v20 =	vand.u32 $0x7, v20;
	v21 =	vand.u32 $0xFFFFFFF0, v52  }
0x28c: {  	v20 =	vor.u32 v20, v21  }
0x28d: {  	v21 =	vperm.xlane v20, v0;
	_ =	sdelay $0x1  }
0x28e: {  	v20 =	vperm.xlane v20, v2;
	v21 =	vadd.s32 v1, v21;
	_ =	sdelay $0x1  }
0x28f: {  	v20 =	vadd.s32 v1, v20;
	_ =	sdelay $0x1  }
0x290: {  	s22 =	simm.s32 $0x3800  }
0x291: {  	[tilespmem:s22], [sflag:$0x1] =	stream.indirect_vreg.gather [hbm4b:s2+s16], $0x80, v21, vm0, $0xb8;
	[tilespmem:$0xEC80] =	vst v63  }
0x292: {  	s23 =	simm.s32 $0x4000  }
0x293: {  	[tilespmem:s23], [sflag:$0x1] =	stream.indirect_vreg.gather [hbm4b:s2+s16], $0x80, v20, vm0, $0xb8;
	[tilespmem:$0xEC80] =	vst v63  }
0x294: {  	v20 =	vld.msk [tilespmem:$0x1380], $0xff;
	_ =	sdelay $0x4  }
0x295: {  	v53 =	vshll.u32 v20, $0x1  }
0x296: {  	v20 =	vand.u32 $0x7, v20;
	v21 =	vand.u32 $0xFFFFFFF0, v53  }
0x297: {  	v20 =	vor.u32 v20, v21  }
0x298: {  	v20 =	vperm.xlane v20, v0;
	_ =	sdelay $0x1  }
0x299: {  	v20 =	vadd.s32 v1, v20;
	_ =	sdelay $0x3  }
0x29a: {  	s24 =	simm.s32 $0x4800  }
0x29b: {  	[tilespmem:s24], [sflag:$0x1] =	stream.indirect_vreg.gather [hbm4b:s2+s16], $0x80, v20, vm0, $0xb8;
	[tilespmem:$0xEC80] =	vst v63  }
0x29c: {  	v20 =	vld [tilespmem:$0x2760];
	_ =	sdelay $0x4  }
0x29d: {  	v54 =	vshll.u32 v20, $0x1  }
0x29e: {  	v20 =	vand.u32 $0x7, v20;
	v21 =	vand.u32 $0xFFFFFFF0, v54  }
0x29f: {  	v20 =	vor.u32 v20, v21  }
0x2a0: {  	v21 =	vperm.xlane v20, v0;
	_ =	sdelay $0x1  }
0x2a1: {  	v20 =	vperm.xlane v20, v2;
	v21 =	vadd.s32 v1, v21;
	_ =	sdelay $0x1  }
0x2a2: {  	v20 =	vadd.s32 v1, v20;
	_ =	sdelay $0x1  }
0x2a3: {  	s18 =	simm.s32 $0x8800  }
0x2a4: {  	[tilespmem:s18], [sflag:$0x3] =	stream.indirect_vreg.gather [hbm4b:s6+s16], $0x80, v21, vm0, $0xb8;
	[tilespmem:$0xEC80] =	vst v63  }
0x2a5: {  	s19 =	simm.s32 $0x9000  }
0x2a6: {  	[tilespmem:s19], [sflag:$0x3] =	stream.indirect_vreg.gather [hbm4b:s6+s16], $0x80, v20, vm0, $0xb8;
	[tilespmem:$0xEC80] =	vst v63  }
0x2a7: {  	v20 =	vld [tilespmem:$0x2770];
	_ =	sdelay $0x4  }
0x2a8: {  	v55 =	vshll.u32 v20, $0x1  }
0x2a9: {  	v20 =	vand.u32 $0x7, v20;
	v21 =	vand.u32 $0xFFFFFFF0, v55  }
0x2aa: {  	v20 =	vor.u32 v20, v21  }
0x2ab: {  	v21 =	vperm.xlane v20, v0;
	_ =	sdelay $0x1  }
0x2ac: {  	v20 =	vperm.xlane v20, v2;
	v21 =	vadd.s32 v1, v21;
	_ =	sdelay $0x1  }
0x2ad: {  	v20 =	vadd.s32 v1, v20;
	_ =	sdelay $0x1  }
0x2ae: {  	s20 =	simm.s32 $0x9800  }
0x2af: {  	[tilespmem:s20], [sflag:$0x3] =	stream.indirect_vreg.gather [hbm4b:s6+s16], $0x80, v21, vm0, $0xb8;
	[tilespmem:$0xEC80] =	vst v63  }
0x2b0: {  	s21 =	simm.s32 $0xA000  }
0x2b1: {  	[tilespmem:s21], [sflag:$0x3] =	stream.indirect_vreg.gather [hbm4b:s6+s16], $0x80, v20, vm0, $0xb8;
	[tilespmem:$0xEC80] =	vst v63  }
0x2b2: {  	v20 =	vld.msk [tilespmem:$0x2780], $0xff;
	_ =	sdelay $0x4  }
0x2b3: {  	v56 =	vshll.u32 v20, $0x1  }
0x2b4: {  	v20 =	vand.u32 $0x7, v20;
	v21 =	vand.u32 $0xFFFFFFF0, v56  }
0x2b5: {  	v20 =	vor.u32 v20, v21  }
0x2b6: {  	v20 =	vperm.xlane v20, v0;
	_ =	sdelay $0x1  }
0x2b7: {  	v20 =	vadd.s32 v1, v20;
	_ =	sdelay $0x3  }
0x2b8: {  	s22 =	simm.s32 $0xA800  }
0x2b9: {  	[tilespmem:s22], [sflag:$0x3] =	stream.indirect_vreg.gather [hbm4b:s6+s16], $0x80, v20, vm0, $0xb8;
	[tilespmem:$0xEC80] =	vst v63  }
0x2ba: {  	_ =	swait.ge [sflag:s25], $0x2800  }
0x2bb: {  	[sflag:s25] =	ssyncset.done $0x0  }
0x2bc: {  	[sflag:s25] =	ssyncadd.s32 $0xFFFFD800  }
0x2bd: {  	_ =	swait.ge [sflag:s26], $0x2800  }
0x2be: {  	s23 =	sand.u32 $0x3800, s16;
	s18 =	sand.u32 $0x380, s16;
	[sflag:s26] =	ssyncset.done $0x0  }
0x2bf: {  	s17 =	sor.u32 s18, s23;
	[sflag:s26] =	ssyncadd.s32 $0xFFFFD800  }
0x2c0: {  	v20 =	vld [tilespmem:s17+$0x8800]  }
0x2c1: {  	v57 =	vld [tilespmem:s17+$0x2800]  }
0x2c2: {  	v22 =	vld [tilespmem:s17+$0x2810]  }
0x2c3: {  	v23 =	vld [tilespmem:s17+$0x8810]  }
0x2c4: {  	v24 =	vld [tilespmem:s17+$0x2820]  }
0x2c5: {  	v25 =	vld [tilespmem:s17+$0x8820]  }
0x2c6: {  	v58 =	vld [tilespmem:s17+$0x2830];
	v20 =	vadd.f32 v20, v57  }
0x2c7: {  	v26 =	vld [tilespmem:s17+$0x8830]  }
0x2c8: {  	v59 =	vld [tilespmem:s17+$0x2840];
	v22 =	vadd.f32 v23, v22;
	v20 =	vmax.f32 v20, $0.0e+00  }
0x2c9: {  	v27 =	vld [tilespmem:s17+$0x8840];
	v20 =	vmul.f32 v20, v19  }
0x2ca: {  	v60 =	vld [tilespmem:s17+$0x2850];
	v24 =	vadd.f32 v25, v24;
	v22 =	vmax.f32 v22, $0.0e+00  }
0x2cb: {  	v28 =	vld [tilespmem:s17+$0x8850];
	v22 =	vmul.f32 v22, v18;
	v20 =	vadd.f32 $0.0e+00, v20  }
0x2cc: {  	v61 =	vld [tilespmem:s17+$0x2860];
	v21 =	vadd.f32 v26, v58;
	v24 =	vmax.f32 v24, $0.0e+00  }
0x2cd: {  	v63 =	vld [tilespmem:s17+$0x8860];
	v62 =	vmul.f32 v24, v17;
	v20 =	vadd.f32 v22, v20  }
0x2ce: {  	v32 =	vld [tilespmem:s17+$0x2870];
	v23 =	vadd.f32 v27, v59;
	v21 =	vmax.f32 v21, $0.0e+00  }
0x2cf: {  	v33 =	vld [tilespmem:s17+$0x8870];
	v21 =	vmul.f32 v21, v16;
	v20 =	vadd.f32 v62, v20  }
0x2d0: {  	v34 =	vld [tilespmem:s17+$0x2C00];
	v25 =	vadd.f32 v28, v60;
	v23 =	vmax.f32 v23, $0.0e+00  }
0x2d1: {  	v36 =	vld [tilespmem:s17+$0x8C00];
	v35 =	vmul.f32 v23, v15;
	v20 =	vadd.f32 v21, v20  }
0x2d2: {  	v37 =	vld [tilespmem:s17+$0x2C10];
	v25 =	vmax.f32 v25, $0.0e+00;
	v24 =	vadd.f32 v63, v61  }
0x2d3: {  	v39 =	vld [tilespmem:s17+$0x8C10];
	v38 =	vmul.f32 v25, v14;
	v20 =	vadd.f32 v35, v20  }
0x2d4: {  	v40 =	vld [tilespmem:s17+$0x2C20];
	v24 =	vmax.f32 v24, $0.0e+00;
	v22 =	vadd.f32 v33, v32  }
0x2d5: {  	v42 =	vld [tilespmem:s17+$0x8C20];
	v41 =	vmul.f32 v24, v13;
	v20 =	vadd.f32 v38, v20  }
0x2d6: {  	v43 =	vld [tilespmem:s17+$0x2C30];
	v23 =	vadd.f32 v36, v34;
	v22 =	vmax.f32 v22, $0.0e+00  }
0x2d7: {  	v45 =	vld [tilespmem:s17+$0x8C30];
	v44 =	vmul.f32 v22, v12;
	v20 =	vadd.f32 v41, v20  }
0x2d8: {  	v46 =	vld [tilespmem:s17+$0x2C40];
	v25 =	vadd.f32 v39, v37;
	v23 =	vmax.f32 v23, $0.0e+00  }
0x2d9: {  	v48 =	vld [tilespmem:s17+$0x8C40];
	v47 =	vmul.f32 v23, v11;
	v20 =	vadd.f32 v44, v20  }
0x2da: {  	v49 =	vld [tilespmem:s17+$0x2C50];
	v25 =	vmax.f32 v25, $0.0e+00;
	v24 =	vadd.f32 v42, v40  }
0x2db: {  	v51 =	vld [tilespmem:s17+$0x8C50];
	v50 =	vmul.f32 v25, v10;
	v20 =	vadd.f32 v47, v20  }
0x2dc: {  	v52 =	vld [tilespmem:s17+$0x2C60];
	v24 =	vmax.f32 v24, $0.0e+00;
	v22 =	vadd.f32 v45, v43  }
0x2dd: {  	v54 =	vld [tilespmem:s17+$0x8C60];
	v53 =	vmul.f32 v24, v9;
	v20 =	vadd.f32 v50, v20  }
0x2de: {  	v55 =	vld [tilespmem:s17+$0x2C70];
	v23 =	vadd.f32 v48, v46;
	v22 =	vmax.f32 v22, $0.0e+00  }
0x2df: {  	v57 =	vld [tilespmem:s17+$0x8C70];
	v56 =	vmul.f32 v22, v8;
	v20 =	vadd.f32 v53, v20  }
0x2e0: {  	v25 =	vadd.f32 v51, v49;
	v23 =	vmax.f32 v23, $0.0e+00  }
0x2e1: {  	v58 =	vmul.f32 v23, v7;
	v20 =	vadd.f32 v56, v20  }
0x2e2: {  	v59 =	vmax.f32 v25, $0.0e+00;
	v24 =	vadd.f32 v54, v52  }
0x2e3: {  	v60 =	vmul.f32 v59, v6;
	v20 =	vadd.f32 v58, v20  }
0x2e4: {  	v61 =	vmax.f32 v24, $0.0e+00;
	v22 =	vadd.f32 v57, v55  }
0x2e5: {  	v62 =	vmul.f32 v61, v5;
	v20 =	vadd.f32 v60, v20  }
0x2e6: {  	v22 =	vmax.f32 v22, $0.0e+00  }
0x2e7: {  	v63 =	vmul.f32 v22, v4;
	v20 =	vadd.f32 v62, v20;
	_ =	sdelay $0x1  }
0x2e8: {  	s24 =	simm.s32 $0x100;
	s19 =	simm.s32 $0x80;
	v20 =	vadd.f32 v63, v20  }
0x2e9: {  	s18 =	sand.u32 $0x3800, s24;
	s20 =	sand.u32 $0x380, s19;
	s17 =	simm.s32 $0xE800  }
0x2ea: {  	s18 =	sor.u32 s20, s18;
	s20 =	simm.s32 $0x200;
	[tilespmem:s17+$0x0] =	vst v20  }
.LBB2_15:
0x2eb: {  	p0 =	sne.s32 s20, $0x2F00;
	v20 =	vld [tilespmem:s18+$0x8800]  }
0x2ec: {  	v21 =	vld [tilespmem:s18+$0x2800]  }
0x2ed: {  	v22 =	vld [tilespmem:s18+$0x2810]  }
0x2ee: {  	v23 =	vld [tilespmem:s18+$0x8810]  }
0x2ef: {  	v24 =	vld [tilespmem:s18+$0x2820]  }
0x2f0: {  	v25 =	vld [tilespmem:s18+$0x8820]  }
0x2f1: {  	v20 =	vadd.f32 v20, v21;
	v21 =	vld [tilespmem:s18+$0x2830]  }
0x2f2: {  	v26 =	vld [tilespmem:s18+$0x8830]  }
0x2f3: {  	v20 =	vmax.f32 v20, $0.0e+00;
	v22 =	vadd.f32 v23, v22;
	v23 =	vld [tilespmem:s18+$0x2840]  }
0x2f4: {  	v20 =	vmul.f32 v20, v19;
	v27 =	vld [tilespmem:s18+$0x8840]  }
0x2f5: {  	v22 =	vmax.f32 v22, $0.0e+00;
	v24 =	vadd.f32 v25, v24;
	v25 =	vld [tilespmem:s18+$0x2850]  }
0x2f6: {  	v20 =	vadd.f32 $0.0e+00, v20;
	v22 =	vmul.f32 v22, v18;
	v28 =	vld [tilespmem:s18+$0x8850]  }
0x2f7: {  	v24 =	vmax.f32 v24, $0.0e+00;
	v21 =	vadd.f32 v26, v21;
	v26 =	vld [tilespmem:s18+$0x2860]  }
0x2f8: {  	v20 =	vadd.f32 v22, v20;
	v22 =	vmul.f32 v24, v17;
	v24 =	vld [tilespmem:s18+$0x8860]  }
0x2f9: {  	v21 =	vmax.f32 v21, $0.0e+00;
	v23 =	vadd.f32 v27, v23;
	v27 =	vld [tilespmem:s18+$0x2870]  }
0x2fa: {  	v20 =	vadd.f32 v22, v20;
	v21 =	vmul.f32 v21, v16;
	v22 =	vld [tilespmem:s18+$0x8870]  }
0x2fb: {  	v23 =	vmax.f32 v23, $0.0e+00;
	v25 =	vadd.f32 v28, v25;
	v28 =	vld [tilespmem:s18+$0x2C00]  }
0x2fc: {  	v20 =	vadd.f32 v21, v20;
	v21 =	vmul.f32 v23, v15;
	v23 =	vld [tilespmem:s18+$0x8C00]  }
0x2fd: {  	v25 =	vmax.f32 v25, $0.0e+00;
	v24 =	vadd.f32 v24, v26;
	v26 =	vld [tilespmem:s18+$0x2C10]  }
0x2fe: {  	v20 =	vadd.f32 v21, v20;
	v21 =	vmul.f32 v25, v14;
	v25 =	vld [tilespmem:s18+$0x8C10]  }
0x2ff: {  	v24 =	vmax.f32 v24, $0.0e+00;
	v22 =	vadd.f32 v22, v27;
	v27 =	vld [tilespmem:s18+$0x2C20]  }
0x300: {  	v20 =	vadd.f32 v21, v20;
	v21 =	vmul.f32 v24, v13;
	v24 =	vld [tilespmem:s18+$0x8C20]  }
0x301: {  	v22 =	vmax.f32 v22, $0.0e+00;
	v23 =	vadd.f32 v23, v28;
	v28 =	vld [tilespmem:s18+$0x2C30]  }
0x302: {  	v20 =	vadd.f32 v21, v20;
	v21 =	vmul.f32 v22, v12;
	v22 =	vld [tilespmem:s18+$0x8C30]  }
0x303: {  	v23 =	vmax.f32 v23, $0.0e+00;
	v25 =	vadd.f32 v25, v26;
	v26 =	vld [tilespmem:s18+$0x2C40]  }
0x304: {  	v20 =	vadd.f32 v21, v20;
	v21 =	vmul.f32 v23, v11;
	v23 =	vld [tilespmem:s18+$0x8C40]  }
0x305: {  	v25 =	vmax.f32 v25, $0.0e+00;
	v24 =	vadd.f32 v24, v27;
	v27 =	vld [tilespmem:s18+$0x2C50]  }
0x306: {  	v20 =	vadd.f32 v21, v20;
	v21 =	vmul.f32 v25, v10;
	v25 =	vld [tilespmem:s18+$0x8C50]  }
0x307: {  	v24 =	vmax.f32 v24, $0.0e+00;
	v22 =	vadd.f32 v22, v28;
	v28 =	vld [tilespmem:s18+$0x2C60]  }
0x308: {  	v20 =	vadd.f32 v21, v20;
	v21 =	vmul.f32 v24, v9;
	v24 =	vld [tilespmem:s18+$0x8C60]  }
0x309: {  	v22 =	vmax.f32 v22, $0.0e+00;
	v23 =	vadd.f32 v23, v26;
	v26 =	vld [tilespmem:s18+$0x2C70]  }
0x30a: {  	v20 =	vadd.f32 v21, v20;
	v21 =	vmul.f32 v22, v8;
	v22 =	vld [tilespmem:s18+$0x8C70]  }
0x30b: {  	v23 =	vmax.f32 v23, $0.0e+00;
	v25 =	vadd.f32 v25, v27  }
0x30c: {  	v20 =	vadd.f32 v21, v20;
	v21 =	vmul.f32 v23, v7  }
0x30d: {  	v23 =	vmax.f32 v25, $0.0e+00;
	v24 =	vadd.f32 v24, v28  }
0x30e: {  	v20 =	vadd.f32 v21, v20;
	v21 =	vmul.f32 v23, v6  }
0x30f: {  	v23 =	vmax.f32 v24, $0.0e+00;
	v22 =	vadd.f32 v22, v26  }
0x310: {  	v20 =	vadd.f32 v21, v20;
	v21 =	vmul.f32 v23, v5  }
0x311: {  	v22 =	vmax.f32 v22, $0.0e+00  }
.Ltmp7:
0x312: {  	v20 =	vadd.f32 v21, v20;
	v21 =	vmul.f32 v22, v4;
	(pc) =	sbr.rel @p0 .LBB2_15-.Ltmp7, $4  }
0x313: {  	_ = 	snop  }
0x314: {  	s19 =	sadd.s32 $0x80, s19;
	v20 =	vadd.f32 v21, v20  }
0x315: {  	s17 =	sadd.s32 $0x10, s17;
	s21 =	sand.u32 $0x380, s19;
	s18 =	sand.u32 $0x3800, s20  }
0x316: {  	s20 =	sadd.s32 $0x100, s20;
	s18 =	sor.u32 s21, s18;
	[tilespmem:s17+$0x0] =	vst v20  }
0x317: {  	v20 =	vld [tilespmem:s18+$0x8800]  }
0x318: {  	v21 =	vld [tilespmem:s18+$0x2800]  }
0x319: {  	v22 =	vld [tilespmem:s18+$0x2810]  }
0x31a: {  	v23 =	vld [tilespmem:s18+$0x8810]  }
0x31b: {  	v24 =	vld [tilespmem:s18+$0x2820]  }
0x31c: {  	v25 =	vld [tilespmem:s18+$0x8820]  }
0x31d: {  	v56 =	vld [tilespmem:s18+$0x2830];
	v20 =	vadd.f32 v20, v21  }
0x31e: {  	v26 =	vld [tilespmem:s18+$0x8830]  }
0x31f: {  	v57 =	vld [tilespmem:s18+$0x2840];
	v22 =	vadd.f32 v23, v22;
	v20 =	vmax.f32 v20, $0.0e+00  }
0x320: {  	v58 =	vld [tilespmem:s18+$0x8840];
	v19 =	vmul.f32 v20, v19  }
0x321: {  	v59 =	vld [tilespmem:s18+$0x2850];
	v24 =	vadd.f32 v25, v24;
	v22 =	vmax.f32 v22, $0.0e+00  }
0x322: {  	v60 =	vld [tilespmem:s18+$0x8850];
	v18 =	vmul.f32 v22, v18;
	v19 =	vadd.f32 $0.0e+00, v19  }
0x323: {  	v61 =	vld [tilespmem:s18+$0x2860];
	v21 =	vadd.f32 v26, v56;
	v24 =	vmax.f32 v24, $0.0e+00  }
0x324: {  	v62 =	vld [tilespmem:s18+$0x8860];
	v17 =	vmul.f32 v24, v17;
	v18 =	vadd.f32 v18, v19  }
0x325: {  	v63 =	vld [tilespmem:s18+$0x2870];
	v21 =	vmax.f32 v21, $0.0e+00;
	v20 =	vadd.f32 v58, v57  }
0x326: {  	v16 =	vmul.f32 v21, v16;
	v24 =	vld [tilespmem:s18+$0x8870];
	v17 =	vadd.f32 v17, v18  }
0x327: {  	v28 =	vld [tilespmem:s18+$0x2C00];
	v27 =	vadd.f32 v60, v59;
	v20 =	vmax.f32 v20, $0.0e+00  }
0x328: {  	v29 =	vld [tilespmem:s18+$0x8C00];
	v15 =	vmul.f32 v20, v15;
	v16 =	vadd.f32 v16, v17  }
0x329: {  	v31 =	vld [tilespmem:s18+$0x2C10];
	v30 =	vmax.f32 v27, $0.0e+00;
	v19 =	vadd.f32 v62, v61  }
0x32a: {  	v32 =	vld [tilespmem:s18+$0x8C10];
	v14 =	vmul.f32 v30, v14;
	v15 =	vadd.f32 v15, v16  }
0x32b: {  	v33 =	vld [tilespmem:s18+$0x2C20];
	v19 =	vmax.f32 v19, $0.0e+00;
	v18 =	vadd.f32 v24, v63  }
0x32c: {  	v34 =	vld [tilespmem:s18+$0x8C20];
	v13 =	vmul.f32 v19, v13;
	v14 =	vadd.f32 v14, v15  }
0x32d: {  	v35 =	vld [tilespmem:s18+$0x2C30];
	v18 =	vmax.f32 v18, $0.0e+00;
	v17 =	vadd.f32 v29, v28  }
0x32e: {  	v36 =	vld [tilespmem:s18+$0x8C30];
	v12 =	vmul.f32 v18, v12;
	v13 =	vadd.f32 v13, v14  }
0x32f: {  	v37 =	vld [tilespmem:s18+$0x2C40];
	v17 =	vmax.f32 v17, $0.0e+00;
	v16 =	vadd.f32 v32, v31  }
0x330: {  	v38 =	vld [tilespmem:s18+$0x8C40];
	v11 =	vmul.f32 v17, v11;
	v12 =	vadd.f32 v12, v13  }
0x331: {  	v39 =	vld [tilespmem:s18+$0x2C50];
	v16 =	vmax.f32 v16, $0.0e+00;
	v15 =	vadd.f32 v34, v33  }
0x332: {  	v40 =	vld [tilespmem:s18+$0x8C50];
	v10 =	vmul.f32 v16, v10;
	v11 =	vadd.f32 v11, v12  }
0x333: {  	v41 =	vld [tilespmem:s18+$0x2C60];
	v15 =	vmax.f32 v15, $0.0e+00;
	v14 =	vadd.f32 v36, v35  }
0x334: {  	v42 =	vld [tilespmem:s18+$0x8C60];
	v9 =	vmul.f32 v15, v9;
	v10 =	vadd.f32 v10, v11  }
0x335: {  	v43 =	vld [tilespmem:s18+$0x2C70];
	v14 =	vmax.f32 v14, $0.0e+00;
	v13 =	vadd.f32 v38, v37  }
0x336: {  	v44 =	vld [tilespmem:s18+$0x8C70];
	v8 =	vmul.f32 v14, v8;
	v9 =	vadd.f32 v9, v10  }
0x337: {  	v13 =	vmax.f32 v13, $0.0e+00;
	v12 =	vadd.f32 v40, v39  }
0x338: {  	v7 =	vmul.f32 v13, v7;
	v8 =	vadd.f32 v8, v9  }
0x339: {  	v45 =	vmax.f32 v12, $0.0e+00;
	v11 =	vadd.f32 v42, v41  }
0x33a: {  	v6 =	vmul.f32 v45, v6;
	v7 =	vadd.f32 v7, v8  }
0x33b: {  	v47 =	vadd.f32 v44, v43;
	v46 =	vmax.f32 v11, $0.0e+00  }
0x33c: {  	v5 =	vmul.f32 v46, v5;
	v6 =	vadd.f32 v6, v7;
	v7 =	vmov s16  }
0x33d: {  	v48 =	vmax.f32 v47, $0.0e+00;
	v7 =	vshll.u32 v7, $0x4  }
0x33e: {  	v4 =	vmul.f32 v48, v4;
	v5 =	vadd.f32 v5, v6;
	v6 =	vor.u32 v3, v7;
	_ =	sdelay $0x1  }
0x33f: {  	v4 =	vadd.f32 v4, v5;
	v5 =	vor.u32 $0x1, v6  }
0x340: {  	s24 =	sadd.s32 $0x10, s17  }
0x341: {  	[tilespmem:s24+$0x0] =	vst v4;
	v4 =	vor.u32 $0x2, v6  }
0x342: {  	v7 =	vld.idx.msk [tilespmem:v6+s9+$0x0], $0xffff  }
0x343: {  	v49 =	vor.u32 $0x3, v6  }
0x344: {  	v5 =	vld.idx.msk [tilespmem:v5+s9+$0x0], $0xffff  }
0x345: {  	v50 =	vor.u32 $0x4, v6  }
0x346: {  	v4 =	vld.idx.msk [tilespmem:v4+s9+$0x0], $0xffff  }
0x347: {  	v51 =	vor.u32 $0x5, v6;
	v7 =	vadd.f32 $0.0e+00, v7  }
0x348: {  	v8 =	vld.idx.msk [tilespmem:v49+s9+$0x0], $0xffff  }
0x349: {  	v52 =	vor.u32 $0x6, v6;
	v5 =	vadd.f32 v5, v7  }
0x34a: {  	v7 =	vld.idx.msk [tilespmem:v50+s9+$0x0], $0xffff  }
0x34b: {  	v53 =	vor.u32 $0x7, v6;
	v4 =	vadd.f32 v4, v5  }
0x34c: {  	v5 =	vld.idx.msk [tilespmem:v51+s9+$0x0], $0xffff  }
0x34d: {  	v54 =	vor.u32 $0x8, v6;
	v4 =	vadd.f32 v8, v4  }
0x34e: {  	v55 =	vld.idx.msk [tilespmem:v52+s9+$0x0], $0xffff  }
0x34f: {  	v56 =	vor.u32 $0x9, v6;
	v4 =	vadd.f32 v7, v4  }
0x350: {  	v7 =	vld.idx.msk [tilespmem:v53+s9+$0x0], $0xffff  }
0x351: {  	v57 =	vor.u32 $0xA, v6;
	v4 =	vadd.f32 v5, v4  }
0x352: {  	v5 =	vld.idx.msk [tilespmem:v54+s9+$0x0], $0xffff  }
0x353: {  	v58 =	vor.u32 $0xB, v6;
	v4 =	vadd.f32 v55, v4  }
0x354: {  	v59 =	vld.idx.msk [tilespmem:v56+s9+$0x0], $0xffff  }
0x355: {  	v60 =	vor.u32 $0xC, v6;
	v4 =	vadd.f32 v7, v4  }
0x356: {  	v7 =	vld.idx.msk [tilespmem:v57+s9+$0x0], $0xffff  }
0x357: {  	v61 =	vor.u32 $0xD, v6;
	v4 =	vadd.f32 v5, v4  }
0x358: {  	v5 =	vld.idx.msk [tilespmem:v58+s9+$0x0], $0xffff  }
0x359: {  	v62 =	vor.u32 $0xE, v6;
	v4 =	vadd.f32 v59, v4  }
0x35a: {  	v63 =	vld.idx.msk [tilespmem:v60+s9+$0x0], $0xffff  }
0x35b: {  	v6 =	vor.u32 $0xF, v6;
	v4 =	vadd.f32 v7, v4  }
0x35c: {  	v7 =	vld.idx.msk [tilespmem:v61+s9+$0x0], $0xffff  }
0x35d: {  	v4 =	vadd.f32 v5, v4  }
0x35e: {  	v5 =	vld.idx.msk [tilespmem:v62+s9+$0x0], $0xffff  }
0x35f: {  	v4 =	vadd.f32 v63, v4  }
0x360: {  	v6 =	vld.idx.msk [tilespmem:v6+s9+$0x0], $0xffff  }
0x361: {  	v4 =	vadd.f32 v7, v4;
	_ =	sdelay $0x1  }
0x362: {  	v4 =	vadd.f32 v5, v4;
	_ =	sdelay $0x1  }
0x363: {  	s17 =	simm.s32 $0x10;
	s16 =	simm.s32 $0xEB00;
	v4 =	vadd.f32 v6, v4  }
.LBB2_17:
0x364: {  	p0 =	sne.s32 s17, $0x20  }
0x365: {  	s18 =	smov.u32 s17;
	s17 =	sadd.s32 $0x10, s17;
	[tilespmem:s16+$0x0] =	vst v4;
	s16 =	sadd.s32 $0x10, s16  }
0x366: {  	v4 =	vmov s18  }
0x367: {  	v4 =	vshll.u32 v4, $0x4  }
0x368: {  	v4 =	vor.u32 v3, v4  }
0x369: {  	v5 =	vor.u32 $0x1, v4;
	v6 =	vor.u32 $0x2, v4;
	v7 =	vor.u32 $0x3, v4  }
0x36a: {  	v8 =	vor.u32 $0x4, v4;
	v9 =	vor.u32 $0x5, v4;
	v10 =	vor.u32 $0x6, v4  }
0x36b: {  	v11 =	vor.u32 $0x7, v4;
	v12 =	vor.u32 $0x8, v4;
	v13 =	vor.u32 $0x9, v4  }
0x36c: {  	v14 =	vor.u32 $0xA, v4;
	v15 =	vor.u32 $0xB, v4;
	v16 =	vor.u32 $0xC, v4  }
0x36d: {  	v18 =	vor.u32 $0xD, v4;
	v19 =	vor.u32 $0xE, v4;
	v17 =	vld.idx.msk [tilespmem:v4+s9+$0x0], $0xffff;
	v4 =	vor.u32 $0xF, v4;
	_ =	sdelay $0x1  }
0x36e: {  	v5 =	vld.idx.msk [tilespmem:v5+s9+$0x0], $0xffff;
	_ =	sdelay $0x1  }
0x36f: {  	v6 =	vld.idx.msk [tilespmem:v6+s9+$0x0], $0xffff;
	_ =	sdelay $0x1  }
0x370: {  	v17 =	vadd.f32 $0.0e+00, v17;
	v7 =	vld.idx.msk [tilespmem:v7+s9+$0x0], $0xffff;
	_ =	sdelay $0x1  }
0x371: {  	v5 =	vadd.f32 v5, v17;
	v8 =	vld.idx.msk [tilespmem:v8+s9+$0x0], $0xffff;
	_ =	sdelay $0x1  }
0x372: {  	v5 =	vadd.f32 v6, v5;
	v6 =	vld.idx.msk [tilespmem:v9+s9+$0x0], $0xffff;
	_ =	sdelay $0x1  }
0x373: {  	v5 =	vadd.f32 v7, v5;
	v7 =	vld.idx.msk [tilespmem:v10+s9+$0x0], $0xffff;
	_ =	sdelay $0x1  }
0x374: {  	v5 =	vadd.f32 v8, v5;
	v8 =	vld.idx.msk [tilespmem:v11+s9+$0x0], $0xffff;
	_ =	sdelay $0x1  }
0x375: {  	v5 =	vadd.f32 v6, v5;
	v6 =	vld.idx.msk [tilespmem:v12+s9+$0x0], $0xffff;
	_ =	sdelay $0x1  }
0x376: {  	v5 =	vadd.f32 v7, v5;
	v7 =	vld.idx.msk [tilespmem:v13+s9+$0x0], $0xffff;
	_ =	sdelay $0x1  }
0x377: {  	v5 =	vadd.f32 v8, v5;
	v8 =	vld.idx.msk [tilespmem:v14+s9+$0x0], $0xffff;
	_ =	sdelay $0x1  }
0x378: {  	v5 =	vadd.f32 v6, v5;
	v6 =	vld.idx.msk [tilespmem:v15+s9+$0x0], $0xffff;
	_ =	sdelay $0x1  }
0x379: {  	v5 =	vadd.f32 v7, v5;
	v7 =	vld.idx.msk [tilespmem:v16+s9+$0x0], $0xffff;
	_ =	sdelay $0x1  }
0x37a: {  	v5 =	vadd.f32 v8, v5;
	v8 =	vld.idx.msk [tilespmem:v18+s9+$0x0], $0xffff;
	_ =	sdelay $0x1  }
0x37b: {  	v5 =	vadd.f32 v6, v5;
	v6 =	vld.idx.msk [tilespmem:v19+s9+$0x0], $0xffff;
	_ =	sdelay $0x1  }
0x37c: {  	v5 =	vadd.f32 v7, v5;
	v4 =	vld.idx.msk [tilespmem:v4+s9+$0x0], $0xffff;
	_ =	sdelay $0x1  }
.Ltmp8:
0x37d: {  	v5 =	vadd.f32 v8, v5;
	(pc) =	sbr.rel @p0 .LBB2_17-.Ltmp8, $3  }
0x37e: {  	_ = 	snop  }
0x37f: {  	v5 =	vadd.f32 v6, v5;
	_ =	sdelay $0x1  }
0x380: {  	v4 =	vadd.f32 v4, v5  }
0x381: {  	_ = 	snop  }
0x382: {  	s23 =	rddreg [dreg:$0x6];
	[tilespmem:s16+$0x0] =	vst v4  }
0x383: {  	[hbm4b:s23+s5] =	stream.linear.scatter [tilespmem:s10], [sflag:$0x5], $0x28, $0x38;
	[tilespmem:$0xEC80] =	vst v63  }
0x384: {  	_ =	swait.ge [sflag:s13], $0x28  }
0x385: {  	s17 =	rddreg [dreg:$0x8]  }
0x386: {  	s24 =	rddreg [dreg:$0x7];
	s17 =	sadd.s32 $0x1, s17  }
0x387: {  	p0 =	sne.s32 s17, s24  }
.Ltmp9:
0x388: {  	_ = 	snop;
	(pc) =	sbr.rel @p0 .LBB2_1-.Ltmp9, $3  }
0x389: {  	_ =	sdelay $0x1  }
0x38a: {  	[sflag:s13] =	ssyncset.done $0x0  }
0x38b: {  	[sflag:s13] =	ssyncadd.s32 $0xFFFFFFD8  }
0x38c: {  	_ =	sfence.sel $0x180000  }
0x38d: {  	[bflag:$0x0] =	sbarrier.arrive $0xFFFF  }
0x38e: {  	_ =	strace $0x90000047  }
0x38f: {  	s0 =	stileid.u32;
	[bflag:$0x2] =	sbarrier.arrive $0xFFFF  }
0x390: {  	p0 =	sne.s32 s0, $0x0;
	s0 =	rddreg [dreg:$0x3]  }
0x391: {  	s0 =	sadd.s32 @!p0 $0x100000, s0  }
0x392: {  	[sflag:s0] =	ssyncadd.tile.s32 @!p0 $0x1;
	_ =	shalt  }
.Lfunc_end2:
_tile_overlayer_lowered:
.L_overlay_start_2:
0x393: {  	(tag) =	ssettag $0x2  }
0x394: {  	s0 =	rddreg [dreg:$0x0];
	s2 =	stileid.u32  }
0x395: {  	s1 =	rddreg [dreg:$0x1];
	p0 =	sne.s32 s2, $0x0  }
0x396: {  	s3 =	rddreg [dreg:$0x2];
	[bflag:$0x3] =	sbarrier.arrive $0xFFFF;
	s2 =	simm.s32 @!p0 $0x1C05  }
0x397: {  	[timem:s3], [sflag:s2] =	dma.local @!p0 [hbm:s0], s1  }
0x398: {  	s0 =	simm.s32 @!p0 $0x5  }
0x399: {  	_ =	swait.ge @!p0 [sflag:s0], s1  }
0x39a: {  	s1 =	ssub.s32 @!p0 $0x0, s1;
	[sflag:s0] =	ssyncset.done @!p0 $0x0  }
0x39b: {  	[sflag:s0] =	ssyncadd.s32 @!p0 s1  }
0x39c: {  	[bflag:$0x3] =	sbarrier.arrive $0xFFFF  }
0x39d: {  	_ =	shalt  }

// kernel: kernel.9.cloned.1.call-start
scs
__scs_entry_jumppad:
0x0: {  	(pc) =	sbr.rel $0x88, $3  }
0x1: {  	(tag) =	ssettag $0x0;
	lr =	simm.s32 $0x1  }
0x2: {  	[smem:$0x3F9C] =	sst lr;
	_ =	strace $0xD0000000  }
0x3: {  	_ = 	snop  }
0x4: {  	_ = 	snop  }
0x5: {  	_ = 	snop  }
0x6: {  	_ = 	snop  }
0x7: {  	_ = 	snop  }
__scs_overlays_trampoline_lowered:
0x8: {  	[smem:$0x3FAB] =	sst s0  }
0x9: {  	[smem:$0x3FAC] =	sst s1  }
0xa: {  	[smem:$0x3FAD] =	sst s2  }
0xb: {  	[smem:$0x3FAE] =	sst s3  }
0xc: {  	[smem:$0x3FAF] =	sst s4  }
0xd: {  	[smem:$0x3FB0] =	sst s5  }
0xe: {  	[smem:$0x3FB1] =	sst s6  }
0xf: {  	[smem:$0x3FB2] =	sst s7  }
0x10: {  	[smem:$0x3FB3] =	sst s8  }
0x11: {  	[smem:$0x3FB4] =	sst s9;
	s0 =	simm.s32 @!p0 $0x0  }
0x12: {  	s1 =	sld [smem:$0x3F9A];
	s0 =	simm.s32 @p0 $0x1  }
0x13: {  	[smem:$0x3FB5] =	sst s0;
	s0 =	simm.s32 @!p1 $0x0  }
0x14: {  	s2 =	sld [smem:$0x3F99];
	s0 =	simm.s32 @p1 $0x1  }
0x15: {  	[smem:$0x3FB6] =	sst s0;
	s0 =	simm.s32 @!p2 $0x0  }
0x16: {  	s3 =	sld [smem:$0x3FDB];
	s0 =	simm.s32 @p2 $0x1  }
0x17: {  	s4 =	simm.s32 $0x1BF5;
	[smem:$0x3FB8] =	sst s0  }
0x18: {  	s0 =	sld [smem:$0x3F9B];
	_ =	swait.ge [sflag:s4], $0x0  }
0x19: {  	s7 =	sld [smem:$0x3F9C]  }
0x1a: {  	s8 =	sadd.s32 $0xFFFFE003, lr  }
0x1b: {  	s9 =	sadd.s32 $0xFFFFFEF7, lr;
	s5 =	simm.s32 $0xFFFFFFFF;
	p2 =	slt.u32 s8, $0xFFFFF086  }
0x1c: {  	p1 =	slt.u32 s9, $0xF7A;
	s5 =	simm.s32 @!p2 $0x0  }
0x1d: {  	s5 =	simm.s32 @p1 $0x1;
	p0 =	seq.s32 s7, s2  }
0x1e: {  	s7 =	smul.u32 @!p0 $0xF7A, s2;
	p2 =	seq.s32 @!p0 s5, $0x0  }
0x1f: {  	s9 =	smul.u32 $0xF7A, s1;
	s8 =	simm.s32 @!p0 $0x1BF5;
	p2 =	por !p2, p0  }
0x20: {  	[sflag:s8] =	ssyncset.s32 @!p0 $0xFFFFF086;
	s6 =	sadd.s32 @!p0 s3, s7;
	s7 =	simm.s32 @!p0 $0x108  }
0x21: {  	s3 =	sadd.s32 s3, s9;
	s6 =	sadd.s32 @!p0 $0x88, s6;
	s7 =	simm.s32 @p2 $0x1082  }
0x22: {  	[simem:s7], [sflag:s8] =	dma.local @!p0 [hbm:s6], $0xF7A  }
0x23: {  	s9 =	sor.u32 $0xD0000000, s2;
	s6 =	simm.s32 $0x108;
	_ =	swait.ge @!p0 [sflag:s8], $0x0  }
0x24: {  	s3 =	sadd.s32 $0x88, s3;
	s6 =	simm.s32 @!p1 $0x1082;
	[sflag:s4] =	ssyncset.s32 $0xFFFFF086  }
0x25: {  	[simem:s6], [sflag:s4] =	dma.local [hbm:s3], $0xF7A  }
0x26: {  	[smem:$0x3F9C] =	sst s1;
	(tag) =	ssettag s2;
	_ =	strace s9  }
0x27: {  	s1 =	sld [smem:$0x3FAC]  }
0x28: {  	s2 =	sld [smem:$0x3FAD]  }
0x29: {  	s4 =	sld [smem:$0x3FAF]  }
0x2a: {  	p0 =	seq.s32 s5, $0x0;
	s5 =	sld [smem:$0x3FB0]  }
0x2b: {  	s6 =	sld [smem:$0x3FB1]  }
0x2c: {  	s7 =	sld [smem:$0x3FB2]  }
0x2d: {  	s3 =	simm.s32 $0x108;
	s8 =	sld [smem:$0x3FB3]  }
0x2e: {  	s3 =	simm.s32 @!p0 $0x1082;
	s9 =	sld [smem:$0x3FB4]  }
0x2f: {  	lr =	sadd.s32 s0, s3;
	s0 =	sld [smem:$0x3FAB]  }
0x30: {  	s3 =	sld [smem:$0x3FAE]  }
0x31: {  	[smem:$0x3FB7] =	sst s10  }
0x32: {  	s10 =	sld [smem:$0x3FB5];
	_ =	sdelay $0x3  }
0x33: {  	p0 =	seq.s32 s10, $0x1;
	s10 =	sld [smem:$0x3FB7];
	_ =	sdelay $0x3  }
0x34: {  	[smem:$0x3FB7] =	sst s10  }
0x35: {  	s10 =	sld [smem:$0x3FB6];
	_ =	sdelay $0x3  }
0x36: {  	p1 =	seq.s32 s10, $0x1;
	s10 =	sld [smem:$0x3FB7];
	_ =	sdelay $0x3  }
0x37: {  	[smem:$0x3FB7] =	sst s10  }
0x38: {  	s10 =	sld [smem:$0x3FB8]  }
0x39: {  	_ = 	snop;
	(pc) =	sbr.ind lr, $3  }
0x3a: {  	_ = 	snop  }
0x3b: {  	_ = 	snop  }
0x3c: {  	p2 =	seq.s32 s10, $0x1;
	s10 =	sld [smem:$0x3FB7]  }
0x3d: {  	_ =	shalt  }
0x3e: {  	_ =	shalt  }
0x3f: {  	_ =	shalt  }
0x40: {  	_ =	shalt  }
0x41: {  	_ =	shalt  }
0x42: {  	_ =	shalt  }
0x43: {  	_ =	shalt  }
0x44: {  	_ =	shalt  }
0x45: {  	_ =	shalt  }
0x46: {  	_ =	shalt  }
0x47: {  	_ =	shalt  }
0x48: {  	_ =	shalt  }
0x49: {  	_ =	shalt  }
0x4a: {  	_ =	shalt  }
0x4b: {  	_ =	shalt  }
0x4c: {  	_ =	shalt  }
0x4d: {  	_ =	shalt  }
0x4e: {  	_ =	shalt  }
0x4f: {  	_ =	shalt  }
0x50: {  	_ =	shalt  }
0x51: {  	_ =	shalt  }
0x52: {  	_ =	shalt  }
0x53: {  	_ =	shalt  }
0x54: {  	_ =	shalt  }
0x55: {  	_ =	shalt  }
0x56: {  	_ =	shalt  }
0x57: {  	_ =	shalt  }
0x58: {  	_ =	shalt  }
0x59: {  	_ =	shalt  }
0x5a: {  	_ =	shalt  }
0x5b: {  	_ =	shalt  }
0x5c: {  	_ =	shalt  }
0x5d: {  	_ =	shalt  }
0x5e: {  	_ =	shalt  }
0x5f: {  	_ =	shalt  }
0x60: {  	_ =	shalt  }
0x61: {  	_ =	shalt  }
0x62: {  	_ =	shalt  }
0x63: {  	_ =	shalt  }
0x64: {  	_ =	shalt  }
0x65: {  	_ =	shalt  }
0x66: {  	_ =	shalt  }
0x67: {  	_ =	shalt  }
0x68: {  	_ =	shalt  }
0x69: {  	_ =	shalt  }
0x6a: {  	_ =	shalt  }
0x6b: {  	_ =	shalt  }
0x6c: {  	_ =	shalt  }
0x6d: {  	_ =	shalt  }
0x6e: {  	_ =	shalt  }
0x6f: {  	_ =	shalt  }
0x70: {  	_ =	shalt  }
0x71: {  	_ =	shalt  }
0x72: {  	_ =	shalt  }
0x73: {  	_ =	shalt  }
0x74: {  	_ =	shalt  }
0x75: {  	_ =	shalt  }
0x76: {  	_ =	shalt  }
0x77: {  	_ =	shalt  }
0x78: {  	_ =	shalt  }
0x79: {  	_ =	shalt  }
0x7a: {  	_ =	shalt  }
0x7b: {  	_ =	shalt  }
0x7c: {  	_ =	shalt  }
0x7d: {  	_ =	shalt  }
0x7e: {  	_ =	shalt  }
0x7f: {  	_ =	shalt  }
0x80: {  	_ =	shalt  }
0x81: {  	_ =	shalt  }
0x82: {  	_ =	shalt  }
0x83: {  	_ =	shalt  }
0x84: {  	_ =	shalt  }
0x85: {  	_ =	shalt  }
0x86: {  	_ =	shalt  }
0x87: {  	_ =	shalt  }
.Lfunc_end0:
.L_simem_size_0:
called_computation.1_lowered:
.L_overlay_start_0:
0x88: {  	s2 =	sld [smem:$0x3FD9]  }
0x89: {  	s3 =	sld [smem:$0x3FFE];
	_ =	sdelay $0x1  }
0x8a: {  	s1 =	srdreg.scid  }
0x8b: {  	s0 =	sand.u32 $0x1, s1  }
0x8c: {  	s14 =	sshll.u32 s0, $0xA;
	s2 =	sadd.s32 s3, s2  }
0x8d: {  	s2 =	sadd.s32 s2, s14  }
0x8e: {  	[smem:$0x3FC3] =	sst s2  }
0x8f: {  	_ = 	snop  }
0x90: {  	s2 =	sld [smem:$0x3FD0];
	_ =	sdelay $0x2  }
0x91: {  	s4 =	simm.s32 $0xA;
	s5 =	simm.s32 $0x10;
	s15 =	sld [smem:$0x3FC9]  }
0x92: {  	[smem:s5], [sflag:s4] =	dma.local [hbm:s2], $0x1  }
0x93: {  	_ =	swait.eq [sflag:s4], $0x1  }
0x94: {  	[sflag:s4] =	ssyncset.done $0x0  }
0x95: {  	[sflag:s4] =	ssyncadd.s32 $0xFFFFFFFF  }
0x96: {  	s16 =	sld [smem:$0x10];
	(tm) =	ssettm $0x1  }
0x97: {  	s17 =	sld [smem:$0x3FFB];
	_ =	sdelay $0x3  }
0x98: {  	_ =	strace s17  }
0x99: {  	s4 =	sld [smem:$0x3FFC];
	_ =	sdelay $0x3  }
0x9a: {  	_ =	strace s4  }
0x9b: {  	s4 =	sld [smem:$0x3FFD];
	_ =	sdelay $0x3  }
0x9c: {  	_ =	strace s4  }
0x9d: {  	_ =	strace $0x8FFFFFFF  }
0x9e: {  	s18 =	sld [smem:$0x3FDB];
	_ =	sdelay $0x1  }
0x9f: {  	s19 =	simm.s32 $_scs_section_size  }
0xa0: {  	s6 =	simm.s32 $_size__tile_overlayer_lowered;
	s7 =	simm.s32 $_tile_overlayer_lowered  }
0xa1: {  	s22 =	simm.s32 $0x1BFF;
	s21 =	sshll.u32 s7, $0x1;
	s4 =	sadd.s32 s19, s18  }
0xa2: {  	s8 =	simm.s32 $0x0;
	s20 =	sshll.u32 s6, $0x1;
	s6 =	sadd.s32 s21, s4  }
0xa3: {  	[timem:s8], [sflag:s22] =	dma.local [hbm:s6], s20  }
0xa4: {  	_ =	swait.ge [sflag:s22], s20  }
0xa5: {  	s5 =	ssub.s32 $0x0, s20;
	[sflag:s22] =	ssyncset.done $0x0  }
0xa6: {  	[sflag:s22] =	ssyncadd.s32 s5;
	_ =	sdelay $0x1  }
0xa7: {  	s23 =	simm.s32 $0x1B8B  }
0xa8: {  	_ =	swait.ge [sflag:s23], $0x1  }
0xa9: {  	[sflag:s23] =	ssyncset.done $0x0  }
0xaa: {  	s25 =	simm.s32 $0x1B8E;
	s24 =	sld [smem:$0x3FFE];
	[sflag:s23] =	ssyncadd.s32 $0xFFFFFFFF  }
0xab: {  	s26 =	simm.s32 $execute0_lowered;
	[smem:$0x3FD2] =	sst s25  }
0xac: {  	s6 =	sshll.u32 s26, $0x1;
	_ =	strace $0x80000049;
	[dreg:$0x1] =	wrdreg $0xFFFFFFFF  }
0xad: {  	s28 =	simm.s32 $_size_execute0_lowered;
	s4 =	sadd.s32 s4, s6;
	[dreg:$0x0] =	wrdreg $0x0  }
0xae: {  	s6 =	sshll.u32 s28, $0x1;
	[dreg:$0x2] =	wrdreg s4  }
0xaf: {  	[dreg:$0x3] =	wrdreg s6  }
0xb0: {  	[dreg:$0x4] =	wrdreg $0xC0  }
0xb1: {  	_ =	task [dreg:s8], $0x5FFFF  }
0xb2: {  	[dreg:$0x1] =	wrdreg $0xFFFFFFFF  }
0xb3: {  	[dreg:$0x0] =	wrdreg $0x60  }
0xb4: {  	[dreg:$0x2] =	wrdreg s15  }
0xb5: {  	[dreg:$0x3] =	wrdreg s24  }
0xb6: {  	[dreg:$0x4] =	wrdreg s16  }
0xb7: {  	[dreg:$0x5] =	wrdreg $0xB8800  }
0xb8: {  	[dreg:$0x6] =	wrdreg $0x9  }
0xb9: {  	_ =	task.clear_ibuf [dreg:s8], $0x7FFFF;
	_ =	strace $0x90000049  }
0xba: {  	s29 =	simm.s32 $0x9;
	_ =	strace $0x8000004B  }
0xbb: {  	_ =	swait.ge [sflag:s29], $0x1  }
0xbc: {  	[sflag:s29] =	ssyncadd.s32 $0xFFFFFFFF  }
0xbd: {  	_ =	strace $0x9000004B  }
0xbe: {  	_ =	sfence  }
0xbf: {  	s30 =	sld [smem:$0x0];
	_ =	sdelay $0x2  }
0xc0: {  	s31 =	sshll.u32 s1, $0xD;
	s1 =	sshrl.u32 s1, $0x2  }
0xc1: {  	s3 =	sand.u32 $0x4000, s31;
	s1 =	sadd.s32 s1, s30  }
0xc2: {  	s0 =	sor.u32 s3, s0;
	s1 =	sshll.u32 s1, $0x11  }
0xc3: {  	s0 =	sor.u32 s1, s0  }
0xc4: {  	s0 =	sadd.s32 $0x8F2B, s0  }
0xc5: {  	[sflag:s0] =	ssyncadd.remote.s32 $0x1  }
0xc6: {  	_ =	sfence.sel $0xFFFF  }
0xc7: {  	[dreg:$0x0] =	wrdreg $0xFFFFFFFF;
	(pc) =	sbr.abs _section_cstart, $3  }
0xc8: {  	[dreg:$0x1] =	wrdreg $0xFFFFFFFF  }
0xc9: {  	_ =	task.clear_ibuf [dreg:s8], $0x2FFFF;
	_ =	strace $0x9FFFFFFF  }
0xca: {  	(tm) =	ssettm $0x7FFFFFFF  }
0xcb: {  	_ =	shalt  }
tec
execute0_lowered:
.L_overlay_start_1:
0x0: {  	(tag) =	ssettag $0x1  }
0x1: {  	s1 =	rddreg [dreg:$0x0];
	s2 =	stileid.u32  }
0x2: {  	s0 =	rddreg [dreg:$0x1];
	s6 =	smul.u32 $0x4E2, s2  }
0x3: {  	s5 =	rddreg [dreg:$0x2]  }
0x4: {  	s3 =	rddreg [dreg:$0x3];
	s4 =	simm.s32 $0x0;
	s0 =	sadd.s32 s6, s0  }
0x5: {  	[smem:$0x7FF] =	sst s4;
	s8 =	smul.u32 $0x50000, s2;
	s19 =	sadd.s32 $0x6000, s0  }
0x6: {  	_ =	strace $0x8000004A;
	s20 =	sadd.s32 $0x1000, s0;
	[dreg:$0x13] =	wrdreg s19  }
0x7: {  	s8 =	sshrl.u32 s8, $0x2;
	s0 =	sadd.s32 $0xB000, s0;
	[dreg:$0x14] =	wrdreg s20  }
0x8: {  	s8 =	sadd.s32 s8, s3;
	[dreg:$0x15] =	wrdreg s0  }
0x9: {  	s10 =	sadd.s32 $0x1000, s8;
	[dreg:$0x5] =	wrdreg s8  }
0xa: {  	s28 =	sadd.s32 $0x2000, s8;
	[dreg:$0x6] =	wrdreg s10  }
0xb: {  	s29 =	sadd.s32 $0x3000, s8;
	[dreg:$0x7] =	wrdreg s28  }
0xc: {  	s7 =	srdreg.scid;
	s30 =	sadd.s32 $0x4000, s8;
	[dreg:$0x8] =	wrdreg s29  }
0xd: {  	s7 =	sand.u32 $0x1, s7;
	s31 =	sadd.s32 $0x5000, s8;
	[dreg:$0x9] =	wrdreg s30  }
0xe: {  	s21 =	sshll.u32 s2, $0x8;
	s11 =	sadd.s32 $0x6000, s8;
	[dreg:$0xa] =	wrdreg s31  }
0xf: {  	s24 =	sshll.u32 s2, $0xA;
	s12 =	sadd.s32 $0x7000, s8;
	[dreg:$0xb] =	wrdreg s11  }
0x10: {  	s9 =	ssub.s32 $0x2, s7;
	s13 =	sadd.s32 $0x8000, s8;
	[dreg:$0xc] =	wrdreg s12  }
0x11: {  	s23 =	sadd.s32 s24, s3;
	s14 =	sadd.s32 $0x9000, s8;
	[dreg:$0xd] =	wrdreg s13  }
0x12: {  	s26 =	sshrl.u32 s9, $0x1;
	s15 =	sadd.s32 $0xA000, s8;
	[dreg:$0xe] =	wrdreg s14  }
0x13: {  	s6 =	ssub.s32 s9, s26;
	s16 =	sadd.s32 $0xB000, s8;
	[dreg:$0xf] =	wrdreg s15  }
0x14: {  	s9 =	smul.u32 $0x1388, s7;
	s17 =	sadd.s32 $0xC000, s8;
	[dreg:$0x10] =	wrdreg s16  }
0x15: {  	s7 =	smul.u32 $0x27100, s7;
	s18 =	sadd.s32 $0xD000, s8;
	[dreg:$0x11] =	wrdreg s17  }
0x16: {  	s6 =	smax.u32 s6, $0x1;
	s25 =	sadd.s32 $0xE000, s8;
	[dreg:$0x12] =	wrdreg s18  }
0x17: {  	s26 =	sadd.s32 $0xF000, s8;
	s19 =	simm.s32 $0x7800;
	[dreg:$0x16] =	wrdreg s6  }
0x18: {  	s20 =	simm.s32 $0x0;
	s5 =	sadd.s32 s7, s5;
	[dreg:$0x18] =	wrdreg s25  }
0x19: {  	[dreg:$0x19] =	wrdreg s26;
	s28 =	sadd.s32 $0x10000, s8;
	s29 =	sadd.s32 $0x11000, s8  }
0x1a: {  	s30 =	sadd.s32 $0x12000, s8;
	s31 =	sadd.s32 $0x13000, s8;
	s6 =	simm.s32 $0x5  }
0x1b: {  	s7 =	simm.s32 $0x4F00;
	s10 =	simm.s32 $0x1;
	s11 =	simm.s32 $0x8880  }
0x1c: {  	s12 =	simm.s32 $0x9080;
	s13 =	simm.s32 $0x10;
	s14 =	simm.s32 $0x7680  }
0x1d: {  	s15 =	simm.s32 $0x7700;
	s16 =	simm.s32 $0xA080;
	[dreg:$0x1a] =	wrdreg s28  }
0x1e: {  	s17 =	simm.s32 $0x2;
	s18 =	simm.s32 $0x7780;
	[dreg:$0x1b] =	wrdreg s29  }
0x1f: {  	v4 =	vlaneseq.u32;
	v1 =	vimm.f32 $0.0e+00;
	s8 =	simm.s32 $0xA880;
	s22 =	sadd.s32 s21, s5;
	[dreg:$0x1c] =	wrdreg s30  }
0x20: {  	vm0 =	vmmov $0xffff;
	v3 =	vshrl.u32 v4, $0x3;
	v0 =	vmov s9;
	s9 =	simm.s32 $0xB080;
	[dreg:$0x1d] =	wrdreg s31;
	s0 =	sadd.s32 $0x80, s22  }
0x21: {  	v2 =	vand.u32 $0x7, v4;
	v4 =	vor.u32 $0x8, v4;
	v3 =	vmul.u32 $0x8, v3;
	s21 =	simm.s32 $0x4;
	[dreg:$0x17] =	wrdreg s0;
	s0 =	simm.s32 $0x9880  }
.LBB2_1:
0x22: {  	[dreg:$0x1e] =	wrdreg s20;
	s5 =	simm.s32 $0x0;
	s20 =	simm.s32 $0x200  }
.LBB2_2:
0x23: {  	p0 =	sne.s32 s20, $0x3E00;
	[tilespmem:s5+$0x98F0] =	vst v1  }
0x24: {  	[tilespmem:s5+$0x9880] =	vst v1  }
0x25: {  	[tilespmem:s5+$0x9890] =	vst v1  }
.Ltmp0:
0x26: {  	[tilespmem:s5+$0x98A0] =	vst v1;
	(pc) =	sbr.rel @p0 .LBB2_2-.Ltmp0, $4  }
0x27: {  	[tilespmem:s5+$0x98B0] =	vst v1  }
0x28: {  	[tilespmem:s5+$0x98C0] =	vst v1  }
0x29: {  	[tilespmem:s5+$0x98D0] =	vst v1  }
0x2a: {  	[tilespmem:s5+$0x98E0] =	vst v1;
	s5 =	sshra.s32 s20, $0x2;
	s20 =	sadd.s32 $0x200, s20  }
0x2b: {  	[tilespmem:s5+$0x98F0] =	vst v1  }
0x2c: {  	[tilespmem:s5+$0x9880] =	vst v1  }
0x2d: {  	[tilespmem:s5+$0x9890] =	vst v1  }
0x2e: {  	[tilespmem:s5+$0x98A0] =	vst v1  }
0x2f: {  	[tilespmem:s5+$0x98B0] =	vst v1  }
0x30: {  	[tilespmem:s5+$0x98C0] =	vst v1  }
0x31: {  	[tilespmem:s5+$0x98D0] =	vst v1  }
0x32: {  	[tilespmem:s5+$0x98E0] =	vst v1;
	s24 =	rddreg [dreg:$0x5]  }
0x33: {  	[spmem:s24] =	stream.linear.scatter [tilespmem:s0], [sflag:$0x5], $0x1000, $0x38;
	[tilespmem:$0x1F880] =	vst v63  }
0x34: {  	_ =	swait.ge [sflag:s6], $0x1000  }
0x35: {  	[sflag:s6] =	ssyncset.done $0x0  }
0x36: {  	s25 =	rddreg [dreg:$0x6];
	[sflag:s6] =	ssyncadd.s32 $0xFFFFF000  }
0x37: {  	[spmem:s25] =	stream.linear.scatter [tilespmem:s0], [sflag:$0x5], $0x1000, $0x38;
	[tilespmem:$0x1F880] =	vst v63  }
0x38: {  	_ =	swait.ge [sflag:s6], $0x1000  }
0x39: {  	[sflag:s6] =	ssyncset.done $0x0  }
0x3a: {  	s26 =	rddreg [dreg:$0x7];
	[sflag:s6] =	ssyncadd.s32 $0xFFFFF000  }
0x3b: {  	[spmem:s26] =	stream.linear.scatter [tilespmem:s0], [sflag:$0x5], $0x1000, $0x38;
	[tilespmem:$0x1F880] =	vst v63  }
0x3c: {  	_ =	swait.ge [sflag:s6], $0x1000  }
0x3d: {  	[sflag:s6] =	ssyncset.done $0x0  }
0x3e: {  	s28 =	rddreg [dreg:$0x8];
	[sflag:s6] =	ssyncadd.s32 $0xFFFFF000  }
0x3f: {  	[spmem:s28] =	stream.linear.scatter [tilespmem:s0], [sflag:$0x5], $0x1000, $0x38;
	[tilespmem:$0x1F880] =	vst v63  }
0x40: {  	_ =	swait.ge [sflag:s6], $0x1000  }
0x41: {  	[sflag:s6] =	ssyncset.done $0x0  }
0x42: {  	s29 =	rddreg [dreg:$0x9];
	[sflag:s6] =	ssyncadd.s32 $0xFFFFF000  }
0x43: {  	[spmem:s29] =	stream.linear.scatter [tilespmem:s0], [sflag:$0x5], $0x1000, $0x38;
	[tilespmem:$0x1F880] =	vst v63  }
0x44: {  	_ =	swait.ge [sflag:s6], $0x1000  }
0x45: {  	[sflag:s6] =	ssyncset.done $0x0  }
0x46: {  	s30 =	rddreg [dreg:$0xa];
	[sflag:s6] =	ssyncadd.s32 $0xFFFFF000  }
0x47: {  	[spmem:s30] =	stream.linear.scatter [tilespmem:s0], [sflag:$0x5], $0x1000, $0x38;
	[tilespmem:$0x1F880] =	vst v63  }
0x48: {  	_ =	swait.ge [sflag:s6], $0x1000  }
0x49: {  	[sflag:s6] =	ssyncset.done $0x0  }
0x4a: {  	s31 =	rddreg [dreg:$0xb];
	[sflag:s6] =	ssyncadd.s32 $0xFFFFF000  }
0x4b: {  	[spmem:s31] =	stream.linear.scatter [tilespmem:s0], [sflag:$0x5], $0x1000, $0x38;
	[tilespmem:$0x1F880] =	vst v63  }
0x4c: {  	_ =	swait.ge [sflag:s6], $0x1000  }
0x4d: {  	[sflag:s6] =	ssyncset.done $0x0  }
0x4e: {  	s20 =	rddreg [dreg:$0xc];
	[sflag:s6] =	ssyncadd.s32 $0xFFFFF000  }
0x4f: {  	[spmem:s20] =	stream.linear.scatter [tilespmem:s0], [sflag:$0x5], $0x1000, $0x38;
	[tilespmem:$0x1F880] =	vst v63  }
0x50: {  	_ =	swait.ge [sflag:s6], $0x1000  }
0x51: {  	[sflag:s6] =	ssyncset.done $0x0  }
0x52: {  	s22 =	rddreg [dreg:$0xd];
	[sflag:s6] =	ssyncadd.s32 $0xFFFFF000  }
0x53: {  	[spmem:s22] =	stream.linear.scatter [tilespmem:s0], [sflag:$0x5], $0x1000, $0x38;
	[tilespmem:$0x1F880] =	vst v63  }
0x54: {  	_ =	swait.ge [sflag:s6], $0x1000  }
0x55: {  	[sflag:s6] =	ssyncset.done $0x0  }
0x56: {  	s24 =	rddreg [dreg:$0xe];
	[sflag:s6] =	ssyncadd.s32 $0xFFFFF000  }
0x57: {  	[spmem:s24] =	stream.linear.scatter [tilespmem:s0], [sflag:$0x5], $0x1000, $0x38;
	[tilespmem:$0x1F880] =	vst v63  }
0x58: {  	_ =	swait.ge [sflag:s6], $0x1000  }
0x59: {  	[sflag:s6] =	ssyncset.done $0x0  }
0x5a: {  	s25 =	rddreg [dreg:$0xf];
	[sflag:s6] =	ssyncadd.s32 $0xFFFFF000  }
0x5b: {  	[spmem:s25] =	stream.linear.scatter [tilespmem:s0], [sflag:$0x5], $0x1000, $0x38;
	[tilespmem:$0x1F880] =	vst v63  }
0x5c: {  	_ =	swait.ge [sflag:s6], $0x1000  }
0x5d: {  	[sflag:s6] =	ssyncset.done $0x0  }
0x5e: {  	s26 =	rddreg [dreg:$0x10];
	[sflag:s6] =	ssyncadd.s32 $0xFFFFF000  }
0x5f: {  	[spmem:s26] =	stream.linear.scatter [tilespmem:s0], [sflag:$0x5], $0x1000, $0x38;
	[tilespmem:$0x1F880] =	vst v63  }
0x60: {  	_ =	swait.ge [sflag:s6], $0x1000  }
0x61: {  	[sflag:s6] =	ssyncset.done $0x0  }
0x62: {  	s28 =	rddreg [dreg:$0x11];
	[sflag:s6] =	ssyncadd.s32 $0xFFFFF000  }
0x63: {  	[spmem:s28] =	stream.linear.scatter [tilespmem:s0], [sflag:$0x5], $0x1000, $0x38;
	[tilespmem:$0x1F880] =	vst v63  }
0x64: {  	_ =	swait.ge [sflag:s6], $0x1000  }
0x65: {  	[sflag:s6] =	ssyncset.done $0x0  }
0x66: {  	s29 =	rddreg [dreg:$0x12];
	[sflag:s6] =	ssyncadd.s32 $0xFFFFF000  }
0x67: {  	[spmem:s29] =	stream.linear.scatter [tilespmem:s0], [sflag:$0x5], $0x1000, $0x38;
	[tilespmem:$0x1F880] =	vst v63  }
0x68: {  	_ =	swait.ge [sflag:s6], $0x1000  }
0x69: {  	[sflag:s6] =	ssyncset.done $0x0  }
0x6a: {  	s30 =	rddreg [dreg:$0x18];
	[sflag:s6] =	ssyncadd.s32 $0xFFFFF000  }
0x6b: {  	[spmem:s30] =	stream.linear.scatter [tilespmem:s0], [sflag:$0x5], $0x1000, $0x38;
	[tilespmem:$0x1F880] =	vst v63  }
0x6c: {  	_ =	swait.ge [sflag:s6], $0x1000  }
0x6d: {  	[sflag:s6] =	ssyncset.done $0x0  }
0x6e: {  	s31 =	rddreg [dreg:$0x19];
	[sflag:s6] =	ssyncadd.s32 $0xFFFFF000  }
0x6f: {  	[spmem:s31] =	stream.linear.scatter [tilespmem:s0], [sflag:$0x5], $0x1000, $0x38;
	[tilespmem:$0x1F880] =	vst v63  }
0x70: {  	_ =	swait.ge [sflag:s6], $0x1000  }
0x71: {  	[sflag:s6] =	ssyncset.done $0x0  }
0x72: {  	s20 =	rddreg [dreg:$0x1a];
	[sflag:s6] =	ssyncadd.s32 $0xFFFFF000  }
0x73: {  	[spmem:s20] =	stream.linear.scatter [tilespmem:s0], [sflag:$0x5], $0x1000, $0x38;
	[tilespmem:$0x1F880] =	vst v63  }
0x74: {  	_ =	swait.ge [sflag:s6], $0x1000  }
0x75: {  	[sflag:s6] =	ssyncset.done $0x0  }
0x76: {  	s22 =	rddreg [dreg:$0x1b];
	[sflag:s6] =	ssyncadd.s32 $0xFFFFF000  }
0x77: {  	[spmem:s22] =	stream.linear.scatter [tilespmem:s0], [sflag:$0x5], $0x1000, $0x38;
	[tilespmem:$0x1F880] =	vst v63  }
0x78: {  	_ =	swait.ge [sflag:s6], $0x1000  }
0x79: {  	[sflag:s6] =	ssyncset.done $0x0  }
0x7a: {  	s24 =	rddreg [dreg:$0x1c];
	[sflag:s6] =	ssyncadd.s32 $0xFFFFF000  }
0x7b: {  	[spmem:s24] =	stream.linear.scatter [tilespmem:s0], [sflag:$0x5], $0x1000, $0x38;
	[tilespmem:$0x1F880] =	vst v63  }
0x7c: {  	_ =	swait.ge [sflag:s6], $0x1000  }
0x7d: {  	[sflag:s6] =	ssyncset.done $0x0  }
0x7e: {  	s25 =	rddreg [dreg:$0x1d];
	[sflag:s6] =	ssyncadd.s32 $0xFFFFF000  }
0x7f: {  	[spmem:s25] =	stream.linear.scatter [tilespmem:s0], [sflag:$0x5], $0x1000, $0x38;
	[tilespmem:$0x1F880] =	vst v63  }
0x80: {  	_ =	swait.ge [sflag:s6], $0x1000  }
0x81: {  	[sflag:s6] =	ssyncset.done $0x0  }
0x82: {  	s25 =	simm.s32 $0x0;
	s26 =	rddreg [dreg:$0x13];
	[sflag:s6] =	ssyncadd.s32 $0xFFFFF000  }
0x83: {  	[tilespmem:s25], [sflag:$0x5] =	stream.linear.gather [hbm4b:s26+s25], $0x2710, $0x38;
	[tilespmem:$0x1F880] =	vst v63  }
0x84: {  	_ =	swait.ge [sflag:s6], $0x2710  }
0x85: {  	[sflag:s6] =	ssyncset.done $0x0  }
0x86: {  	s20 =	simm.s32 $0x2780;
	s28 =	rddreg [dreg:$0x14];
	[sflag:s6] =	ssyncadd.s32 $0xFFFFD8F0  }
0x87: {  	[tilespmem:s20], [sflag:$0x5] =	stream.linear.gather [hbm4b:s28+s25], $0x2710, $0x38;
	[tilespmem:$0x1F880] =	vst v63  }
0x88: {  	_ =	swait.ge [sflag:s6], $0x2710  }
0x89: {  	[sflag:s6] =	ssyncset.done $0x0  }
0x8a: {  	s29 =	rddreg [dreg:$0x15];
	[sflag:s6] =	ssyncadd.s32 $0xFFFFD8F0  }
0x8b: {  	[tilespmem:s7], [sflag:$0x5] =	stream.linear.gather [hbm4b:s29+s25], $0x2710, $0x38;
	[tilespmem:$0x1F880] =	vst v63  }
0x8c: {  	_ =	swait.ge [sflag:s6], $0x2710  }
0x8d: {  	[sflag:s6] =	ssyncset.done $0x0  }
0x8e: {  	[sflag:s6] =	ssyncadd.s32 $0xFFFFD8F0  }
0x8f: {  	[bflag:$0x0] =	sbarrier.arrive $0xFFFF  }
0x90: {  	v5 =	vld [tilespmem:$0x0];
	_ =	sdelay $0x4  }
0x91: {  	v6 =	vshll.u32 v5, $0x1  }
0x92: {  	v5 =	vand.u32 $0x7, v5;
	v6 =	vand.u32 $0xFFFFFFF0, v6  }
0x93: {  	v5 =	vor.u32 v5, v6  }
0x94: {  	v6 =	vperm.xlane v5, v2;
	_ =	sdelay $0x1  }
0x95: {  	v5 =	vperm.xlane v5, v4;
	v6 =	vadd.s32 v3, v6;
	_ =	sdelay $0x1  }
0x96: {  	v5 =	vadd.s32 v3, v5;
	_ =	sdelay $0x1  }
0x97: {  	s30 =	simm.s32 $0x7880  }
0x98: {  	[tilespmem:s30], [sflag:$0x1] =	stream.indirect_vreg.gather [hbm4b:s1+s25], $0x80, v6, vm0, $0xb8;
	[tilespmem:$0x1F880] =	vst v63  }
0x99: {  	s31 =	simm.s32 $0x8080  }
0x9a: {  	[tilespmem:s31], [sflag:$0x1] =	stream.indirect_vreg.gather [hbm4b:s1+s25], $0x80, v5, vm0, $0xb8;
	[tilespmem:$0x1F880] =	vst v63  }
0x9b: {  	_ =	swait.ge [sflag:s10], $0x1000  }
0x9c: {  	[sflag:s10] =	ssyncset.done $0x0  }
0x9d: {  	s26 =	simm.s32 $0x0;
	[sflag:s10] =	ssyncadd.s32 $0xFFFFF000  }
.LBB2_4:
0x9e: {  	s29 =	sshll.u32 s26, $0x5  }
0x9f: {  	v5 =	vld [tilespmem:s29+$0x10];
	_ =	sdelay $0x4  }
0xa0: {  	v6 =	vshll.u32 v5, $0x1  }
0xa1: {  	v5 =	vand.u32 $0x7, v5;
	v6 =	vand.u32 $0xFFFFFFF0, v6  }
0xa2: {  	v5 =	vor.u32 v5, v6  }
0xa3: {  	v6 =	vperm.xlane v5, v2;
	_ =	sdelay $0x1  }
0xa4: {  	v5 =	vperm.xlane v5, v4;
	v6 =	vadd.s32 v3, v6;
	_ =	sdelay $0x1  }
0xa5: {  	v5 =	vadd.s32 v3, v5;
	_ =	sdelay $0x1  }
0xa6: {  	p0 =	seq.s32 s26, $0x0  }
0xa7: {  	[tilespmem:s11], [sflag:$0x2] =	stream.indirect_vreg.gather [hbm4b:s1+s4], $0x80, v6, vm0, $0xb8;
	[tilespmem:$0x1F880] =	vst v63  }
0xa8: {  	s5 =	simm.s32 @!p0 $0x3  }
0xa9: {  	[tilespmem:s12], [sflag:$0x2] =	stream.indirect_vreg.gather [hbm4b:s1+s4], $0x80, v5, vm0, $0xb8;
	[tilespmem:$0x1F880] =	vst v63  }
0xaa: {  	_ =	swait.ge @!p0 [sflag:s5], $0x800  }
0xab: {  	[sflag:s5] =	ssyncset.done @!p0 $0x0  }
0xac: {  	[sflag:s5] =	ssyncadd.s32 @!p0 $0xFFFFF800  }
0xad: {  	_ =	swait.ge @!p0 [sflag:s5], $0x800  }
0xae: {  	[sflag:s5] =	ssyncset.done @!p0 $0x0  }
0xaf: {  	[sflag:s5] =	ssyncadd.s32 @!p0 $0xFFFFF800  }
0xb0: {  	v5 =	vld [tilespmem:s29+$0x2780];
	_ =	sdelay $0x3  }
0xb1: {  	s22 =	sadd.s32 $0x0, s29  }
0xb2: {  	v7 =	vmov s22;
	v6 =	vsub.s32 v5, v0;
	v5 =	vand.u32 $0x3F, v5  }
0xb3: {  	vm1 =	vlt.u32 v6, $0x1388;
	v5 =	vadd.s32 $0x1388, v5  }
0xb4: {  	v5 =	vsel vm1, v6, v5  }
0xb5: {  	[tilespmem:$0x7680] =	vst v5;
	v5 =	vadd.s32 $0x1400, v5  }
0xb6: {  	s24 =	sand.u32 $0x800, s25;
	s20 =	sand.u32 $0x380, s25;
	[tilespmem:$0x7700] =	vst v5  }
0xb7: {  	s5 =	sor.u32 s20, s24;
	v5 =	vld.idx.msk [tilespmem:v7+s7+$0x0], $0xffff  }
0xb8: {  	v6 =	vld [tilespmem:s5+$0x7880];
	_ =	sdelay $0x4  }
0xb9: {  	v6 =	vmul.f32 v6, v5  }
0xba: {  	s30 =	simm.s32 $0xA080  }
0xbb: {  	[tilespmem:s30+$0xFFFFF800] =	vst v6  }
0xbc: {  	v6 =	vld [tilespmem:s5+$0x7890];
	_ =	sdelay $0x4  }
0xbd: {  	v6 =	vmul.f32 v6, v5;
	_ =	sdelay $0x1  }
0xbe: {  	[tilespmem:s30+$0xFFFFF810] =	vst v6  }
0xbf: {  	v6 =	vld [tilespmem:s5+$0x78A0];
	_ =	sdelay $0x4  }
0xc0: {  	v6 =	vmul.f32 v6, v5;
	_ =	sdelay $0x1  }
0xc1: {  	[tilespmem:s30+$0xFFFFF820] =	vst v6  }
0xc2: {  	v6 =	vld [tilespmem:s5+$0x78B0];
	_ =	sdelay $0x4  }
0xc3: {  	v6 =	vmul.f32 v6, v5;
	_ =	sdelay $0x1  }
0xc4: {  	[tilespmem:s30+$0xFFFFF830] =	vst v6  }
0xc5: {  	v6 =	vld [tilespmem:s5+$0x78C0];
	_ =	sdelay $0x4  }
0xc6: {  	v6 =	vmul.f32 v6, v5;
	_ =	sdelay $0x1  }
0xc7: {  	[tilespmem:s30+$0xFFFFF840] =	vst v6  }
0xc8: {  	v6 =	vld [tilespmem:s5+$0x78D0];
	_ =	sdelay $0x4  }
0xc9: {  	v6 =	vmul.f32 v6, v5;
	_ =	sdelay $0x1  }
0xca: {  	[tilespmem:s30+$0xFFFFF850] =	vst v6  }
0xcb: {  	v6 =	vld [tilespmem:s5+$0x78E0];
	_ =	sdelay $0x4  }
0xcc: {  	v6 =	vmul.f32 v6, v5;
	_ =	sdelay $0x1  }
0xcd: {  	[tilespmem:s30+$0xFFFFF860] =	vst v6  }
0xce: {  	v6 =	vld [tilespmem:s5+$0x78F0];
	_ =	sdelay $0x4  }
0xcf: {  	v6 =	vmul.f32 v6, v5;
	_ =	sdelay $0x1  }
0xd0: {  	[tilespmem:s30+$0xFFFFF870] =	vst v6  }
0xd1: {  	v6 =	vld [tilespmem:s5+$0x7C80];
	_ =	sdelay $0x4  }
0xd2: {  	v6 =	vmul.f32 v6, v5;
	_ =	sdelay $0x1  }
0xd3: {  	[tilespmem:s30+$0x0] =	vst v6  }
0xd4: {  	v6 =	vld [tilespmem:s5+$0x7C90];
	_ =	sdelay $0x4  }
0xd5: {  	v6 =	vmul.f32 v6, v5;
	_ =	sdelay $0x1  }
0xd6: {  	[tilespmem:s30+$0x10] =	vst v6  }
0xd7: {  	v6 =	vld [tilespmem:s5+$0x7CA0];
	_ =	sdelay $0x4  }
0xd8: {  	v6 =	vmul.f32 v6, v5;
	_ =	sdelay $0x1  }
0xd9: {  	[tilespmem:s30+$0x20] =	vst v6  }
0xda: {  	v6 =	vld [tilespmem:s5+$0x7CB0];
	_ =	sdelay $0x4  }
0xdb: {  	v6 =	vmul.f32 v6, v5;
	_ =	sdelay $0x1  }
0xdc: {  	[tilespmem:s30+$0x30] =	vst v6  }
0xdd: {  	v6 =	vld [tilespmem:s5+$0x7CC0];
	_ =	sdelay $0x4  }
0xde: {  	v6 =	vmul.f32 v6, v5;
	_ =	sdelay $0x1  }
0xdf: {  	[tilespmem:s30+$0x40] =	vst v6  }
0xe0: {  	v6 =	vld [tilespmem:s5+$0x7CD0];
	_ =	sdelay $0x4  }
0xe1: {  	v6 =	vmul.f32 v6, v5;
	_ =	sdelay $0x1  }
0xe2: {  	[tilespmem:s30+$0x50] =	vst v6  }
0xe3: {  	v6 =	vld [tilespmem:s5+$0x7CE0];
	_ =	sdelay $0x4  }
0xe4: {  	v6 =	vmul.f32 v6, v5;
	_ =	sdelay $0x1  }
0xe5: {  	[tilespmem:s30+$0x60] =	vst v6  }
0xe6: {  	v6 =	vld [tilespmem:s5+$0x7CF0]  }
0xe7: {  	s31 =	simm.s32 $0x0;
	s28 =	sor.u32 $0x10, s29  }
0xe8: {  	s20 =	sadd.s32 $0x1, s29;
	s24 =	simm.s32 $0x2;
	s5 =	simm.s32 $0x0  }
.LBB2_5:
0xe9: {  	p0 =	sne.s32 s24, $0xF;
	v7 =	vmov s20;
	_ =	sdelay $0x1  }
0xea: {  	v5 =	vmul.f32 v6, v5  }
0xeb: {  	s31 =	sadd.s32 $0x100, s31;
	s5 =	sadd.s32 $0x80, s5  }
0xec: {  	s20 =	sand.u32 $0x800, s31;
	s22 =	sand.u32 $0x380, s5;
	[tilespmem:s30+$0x70] =	vst v5  }
0xed: {  	s20 =	sor.u32 s22, s20;
	v5 =	vld.idx.msk [tilespmem:v7+s7+$0x0], $0xffff  }
0xee: {  	v6 =	vld [tilespmem:s20+$0x7880];
	_ =	sdelay $0x4  }
0xef: {  	v6 =	vmul.f32 v6, v5  }
0xf0: {  	s30 =	sadd.s32 $0x80, s30  }
0xf1: {  	[tilespmem:s30+$0xFFFFF800] =	vst v6  }
0xf2: {  	v6 =	vld [tilespmem:s20+$0x7890];
	_ =	sdelay $0x4  }
0xf3: {  	v6 =	vmul.f32 v6, v5;
	_ =	sdelay $0x1  }
0xf4: {  	[tilespmem:s30+$0xFFFFF810] =	vst v6  }
0xf5: {  	v6 =	vld [tilespmem:s20+$0x78A0];
	_ =	sdelay $0x4  }
0xf6: {  	v6 =	vmul.f32 v6, v5;
	_ =	sdelay $0x1  }
0xf7: {  	[tilespmem:s30+$0xFFFFF820] =	vst v6  }
0xf8: {  	v6 =	vld [tilespmem:s20+$0x78B0];
	_ =	sdelay $0x4  }
0xf9: {  	v6 =	vmul.f32 v6, v5;
	_ =	sdelay $0x1  }
0xfa: {  	[tilespmem:s30+$0xFFFFF830] =	vst v6  }
0xfb: {  	v6 =	vld [tilespmem:s20+$0x78C0];
	_ =	sdelay $0x4  }
0xfc: {  	v6 =	vmul.f32 v6, v5;
	_ =	sdelay $0x1  }
0xfd: {  	[tilespmem:s30+$0xFFFFF840] =	vst v6  }
0xfe: {  	v6 =	vld [tilespmem:s20+$0x78D0];
	_ =	sdelay $0x4  }
0xff: {  	v6 =	vmul.f32 v6, v5;
	_ =	sdelay $0x1  }
0x100: {  	[tilespmem:s30+$0xFFFFF850] =	vst v6  }
0x101: {  	v6 =	vld [tilespmem:s20+$0x78E0];
	_ =	sdelay $0x4  }
0x102: {  	v6 =	vmul.f32 v6, v5;
	_ =	sdelay $0x1  }
0x103: {  	[tilespmem:s30+$0xFFFFF860] =	vst v6  }
0x104: {  	v6 =	vld [tilespmem:s20+$0x78F0];
	_ =	sdelay $0x4  }
0x105: {  	v6 =	vmul.f32 v6, v5;
	_ =	sdelay $0x1  }
0x106: {  	[tilespmem:s30+$0xFFFFF870] =	vst v6  }
0x107: {  	v6 =	vld [tilespmem:s20+$0x7C80];
	_ =	sdelay $0x4  }
0x108: {  	v6 =	vmul.f32 v6, v5;
	_ =	sdelay $0x1  }
0x109: {  	[tilespmem:s30+$0x0] =	vst v6  }
0x10a: {  	v6 =	vld [tilespmem:s20+$0x7C90];
	_ =	sdelay $0x4  }
0x10b: {  	v6 =	vmul.f32 v6, v5;
	_ =	sdelay $0x1  }
0x10c: {  	[tilespmem:s30+$0x10] =	vst v6  }
0x10d: {  	v6 =	vld [tilespmem:s20+$0x7CA0];
	_ =	sdelay $0x4  }
0x10e: {  	v6 =	vmul.f32 v6, v5;
	_ =	sdelay $0x1  }
0x10f: {  	[tilespmem:s30+$0x20] =	vst v6  }
0x110: {  	v6 =	vld [tilespmem:s20+$0x7CB0];
	_ =	sdelay $0x4  }
0x111: {  	v6 =	vmul.f32 v6, v5;
	_ =	sdelay $0x1  }
0x112: {  	[tilespmem:s30+$0x30] =	vst v6  }
0x113: {  	v6 =	vld [tilespmem:s20+$0x7CC0];
	_ =	sdelay $0x4  }
0x114: {  	v6 =	vmul.f32 v6, v5;
	_ =	sdelay $0x1  }
0x115: {  	[tilespmem:s30+$0x40] =	vst v6  }
0x116: {  	v6 =	vld [tilespmem:s20+$0x7CD0];
	_ =	sdelay $0x4  }
0x117: {  	v6 =	vmul.f32 v6, v5;
	_ =	sdelay $0x1  }
0x118: {  	[tilespmem:s30+$0x50] =	vst v6  }
0x119: {  	v6 =	vld [tilespmem:s20+$0x7CE0];
	_ =	sdelay $0x4  }
0x11a: {  	v6 =	vmul.f32 v6, v5  }
.Ltmp1:
0x11b: {  	(pc) =	sbr.rel @p0 .LBB2_5-.Ltmp1, $3  }
0x11c: {  	[tilespmem:s30+$0x60] =	vst v6  }
0x11d: {  	v6 =	vld [tilespmem:s20+$0x7CF0];
	_ =	sdelay $0x1  }
0x11e: {  	s20 =	sadd.s32 s29, s24;
	s24 =	sadd.s32 $0x1, s24  }
0x11f: {  	v7 =	vmov s20;
	_ =	sdelay $0x1  }
0x120: {  	v5 =	vmul.f32 v6, v5  }
0x121: {  	s22 =	sadd.s32 $0x100, s31;
	s5 =	sadd.s32 $0x80, s5  }
0x122: {  	s20 =	sand.u32 $0x800, s22;
	s5 =	sand.u32 $0x380, s5;
	[tilespmem:s30+$0x70] =	vst v5  }
0x123: {  	s5 =	sor.u32 s5, s20;
	v5 =	vld.idx.msk [tilespmem:v7+s7+$0x0], $0xffff  }
0x124: {  	v6 =	vld [tilespmem:s5+$0x7880];
	_ =	sdelay $0x4  }
0x125: {  	v6 =	vmul.f32 v6, v5  }
0x126: {  	s24 =	sadd.s32 $0x80, s30  }
0x127: {  	[tilespmem:s24+$0xFFFFF800] =	vst v6  }
0x128: {  	v6 =	vld [tilespmem:s5+$0x7890];
	_ =	sdelay $0x4  }
0x129: {  	v6 =	vmul.f32 v6, v5;
	_ =	sdelay $0x1  }
0x12a: {  	[tilespmem:s24+$0xFFFFF810] =	vst v6  }
0x12b: {  	v6 =	vld [tilespmem:s5+$0x78A0];
	_ =	sdelay $0x4  }
0x12c: {  	v6 =	vmul.f32 v6, v5;
	_ =	sdelay $0x1  }
0x12d: {  	[tilespmem:s24+$0xFFFFF820] =	vst v6  }
0x12e: {  	v6 =	vld [tilespmem:s5+$0x78B0];
	_ =	sdelay $0x4  }
0x12f: {  	v6 =	vmul.f32 v6, v5;
	_ =	sdelay $0x1  }
0x130: {  	[tilespmem:s24+$0xFFFFF830] =	vst v6  }
0x131: {  	v6 =	vld [tilespmem:s5+$0x78C0];
	_ =	sdelay $0x4  }
0x132: {  	v6 =	vmul.f32 v6, v5;
	_ =	sdelay $0x1  }
0x133: {  	[tilespmem:s24+$0xFFFFF840] =	vst v6  }
0x134: {  	v6 =	vld [tilespmem:s5+$0x78D0];
	_ =	sdelay $0x4  }
0x135: {  	v6 =	vmul.f32 v6, v5;
	_ =	sdelay $0x1  }
0x136: {  	[tilespmem:s24+$0xFFFFF850] =	vst v6  }
0x137: {  	v6 =	vld [tilespmem:s5+$0x78E0];
	_ =	sdelay $0x4  }
0x138: {  	v6 =	vmul.f32 v6, v5;
	_ =	sdelay $0x1  }
0x139: {  	[tilespmem:s24+$0xFFFFF860] =	vst v6  }
0x13a: {  	v6 =	vld [tilespmem:s5+$0x78F0];
	_ =	sdelay $0x4  }
0x13b: {  	v6 =	vmul.f32 v6, v5;
	_ =	sdelay $0x1  }
0x13c: {  	[tilespmem:s24+$0xFFFFF870] =	vst v6  }
0x13d: {  	v6 =	vld [tilespmem:s5+$0x7C80];
	_ =	sdelay $0x4  }
0x13e: {  	v6 =	vmul.f32 v6, v5;
	_ =	sdelay $0x1  }
0x13f: {  	[tilespmem:s24+$0x0] =	vst v6  }
0x140: {  	v6 =	vld [tilespmem:s5+$0x7C90];
	_ =	sdelay $0x4  }
0x141: {  	v6 =	vmul.f32 v6, v5;
	_ =	sdelay $0x1  }
0x142: {  	[tilespmem:s24+$0x10] =	vst v6  }
0x143: {  	v6 =	vld [tilespmem:s5+$0x7CA0];
	_ =	sdelay $0x4  }
0x144: {  	v6 =	vmul.f32 v6, v5;
	_ =	sdelay $0x1  }
0x145: {  	[tilespmem:s24+$0x20] =	vst v6  }
0x146: {  	v6 =	vld [tilespmem:s5+$0x7CB0];
	_ =	sdelay $0x4  }
0x147: {  	v6 =	vmul.f32 v6, v5;
	_ =	sdelay $0x1  }
0x148: {  	[tilespmem:s24+$0x30] =	vst v6  }
0x149: {  	v6 =	vld [tilespmem:s5+$0x7CC0];
	_ =	sdelay $0x4  }
0x14a: {  	v6 =	vmul.f32 v6, v5;
	_ =	sdelay $0x1  }
0x14b: {  	[tilespmem:s24+$0x40] =	vst v6  }
0x14c: {  	v6 =	vld [tilespmem:s5+$0x7CD0];
	_ =	sdelay $0x4  }
0x14d: {  	v6 =	vmul.f32 v6, v5;
	_ =	sdelay $0x1  }
0x14e: {  	[tilespmem:s24+$0x50] =	vst v6  }
0x14f: {  	v6 =	vld [tilespmem:s5+$0x7CE0];
	_ =	sdelay $0x4  }
0x150: {  	v6 =	vmul.f32 v6, v5;
	_ =	sdelay $0x1  }
0x151: {  	[tilespmem:s24+$0x60] =	vst v6  }
0x152: {  	v6 =	vld [tilespmem:s5+$0x7CF0];
	_ =	sdelay $0x4  }
0x153: {  	v5 =	vmul.f32 v6, v5;
	_ =	sdelay $0x1  }
0x154: {  	[tilespmem:s24+$0x70] =	vst v5  }
0x155: {  	[spmem:s3] =	stream.indirect.scatter.add.f32 [tilespmem:s0], [sflag:$0x3], $0x80, s14, s13, $0xb8;
	[tilespmem:$0x1F880] =	vst v63  }
0x156: {  	_ = 	snop  }
0x157: {  	[spmem:s3] =	stream.indirect.scatter.add.f32 [tilespmem:s16], [sflag:$0x3], $0x80, s15, s13, $0xb8;
	[tilespmem:$0x1F880] =	vst v63  }
0x158: {  	p0 =	seq.s32 s26, $0x137;
	_ =	swait.ge [sflag:s17], $0x1000  }
0x159: {  	s5 =	sshll.u32 @!p0 s26, $0x5;
	[sflag:s17] =	ssyncset.done $0x0  }
0x15a: {  	s5 =	sand.u32 @!p0 $0x3FFFFFE0, s5;
	[sflag:s17] =	ssyncadd.s32 $0xFFFFF000  }
0x15b: {  	v5 =	vld @!p0 [tilespmem:s5+$0x20];
	_ =	sdelay $0x4  }
0x15c: {  	v6 =	vshll.u32 @!p0 v5, $0x1  }
0x15d: {  	v7 =	vlaneseq.u32 @!p0;
	v5 =	vand.u32 @!p0 $0x7, v5;
	v6 =	vand.u32 @!p0 $0xFFFFFFF0, v6  }
0x15e: {  	v8 =	vshrl.u32 @!p0 v7, $0x3;
	v5 =	vor.u32 @!p0 v5, v6;
	v6 =	vand.u32 @!p0 $0x7, v7  }
0x15f: {  	v8 =	vmul.u32 @!p0 $0x8, v8;
	v6 =	vperm.xlane @!p0 v5, v6  }
0x160: {  	v7 =	vor.u32 @!p0 $0x8, v7  }
0x161: {  	v5 =	vperm.xlane @!p0 v5, v7;
	v6 =	vadd.s32 @!p0 v8, v6;
	_ =	sdelay $0x1  }
0x162: {  	v5 =	vadd.s32 @!p0 v8, v5;
	_ =	sdelay $0x1  }
0x163: {  	vm1 =	vmmov @!p0 $0xffff;
	p1 =	seq.s32 @!p0 s26, $0x0;
	s20 =	simm.s32 @!p0 $0x7880;
	s5 =	simm.s32 @!p0 $0x0  }
0x164: {  	[tilespmem:s20], [sflag:$0x1] =	stream.indirect_vreg.gather @!p0 [hbm4b:s1+s5], $0x80, v6, vm1, $0xb8;
	[tilespmem:$0x1F880] =	vst v63  }
0x165: {  	p1 =	por p0, !p1;
	s20 =	simm.s32 @!p0 $0x8080  }
0x166: {  	[tilespmem:s20], [sflag:$0x1] =	stream.indirect_vreg.gather @!p0 [hbm4b:s1+s5], $0x80, v5, vm1, $0xb8;
	[tilespmem:$0x1F880] =	vst v63  }
0x167: {  	_ =	swait.ge @p1 [sflag:s21], $0x800  }
0x168: {  	[sflag:s21] =	ssyncset.done @p1 $0x0  }
0x169: {  	[sflag:s21] =	ssyncadd.s32 @p1 $0xFFFFF800  }
0x16a: {  	_ =	swait.ge @p1 [sflag:s21], $0x800  }
0x16b: {  	[sflag:s21] =	ssyncset.done @p1 $0x0  }
0x16c: {  	[sflag:s21] =	ssyncadd.s32 @p1 $0xFFFFF800  }
0x16d: {  	v5 =	vld [tilespmem:s28+$0x2780];
	_ =	sdelay $0x3  }
0x16e: {  	s20 =	sadd.s32 $0x0, s28  }
0x16f: {  	v7 =	vmov s20;
	v6 =	vsub.s32 v5, v0;
	v5 =	vand.u32 $0x3F, v5  }
0x170: {  	vm1 =	vlt.u32 v6, $0x1388;
	v5 =	vadd.s32 $0x1388, v5  }
0x171: {  	v5 =	vsel vm1, v6, v5  }
0x172: {  	s30 =	simm.s32 $0x0;
	[tilespmem:$0x7780] =	vst v5;
	v5 =	vadd.s32 $0x1400, v5  }
0x173: {  	s22 =	sand.u32 $0x800, s30;
	s24 =	sand.u32 $0x380, s30;
	[tilespmem:$0x7800] =	vst v5  }
0x174: {  	s20 =	sor.u32 s24, s22;
	v5 =	vld.idx.msk [tilespmem:v7+s7+$0x0], $0xffff  }
0x175: {  	v6 =	vld [tilespmem:s20+$0x8880];
	_ =	sdelay $0x4  }
0x176: {  	v6 =	vmul.f32 v6, v5  }
0x177: {  	s29 =	simm.s32 $0xB0F0  }
0x178: {  	[tilespmem:s29+$0xFFFFF790] =	vst v6  }
0x179: {  	v6 =	vld [tilespmem:s20+$0x8890];
	_ =	sdelay $0x4  }
0x17a: {  	v6 =	vmul.f32 v6, v5;
	_ =	sdelay $0x1  }
0x17b: {  	[tilespmem:s29+$0xFFFFF7A0] =	vst v6  }
0x17c: {  	v6 =	vld [tilespmem:s20+$0x88A0];
	_ =	sdelay $0x4  }
0x17d: {  	v6 =	vmul.f32 v6, v5;
	_ =	sdelay $0x1  }
0x17e: {  	[tilespmem:s29+$0xFFFFF7B0] =	vst v6  }
0x17f: {  	v6 =	vld [tilespmem:s20+$0x88B0];
	_ =	sdelay $0x4  }
0x180: {  	v6 =	vmul.f32 v6, v5;
	_ =	sdelay $0x1  }
0x181: {  	[tilespmem:s29+$0xFFFFF7C0] =	vst v6  }
0x182: {  	v6 =	vld [tilespmem:s20+$0x88C0];
	_ =	sdelay $0x4  }
0x183: {  	v6 =	vmul.f32 v6, v5;
	_ =	sdelay $0x1  }
0x184: {  	[tilespmem:s29+$0xFFFFF7D0] =	vst v6  }
0x185: {  	v6 =	vld [tilespmem:s20+$0x88D0];
	_ =	sdelay $0x4  }
0x186: {  	v6 =	vmul.f32 v6, v5;
	_ =	sdelay $0x1  }
0x187: {  	[tilespmem:s29+$0xFFFFF7E0] =	vst v6  }
0x188: {  	v6 =	vld [tilespmem:s20+$0x88E0];
	_ =	sdelay $0x4  }
0x189: {  	v6 =	vmul.f32 v6, v5;
	_ =	sdelay $0x1  }
0x18a: {  	[tilespmem:s29+$0xFFFFF7F0] =	vst v6  }
0x18b: {  	v6 =	vld [tilespmem:s20+$0x88F0];
	_ =	sdelay $0x4  }
0x18c: {  	v6 =	vmul.f32 v6, v5  }
0x18d: {  	s5 =	sor.u32 s22, s30  }
0x18e: {  	s5 =	sor.u32 $0x1400, s5;
	[tilespmem:s29+$0xFFFFF800] =	vst v6  }
0x18f: {  	v6 =	vld [tilespmem:s5+$0x7880];
	_ =	sdelay $0x4  }
0x190: {  	v6 =	vmul.f32 v6, v5;
	_ =	sdelay $0x1  }
0x191: {  	[tilespmem:s29+$0xFFFFFF90] =	vst v6  }
0x192: {  	v6 =	vld [tilespmem:s5+$0x7890];
	_ =	sdelay $0x4  }
0x193: {  	v6 =	vmul.f32 v6, v5;
	_ =	sdelay $0x1  }
0x194: {  	[tilespmem:s29+$0xFFFFFFA0] =	vst v6  }
0x195: {  	v6 =	vld [tilespmem:s5+$0x78A0];
	_ =	sdelay $0x4  }
0x196: {  	v6 =	vmul.f32 v6, v5;
	_ =	sdelay $0x1  }
0x197: {  	[tilespmem:s29+$0xFFFFFFB0] =	vst v6  }
0x198: {  	v6 =	vld [tilespmem:s5+$0x78B0];
	_ =	sdelay $0x4  }
0x199: {  	v6 =	vmul.f32 v6, v5;
	_ =	sdelay $0x1  }
0x19a: {  	[tilespmem:s29+$0xFFFFFFC0] =	vst v6  }
0x19b: {  	v6 =	vld [tilespmem:s5+$0x78C0];
	_ =	sdelay $0x4  }
0x19c: {  	v6 =	vmul.f32 v6, v5;
	_ =	sdelay $0x1  }
0x19d: {  	[tilespmem:s29+$0xFFFFFFD0] =	vst v6  }
0x19e: {  	v6 =	vld [tilespmem:s5+$0x78D0];
	_ =	sdelay $0x4  }
0x19f: {  	v6 =	vmul.f32 v6, v5;
	_ =	sdelay $0x1  }
0x1a0: {  	[tilespmem:s29+$0xFFFFFFE0] =	vst v6  }
0x1a1: {  	v6 =	vld [tilespmem:s5+$0x78E0];
	_ =	sdelay $0x4  }
0x1a2: {  	v6 =	vmul.f32 v6, v5;
	_ =	sdelay $0x1  }
0x1a3: {  	[tilespmem:s29+$0xFFFFFFF0] =	vst v6  }
0x1a4: {  	v6 =	vld [tilespmem:s5+$0x78F0];
	_ =	sdelay $0x1  }
0x1a5: {  	s31 =	simm.s32 $0x0;
	s20 =	sadd.s32 $0x1, s28;
	s5 =	simm.s32 $0x2  }
.LBB2_7:
0x1a6: {  	p1 =	sne.s32 s5, $0xF;
	v7 =	vmov s20;
	_ =	sdelay $0x1  }
0x1a7: {  	v5 =	vmul.f32 v6, v5  }
0x1a8: {  	s30 =	sadd.s32 $0x80, s30;
	s31 =	sadd.s32 $0x100, s31  }
0x1a9: {  	s20 =	sand.u32 $0x800, s31;
	s22 =	sand.u32 $0x380, s30;
	[tilespmem:s29+$0x0] =	vst v5  }
0x1aa: {  	s24 =	sor.u32 s22, s20;
	v5 =	vld.idx.msk [tilespmem:v7+s7+$0x0], $0xffff  }
0x1ab: {  	v6 =	vld [tilespmem:s24+$0x8880];
	_ =	sdelay $0x4  }
0x1ac: {  	v6 =	vmul.f32 v6, v5  }
0x1ad: {  	s29 =	sadd.s32 $0x80, s29  }
0x1ae: {  	[tilespmem:s29+$0xFFFFF790] =	vst v6  }
0x1af: {  	v6 =	vld [tilespmem:s24+$0x8890];
	_ =	sdelay $0x4  }
0x1b0: {  	v6 =	vmul.f32 v6, v5;
	_ =	sdelay $0x1  }
0x1b1: {  	[tilespmem:s29+$0xFFFFF7A0] =	vst v6  }
0x1b2: {  	v6 =	vld [tilespmem:s24+$0x88A0];
	_ =	sdelay $0x4  }
0x1b3: {  	v6 =	vmul.f32 v6, v5;
	_ =	sdelay $0x1  }
0x1b4: {  	[tilespmem:s29+$0xFFFFF7B0] =	vst v6  }
0x1b5: {  	v6 =	vld [tilespmem:s24+$0x88B0];
	_ =	sdelay $0x4  }
0x1b6: {  	v6 =	vmul.f32 v6, v5;
	_ =	sdelay $0x1  }
0x1b7: {  	[tilespmem:s29+$0xFFFFF7C0] =	vst v6  }
0x1b8: {  	v6 =	vld [tilespmem:s24+$0x88C0];
	_ =	sdelay $0x4  }
0x1b9: {  	v6 =	vmul.f32 v6, v5;
	_ =	sdelay $0x1  }
0x1ba: {  	[tilespmem:s29+$0xFFFFF7D0] =	vst v6  }
0x1bb: {  	v6 =	vld [tilespmem:s24+$0x88D0];
	_ =	sdelay $0x4  }
0x1bc: {  	v6 =	vmul.f32 v6, v5;
	_ =	sdelay $0x1  }
0x1bd: {  	[tilespmem:s29+$0xFFFFF7E0] =	vst v6  }
0x1be: {  	v6 =	vld [tilespmem:s24+$0x88E0];
	_ =	sdelay $0x4  }
0x1bf: {  	v6 =	vmul.f32 v6, v5;
	_ =	sdelay $0x1  }
0x1c0: {  	[tilespmem:s29+$0xFFFFF7F0] =	vst v6  }
0x1c1: {  	v6 =	vld [tilespmem:s24+$0x88F0];
	_ =	sdelay $0x4  }
0x1c2: {  	v6 =	vmul.f32 v6, v5  }
0x1c3: {  	s20 =	sor.u32 s20, s30  }
0x1c4: {  	s20 =	sor.u32 $0x1400, s20;
	[tilespmem:s29+$0xFFFFF800] =	vst v6  }
0x1c5: {  	v6 =	vld [tilespmem:s20+$0x7880];
	_ =	sdelay $0x4  }
0x1c6: {  	v6 =	vmul.f32 v6, v5;
	_ =	sdelay $0x1  }
0x1c7: {  	[tilespmem:s29+$0xFFFFFF90] =	vst v6  }
0x1c8: {  	v6 =	vld [tilespmem:s20+$0x7890];
	_ =	sdelay $0x4  }
0x1c9: {  	v6 =	vmul.f32 v6, v5;
	_ =	sdelay $0x1  }
0x1ca: {  	[tilespmem:s29+$0xFFFFFFA0] =	vst v6  }
0x1cb: {  	v6 =	vld [tilespmem:s20+$0x78A0];
	_ =	sdelay $0x4  }
0x1cc: {  	v6 =	vmul.f32 v6, v5;
	_ =	sdelay $0x1  }
0x1cd: {  	[tilespmem:s29+$0xFFFFFFB0] =	vst v6  }
0x1ce: {  	v6 =	vld [tilespmem:s20+$0x78B0];
	_ =	sdelay $0x4  }
0x1cf: {  	v6 =	vmul.f32 v6, v5;
	_ =	sdelay $0x1  }
0x1d0: {  	[tilespmem:s29+$0xFFFFFFC0] =	vst v6  }
0x1d1: {  	v6 =	vld [tilespmem:s20+$0x78C0];
	_ =	sdelay $0x4  }
0x1d2: {  	v6 =	vmul.f32 v6, v5;
	_ =	sdelay $0x1  }
0x1d3: {  	[tilespmem:s29+$0xFFFFFFD0] =	vst v6  }
0x1d4: {  	v6 =	vld [tilespmem:s20+$0x78D0];
	_ =	sdelay $0x4  }
0x1d5: {  	v6 =	vmul.f32 v6, v5;
	_ =	sdelay $0x1  }
0x1d6: {  	[tilespmem:s29+$0xFFFFFFE0] =	vst v6  }
0x1d7: {  	v6 =	vld [tilespmem:s20+$0x78E0];
	_ =	sdelay $0x4  }
0x1d8: {  	v6 =	vmul.f32 v6, v5  }
.Ltmp2:
0x1d9: {  	(pc) =	sbr.rel @p1 .LBB2_7-.Ltmp2, $3  }
0x1da: {  	[tilespmem:s29+$0xFFFFFFF0] =	vst v6  }
0x1db: {  	v6 =	vld [tilespmem:s20+$0x78F0];
	_ =	sdelay $0x1  }
0x1dc: {  	s20 =	sadd.s32 s28, s5;
	s5 =	sadd.s32 $0x1, s5  }
0x1dd: {  	v7 =	vmov s20;
	_ =	sdelay $0x1  }
0x1de: {  	v5 =	vmul.f32 v6, v5  }
0x1df: {  	s5 =	sadd.s32 $0x80, s30;
	s31 =	sadd.s32 $0x100, s31  }
0x1e0: {  	s20 =	sand.u32 $0x800, s31;
	s22 =	sand.u32 $0x380, s5;
	[tilespmem:s29+$0x0] =	vst v5  }
0x1e1: {  	s22 =	sor.u32 s22, s20;
	v5 =	vld.idx.msk [tilespmem:v7+s7+$0x0], $0xffff  }
0x1e2: {  	v6 =	vld [tilespmem:s22+$0x8880];
	_ =	sdelay $0x4  }
0x1e3: {  	v6 =	vmul.f32 v6, v5  }
0x1e4: {  	s24 =	sadd.s32 $0x80, s29  }
0x1e5: {  	[tilespmem:s24+$0xFFFFF790] =	vst v6  }
0x1e6: {  	v6 =	vld [tilespmem:s22+$0x8890];
	_ =	sdelay $0x4  }
0x1e7: {  	v6 =	vmul.f32 v6, v5;
	_ =	sdelay $0x1  }
0x1e8: {  	[tilespmem:s24+$0xFFFFF7A0] =	vst v6  }
0x1e9: {  	v6 =	vld [tilespmem:s22+$0x88A0];
	_ =	sdelay $0x4  }
0x1ea: {  	v6 =	vmul.f32 v6, v5;
	_ =	sdelay $0x1  }
0x1eb: {  	[tilespmem:s24+$0xFFFFF7B0] =	vst v6  }
0x1ec: {  	v6 =	vld [tilespmem:s22+$0x88B0];
	_ =	sdelay $0x4  }
0x1ed: {  	v6 =	vmul.f32 v6, v5;
	_ =	sdelay $0x1  }
0x1ee: {  	[tilespmem:s24+$0xFFFFF7C0] =	vst v6  }
0x1ef: {  	v6 =	vld [tilespmem:s22+$0x88C0];
	_ =	sdelay $0x4  }
0x1f0: {  	v6 =	vmul.f32 v6, v5;
	_ =	sdelay $0x1  }
0x1f1: {  	[tilespmem:s24+$0xFFFFF7D0] =	vst v6  }
0x1f2: {  	v6 =	vld [tilespmem:s22+$0x88D0];
	_ =	sdelay $0x4  }
0x1f3: {  	v6 =	vmul.f32 v6, v5;
	_ =	sdelay $0x1  }
0x1f4: {  	[tilespmem:s24+$0xFFFFF7E0] =	vst v6  }
0x1f5: {  	v6 =	vld [tilespmem:s22+$0x88E0];
	_ =	sdelay $0x4  }
0x1f6: {  	v6 =	vmul.f32 v6, v5;
	_ =	sdelay $0x1  }
0x1f7: {  	[tilespmem:s24+$0xFFFFF7F0] =	vst v6  }
0x1f8: {  	v6 =	vld [tilespmem:s22+$0x88F0];
	_ =	sdelay $0x4  }
0x1f9: {  	v6 =	vmul.f32 v6, v5  }
0x1fa: {  	s5 =	sor.u32 s20, s5  }
0x1fb: {  	s5 =	sor.u32 $0x1400, s5;
	[tilespmem:s24+$0xFFFFF800] =	vst v6  }
0x1fc: {  	v6 =	vld [tilespmem:s5+$0x7880];
	_ =	sdelay $0x4  }
0x1fd: {  	v6 =	vmul.f32 v6, v5;
	_ =	sdelay $0x1  }
0x1fe: {  	[tilespmem:s24+$0xFFFFFF90] =	vst v6  }
0x1ff: {  	v6 =	vld [tilespmem:s5+$0x7890];
	_ =	sdelay $0x4  }
0x200: {  	v6 =	vmul.f32 v6, v5;
	_ =	sdelay $0x1  }
0x201: {  	[tilespmem:s24+$0xFFFFFFA0] =	vst v6  }
0x202: {  	v6 =	vld [tilespmem:s5+$0x78A0];
	_ =	sdelay $0x4  }
0x203: {  	v6 =	vmul.f32 v6, v5;
	_ =	sdelay $0x1  }
0x204: {  	[tilespmem:s24+$0xFFFFFFB0] =	vst v6  }
0x205: {  	v6 =	vld [tilespmem:s5+$0x78B0];
	_ =	sdelay $0x4  }
0x206: {  	v6 =	vmul.f32 v6, v5;
	_ =	sdelay $0x1  }
0x207: {  	[tilespmem:s24+$0xFFFFFFC0] =	vst v6  }
0x208: {  	v6 =	vld [tilespmem:s5+$0x78C0];
	_ =	sdelay $0x4  }
0x209: {  	v6 =	vmul.f32 v6, v5;
	_ =	sdelay $0x1  }
0x20a: {  	[tilespmem:s24+$0xFFFFFFD0] =	vst v6  }
0x20b: {  	v6 =	vld [tilespmem:s5+$0x78D0];
	_ =	sdelay $0x4  }
0x20c: {  	v6 =	vmul.f32 v6, v5;
	_ =	sdelay $0x1  }
0x20d: {  	[tilespmem:s24+$0xFFFFFFE0] =	vst v6  }
0x20e: {  	v6 =	vld [tilespmem:s5+$0x78E0];
	_ =	sdelay $0x4  }
0x20f: {  	v6 =	vmul.f32 v6, v5;
	_ =	sdelay $0x1  }
0x210: {  	[tilespmem:s24+$0xFFFFFFF0] =	vst v6  }
0x211: {  	v6 =	vld [tilespmem:s5+$0x78F0];
	_ =	sdelay $0x4  }
0x212: {  	v5 =	vmul.f32 v6, v5  }
.Ltmp3:
0x213: {  	_ = 	snop;
	(pc) =	sbr.rel @p0 .LBB2_10-.Ltmp3, $4  }
0x214: {  	[tilespmem:s24+$0x0] =	vst v5  }
0x215: {  	[spmem:s3] =	stream.indirect.scatter.add.f32 [tilespmem:s8], [sflag:$0x4], $0x80, s18, s13, $0xb8;
	[tilespmem:$0x1F880] =	vst v63  }
0x216: {  	_ = 	snop  }
0x217: {  	[spmem:s3] =	stream.indirect.scatter.add.f32 [tilespmem:s9], [sflag:$0x4], $0x80, s19, s13, $0xb8;
	[tilespmem:$0x1F880] =	vst v63  }
.Ltmp4:
0x218: {  	(pc) =	sbr.rel .LBB2_4-.Ltmp4, $4  }
0x219: {  	_ = 	snop  }
0x21a: {  	_ =	swait.ge [sflag:s10], $0x1000  }
0x21b: {  	[sflag:s10] =	ssyncset.done $0x0  }
0x21c: {  	s26 =	sadd.s32 $0x1, s26;
	[sflag:s10] =	ssyncadd.s32 $0xFFFFF000  }
.LBB2_10:
0x21d: {  	v5 =	vld [tilespmem:$0x2700];
	_ =	sdelay $0x4  }
0x21e: {  	v6 =	vshll.u32 v5, $0x1  }
0x21f: {  	v5 =	vand.u32 $0x7, v5;
	v6 =	vand.u32 $0xFFFFFFF0, v6  }
0x220: {  	v5 =	vor.u32 v5, v6  }
0x221: {  	v6 =	vperm.xlane v5, v2;
	_ =	sdelay $0x1  }
0x222: {  	v5 =	vperm.xlane v5, v4;
	v6 =	vadd.s32 v3, v6;
	_ =	sdelay $0x1  }
0x223: {  	v5 =	vadd.s32 v3, v5;
	_ =	sdelay $0x1  }
0x224: {  	s25 =	simm.s32 $0x0;
	s5 =	simm.s32 $0x7880  }
0x225: {  	[tilespmem:s5], [sflag:$0x1] =	stream.indirect_vreg.gather [hbm4b:s1+s25], $0x80, v6, vm0, $0xb8;
	[tilespmem:$0x1F880] =	vst v63  }
0x226: {  	s26 =	simm.s32 $0x8080  }
0x227: {  	[tilespmem:s26], [sflag:$0x1] =	stream.indirect_vreg.gather [hbm4b:s1+s25], $0x80, v5, vm0, $0xb8;
	[tilespmem:$0x1F880] =	vst v63  }
0x228: {  	_ =	swait.ge [sflag:s10], $0x1000  }
0x229: {  	[sflag:s10] =	ssyncset.done $0x0  }
0x22a: {  	s29 =	simm.s32 $0x3;
	[sflag:s10] =	ssyncadd.s32 $0xFFFFF000  }
0x22b: {  	_ =	swait.ge [sflag:s29], $0x800  }
0x22c: {  	[sflag:s29] =	ssyncset.done $0x0  }
0x22d: {  	[sflag:s29] =	ssyncadd.s32 $0xFFFFF800  }
0x22e: {  	_ =	swait.ge [sflag:s29], $0x800  }
0x22f: {  	[sflag:s29] =	ssyncset.done $0x0  }
0x230: {  	[sflag:s29] =	ssyncadd.s32 $0xFFFFF800  }
0x231: {  	v5 =	vld [tilespmem:$0x4E80];
	_ =	sdelay $0x1  }
0x232: {  	v6 =	vmov s25  }
0x233: {  	v6 =	vadd.s32 $0x2700, v6  }
0x234: {  	v6 =	vbroadcast v6, $0x0  }
0x235: {  	v7 =	vsub.s32 v5, v0;
	v5 =	vand.u32 $0x3F, v5  }
0x236: {  	vm1 =	vlt.u32 v7, $0x1388;
	v5 =	vadd.s32 $0x1388, v5  }
0x237: {  	v5 =	vsel vm1, v7, v5  }
0x238: {  	[tilespmem:$0x7680] =	vst v5;
	v5 =	vadd.s32 $0x1400, v5  }
0x239: {  	s30 =	sand.u32 $0x800, s25;
	s20 =	sand.u32 $0x380, s25;
	[tilespmem:$0x7700] =	vst v5  }
0x23a: {  	s20 =	sor.u32 s20, s30;
	v5 =	vld.idx.msk [tilespmem:v6+s7+$0x0], $0xffff  }
0x23b: {  	v6 =	vld [tilespmem:s20+$0x7880];
	_ =	sdelay $0x4  }
0x23c: {  	v6 =	vmul.f32 v6, v5  }
0x23d: {  	s26 =	simm.s32 $0xA080  }
0x23e: {  	[tilespmem:s26+$0xFFFFF800] =	vst v6  }
0x23f: {  	v6 =	vld [tilespmem:s20+$0x7890];
	_ =	sdelay $0x4  }
0x240: {  	v6 =	vmul.f32 v6, v5;
	_ =	sdelay $0x1  }
0x241: {  	[tilespmem:s26+$0xFFFFF810] =	vst v6  }
0x242: {  	v6 =	vld [tilespmem:s20+$0x78A0];
	_ =	sdelay $0x4  }
0x243: {  	v6 =	vmul.f32 v6, v5;
	_ =	sdelay $0x1  }
0x244: {  	[tilespmem:s26+$0xFFFFF820] =	vst v6  }
0x245: {  	v6 =	vld [tilespmem:s20+$0x78B0];
	_ =	sdelay $0x4  }
0x246: {  	v6 =	vmul.f32 v6, v5;
	_ =	sdelay $0x1  }
0x247: {  	[tilespmem:s26+$0xFFFFF830] =	vst v6  }
0x248: {  	v6 =	vld [tilespmem:s20+$0x78C0];
	_ =	sdelay $0x4  }
0x249: {  	v6 =	vmul.f32 v6, v5;
	_ =	sdelay $0x1  }
0x24a: {  	[tilespmem:s26+$0xFFFFF840] =	vst v6  }
0x24b: {  	v6 =	vld [tilespmem:s20+$0x78D0];
	_ =	sdelay $0x4  }
0x24c: {  	v6 =	vmul.f32 v6, v5;
	_ =	sdelay $0x1  }
0x24d: {  	[tilespmem:s26+$0xFFFFF850] =	vst v6  }
0x24e: {  	v6 =	vld [tilespmem:s20+$0x78E0];
	_ =	sdelay $0x4  }
0x24f: {  	v6 =	vmul.f32 v6, v5;
	_ =	sdelay $0x1  }
0x250: {  	[tilespmem:s26+$0xFFFFF860] =	vst v6  }
0x251: {  	v6 =	vld [tilespmem:s20+$0x78F0];
	_ =	sdelay $0x4  }
0x252: {  	v6 =	vmul.f32 v6, v5;
	_ =	sdelay $0x1  }
0x253: {  	[tilespmem:s26+$0xFFFFF870] =	vst v6  }
0x254: {  	v6 =	vld [tilespmem:s20+$0x7C80];
	_ =	sdelay $0x4  }
0x255: {  	v6 =	vmul.f32 v6, v5;
	_ =	sdelay $0x1  }
0x256: {  	[tilespmem:s26+$0x0] =	vst v6  }
0x257: {  	v6 =	vld [tilespmem:s20+$0x7C90];
	_ =	sdelay $0x4  }
0x258: {  	v6 =	vmul.f32 v6, v5;
	_ =	sdelay $0x1  }
0x259: {  	[tilespmem:s26+$0x10] =	vst v6  }
0x25a: {  	v6 =	vld [tilespmem:s20+$0x7CA0];
	_ =	sdelay $0x4  }
0x25b: {  	v6 =	vmul.f32 v6, v5;
	_ =	sdelay $0x1  }
0x25c: {  	[tilespmem:s26+$0x20] =	vst v6  }
0x25d: {  	v6 =	vld [tilespmem:s20+$0x7CB0];
	_ =	sdelay $0x4  }
0x25e: {  	v6 =	vmul.f32 v6, v5;
	_ =	sdelay $0x1  }
0x25f: {  	[tilespmem:s26+$0x30] =	vst v6  }
0x260: {  	v6 =	vld [tilespmem:s20+$0x7CC0];
	_ =	sdelay $0x4  }
0x261: {  	v6 =	vmul.f32 v6, v5;
	_ =	sdelay $0x1  }
0x262: {  	[tilespmem:s26+$0x40] =	vst v6  }
0x263: {  	v6 =	vld [tilespmem:s20+$0x7CD0];
	_ =	sdelay $0x4  }
0x264: {  	v6 =	vmul.f32 v6, v5;
	_ =	sdelay $0x1  }
0x265: {  	[tilespmem:s26+$0x50] =	vst v6  }
0x266: {  	v6 =	vld [tilespmem:s20+$0x7CE0];
	_ =	sdelay $0x4  }
0x267: {  	v6 =	vmul.f32 v6, v5;
	_ =	sdelay $0x1  }
0x268: {  	s31 =	simm.s32 $0x1;
	[tilespmem:s26+$0x60] =	vst v6  }
0x269: {  	s28 =	simm.s32 $0x0;
	s5 =	simm.s32 $0x2;
	v7 =	vmov s31;
	v6 =	vld [tilespmem:s20+$0x7CF0]  }
.LBB2_11:
0x26a: {  	p0 =	sne.s32 s5, $0xF;
	v7 =	vadd.s32 $0x2700, v7  }
0x26b: {  	v7 =	vbroadcast v7, $0x0;
	_ =	sdelay $0x2  }
0x26c: {  	v5 =	vmul.f32 v6, v5  }
0x26d: {  	s25 =	sadd.s32 $0x100, s25;
	s28 =	sadd.s32 $0x80, s28  }
0x26e: {  	s20 =	sand.u32 $0x800, s25;
	s22 =	sand.u32 $0x380, s28;
	[tilespmem:s26+$0x70] =	vst v5  }
0x26f: {  	s24 =	sor.u32 s22, s20;
	v5 =	vld.idx.msk [tilespmem:v7+s7+$0x0], $0xffff  }
0x270: {  	v6 =	vld [tilespmem:s24+$0x7880];
	_ =	sdelay $0x4  }
0x271: {  	v6 =	vmul.f32 v6, v5  }
0x272: {  	s26 =	sadd.s32 $0x80, s26  }
0x273: {  	[tilespmem:s26+$0xFFFFF800] =	vst v6  }
0x274: {  	v6 =	vld [tilespmem:s24+$0x7890];
	_ =	sdelay $0x4  }
0x275: {  	v6 =	vmul.f32 v6, v5;
	_ =	sdelay $0x1  }
0x276: {  	[tilespmem:s26+$0xFFFFF810] =	vst v6  }
0x277: {  	v6 =	vld [tilespmem:s24+$0x78A0];
	_ =	sdelay $0x4  }
0x278: {  	v6 =	vmul.f32 v6, v5;
	_ =	sdelay $0x1  }
0x279: {  	[tilespmem:s26+$0xFFFFF820] =	vst v6  }
0x27a: {  	v6 =	vld [tilespmem:s24+$0x78B0];
	_ =	sdelay $0x4  }
0x27b: {  	v6 =	vmul.f32 v6, v5;
	_ =	sdelay $0x1  }
0x27c: {  	[tilespmem:s26+$0xFFFFF830] =	vst v6  }
0x27d: {  	v6 =	vld [tilespmem:s24+$0x78C0];
	_ =	sdelay $0x4  }
0x27e: {  	v6 =	vmul.f32 v6, v5;
	_ =	sdelay $0x1  }
0x27f: {  	[tilespmem:s26+$0xFFFFF840] =	vst v6  }
0x280: {  	v6 =	vld [tilespmem:s24+$0x78D0];
	_ =	sdelay $0x4  }
0x281: {  	v6 =	vmul.f32 v6, v5;
	_ =	sdelay $0x1  }
0x282: {  	[tilespmem:s26+$0xFFFFF850] =	vst v6  }
0x283: {  	v6 =	vld [tilespmem:s24+$0x78E0];
	_ =	sdelay $0x4  }
0x284: {  	v6 =	vmul.f32 v6, v5;
	_ =	sdelay $0x1  }
0x285: {  	[tilespmem:s26+$0xFFFFF860] =	vst v6  }
0x286: {  	v6 =	vld [tilespmem:s24+$0x78F0];
	_ =	sdelay $0x4  }
0x287: {  	v6 =	vmul.f32 v6, v5;
	_ =	sdelay $0x1  }
0x288: {  	[tilespmem:s26+$0xFFFFF870] =	vst v6  }
0x289: {  	v6 =	vld [tilespmem:s24+$0x7C80];
	_ =	sdelay $0x4  }
0x28a: {  	v6 =	vmul.f32 v6, v5;
	_ =	sdelay $0x1  }
0x28b: {  	[tilespmem:s26+$0x0] =	vst v6  }
0x28c: {  	v6 =	vld [tilespmem:s24+$0x7C90];
	_ =	sdelay $0x4  }
0x28d: {  	v6 =	vmul.f32 v6, v5;
	_ =	sdelay $0x1  }
0x28e: {  	[tilespmem:s26+$0x10] =	vst v6  }
0x28f: {  	v6 =	vld [tilespmem:s24+$0x7CA0];
	_ =	sdelay $0x4  }
0x290: {  	v6 =	vmul.f32 v6, v5;
	_ =	sdelay $0x1  }
0x291: {  	[tilespmem:s26+$0x20] =	vst v6  }
0x292: {  	v6 =	vld [tilespmem:s24+$0x7CB0];
	_ =	sdelay $0x4  }
0x293: {  	v6 =	vmul.f32 v6, v5;
	_ =	sdelay $0x1  }
0x294: {  	[tilespmem:s26+$0x30] =	vst v6  }
0x295: {  	v6 =	vld [tilespmem:s24+$0x7CC0];
	_ =	sdelay $0x4  }
0x296: {  	v6 =	vmul.f32 v6, v5;
	_ =	sdelay $0x1  }
0x297: {  	[tilespmem:s26+$0x40] =	vst v6  }
0x298: {  	v6 =	vld [tilespmem:s24+$0x7CD0];
	_ =	sdelay $0x4  }
0x299: {  	v6 =	vmul.f32 v6, v5;
	_ =	sdelay $0x1  }
0x29a: {  	[tilespmem:s26+$0x50] =	vst v6  }
0x29b: {  	v6 =	vld [tilespmem:s24+$0x7CE0];
	_ =	sdelay $0x3  }
.Ltmp5:
0x29c: {  	(pc) =	sbr.rel @p0 .LBB2_11-.Ltmp5, $3  }
0x29d: {  	v6 =	vmul.f32 v6, v5;
	_ =	sdelay $0x1  }
0x29e: {  	[tilespmem:s26+$0x60] =	vst v6  }
0x29f: {  	v7 =	vmov s5;
	s5 =	sadd.s32 $0x1, s5;
	v6 =	vld [tilespmem:s24+$0x7CF0]  }
0x2a0: {  	v7 =	vadd.s32 $0x2700, v7  }
0x2a1: {  	v7 =	vbroadcast v7, $0x0;
	_ =	sdelay $0x2  }
0x2a2: {  	v5 =	vmul.f32 v6, v5  }
0x2a3: {  	s5 =	sadd.s32 $0x100, s25;
	s20 =	sadd.s32 $0x80, s28  }
0x2a4: {  	s5 =	sand.u32 $0x800, s5;
	s20 =	sand.u32 $0x380, s20;
	[tilespmem:s26+$0x70] =	vst v5  }
0x2a5: {  	s5 =	sor.u32 s20, s5;
	v5 =	vld.idx.msk [tilespmem:v7+s7+$0x0], $0xffff  }
0x2a6: {  	v6 =	vld [tilespmem:s5+$0x7880];
	_ =	sdelay $0x4  }
0x2a7: {  	v6 =	vmul.f32 v6, v5  }
0x2a8: {  	s30 =	sadd.s32 $0x80, s26  }
0x2a9: {  	[tilespmem:s30+$0xFFFFF800] =	vst v6  }
0x2aa: {  	v6 =	vld [tilespmem:s5+$0x7890];
	_ =	sdelay $0x4  }
0x2ab: {  	v6 =	vmul.f32 v6, v5;
	_ =	sdelay $0x1  }
0x2ac: {  	[tilespmem:s30+$0xFFFFF810] =	vst v6  }
0x2ad: {  	v6 =	vld [tilespmem:s5+$0x78A0];
	_ =	sdelay $0x4  }
0x2ae: {  	v6 =	vmul.f32 v6, v5;
	_ =	sdelay $0x1  }
0x2af: {  	[tilespmem:s30+$0xFFFFF820] =	vst v6  }
0x2b0: {  	v6 =	vld [tilespmem:s5+$0x78B0];
	_ =	sdelay $0x4  }
0x2b1: {  	v6 =	vmul.f32 v6, v5;
	_ =	sdelay $0x1  }
0x2b2: {  	[tilespmem:s30+$0xFFFFF830] =	vst v6  }
0x2b3: {  	v6 =	vld [tilespmem:s5+$0x78C0];
	_ =	sdelay $0x4  }
0x2b4: {  	v6 =	vmul.f32 v6, v5;
	_ =	sdelay $0x1  }
0x2b5: {  	[tilespmem:s30+$0xFFFFF840] =	vst v6  }
0x2b6: {  	v6 =	vld [tilespmem:s5+$0x78D0];
	_ =	sdelay $0x4  }
0x2b7: {  	v6 =	vmul.f32 v6, v5;
	_ =	sdelay $0x1  }
0x2b8: {  	[tilespmem:s30+$0xFFFFF850] =	vst v6  }
0x2b9: {  	v6 =	vld [tilespmem:s5+$0x78E0];
	_ =	sdelay $0x4  }
0x2ba: {  	v6 =	vmul.f32 v6, v5;
	_ =	sdelay $0x1  }
0x2bb: {  	[tilespmem:s30+$0xFFFFF860] =	vst v6  }
0x2bc: {  	v6 =	vld [tilespmem:s5+$0x78F0];
	_ =	sdelay $0x4  }
0x2bd: {  	v6 =	vmul.f32 v6, v5;
	_ =	sdelay $0x1  }
0x2be: {  	[tilespmem:s30+$0xFFFFF870] =	vst v6  }
0x2bf: {  	v6 =	vld [tilespmem:s5+$0x7C80];
	_ =	sdelay $0x4  }
0x2c0: {  	v6 =	vmul.f32 v6, v5;
	_ =	sdelay $0x1  }
0x2c1: {  	[tilespmem:s30+$0x0] =	vst v6  }
0x2c2: {  	v6 =	vld [tilespmem:s5+$0x7C90];
	_ =	sdelay $0x4  }
0x2c3: {  	v6 =	vmul.f32 v6, v5;
	_ =	sdelay $0x1  }
0x2c4: {  	[tilespmem:s30+$0x10] =	vst v6  }
0x2c5: {  	v6 =	vld [tilespmem:s5+$0x7CA0];
	_ =	sdelay $0x4  }
0x2c6: {  	v6 =	vmul.f32 v6, v5;
	_ =	sdelay $0x1  }
0x2c7: {  	[tilespmem:s30+$0x20] =	vst v6  }
0x2c8: {  	v6 =	vld [tilespmem:s5+$0x7CB0];
	_ =	sdelay $0x4  }
0x2c9: {  	v6 =	vmul.f32 v6, v5;
	_ =	sdelay $0x1  }
0x2ca: {  	[tilespmem:s30+$0x30] =	vst v6  }
0x2cb: {  	v6 =	vld [tilespmem:s5+$0x7CC0];
	_ =	sdelay $0x4  }
0x2cc: {  	v6 =	vmul.f32 v6, v5;
	_ =	sdelay $0x1  }
0x2cd: {  	[tilespmem:s30+$0x40] =	vst v6  }
0x2ce: {  	v6 =	vld [tilespmem:s5+$0x7CD0];
	_ =	sdelay $0x4  }
0x2cf: {  	v6 =	vmul.f32 v6, v5;
	_ =	sdelay $0x1  }
0x2d0: {  	[tilespmem:s30+$0x50] =	vst v6  }
0x2d1: {  	v6 =	vld [tilespmem:s5+$0x7CE0];
	_ =	sdelay $0x4  }
0x2d2: {  	v6 =	vmul.f32 v6, v5;
	_ =	sdelay $0x1  }
0x2d3: {  	[tilespmem:s30+$0x60] =	vst v6  }
0x2d4: {  	v6 =	vld [tilespmem:s5+$0x7CF0];
	_ =	sdelay $0x4  }
0x2d5: {  	v5 =	vmul.f32 v6, v5;
	_ =	sdelay $0x1  }
0x2d6: {  	[tilespmem:s30+$0x70] =	vst v5  }
0x2d7: {  	[spmem:s3] =	stream.indirect.scatter.add.f32 [tilespmem:s0], [sflag:$0x3], $0x80, s14, s13, $0xb8;
	[tilespmem:$0x1F880] =	vst v63  }
0x2d8: {  	s31 =	simm.s32 $0x3  }
0x2d9: {  	[spmem:s3] =	stream.indirect.scatter.add.f32 [tilespmem:s16], [sflag:$0x3], $0x80, s15, s13, $0xb8;
	[tilespmem:$0x1F880] =	vst v63  }
0x2da: {  	_ =	swait.ge [sflag:s31], $0x800  }
0x2db: {  	[sflag:s31] =	ssyncset.done $0x0  }
0x2dc: {  	[sflag:s31] =	ssyncadd.s32 $0xFFFFF800  }
0x2dd: {  	_ =	swait.ge [sflag:s31], $0x800  }
0x2de: {  	[sflag:s31] =	ssyncset.done $0x0  }
0x2df: {  	[sflag:s31] =	ssyncadd.s32 $0xFFFFF800  }
0x2e0: {  	_ =	swait.ge [sflag:s21], $0x800  }
0x2e1: {  	[sflag:s21] =	ssyncset.done $0x0  }
0x2e2: {  	[sflag:s21] =	ssyncadd.s32 $0xFFFFF800  }
0x2e3: {  	_ =	swait.ge [sflag:s21], $0x800  }
0x2e4: {  	p0 =	sgt.u32 s2, $0x270;
	[sflag:s21] =	ssyncset.done $0x0  }
0x2e5: {  	p0 =	por p0, p0;
	[sflag:s21] =	ssyncadd.s32 $0xFFFFF800  }
0x2e6: {  	s22 =	sshll.u32 @!p0 s2, $0x6;
	[bflag:$0x0] =	sbarrier.arrive $0xFFFF  }
0x2e7: {  	s24 =	simm.s32 @!p0 $0x6;
	s5 =	sadd.s32 @!p0 $0x0, s23;
	s28 =	rddreg [dreg:$0x17]  }
0x2e8: {  	s25 =	sor.u32 @!p0 $0x1C06, s22;
	s26 =	sshrl.u32 @!p0 s5, $0x3;
	s20 =	sadd.s32 @!p0 $0xFFFFFF80, s28  }
0x2e9: {  	[hbm:s20], [sflag:s25] =	dma.local @!p0 [spmem:s26], $0x80  }
0x2ea: {  	s5 =	sadd.s32 @!p0 $0xA0000, s5;
	_ =	swait.ge @!p0 [sflag:s24], $0x80  }
0x2eb: {  	s22 =	sor.u32 @!p0 $0x1C05, s22;
	s5 =	sshrl.u32 @!p0 s5, $0x3;
	[sflag:s24] =	ssyncset.done @!p0 $0x0  }
0x2ec: {  	s26 =	simm.s32 @!p0 $0x5;
	s25 =	sadd.s32 $0x10, s2;
	[sflag:s24] =	ssyncadd.s32 @!p0 $0xFFFFFF80  }
0x2ed: {  	[hbm:s28], [sflag:s22] =	dma.local @!p0 [spmem:s5], $0x80  }
0x2ee: {  	s20 =	simm.s32 $0x10000;
	p1 =	sgt.u32 s25, $0x270;
	_ =	swait.ge @!p0 [sflag:s26], $0x80  }
0x2ef: {  	s24 =	simm.s32 $0x20000;
	s5 =	sadd.s32 $0x1000, s28;
	[sflag:s26] =	ssyncset.done @!p0 $0x0  }
.LBB2_13:
0x2f0: {  	s22 =	sshra.s32 @!p1 s20, $0x2;
	[sflag:s26] =	ssyncadd.s32 @!p0 $0xFFFFFF80;
	p0 =	por p1, p1  }
0x2f1: {  	s20 =	smov.u32 s24;
	s24 =	sadd.s32 $0x10000, s24;
	s22 =	sadd.s32 @!p0 s22, s23  }
0x2f2: {  	s26 =	sshll.u32 @!p0 s2, $0x6;
	s28 =	simm.s32 @!p0 $0x6;
	s29 =	sadd.s32 @!p0 $0xFFFFFF80, s5  }
0x2f3: {  	p2 =	sne.s32 s24, $0x280000;
	s30 =	sor.u32 @!p0 $0x1C06, s26;
	s31 =	sshrl.u32 @!p0 s22, $0x3  }
0x2f4: {  	[hbm:s29], [sflag:s30] =	dma.local @!p0 [spmem:s31], $0x80  }
0x2f5: {  	s22 =	sadd.s32 @!p0 $0xA0000, s22;
	s29 =	sor.u32 @!p0 $0x1C05, s26;
	_ =	swait.ge @!p0 [sflag:s28], $0x80  }
.Ltmp6:
0x2f6: {  	s22 =	sshrl.u32 @!p0 s22, $0x3;
	[sflag:s28] =	ssyncset.done @!p0 $0x0;
	(pc) =	sbr.rel @p2 .LBB2_13-.Ltmp6, $4  }
0x2f7: {  	s26 =	simm.s32 @!p0 $0x5;
	[sflag:s28] =	ssyncadd.s32 @!p0 $0xFFFFFF80  }
0x2f8: {  	[hbm:s5], [sflag:s29] =	dma.local @!p0 [spmem:s22], $0x80  }
0x2f9: {  	s25 =	sadd.s32 $0x10, s25;
	_ =	swait.ge @!p0 [sflag:s26], $0x80  }
0x2fa: {  	p1 =	sgt.u32 s25, $0x270;
	s5 =	sadd.s32 $0x1000, s5;
	[sflag:s26] =	ssyncset.done @!p0 $0x0  }
0x2fb: {  	s20 =	sshra.s32 @!p1 s20, $0x2;
	[sflag:s26] =	ssyncadd.s32 @!p0 $0xFFFFFF80;
	p0 =	por p1, p1  }
0x2fc: {  	s20 =	sadd.s32 @!p0 s20, s23;
	s22 =	sshll.u32 @!p0 s2, $0x6;
	s24 =	simm.s32 @!p0 $0x6  }
0x2fd: {  	s25 =	sadd.s32 @!p0 $0xFFFFFF80, s5;
	s26 =	sor.u32 @!p0 $0x1C06, s22;
	s28 =	sshrl.u32 @!p0 s20, $0x3  }
0x2fe: {  	[hbm:s25], [sflag:s26] =	dma.local @!p0 [spmem:s28], $0x80  }
0x2ff: {  	_ =	swait.ge @!p0 [sflag:s24], $0x80  }
0x300: {  	s20 =	sadd.s32 @!p0 $0xA0000, s20;
	s22 =	sor.u32 @!p0 $0x1C05, s22;
	[sflag:s24] =	ssyncset.done @!p0 $0x0  }
0x301: {  	s20 =	sshrl.u32 @!p0 s20, $0x3;
	[sflag:s24] =	ssyncadd.s32 @!p0 $0xFFFFFF80;
	s24 =	simm.s32 @!p0 $0x5  }
0x302: {  	[hbm:s5], [sflag:s22] =	dma.local @!p0 [spmem:s20], $0x80  }
0x303: {  	_ =	swait.ge @!p0 [sflag:s24], $0x80  }
0x304: {  	s30 =	rddreg [dreg:$0x1e]  }
0x305: {  	s31 =	rddreg [dreg:$0x16];
	s20 =	sadd.s32 $0x1, s30  }
0x306: {  	p1 =	sne.s32 s20, s31  }
.Ltmp7:
0x307: {  	_ = 	snop;
	(pc) =	sbr.rel @p1 .LBB2_1-.Ltmp7, $3  }
0x308: {  	_ =	sdelay $0x1  }
0x309: {  	[sflag:s24] =	ssyncset.done @!p0 $0x0  }
0x30a: {  	[sflag:s24] =	ssyncadd.s32 @!p0 $0xFFFFFF80  }
0x30b: {  	_ =	sfence.sel $0x180000  }
0x30c: {  	[bflag:$0x0] =	sbarrier.arrive $0xFFFF  }
0x30d: {  	_ =	strace $0x9000004A  }
0x30e: {  	[bflag:$0x2] =	sbarrier.arrive $0xFFFF  }
0x30f: {  	p0 =	sne.s32 s2, $0x0;
	s0 =	rddreg [dreg:$0x4]  }
0x310: {  	s0 =	sadd.s32 @!p0 $0x100000, s0  }
0x311: {  	[sflag:s0] =	ssyncadd.tile.s32 @!p0 $0x1;
	_ =	shalt  }
.Lfunc_end2:
_tile_overlayer_lowered:
.L_overlay_start_2:
0x312: {  	(tag) =	ssettag $0x2  }
0x313: {  	s0 =	rddreg [dreg:$0x0];
	s2 =	stileid.u32  }
0x314: {  	s1 =	rddreg [dreg:$0x1];
	p0 =	sne.s32 s2, $0x0  }
0x315: {  	s3 =	rddreg [dreg:$0x2];
	[bflag:$0x3] =	sbarrier.arrive $0xFFFF;
	s2 =	simm.s32 @!p0 $0x1C05  }
0x316: {  	[timem:s3], [sflag:s2] =	dma.local @!p0 [hbm:s0], s1  }
0x317: {  	s0 =	simm.s32 @!p0 $0x5  }
0x318: {  	_ =	swait.ge @!p0 [sflag:s0], s1  }
0x319: {  	s1 =	ssub.s32 @!p0 $0x0, s1;
	[sflag:s0] =	ssyncset.done @!p0 $0x0  }
0x31a: {  	[sflag:s0] =	ssyncadd.s32 @!p0 s1  }
0x31b: {  	[bflag:$0x3] =	sbarrier.arrive $0xFFFF  }
0x31c: {  	_ =	shalt  }

</sc_bundles>
